<compile_context>
chip_gen: v7x
topology: tpu7x:2x2x1
jax: 0.10.2.dev20260603
libtpu: 0.0.44.dev20260713+nightly
codegen_flags: <defaults>
</compile_context>

<pallas_src>
import functools

import jax
import jax.numpy as jnp
from jax import lax
from jax.experimental import pallas as pl
from jax.experimental.pallas import tpu as pltpu
from jax.experimental.pallas import tpu_sc as plsc

_L = 16

_GDN = lax.GatherDimensionNumbers(offset_dims=(), collapsed_slice_dims=(0,),
                                  start_index_map=(0,))


def _lane_sum(v, iota):
    for sh in (8, 4, 2, 1):
        g = lax.gather(v, (iota ^ sh)[:, None], _GDN, (1,),
                       mode=lax.GatherScatterMode.PROMISE_IN_BOUNDS)
        v = v + g
    return v


def _sc_body(*refs, ncht, k, rem, w, nc, b):
    (mft, dft, idx,
     f0, f1, f2, part,
     mbuf, dbuf, idxb, mbuf2, dbuf2, idxb2, ob0, ob1, ob2,
     cbv, cba, cbs, cbc,
     scrv, scra, scrs, sem, sem2) = refs
    wid = lax.axis_index("s") * nc + lax.axis_index("c")
    iota = lax.iota(jnp.int32, _L)
    sel0 = jnp.where(iota == 0, 1.0, 0.0)
    one = jnp.ones((_L,), jnp.float32)
    z = jnp.zeros((_L,), jnp.float32)

    def zero_cb(i, _):
        sl = pl.ds(i * _L, _L)
        cbv[sl] = z
        cba[sl] = z
        cbs[sl] = z
        cbc[sl] = z
        return 0
    lax.fori_loop(0, (b + _L) // _L, zero_cb, 0)
    for r in (scrv, scra, scrs):
        r[pl.ds(0, _L)] = z
        r[pl.ds(_L, _L)] = z

    def rmw(ref, pos, vec):
        cur = ref[pl.ds(pos, _L)]
        ref[pl.ds(pos, _L)] = cur + vec

    def flush(cur, acn, av, aa, aq):
        rmw(cbv, cur, _lane_sum(av, iota) * sel0)
        rmw(cba, cur, _lane_sum(aa, iota) * sel0)
        rmw(cbs, cur, _lane_sum(aq, iota) * sel0)
        rmw(cbc, cur, _lane_sum(acn, iota) * sel0)

    def issue(ab, mb, db, ib, sm):
        pltpu.async_copy(mft.at[:, :, pl.ds(ab, k)], mb, sm)
        pltpu.async_copy(dft.at[:, pl.ds(ab, k)], db, sm)
        pltpu.async_copy(idx.at[pl.ds(ab, k)], ib.at[pl.ds(0, k)], sm)

    def drain(mb, db, ib, sm):
        pltpu.make_async_copy(mft.at[:, :, pl.ds(0, k)], mb, sm).wait()
        pltpu.make_async_copy(dft.at[:, pl.ds(0, k)], db, sm).wait()
        pltpu.make_async_copy(idx.at[pl.ds(0, k)], ib.at[pl.ds(0, k)], sm).wait()

    def compute_block(ab, kk, mb, db, ib):
        def vec_body(j, carry):
            cur, acn, av, aa, aq = carry
            p0 = j * _L
            sl = pl.ds(p0, _L)
            ssd = z
            sae_v = z
            sse_v = z
            for cc, ob in ((0, ob0), (1, ob1), (2, ob2)):
                v0 = mb[cc, 0, sl]
                v1 = mb[cc, 1, sl]
                v2 = mb[cc, 2, sl]
                v3 = mb[cc, 3, sl]
                mn = (v0 + v1 + v2 + v3) * 0.25
                ob[sl] = mn
                e0 = v0 - mn
                e1 = v1 - mn
                e2 = v2 - mn
                e3 = v3 - mn
                ssd = ssd + (e0 * e0 + e1 * e1 + e2 * e2 + e3 * e3)
                fd = mn - db[cc, sl]
                sae_v = sae_v + jnp.abs(fd)
                sse_v = sse_v + fd * fd
            s0 = ib[pl.ds(p0, _L)][0]
            s15 = ib[pl.ds(p0 + _L - 1, _L)][0]
            same = jnp.logical_and(s0 == cur, s15 == cur)

            @pl.when(jnp.logical_not(same))
            def _():
                flush(cur, acn, av, aa, aq)
                scrv[pl.ds(0, _L)] = ssd
                scra[pl.ds(0, _L)] = sae_v
                scrs[pl.ds(0, _L)] = sse_v
                def lane_body(l, _):
                    s = ib[pl.ds(p0 + l, _L)][0]
                    rmw(cbv, s, scrv[pl.ds(l, _L)] * sel0)
                    rmw(cba, s, scra[pl.ds(l, _L)] * sel0)
                    rmw(cbs, s, scrs[pl.ds(l, _L)] * sel0)
                    rmw(cbc, s, sel0)
                    return 0
                lax.fori_loop(0, _L, lane_body, 0)

            return (jnp.where(same, cur, s15),
                    jnp.where(same, acn + one, z),
                    jnp.where(same, av + ssd, z),
                    jnp.where(same, aa + sae_v, z),
                    jnp.where(same, aq + sse_v, z))

        init = (ib[pl.ds(0, _L)][0], z, z, z, z)
        cur, acn, av, aa, aq = lax.fori_loop(0, kk // _L, vec_body, init)
        flush(cur, acn, av, aa, aq)
        pltpu.sync_copy(ob0.at[pl.ds(0, kk)], f0.at[pl.ds(ab, kk)])
        pltpu.sync_copy(ob1.at[pl.ds(0, kk)], f1.at[pl.ds(ab, kk)])
        pltpu.sync_copy(ob2.at[pl.ds(0, kk)], f2.at[pl.ds(ab, kk)])

    c_lo = wid * ncht // w
    c_hi = (wid + 1) * ncht // w
    nblk = c_hi - c_lo

    @pl.when(nblk > 0)
    def _():
        issue(c_lo * k, mbuf, dbuf, idxb, sem)

    def chunk_body(i, _):
        c = c_lo + i
        even = (i % 2) == 0

        @pl.when(even)
        def _():
            drain(mbuf, dbuf, idxb, sem)
            @pl.when(c + 1 < c_hi)
            def _():
                issue((c + 1) * k, mbuf2, dbuf2, idxb2, sem2)
            compute_block(c * k, k, mbuf, dbuf, idxb)

        @pl.when(jnp.logical_not(even))
        def _():
            drain(mbuf2, dbuf2, idxb2, sem2)
            @pl.when(c + 1 < c_hi)
            def _():
                issue((c + 1) * k, mbuf, dbuf, idxb, sem)
            compute_block(c * k, k, mbuf2, dbuf2, idxb2)
        return 0

    lax.fori_loop(0, nblk, chunk_body, 0)

    if rem:
        @pl.when(wid == w - 1)
        def _():
            ab = ncht * k
            pltpu.sync_copy(mft.at[:, :, pl.ds(ab, rem)],
                            mbuf.at[:, :, pl.ds(0, rem)])
            pltpu.sync_copy(dft.at[:, pl.ds(ab, rem)],
                            dbuf.at[:, pl.ds(0, rem)])
            pltpu.sync_copy(idx.at[pl.ds(ab, rem)], idxb.at[pl.ds(0, rem)])
            compute_block(ab, rem, mbuf, dbuf, idxb)

    pb = wid * 4 * b
    pltpu.sync_copy(cbv.at[pl.ds(0, b)], part.at[pl.ds(pb, b)])
    pltpu.sync_copy(cba.at[pl.ds(0, b)], part.at[pl.ds(pb + b, b)])
    pltpu.sync_copy(cbs.at[pl.ds(0, b)], part.at[pl.ds(pb + 2 * b, b)])
    pltpu.sync_copy(cbc.at[pl.ds(0, b)], part.at[pl.ds(pb + 3 * b, b)])


def _sc_forces(mft, dft, idx, b, nc, ns, interpret=False):
    n = mft.shape[2]
    mm = mft.shape[1]
    w = nc * ns
    k = 2048 if n >= 2048 * nc * ns else _L * 8
    ncht = n // k
    rem = n - ncht * k
    assert rem % _L == 0
    mesh = plsc.VectorSubcoreMesh(core_axis_name="c", subcore_axis_name="s",
                                  num_cores=nc, num_subcores=ns)
    vec = jax.ShapeDtypeStruct((n,), jnp.float32)
    f = pl.kernel(
        functools.partial(_sc_body, ncht=ncht, k=k, rem=rem, w=w, nc=nc, b=b),
        out_type=(vec, vec, vec,
                  jax.ShapeDtypeStruct((w * 4 * b,), jnp.float32)),
        mesh=mesh,
        scratch_types=[pltpu.VMEM((3, mm, k), jnp.float32),
                       pltpu.VMEM((3, k), jnp.float32),
                       pltpu.VMEM((k + _L,), jnp.int32)] * 2
                      + [pltpu.VMEM((k,), jnp.float32)] * 3
                      + [pltpu.VMEM((b + _L,), jnp.float32)] * 4
                      + [pltpu.VMEM((2 * _L,), jnp.float32)] * 3
                      + [pltpu.SemaphoreType.DMA] * 2,
        interpret=interpret,
    )
    return f(mft, dft, idx)


def _tc_finalize_body(me_ref, de_ref, pp_ref,
                      en_ref, emax_ref, emin_ref, evar_ref, esd_ref,
                      fvar_ref, fsd_ref, eae_ref, ese_ref, fae_ref, fse_ref):
    me = me_ref[...]
    de = de_ref[...]
    p = pp_ref[...]
    s = jnp.sum(p, axis=0)
    cnt = jnp.maximum(s[3:4], 1.0)
    fvar = s[0:1] / (9.0 * cnt)
    fvar_ref[...] = fvar
    fsd_ref[...] = jnp.sqrt(fvar)
    fae_ref[...] = s[1:2] / (3.0 * cnt)
    fse_ref[...] = s[2:3] / (3.0 * cnt)
    m = me.shape[0]
    en = jnp.mean(me, axis=0, keepdims=True)
    en_ref[...] = en
    dev = me - en
    evar = jnp.sum(dev * dev, axis=0, keepdims=True) * (1.0 / (m - 1))
    evar_ref[...] = evar
    esd_ref[...] = jnp.sqrt(evar)
    emax_ref[...] = jnp.broadcast_to(jnp.max(me), (1, 1))
    emin_ref[...] = jnp.broadcast_to(jnp.min(me), (1, 1))
    ed = en - de
    eae_ref[...] = jnp.abs(ed)
    ese_ref[...] = ed * ed


def _tc_finalize(me, de2, part, interpret=False):
    b = me.shape[1]
    vb = jax.ShapeDtypeStruct((1, b), jnp.float32)
    sb = jax.ShapeDtypeStruct((1, 1), jnp.float32)
    return pl.pallas_call(
        _tc_finalize_body,
        out_shape=(vb, sb, sb, vb, vb, vb, vb, vb, vb, vb, vb),
        interpret=interpret,
    )(me, de2, part)


def kernel(model_energies, model_forces, data_energy, data_forces, image_idx):
    m, n, _ = model_forces.shape
    b = model_energies.shape[1]
    info = plsc.get_sparse_core_info()
    nc, ns = info.num_cores, info.num_subcores
    mft = jnp.transpose(model_forces, (2, 0, 1))
    dft = jnp.transpose(data_forces, (1, 0))
    fx, fy, fz, part = _sc_forces(mft, dft, image_idx, b, nc, ns)
    forces = jnp.stack([fx, fy, fz], axis=-1)
    (en, emax, emin, evar, esd, fvar, fsd, eae, ese, fae, fse) = _tc_finalize(
        model_energies, data_energy.reshape(1, b), part.reshape(nc * ns, 4, b))
    return (en.reshape(b), forces, emax.reshape(1),
            emin.reshape(1), evar.reshape(b), esd.reshape(b), fvar.reshape(b),
            fsd.reshape(b), eae.reshape(b), ese.reshape(b), fae.reshape(b),
            fse.reshape(b))

# --- scband reference (transcript-rebuilt; emitter-appended) ---
"""Pipeline reference for scband-ensemble-model-66254165508165 (READ-ONLY COPY).

The authoritative reference and input builder live on the scoring server;
editing this copy changes nothing except your own understanding.
"""

import jax, jax.numpy as jnp
import numpy as np

M = 4          # ensemble size
N = 1600000    # total atoms
B = 1024       # number of images (segments)

def segment_mean(x, seg_ids, num_segments):
    s = jax.ops.segment_sum(x, seg_ids, num_segments=num_segments)
    cnt = jax.ops.segment_sum(jnp.ones_like(x), seg_ids, num_segments=num_segments)
    return s / jnp.maximum(cnt, 1.0)

def setup_inputs(seed: int = 0) -> dict:
    key = jax.random.key(seed)
    k1, k2, k3, k4, k5 = jax.random.split(key, 5)
    model_energies = jax.random.normal(k1, (M, B), dtype=jnp.float32)
    model_forces = jax.random.normal(k2, (M, N, 3), dtype=jnp.float32)
    data_energy = jax.random.normal(k3, (B,), dtype=jnp.float32)
    data_forces = jax.random.normal(k4, (N, 3), dtype=jnp.float32)
    image_idx = jnp.sort(jax.random.randint(k5, (N,), 0, B, dtype=jnp.int32))
    return {"model_energies": model_energies, "model_forces": model_forces,
            "data_energy": data_energy, "data_forces": data_forces,
            "image_idx": image_idx}

def reference(model_energies, model_forces, data_energy, data_forces, image_idx):
    # ensemble means (result_dict[key] = stack(v).mean(dim=0))
    energy = jnp.mean(model_energies, axis=0)            # [B]
    forces = jnp.mean(model_forces, axis=0)              # [N, 3]
    # uncertainty stats (compute_uncertainty=True since M>1)
    e_max = jnp.max(model_energies)[None]                # [1]
    e_min = jnp.min(model_energies)[None]                # [1]
    e_var = jnp.var(model_energies, axis=0, ddof=1)      # torch.var unbiased
    e_sd = jnp.std(model_energies, axis=0, ddof=1)
    f_var_atom = jnp.var(model_forces, axis=0, ddof=1).mean(axis=1)   # [N]
    f_var = segment_mean(f_var_atom, image_idx, B)       # scatter_mean per image
    f_sd = jnp.sqrt(f_var)
    # error vs reference labels (energy in data)
    e_diff = energy - data_energy
    f_diff = forces - data_forces
    e_ae = jnp.abs(e_diff)
    e_se = jnp.square(e_diff)
    f_ae = segment_mean(jnp.abs(f_diff).mean(axis=1), image_idx, B)
    f_se = segment_mean(jnp.square(f_diff).mean(axis=1), image_idx, B)
    return (energy, forces, e_max, e_min, e_var, e_sd, f_var, f_sd, e_ae, e_se, f_ae, f_se)

if __name__ == "__main__":
    import jax
    _d = setup_inputs()
    print(jax.jit(kernel)(*tuple(_d.values())))

</pallas_src>

<mosaic_0001>
#map = affine_map<(d0, d1) -> (0, 0, 0)>
#map1 = affine_map<(d0, d1) -> (0, 0)>
#map2 = affine_map<(d0, d1) -> (0)>
module attributes {stable_mosaic.version = 14 : i64} {
  func.func @_sc_body(%arg0: i32, %arg1: i32, %arg2: memref<3x4x1600000xf32, #tpu.memory_space<hbm>>, %arg3: memref<3x1600000xf32, #tpu.memory_space<hbm>>, %arg4: memref<1600000xi32, #tpu.memory_space<hbm>>, %arg5: memref<1600000xf32, #tpu.memory_space<hbm>>, %arg6: memref<1600000xf32, #tpu.memory_space<hbm>>, %arg7: memref<1600000xf32, #tpu.memory_space<hbm>>, %arg8: memref<131072xf32, #tpu.memory_space<hbm>>, %arg9: memref<3x4x2048xf32, #tpu.memory_space<vmem>>, %arg10: memref<3x2048xf32, #tpu.memory_space<vmem>>, %arg11: memref<2064xi32, #tpu.memory_space<vmem>>, %arg12: memref<3x4x2048xf32, #tpu.memory_space<vmem>>, %arg13: memref<3x2048xf32, #tpu.memory_space<vmem>>, %arg14: memref<2064xi32, #tpu.memory_space<vmem>>, %arg15: memref<2048xf32, #tpu.memory_space<vmem>>, %arg16: memref<2048xf32, #tpu.memory_space<vmem>>, %arg17: memref<2048xf32, #tpu.memory_space<vmem>>, %arg18: memref<1040xf32, #tpu.memory_space<vmem>>, %arg19: memref<1040xf32, #tpu.memory_space<vmem>>, %arg20: memref<1040xf32, #tpu.memory_space<vmem>>, %arg21: memref<1040xf32, #tpu.memory_space<vmem>>, %arg22: memref<32xf32, #tpu.memory_space<vmem>>, %arg23: memref<32xf32, #tpu.memory_space<vmem>>, %arg24: memref<32xf32, #tpu.memory_space<vmem>>, %arg25: memref<!tpu.dma_semaphore, #tpu.memory_space<semaphore_mem>>, %arg26: memref<!tpu.dma_semaphore, #tpu.memory_space<semaphore_mem>>) attributes {dimension_semantics = [#tpu.dimension_semantics<core_parallel>, #tpu.dimension_semantics<subcore_parallel>], iteration_bounds = array<i64: 2, 16>, scalar_prefetch = 0 : i64, scratch_operands = 18 : i64, tpu.core_type = #tpu.core_type<sc_vector_subcore>, window_params = [{transform_indices = #map}, {transform_indices = #map1}, {transform_indices = #map2}, {transform_indices = #map2}, {transform_indices = #map2}, {transform_indices = #map2}, {transform_indices = #map2}]} {
    %mul3A = arith.constant 2 : i32
    %mul3A_0 = arith.muli %arg1, %mul3A : i32
    %add3A = arith.addi %mul3A_0, %arg0 : i32
    %iota3A = tpu.iota {dimensions = array<i32: 0>} : vector<16xi32>
    %eq3A = arith.constant 0 : i32
    %eq3A_1 = vector.broadcast %eq3A : i32 to vector<16xi32>
    %eq3A_2 = arith.cmpi eq, %iota3A, %eq3A_1 : vector<16xi32>
    %jit3A = arith.constant 1.000000e+00 : f32
    %jit3A_3 = arith.constant 0.000000e+00 : f32
    %broadcast_in_dim3A = vector.broadcast %jit3A : f32 to vector<16xf32>
    %broadcast_in_dim3A_4 = vector.broadcast %jit3A_3 : f32 to vector<16xf32>
    %select_n3A = arith.select %eq3A_2, %broadcast_in_dim3A, %broadcast_in_dim3A_4 : vector<16xi1>, vector<16xf32>
    %broadcast_in_dim3A_5 = arith.constant 1.000000e+00 : f32
    %broadcast_in_dim3A_6 = vector.broadcast %broadcast_in_dim3A_5 : f32 to vector<16xf32>
    %broadcast_in_dim3A_7 = arith.constant 0.000000e+00 : f32
    %broadcast_in_dim3A_8 = vector.broadcast %broadcast_in_dim3A_7 : f32 to vector<16xf32>
    %scan3A = arith.constant 0 : i32
    %scan3A_9 = arith.constant 0 : i32
    %scan3A_10 = arith.constant 65 : i32
    %scan3A_11 = arith.addi %scan3A_9, %scan3A_10 : i32
    %scan3A_12 = arith.constant 1 : i32
    %scan3A_13 = scf.for %scan3A_115 = %scan3A_9 to %scan3A_11 step %scan3A_12 iter_args(%scan3A_116 = %scan3A) -> (i32)  : i32 {
      %mul3A_117 = arith.constant 16 : i32
      %mul3A_118 = arith.muli %scan3A_115, %mul3A_117 : i32
      %swap3A_119 = arith.index_cast %mul3A_118 : i32 to index
      %swap3A_120 = tpu.vector_load %arg18[%swap3A_119] {strides = array<i32>} : memref<1040xf32, #tpu.memory_space<vmem>>, vector<16xf32>,
      %swap3A_121 = vector.shape_cast %swap3A_120 : vector<16xf32> to vector<16xf32>
      %swap3A_122 = vector.shape_cast %broadcast_in_dim3A_8 : vector<16xf32> to vector<16xf32>
      tpu.vector_store %arg18[%swap3A_119], %swap3A_122 {strides = array<i32>} : memref<1040xf32, #tpu.memory_space<vmem>>, vector<16xf32>,
      %swap3A_123 = arith.index_cast %mul3A_118 : i32 to index
      %swap3A_124 = tpu.vector_load %arg19[%swap3A_123] {strides = array<i32>} : memref<1040xf32, #tpu.memory_space<vmem>>, vector<16xf32>,
      %swap3A_125 = vector.shape_cast %swap3A_124 : vector<16xf32> to vector<16xf32>
      %swap3A_126 = vector.shape_cast %broadcast_in_dim3A_8 : vector<16xf32> to vector<16xf32>
      tpu.vector_store %arg19[%swap3A_123], %swap3A_126 {strides = array<i32>} : memref<1040xf32, #tpu.memory_space<vmem>>, vector<16xf32>,
      %swap3A_127 = arith.index_cast %mul3A_118 : i32 to index
      %swap3A_128 = tpu.vector_load %arg20[%swap3A_127] {strides = array<i32>} : memref<1040xf32, #tpu.memory_space<vmem>>, vector<16xf32>,
      %swap3A_129 = vector.shape_cast %swap3A_128 : vector<16xf32> to vector<16xf32>
      %swap3A_130 = vector.shape_cast %broadcast_in_dim3A_8 : vector<16xf32> to vector<16xf32>
      tpu.vector_store %arg20[%swap3A_127], %swap3A_130 {strides = array<i32>} : memref<1040xf32, #tpu.memory_space<vmem>>, vector<16xf32>,
      %swap3A_131 = arith.index_cast %mul3A_118 : i32 to index
      %swap3A_132 = tpu.vector_load %arg21[%swap3A_131] {strides = array<i32>} : memref<1040xf32, #tpu.memory_space<vmem>>, vector<16xf32>,
      %swap3A_133 = vector.shape_cast %swap3A_132 : vector<16xf32> to vector<16xf32>
      %swap3A_134 = vector.shape_cast %broadcast_in_dim3A_8 : vector<16xf32> to vector<16xf32>
      tpu.vector_store %arg21[%swap3A_131], %swap3A_134 {strides = array<i32>} : memref<1040xf32, #tpu.memory_space<vmem>>, vector<16xf32>,
      %scan3A_135 = arith.constant 0 : i32
      scf.yield %scan3A_135 : i32
    }
    %scan3A_14 = arith.constant 65 : i32
    %swap3A = arith.constant 0 : index
    %swap3A_15 = tpu.vector_load %arg22[%swap3A] {strides = array<i32>} : memref<32xf32, #tpu.memory_space<vmem>>, vector<16xf32>,
    %swap3A_16 = vector.shape_cast %swap3A_15 : vector<16xf32> to vector<16xf32>
    %swap3A_17 = vector.shape_cast %broadcast_in_dim3A_8 : vector<16xf32> to vector<16xf32>
    tpu.vector_store %arg22[%swap3A], %swap3A_17 {strides = array<i32>} : memref<32xf32, #tpu.memory_space<vmem>>, vector<16xf32>,
    %swap3A_18 = arith.constant 16 : index
    %swap3A_19 = tpu.vector_load %arg22[%swap3A_18] {strides = array<i32>} : memref<32xf32, #tpu.memory_space<vmem>>, vector<16xf32>,
    %swap3A_20 = vector.shape_cast %swap3A_19 : vector<16xf32> to vector<16xf32>
    %swap3A_21 = vector.shape_cast %broadcast_in_dim3A_8 : vector<16xf32> to vector<16xf32>
    tpu.vector_store %arg22[%swap3A_18], %swap3A_21 {strides = array<i32>} : memref<32xf32, #tpu.memory_space<vmem>>, vector<16xf32>,
    %swap3A_22 = arith.constant 0 : index
    %swap3A_23 = tpu.vector_load %arg23[%swap3A_22] {strides = array<i32>} : memref<32xf32, #tpu.memory_space<vmem>>, vector<16xf32>,
    %swap3A_24 = vector.shape_cast %swap3A_23 : vector<16xf32> to vector<16xf32>
    %swap3A_25 = vector.shape_cast %broadcast_in_dim3A_8 : vector<16xf32> to vector<16xf32>
    tpu.vector_store %arg23[%swap3A_22], %swap3A_25 {strides = array<i32>} : memref<32xf32, #tpu.memory_space<vmem>>, vector<16xf32>,
    %swap3A_26 = arith.constant 16 : index
    %swap3A_27 = tpu.vector_load %arg23[%swap3A_26] {strides = array<i32>} : memref<32xf32, #tpu.memory_space<vmem>>, vector<16xf32>,
    %swap3A_28 = vector.shape_cast %swap3A_27 : vector<16xf32> to vector<16xf32>
    %swap3A_29 = vector.shape_cast %broadcast_in_dim3A_8 : vector<16xf32> to vector<16xf32>
    tpu.vector_store %arg23[%swap3A_26], %swap3A_29 {strides = array<i32>} : memref<32xf32, #tpu.memory_space<vmem>>, vector<16xf32>,
    %swap3A_30 = arith.constant 0 : index
    %swap3A_31 = tpu.vector_load %arg24[%swap3A_30] {strides = array<i32>} : memref<32xf32, #tpu.memory_space<vmem>>, vector<16xf32>,
    %swap3A_32 = vector.shape_cast %swap3A_31 : vector<16xf32> to vector<16xf32>
    %swap3A_33 = vector.shape_cast %broadcast_in_dim3A_8 : vector<16xf32> to vector<16xf32>
    tpu.vector_store %arg24[%swap3A_30], %swap3A_33 {strides = array<i32>} : memref<32xf32, #tpu.memory_space<vmem>>, vector<16xf32>,
    %swap3A_34 = arith.constant 16 : index
    %swap3A_35 = tpu.vector_load %arg24[%swap3A_34] {strides = array<i32>} : memref<32xf32, #tpu.memory_space<vmem>>, vector<16xf32>,
    %swap3A_36 = vector.shape_cast %swap3A_35 : vector<16xf32> to vector<16xf32>
    %swap3A_37 = vector.shape_cast %broadcast_in_dim3A_8 : vector<16xf32> to vector<16xf32>
    tpu.vector_store %arg24[%swap3A_34], %swap3A_37 {strides = array<i32>} : memref<32xf32, #tpu.memory_space<vmem>>, vector<16xf32>,
    %mul3A_38 = arith.constant 781 : i32
    %mul3A_39 = arith.muli %add3A, %mul3A_38 : i32
    %jit3A_40 = arith.constant 32 : i32
    %div3A = arith.divsi %mul3A_39, %jit3A_40 : i32
    %sign3A = arith.constant 0 : i32
    %sign3A_41 = arith.cmpi sgt, %mul3A_39, %sign3A : i32
    %sign3A_42 = arith.extui %sign3A_41 : i1 to i32
    %sign3A_43 = arith.constant 0 : i32
    %sign3A_44 = arith.cmpi slt, %mul3A_39, %sign3A_43 : i32
    %sign3A_45 = arith.extui %sign3A_44 : i1 to i32
    %sign3A_46 = arith.subi %sign3A_42, %sign3A_45 : i32
    %sign3A_47 = arith.constant 0 : i32
    %sign3A_48 = arith.cmpi sgt, %jit3A_40, %sign3A_47 : i32
    %sign3A_49 = arith.extui %sign3A_48 : i1 to i32
    %sign3A_50 = arith.constant 0 : i32
    %sign3A_51 = arith.cmpi slt, %jit3A_40, %sign3A_50 : i32
    %sign3A_52 = arith.extui %sign3A_51 : i1 to i32
    %sign3A_53 = arith.subi %sign3A_49, %sign3A_52 : i32
    %ne3A = arith.cmpi ne, %sign3A_46, %sign3A_53 : i32
    %rem3A = arith.remsi %mul3A_39, %jit3A_40 : i32
    %ne3A_54 = arith.constant 0 : i32
    %ne3A_55 = arith.cmpi ne, %rem3A, %ne3A_54 : i32
    %and3A = arith.andi %ne3A, %ne3A_55 : i1
    %sub3A = arith.constant 1 : i32
    %sub3A_56 = arith.subi %div3A, %sub3A : i32
    %select_n3A_57 = arith.select %and3A, %sub3A_56, %div3A : i32
    %add3A_58 = arith.constant 1 : i32
    %add3A_59 = arith.addi %add3A, %add3A_58 : i32
    %mul3A_60 = arith.constant 781 : i32
    %mul3A_61 = arith.muli %add3A_59, %mul3A_60 : i32
    %jit3A_62 = arith.constant 32 : i32
    %div3A_63 = arith.divsi %mul3A_61, %jit3A_62 : i32
    %sign3A_64 = arith.constant 0 : i32
    %sign3A_65 = arith.cmpi sgt, %mul3A_61, %sign3A_64 : i32
    %sign3A_66 = arith.extui %sign3A_65 : i1 to i32
    %sign3A_67 = arith.constant 0 : i32
    %sign3A_68 = arith.cmpi slt, %mul3A_61, %sign3A_67 : i32
    %sign3A_69 = arith.extui %sign3A_68 : i1 to i32
    %sign3A_70 = arith.subi %sign3A_66, %sign3A_69 : i32
    %sign3A_71 = arith.constant 0 : i32
    %sign3A_72 = arith.cmpi sgt, %jit3A_62, %sign3A_71 : i32
    %sign3A_73 = arith.extui %sign3A_72 : i1 to i32
    %sign3A_74 = arith.constant 0 : i32
    %sign3A_75 = arith.cmpi slt, %jit3A_62, %sign3A_74 : i32
    %sign3A_76 = arith.extui %sign3A_75 : i1 to i32
    %sign3A_77 = arith.subi %sign3A_73, %sign3A_76 : i32
    %ne3A_78 = arith.cmpi ne, %sign3A_70, %sign3A_77 : i32
    %rem3A_79 = arith.remsi %mul3A_61, %jit3A_62 : i32
    %ne3A_80 = arith.constant 0 : i32
    %ne3A_81 = arith.cmpi ne, %rem3A_79, %ne3A_80 : i32
    %and3A_82 = arith.andi %ne3A_78, %ne3A_81 : i1
    %sub3A_83 = arith.constant 1 : i32
    %sub3A_84 = arith.subi %div3A_63, %sub3A_83 : i32
    %select_n3A_85 = arith.select %and3A_82, %sub3A_84, %div3A_63 : i32
    %sub3A_86 = arith.subi %select_n3A_85, %select_n3A_57 : i32
    %gt3A = arith.constant 0 : i32
    %gt3A_87 = arith.cmpi sgt, %sub3A_86, %gt3A : i32
    %convert_element_type3A = arith.extui %gt3A_87 : i1 to i32
    %cond3A = arith.constant 0 : i32
    %cond3A_88 = arith.cmpi ne, %convert_element_type3A, %cond3A : i32
    scf.if %cond3A_88 {
      %mul3A_115 = arith.constant 2048 : i32
      %mul3A_116 = arith.muli %select_n3A_57, %mul3A_115 : i32
      %dma_start3A = arith.constant 0 : i32
      %dma_start3A_117 = arith.constant 0 : i32
      %dma_start3A_118 = tpu.memref_slice %arg2[%dma_start3A, %dma_start3A_117, %mul3A_116] : memref<3x4x1600000xf32, #tpu.memory_space<hbm>> -> memref<3x4x2048xf32, #tpu.memory_space<hbm>>
      %dma_start3A_119 = arith.constant 0 : i32
      %dma_start3A_120 = arith.constant 0 : i32
      %dma_start3A_121 = tpu.memref_slice %arg2[%dma_start3A_119, %dma_start3A_120, %mul3A_116] : memref<3x4x1600000xf32, #tpu.memory_space<hbm>> -> memref<3x4x2048xf32, #tpu.memory_space<hbm>>
      tpu.enqueue_dma source(%dma_start3A_121 : memref<3x4x2048xf32, #tpu.memory_space<hbm>>) target(%arg9 : memref<3x4x2048xf32, #tpu.memory_space<vmem>>) target_semaphore(%arg25 : memref<!tpu.dma_semaphore, #tpu.memory_space<semaphore_mem>>)
      %dma_start3A_122 = arith.constant 0 : i32
      %dma_start3A_123 = tpu.memref_slice %arg3[%dma_start3A_122, %mul3A_116] : memref<3x1600000xf32, #tpu.memory_space<hbm>> -> memref<3x2048xf32, #tpu.memory_space<hbm>>
      %dma_start3A_124 = arith.constant 0 : i32
      %dma_start3A_125 = tpu.memref_slice %arg3[%dma_start3A_124, %mul3A_116] : memref<3x1600000xf32, #tpu.memory_space<hbm>> -> memref<3x2048xf32, #tpu.memory_space<hbm>>
      tpu.enqueue_dma source(%dma_start3A_125 : memref<3x2048xf32, #tpu.memory_space<hbm>>) target(%arg10 : memref<3x2048xf32, #tpu.memory_space<vmem>>) target_semaphore(%arg25 : memref<!tpu.dma_semaphore, #tpu.memory_space<semaphore_mem>>)
      %dma_start3A_126 = arith.constant 0 : i32
      %dma_start3A_127 = tpu.memref_slice %arg11[%dma_start3A_126] : memref<2064xi32, #tpu.memory_space<vmem>> -> memref<2048xi32, #tpu.memory_space<vmem>>
      %dma_start3A_128 = tpu.memref_slice %arg4[%mul3A_116] : memref<1600000xi32, #tpu.memory_space<hbm>> -> memref<2048xi32, #tpu.memory_space<hbm>>
      %dma_start3A_129 = arith.constant 0 : i32
      %dma_start3A_130 = tpu.memref_slice %arg11[%dma_start3A_129] : memref<2064xi32, #tpu.memory_space<vmem>> -> memref<2048xi32, #tpu.memory_space<vmem>>
      %dma_start3A_131 = tpu.memref_slice %arg4[%mul3A_116] : memref<1600000xi32, #tpu.memory_space<hbm>> -> memref<2048xi32, #tpu.memory_space<hbm>>
      tpu.enqueue_dma source(%dma_start3A_131 : memref<2048xi32, #tpu.memory_space<hbm>>) target(%dma_start3A_130 : memref<2048xi32, #tpu.memory_space<vmem>>) target_semaphore(%arg25 : memref<!tpu.dma_semaphore, #tpu.memory_space<semaphore_mem>>)
    } else {
    }
    %while3A = arith.constant 0 : i32
    %while3A_89 = arith.constant 0 : i32
    %while3A_90 = arith.subi %sub3A_86, %while3A : i32
    %while3A_91 = arith.addi %while3A, %while3A_90 : i32
    %while3A_92 = arith.constant 1 : i32
    %while3A_93 = arith.divsi %while3A_90, %while3A_92 : i32
    %while3A_94 = arith.muli %while3A_93, %while3A_92 : i32
    %while3A_95 = arith.addi %while3A, %while3A_94 : i32
    %while3A_96 = arith.constant 1 : i32
    %while3A_97 = scf.for %while3A_115 = %while3A to %while3A_95 step %while3A_96 iter_args(%while3A_116 = %while3A_89) -> (i32)  : i32 {
      %add3A_117 = arith.addi %select_n3A_57, %while3A_115 : i32
      %jit3A_118 = arith.constant 2 : i32
      %eq3A_119 = arith.constant 0 : i32
      %eq3A_120 = arith.cmpi eq, %jit3A_118, %eq3A_119 : i32
      %jit3A_121 = arith.constant 1 : i32
      %select_n3A_122 = arith.select %eq3A_120, %jit3A_121, %jit3A_118 : i32
      %rem3A_123 = arith.remsi %while3A_115, %select_n3A_122 : i32
      %ne3A_124 = arith.constant 0 : i32
      %ne3A_125 = arith.cmpi ne, %rem3A_123, %ne3A_124 : i32
      %lt3A = arith.constant 0 : i32
      %lt3A_126 = arith.cmpi slt, %rem3A_123, %lt3A : i32
      %lt3A_127 = arith.constant 0 : i32
      %lt3A_128 = arith.cmpi slt, %select_n3A_122, %lt3A_127 : i32
      %ne3A_129 = arith.xori %lt3A_126, %lt3A_128 : i1
      %and3A_130 = arith.andi %ne3A_129, %ne3A_125 : i1
      %add3A_131 = arith.addi %rem3A_123, %select_n3A_122 : i32
      %select_n3A_132 = arith.select %and3A_130, %add3A_131, %rem3A_123 : i32
      %eq3A_133 = arith.constant 0 : i32
      %eq3A_134 = arith.cmpi eq, %select_n3A_132, %eq3A_133 : i32
      %convert_element_type3A_135 = arith.extui %eq3A_134 : i1 to i32
      %cond3A_136 = arith.constant 0 : i32
      %cond3A_137 = arith.cmpi ne, %convert_element_type3A_135, %cond3A_136 : i32
      scf.if %cond3A_137 {
        %dma_wait3A = arith.constant 0 : i32
        %dma_wait3A_143 = arith.constant 0 : i32
        %dma_wait3A_144 = arith.constant 0 : i32
        %dma_wait3A_145 = tpu.memref_slice %arg2[%dma_wait3A, %dma_wait3A_143, %dma_wait3A_144] : memref<3x4x1600000xf32, #tpu.memory_space<hbm>> -> memref<3x4x2048xf32, #tpu.memory_space<hbm>>
        %dma_wait3A_146 = arith.constant 0 : i32
        %dma_wait3A_147 = arith.constant 0 : i32
        %dma_wait3A_148 = arith.constant 0 : i32
        %dma_wait3A_149 = tpu.memref_slice %arg2[%dma_wait3A_146, %dma_wait3A_147, %dma_wait3A_148] : memref<3x4x1600000xf32, #tpu.memory_space<hbm>> -> memref<3x4x2048xf32, #tpu.memory_space<hbm>>
        tpu.wait_dma2 semaphore(%arg25 : memref<!tpu.dma_semaphore, #tpu.memory_space<semaphore_mem>>) src(%dma_wait3A_149 : memref<3x4x2048xf32, #tpu.memory_space<hbm>>) dst(%arg9 : memref<3x4x2048xf32, #tpu.memory_space<vmem>>)
        %dma_wait3A_150 = arith.constant 0 : i32
        %dma_wait3A_151 = arith.constant 0 : i32
        %dma_wait3A_152 = tpu.memref_slice %arg3[%dma_wait3A_150, %dma_wait3A_151] : memref<3x1600000xf32, #tpu.memory_space<hbm>> -> memref<3x2048xf32, #tpu.memory_space<hbm>>
        %dma_wait3A_153 = arith.constant 0 : i32
        %dma_wait3A_154 = arith.constant 0 : i32
        %dma_wait3A_155 = tpu.memref_slice %arg3[%dma_wait3A_153, %dma_wait3A_154] : memref<3x1600000xf32, #tpu.memory_space<hbm>> -> memref<3x2048xf32, #tpu.memory_space<hbm>>
        tpu.wait_dma2 semaphore(%arg25 : memref<!tpu.dma_semaphore, #tpu.memory_space<semaphore_mem>>) src(%dma_wait3A_155 : memref<3x2048xf32, #tpu.memory_space<hbm>>) dst(%arg10 : memref<3x2048xf32, #tpu.memory_space<vmem>>)
        %dma_wait3A_156 = arith.constant 0 : i32
        %dma_wait3A_157 = tpu.memref_slice %arg11[%dma_wait3A_156] : memref<2064xi32, #tpu.memory_space<vmem>> -> memref<2048xi32, #tpu.memory_space<vmem>>
        %dma_wait3A_158 = arith.constant 0 : i32
        %dma_wait3A_159 = tpu.memref_slice %arg4[%dma_wait3A_158] : memref<1600000xi32, #tpu.memory_space<hbm>> -> memref<2048xi32, #tpu.memory_space<hbm>>
        %dma_wait3A_160 = arith.constant 0 : i32
        %dma_wait3A_161 = tpu.memref_slice %arg11[%dma_wait3A_160] : memref<2064xi32, #tpu.memory_space<vmem>> -> memref<2048xi32, #tpu.memory_space<vmem>>
        %dma_wait3A_162 = arith.constant 0 : i32
        %dma_wait3A_163 = tpu.memref_slice %arg4[%dma_wait3A_162] : memref<1600000xi32, #tpu.memory_space<hbm>> -> memref<2048xi32, #tpu.memory_space<hbm>>
        tpu.wait_dma2 semaphore(%arg25 : memref<!tpu.dma_semaphore, #tpu.memory_space<semaphore_mem>>) src(%dma_wait3A_163 : memref<2048xi32, #tpu.memory_space<hbm>>) dst(%dma_wait3A_161 : memref<2048xi32, #tpu.memory_space<vmem>>)
        %add3A_164 = arith.constant 1 : i32
        %add3A_165 = arith.addi %add3A_117, %add3A_164 : i32
        %lt3A_166 = arith.cmpi slt, %add3A_165, %select_n3A_85 : i32
        %convert_element_type3A_167 = arith.extui %lt3A_166 : i1 to i32
        %cond3A_168 = arith.constant 0 : i32
        %cond3A_169 = arith.cmpi ne, %convert_element_type3A_167, %cond3A_168 : i32
        scf.if %cond3A_169 {
          %add3A_326 = arith.constant 1 : i32
          %add3A_327 = arith.addi %add3A_117, %add3A_326 : i32
          %mul3A_328 = arith.constant 2048 : i32
          %mul3A_329 = arith.muli %add3A_327, %mul3A_328 : i32
          %dma_start3A = arith.constant 0 : i32
          %dma_start3A_330 = arith.constant 0 : i32
          %dma_start3A_331 = tpu.memref_slice %arg2[%dma_start3A, %dma_start3A_330, %mul3A_329] : memref<3x4x1600000xf32, #tpu.memory_space<hbm>> -> memref<3x4x2048xf32, #tpu.memory_space<hbm>>
          %dma_start3A_332 = arith.constant 0 : i32
          %dma_start3A_333 = arith.constant 0 : i32
          %dma_start3A_334 = tpu.memref_slice %arg2[%dma_start3A_332, %dma_start3A_333, %mul3A_329] : memref<3x4x1600000xf32, #tpu.memory_space<hbm>> -> memref<3x4x2048xf32, #tpu.memory_space<hbm>>
          tpu.enqueue_dma source(%dma_start3A_334 : memref<3x4x2048xf32, #tpu.memory_space<hbm>>) target(%arg12 : memref<3x4x2048xf32, #tpu.memory_space<vmem>>) target_semaphore(%arg26 : memref<!tpu.dma_semaphore, #tpu.memory_space<semaphore_mem>>)
          %dma_start3A_335 = arith.constant 0 : i32
          %dma_start3A_336 = tpu.memref_slice %arg3[%dma_start3A_335, %mul3A_329] : memref<3x1600000xf32, #tpu.memory_space<hbm>> -> memref<3x2048xf32, #tpu.memory_space<hbm>>
          %dma_start3A_337 = arith.constant 0 : i32
          %dma_start3A_338 = tpu.memref_slice %arg3[%dma_start3A_337, %mul3A_329] : memref<3x1600000xf32, #tpu.memory_space<hbm>> -> memref<3x2048xf32, #tpu.memory_space<hbm>>
          tpu.enqueue_dma source(%dma_start3A_338 : memref<3x2048xf32, #tpu.memory_space<hbm>>) target(%arg13 : memref<3x2048xf32, #tpu.memory_space<vmem>>) target_semaphore(%arg26 : memref<!tpu.dma_semaphore, #tpu.memory_space<semaphore_mem>>)
          %dma_start3A_339 = arith.constant 0 : i32
          %dma_start3A_340 = tpu.memref_slice %arg14[%dma_start3A_339] : memref<2064xi32, #tpu.memory_space<vmem>> -> memref<2048xi32, #tpu.memory_space<vmem>>
          %dma_start3A_341 = tpu.memref_slice %arg4[%mul3A_329] : memref<1600000xi32, #tpu.memory_space<hbm>> -> memref<2048xi32, #tpu.memory_space<hbm>>
          %dma_start3A_342 = arith.constant 0 : i32
          %dma_start3A_343 = tpu.memref_slice %arg14[%dma_start3A_342] : memref<2064xi32, #tpu.memory_space<vmem>> -> memref<2048xi32, #tpu.memory_space<vmem>>
          %dma_start3A_344 = tpu.memref_slice %arg4[%mul3A_329] : memref<1600000xi32, #tpu.memory_space<hbm>> -> memref<2048xi32, #tpu.memory_space<hbm>>
          tpu.enqueue_dma source(%dma_start3A_344 : memref<2048xi32, #tpu.memory_space<hbm>>) target(%dma_start3A_343 : memref<2048xi32, #tpu.memory_space<vmem>>) target_semaphore(%arg26 : memref<!tpu.dma_semaphore, #tpu.memory_space<semaphore_mem>>)
        } else {
        }
        %mul3A_170 = arith.constant 2048 : i32
        %mul3A_171 = arith.muli %add3A_117, %mul3A_170 : i32
        %get3A = arith.constant 0 : index
        %get3A_172 = tpu.vector_load %arg11[%get3A] {strides = array<i32>} : memref<2064xi32, #tpu.memory_space<vmem>>, vector<16xi32>,
        %get3A_173 = vector.shape_cast %get3A_172 : vector<16xi32> to vector<16xi32>
        %slice3A = vector.extract_strided_slice %get3A_173 {offsets = [0], sizes = [1], strides = [1]} : vector<16xi32> to vector<1xi32>
        %squeeze3A = vector.extract %slice3A[0] : i32 from vector<1xi32>
        %scan3A_174 = arith.constant 0 : i32
        %scan3A_175 = arith.constant 128 : i32
        %scan3A_176 = arith.addi %scan3A_174, %scan3A_175 : i32
        %scan3A_177 = arith.constant 1 : i32
        %scan3A_178:5 = scf.for %scan3A_326 = %scan3A_174 to %scan3A_176 step %scan3A_177 iter_args(%scan3A_327 = %squeeze3A, %scan3A_328 = %broadcast_in_dim3A_8, %scan3A_329 = %broadcast_in_dim3A_8, %scan3A_330 = %broadcast_in_dim3A_8, %scan3A_331 = %broadcast_in_dim3A_8) -> (i32, vector<16xf32>, vector<16xf32>, vector<16xf32>, vector<16xf32>)  : i32 {
          %mul3A_332 = arith.constant 16 : i32
          %mul3A_333 = arith.muli %scan3A_326, %mul3A_332 : i32
          %get3A_334 = arith.constant 0 : i32
          %get3A_335 = arith.constant 0 : i32
          %get3A_336 = arith.index_cast %get3A_334 : i32 to index
          %get3A_337 = arith.index_cast %get3A_335 : i32 to index
          %get3A_338 = arith.index_cast %mul3A_333 : i32 to index
          %get3A_339 = tpu.vector_load %arg9[%get3A_336, %get3A_337, %get3A_338] {strides = array<i32>} : memref<3x4x2048xf32, #tpu.memory_space<vmem>>, vector<1x1x16xf32>,
          %get3A_340 = vector.shape_cast %get3A_339 : vector<1x1x16xf32> to vector<16xf32>
          %get3A_341 = arith.constant 0 : i32
          %get3A_342 = arith.constant 1 : i32
          %get3A_343 = arith.index_cast %get3A_341 : i32 to index
          %get3A_344 = arith.index_cast %get3A_342 : i32 to index
          %get3A_345 = arith.index_cast %mul3A_333 : i32 to index
          %get3A_346 = tpu.vector_load %arg9[%get3A_343, %get3A_344, %get3A_345] {strides = array<i32>} : memref<3x4x2048xf32, #tpu.memory_space<vmem>>, vector<1x1x16xf32>,
          %get3A_347 = vector.shape_cast %get3A_346 : vector<1x1x16xf32> to vector<16xf32>
          %get3A_348 = arith.constant 0 : i32
          %get3A_349 = arith.constant 2 : i32
          %get3A_350 = arith.index_cast %get3A_348 : i32 to index
          %get3A_351 = arith.index_cast %get3A_349 : i32 to index
          %get3A_352 = arith.index_cast %mul3A_333 : i32 to index
          %get3A_353 = tpu.vector_load %arg9[%get3A_350, %get3A_351, %get3A_352] {strides = array<i32>} : memref<3x4x2048xf32, #tpu.memory_space<vmem>>, vector<1x1x16xf32>,
          %get3A_354 = vector.shape_cast %get3A_353 : vector<1x1x16xf32> to vector<16xf32>
          %get3A_355 = arith.constant 0 : i32
          %get3A_356 = arith.constant 3 : i32
          %get3A_357 = arith.index_cast %get3A_355 : i32 to index
          %get3A_358 = arith.index_cast %get3A_356 : i32 to index
          %get3A_359 = arith.index_cast %mul3A_333 : i32 to index
          %get3A_360 = tpu.vector_load %arg9[%get3A_357, %get3A_358, %get3A_359] {strides = array<i32>} : memref<3x4x2048xf32, #tpu.memory_space<vmem>>, vector<1x1x16xf32>,
          %get3A_361 = vector.shape_cast %get3A_360 : vector<1x1x16xf32> to vector<16xf32>
          %add3A_362 = arith.addf %get3A_340, %get3A_347 : vector<16xf32>
          %add3A_363 = arith.addf %add3A_362, %get3A_354 : vector<16xf32>
          %add3A_364 = arith.addf %add3A_363, %get3A_361 : vector<16xf32>
          %mul3A_365 = arith.constant 2.500000e-01 : f32
          %mul3A_366 = vector.broadcast %mul3A_365 : f32 to vector<16xf32>
          %mul3A_367 = arith.mulf %add3A_364, %mul3A_366 : vector<16xf32>
          %swap3A_368 = arith.index_cast %mul3A_333 : i32 to index
          %swap3A_369 = tpu.vector_load %arg15[%swap3A_368] {strides = array<i32>} : memref<2048xf32, #tpu.memory_space<vmem>>, vector<16xf32>,
          %swap3A_370 = vector.shape_cast %swap3A_369 : vector<16xf32> to vector<16xf32>
          %swap3A_371 = vector.shape_cast %mul3A_367 : vector<16xf32> to vector<16xf32>
          tpu.vector_store %arg15[%swap3A_368], %swap3A_371 {strides = array<i32>} : memref<2048xf32, #tpu.memory_space<vmem>>, vector<16xf32>,
          %sub3A_372 = arith.subf %get3A_340, %mul3A_367 : vector<16xf32>
          %sub3A_373 = arith.subf %get3A_347, %mul3A_367 : vector<16xf32>
          %sub3A_374 = arith.subf %get3A_354, %mul3A_367 : vector<16xf32>
          %sub3A_375 = arith.subf %get3A_361, %mul3A_367 : vector<16xf32>
          %mul3A_376 = arith.mulf %sub3A_372, %sub3A_372 : vector<16xf32>
          %mul3A_377 = arith.mulf %sub3A_373, %sub3A_373 : vector<16xf32>
          %add3A_378 = arith.addf %mul3A_376, %mul3A_377 : vector<16xf32>
          %mul3A_379 = arith.mulf %sub3A_374, %sub3A_374 : vector<16xf32>
          %add3A_380 = arith.addf %add3A_378, %mul3A_379 : vector<16xf32>
          %mul3A_381 = arith.mulf %sub3A_375, %sub3A_375 : vector<16xf32>
          %add3A_382 = arith.addf %add3A_380, %mul3A_381 : vector<16xf32>
          %add3A_383 = arith.addf %broadcast_in_dim3A_8, %add3A_382 : vector<16xf32>
          %get3A_384 = arith.constant 0 : i32
          %get3A_385 = arith.index_cast %get3A_384 : i32 to index
          %get3A_386 = arith.index_cast %mul3A_333 : i32 to index
          %get3A_387 = tpu.vector_load %arg10[%get3A_385, %get3A_386] {strides = array<i32>} : memref<3x2048xf32, #tpu.memory_space<vmem>>, vector<1x16xf32>,
          %get3A_388 = vector.shape_cast %get3A_387 : vector<1x16xf32> to vector<16xf32>
          %sub3A_389 = arith.subf %mul3A_367, %get3A_388 : vector<16xf32>
          %abs3A = math.absf %sub3A_389 : vector<16xf32>
          %add3A_390 = arith.addf %broadcast_in_dim3A_8, %abs3A : vector<16xf32>
          %mul3A_391 = arith.mulf %sub3A_389, %sub3A_389 : vector<16xf32>
          %add3A_392 = arith.addf %broadcast_in_dim3A_8, %mul3A_391 : vector<16xf32>
          %get3A_393 = arith.constant 1 : i32
          %get3A_394 = arith.constant 0 : i32
          %get3A_395 = arith.index_cast %get3A_393 : i32 to index
          %get3A_396 = arith.index_cast %get3A_394 : i32 to index
          %get3A_397 = arith.index_cast %mul3A_333 : i32 to index
          %get3A_398 = tpu.vector_load %arg9[%get3A_395, %get3A_396, %get3A_397] {strides = array<i32>} : memref<3x4x2048xf32, #tpu.memory_space<vmem>>, vector<1x1x16xf32>,
          %get3A_399 = vector.shape_cast %get3A_398 : vector<1x1x16xf32> to vector<16xf32>
          %get3A_400 = arith.constant 1 : i32
          %get3A_401 = arith.constant 1 : i32
          %get3A_402 = arith.index_cast %get3A_400 : i32 to index
          %get3A_403 = arith.index_cast %get3A_401 : i32 to index
          %get3A_404 = arith.index_cast %mul3A_333 : i32 to index
          %get3A_405 = tpu.vector_load %arg9[%get3A_402, %get3A_403, %get3A_404] {strides = array<i32>} : memref<3x4x2048xf32, #tpu.memory_space<vmem>>, vector<1x1x16xf32>,
          %get3A_406 = vector.shape_cast %get3A_405 : vector<1x1x16xf32> to vector<16xf32>
          %get3A_407 = arith.constant 1 : i32
          %get3A_408 = arith.constant 2 : i32
          %get3A_409 = arith.index_cast %get3A_407 : i32 to index
          %get3A_410 = arith.index_cast %get3A_408 : i32 to index
          %get3A_411 = arith.index_cast %mul3A_333 : i32 to index
          %get3A_412 = tpu.vector_load %arg9[%get3A_409, %get3A_410, %get3A_411] {strides = array<i32>} : memref<3x4x2048xf32, #tpu.memory_space<vmem>>, vector<1x1x16xf32>,
          %get3A_413 = vector.shape_cast %get3A_412 : vector<1x1x16xf32> to vector<16xf32>
          %get3A_414 = arith.constant 1 : i32
          %get3A_415 = arith.constant 3 : i32
          %get3A_416 = arith.index_cast %get3A_414 : i32 to index
          %get3A_417 = arith.index_cast %get3A_415 : i32 to index
          %get3A_418 = arith.index_cast %mul3A_333 : i32 to index
          %get3A_419 = tpu.vector_load %arg9[%get3A_416, %get3A_417, %get3A_418] {strides = array<i32>} : memref<3x4x2048xf32, #tpu.memory_space<vmem>>, vector<1x1x16xf32>,
          %get3A_420 = vector.shape_cast %get3A_419 : vector<1x1x16xf32> to vector<16xf32>
          %add3A_421 = arith.addf %get3A_399, %get3A_406 : vector<16xf32>
          %add3A_422 = arith.addf %add3A_421, %get3A_413 : vector<16xf32>
          %add3A_423 = arith.addf %add3A_422, %get3A_420 : vector<16xf32>
          %mul3A_424 = arith.constant 2.500000e-01 : f32
          %mul3A_425 = vector.broadcast %mul3A_424 : f32 to vector<16xf32>
          %mul3A_426 = arith.mulf %add3A_423, %mul3A_425 : vector<16xf32>
          %swap3A_427 = arith.index_cast %mul3A_333 : i32 to index
          %swap3A_428 = tpu.vector_load %arg16[%swap3A_427] {strides = array<i32>} : memref<2048xf32, #tpu.memory_space<vmem>>, vector<16xf32>,
          %swap3A_429 = vector.shape_cast %swap3A_428 : vector<16xf32> to vector<16xf32>
          %swap3A_430 = vector.shape_cast %mul3A_426 : vector<16xf32> to vector<16xf32>
          tpu.vector_store %arg16[%swap3A_427], %swap3A_430 {strides = array<i32>} : memref<2048xf32, #tpu.memory_space<vmem>>, vector<16xf32>,
          %sub3A_431 = arith.subf %get3A_399, %mul3A_426 : vector<16xf32>
          %sub3A_432 = arith.subf %get3A_406, %mul3A_426 : vector<16xf32>
          %sub3A_433 = arith.subf %get3A_413, %mul3A_426 : vector<16xf32>
          %sub3A_434 = arith.subf %get3A_420, %mul3A_426 : vector<16xf32>
          %mul3A_435 = arith.mulf %sub3A_431, %sub3A_431 : vector<16xf32>
          %mul3A_436 = arith.mulf %sub3A_432, %sub3A_432 : vector<16xf32>
          %add3A_437 = arith.addf %mul3A_435, %mul3A_436 : vector<16xf32>
          %mul3A_438 = arith.mulf %sub3A_433, %sub3A_433 : vector<16xf32>
          %add3A_439 = arith.addf %add3A_437, %mul3A_438 : vector<16xf32>
          %mul3A_440 = arith.mulf %sub3A_434, %sub3A_434 : vector<16xf32>
          %add3A_441 = arith.addf %add3A_439, %mul3A_440 : vector<16xf32>
          %add3A_442 = arith.addf %add3A_383, %add3A_441 : vector<16xf32>
          %get3A_443 = arith.constant 1 : i32
          %get3A_444 = arith.index_cast %get3A_443 : i32 to index
          %get3A_445 = arith.index_cast %mul3A_333 : i32 to index
          %get3A_446 = tpu.vector_load %arg10[%get3A_444, %get3A_445] {strides = array<i32>} : memref<3x2048xf32, #tpu.memory_space<vmem>>, vector<1x16xf32>,
          %get3A_447 = vector.shape_cast %get3A_446 : vector<1x16xf32> to vector<16xf32>
          %sub3A_448 = arith.subf %mul3A_426, %get3A_447 : vector<16xf32>
          %abs3A_449 = math.absf %sub3A_448 : vector<16xf32>
          %add3A_450 = arith.addf %add3A_390, %abs3A_449 : vector<16xf32>
          %mul3A_451 = arith.mulf %sub3A_448, %sub3A_448 : vector<16xf32>
          %add3A_452 = arith.addf %add3A_392, %mul3A_451 : vector<16xf32>
          %get3A_453 = arith.constant 2 : i32
          %get3A_454 = arith.constant 0 : i32
          %get3A_455 = arith.index_cast %get3A_453 : i32 to index
          %get3A_456 = arith.index_cast %get3A_454 : i32 to index
          %get3A_457 = arith.index_cast %mul3A_333 : i32 to index
          %get3A_458 = tpu.vector_load %arg9[%get3A_455, %get3A_456, %get3A_457] {strides = array<i32>} : memref<3x4x2048xf32, #tpu.memory_space<vmem>>, vector<1x1x16xf32>,
          %get3A_459 = vector.shape_cast %get3A_458 : vector<1x1x16xf32> to vector<16xf32>
          %get3A_460 = arith.constant 2 : i32
          %get3A_461 = arith.constant 1 : i32
          %get3A_462 = arith.index_cast %get3A_460 : i32 to index
          %get3A_463 = arith.index_cast %get3A_461 : i32 to index
          %get3A_464 = arith.index_cast %mul3A_333 : i32 to index
          %get3A_465 = tpu.vector_load %arg9[%get3A_462, %get3A_463, %get3A_464] {strides = array<i32>} : memref<3x4x2048xf32, #tpu.memory_space<vmem>>, vector<1x1x16xf32>,
          %get3A_466 = vector.shape_cast %get3A_465 : vector<1x1x16xf32> to vector<16xf32>
          %get3A_467 = arith.constant 2 : i32
          %get3A_468 = arith.constant 2 : i32
          %get3A_469 = arith.index_cast %get3A_467 : i32 to index
          %get3A_470 = arith.index_cast %get3A_468 : i32 to index
          %get3A_471 = arith.index_cast %mul3A_333 : i32 to index
          %get3A_472 = tpu.vector_load %arg9[%get3A_469, %get3A_470, %get3A_471] {strides = array<i32>} : memref<3x4x2048xf32, #tpu.memory_space<vmem>>, vector<1x1x16xf32>,
          %get3A_473 = vector.shape_cast %get3A_472 : vector<1x1x16xf32> to vector<16xf32>
          %get3A_474 = arith.constant 2 : i32
          %get3A_475 = arith.constant 3 : i32
          %get3A_476 = arith.index_cast %get3A_474 : i32 to index
          %get3A_477 = arith.index_cast %get3A_475 : i32 to index
          %get3A_478 = arith.index_cast %mul3A_333 : i32 to index
          %get3A_479 = tpu.vector_load %arg9[%get3A_476, %get3A_477, %get3A_478] {strides = array<i32>} : memref<3x4x2048xf32, #tpu.memory_space<vmem>>, vector<1x1x16xf32>,
          %get3A_480 = vector.shape_cast %get3A_479 : vector<1x1x16xf32> to vector<16xf32>
          %add3A_481 = arith.addf %get3A_459, %get3A_466 : vector<16xf32>
          %add3A_482 = arith.addf %add3A_481, %get3A_473 : vector<16xf32>
          %add3A_483 = arith.addf %add3A_482, %get3A_480 : vector<16xf32>
          %mul3A_484 = arith.constant 2.500000e-01 : f32
          %mul3A_485 = vector.broadcast %mul3A_484 : f32 to vector<16xf32>
          %mul3A_486 = arith.mulf %add3A_483, %mul3A_485 : vector<16xf32>
          %swap3A_487 = arith.index_cast %mul3A_333 : i32 to index
          %swap3A_488 = tpu.vector_load %arg17[%swap3A_487] {strides = array<i32>} : memref<2048xf32, #tpu.memory_space<vmem>>, vector<16xf32>,
          %swap3A_489 = vector.shape_cast %swap3A_488 : vector<16xf32> to vector<16xf32>
          %swap3A_490 = vector.shape_cast %mul3A_486 : vector<16xf32> to vector<16xf32>
          tpu.vector_store %arg17[%swap3A_487], %swap3A_490 {strides = array<i32>} : memref<2048xf32, #tpu.memory_space<vmem>>, vector<16xf32>,
          %sub3A_491 = arith.subf %get3A_459, %mul3A_486 : vector<16xf32>
          %sub3A_492 = arith.subf %get3A_466, %mul3A_486 : vector<16xf32>
          %sub3A_493 = arith.subf %get3A_473, %mul3A_486 : vector<16xf32>
          %sub3A_494 = arith.subf %get3A_480, %mul3A_486 : vector<16xf32>
          %mul3A_495 = arith.mulf %sub3A_491, %sub3A_491 : vector<16xf32>
          %mul3A_496 = arith.mulf %sub3A_492, %sub3A_492 : vector<16xf32>
          %add3A_497 = arith.addf %mul3A_495, %mul3A_496 : vector<16xf32>
          %mul3A_498 = arith.mulf %sub3A_493, %sub3A_493 : vector<16xf32>
          %add3A_499 = arith.addf %add3A_497, %mul3A_498 : vector<16xf32>
          %mul3A_500 = arith.mulf %sub3A_494, %sub3A_494 : vector<16xf32>
          %add3A_501 = arith.addf %add3A_499, %mul3A_500 : vector<16xf32>
          %add3A_502 = arith.addf %add3A_442, %add3A_501 : vector<16xf32>
          %get3A_503 = arith.constant 2 : i32
          %get3A_504 = arith.index_cast %get3A_503 : i32 to index
          %get3A_505 = arith.index_cast %mul3A_333 : i32 to index
          %get3A_506 = tpu.vector_load %arg10[%get3A_504, %get3A_505] {strides = array<i32>} : memref<3x2048xf32, #tpu.memory_space<vmem>>, vector<1x16xf32>,
          %get3A_507 = vector.shape_cast %get3A_506 : vector<1x16xf32> to vector<16xf32>
          %sub3A_508 = arith.subf %mul3A_486, %get3A_507 : vector<16xf32>
          %abs3A_509 = math.absf %sub3A_508 : vector<16xf32>
          %add3A_510 = arith.addf %add3A_450, %abs3A_509 : vector<16xf32>
          %mul3A_511 = arith.mulf %sub3A_508, %sub3A_508 : vector<16xf32>
          %add3A_512 = arith.addf %add3A_452, %mul3A_511 : vector<16xf32>
          %get3A_513 = arith.index_cast %mul3A_333 : i32 to index
          %get3A_514 = tpu.vector_load %arg11[%get3A_513] {strides = array<i32>} : memref<2064xi32, #tpu.memory_space<vmem>>, vector<16xi32>,
          %get3A_515 = vector.shape_cast %get3A_514 : vector<16xi32> to vector<16xi32>
          %slice3A_516 = vector.extract_strided_slice %get3A_515 {offsets = [0], sizes = [1], strides = [1]} : vector<16xi32> to vector<1xi32>
          %squeeze3A_517 = vector.extract %slice3A_516[0] : i32 from vector<1xi32>
          %add3A_518 = arith.constant 16 : i32
          %add3A_519 = arith.addi %mul3A_333, %add3A_518 : i32
          %sub3A_520 = arith.constant 1 : i32
          %sub3A_521 = arith.subi %add3A_519, %sub3A_520 : i32
          %get3A_522 = arith.index_cast %sub3A_521 : i32 to index
          %get3A_523 = tpu.vector_load %arg11[%get3A_522] {strides = array<i32>} : memref<2064xi32, #tpu.memory_space<vmem>>, vector<16xi32>,
          %get3A_524 = vector.shape_cast %get3A_523 : vector<16xi32> to vector<16xi32>
          %slice3A_525 = vector.extract_strided_slice %get3A_524 {offsets = [0], sizes = [1], strides = [1]} : vector<16xi32> to vector<1xi32>
          %squeeze3A_526 = vector.extract %slice3A_525[0] : i32 from vector<1xi32>
          %eq3A_527 = arith.cmpi eq, %squeeze3A_517, %scan3A_327 : i32
          %eq3A_528 = arith.cmpi eq, %squeeze3A_526, %scan3A_327 : i32
          %and3A_529 = arith.andi %eq3A_527, %eq3A_528 : i1
          %not3A_530 = arith.constant true
          %not3A_531 = arith.xori %and3A_529, %not3A_530 : i1
          %convert_element_type3A_532 = arith.extui %not3A_531 : i1 to i32
          %cond3A_533 = arith.constant 0 : i32
          %cond3A_534 = arith.cmpi ne, %convert_element_type3A_532, %cond3A_533 : i32
          scf.if %cond3A_534 {
            %xor3A_544 = arith.constant 8 : i32
            %xor3A_545 = vector.broadcast %xor3A_544 : i32 to vector<16xi32>
            %xor3A_546 = arith.xori %iota3A, %xor3A_545 : vector<16xi32>
            %broadcast_in_dim3A_547 = vector.shape_cast %xor3A_546 : vector<16xi32> to vector<16x1xi32>
            %gather3A_548 = vector.shape_cast %broadcast_in_dim3A_547 : vector<16x1xi32> to vector<16xi32>
            %gather3A_549 = tpu.dynamic_gather %scan3A_329[%gather3A_548] in [0] : vector<16xf32>, vector<16xi32> -> vector<16xf32>
            %add3A_550 = arith.addf %scan3A_329, %gather3A_549 : vector<16xf32>
            %xor3A_551 = arith.constant 4 : i32
            %xor3A_552 = vector.broadcast %xor3A_551 : i32 to vector<16xi32>
            %xor3A_553 = arith.xori %iota3A, %xor3A_552 : vector<16xi32>
            %broadcast_in_dim3A_554 = vector.shape_cast %xor3A_553 : vector<16xi32> to vector<16x1xi32>
            %gather3A_555 = vector.shape_cast %broadcast_in_dim3A_554 : vector<16x1xi32> to vector<16xi32>
            %gather3A_556 = tpu.dynamic_gather %add3A_550[%gather3A_555] in [0] : vector<16xf32>, vector<16xi32> -> vector<16xf32>
            %add3A_557 = arith.addf %add3A_550, %gather3A_556 : vector<16xf32>
            %xor3A_558 = arith.constant 2 : i32
            %xor3A_559 = vector.broadcast %xor3A_558 : i32 to vector<16xi32>
            %xor3A_560 = arith.xori %iota3A, %xor3A_559 : vector<16xi32>
            %broadcast_in_dim3A_561 = vector.shape_cast %xor3A_560 : vector<16xi32> to vector<16x1xi32>
            %gather3A_562 = vector.shape_cast %broadcast_in_dim3A_561 : vector<16x1xi32> to vector<16xi32>
            %gather3A_563 = tpu.dynamic_gather %add3A_557[%gather3A_562] in [0] : vector<16xf32>, vector<16xi32> -> vector<16xf32>
            %add3A_564 = arith.addf %add3A_557, %gather3A_563 : vector<16xf32>
            %xor3A_565 = arith.constant 1 : i32
            %xor3A_566 = vector.broadcast %xor3A_565 : i32 to vector<16xi32>
            %xor3A_567 = arith.xori %iota3A, %xor3A_566 : vector<16xi32>
            %broadcast_in_dim3A_568 = vector.shape_cast %xor3A_567 : vector<16xi32> to vector<16x1xi32>
            %gather3A_569 = vector.shape_cast %broadcast_in_dim3A_568 : vector<16x1xi32> to vector<16xi32>
            %gather3A_570 = tpu.dynamic_gather %add3A_564[%gather3A_569] in [0] : vector<16xf32>, vector<16xi32> -> vector<16xf32>
            %add3A_571 = arith.addf %add3A_564, %gather3A_570 : vector<16xf32>
            %mul3A_572 = arith.mulf %add3A_571, %select_n3A : vector<16xf32>
            %get3A_573 = arith.index_cast %scan3A_327 : i32 to index
            %get3A_574 = tpu.vector_load %arg18[%get3A_573] {strides = array<i32>} : memref<1040xf32, #tpu.memory_space<vmem>>, vector<16xf32>,
            %get3A_575 = vector.shape_cast %get3A_574 : vector<16xf32> to vector<16xf32>
            %add3A_576 = arith.addf %get3A_575, %mul3A_572 : vector<16xf32>
            %swap3A_577 = arith.index_cast %scan3A_327 : i32 to index
            %swap3A_578 = tpu.vector_load %arg18[%swap3A_577] {strides = array<i32>} : memref<1040xf32, #tpu.memory_space<vmem>>, vector<16xf32>,
            %swap3A_579 = vector.shape_cast %swap3A_578 : vector<16xf32> to vector<16xf32>
            %swap3A_580 = vector.shape_cast %add3A_576 : vector<16xf32> to vector<16xf32>
            tpu.vector_store %arg18[%swap3A_577], %swap3A_580 {strides = array<i32>} : memref<1040xf32, #tpu.memory_space<vmem>>, vector<16xf32>,
            %xor3A_581 = arith.constant 8 : i32
            %xor3A_582 = vector.broadcast %xor3A_581 : i32 to vector<16xi32>
            %xor3A_583 = arith.xori %iota3A, %xor3A_582 : vector<16xi32>
            %broadcast_in_dim3A_584 = vector.shape_cast %xor3A_583 : vector<16xi32> to vector<16x1xi32>
            %gather3A_585 = vector.shape_cast %broadcast_in_dim3A_584 : vector<16x1xi32> to vector<16xi32>
            %gather3A_586 = tpu.dynamic_gather %scan3A_330[%gather3A_585] in [0] : vector<16xf32>, vector<16xi32> -> vector<16xf32>
            %add3A_587 = arith.addf %scan3A_330, %gather3A_586 : vector<16xf32>
            %xor3A_588 = arith.constant 4 : i32
            %xor3A_589 = vector.broadcast %xor3A_588 : i32 to vector<16xi32>
            %xor3A_590 = arith.xori %iota3A, %xor3A_589 : vector<16xi32>
            %broadcast_in_dim3A_591 = vector.shape_cast %xor3A_590 : vector<16xi32> to vector<16x1xi32>
            %gather3A_592 = vector.shape_cast %broadcast_in_dim3A_591 : vector<16x1xi32> to vector<16xi32>
            %gather3A_593 = tpu.dynamic_gather %add3A_587[%gather3A_592] in [0] : vector<16xf32>, vector<16xi32> -> vector<16xf32>
            %add3A_594 = arith.addf %add3A_587, %gather3A_593 : vector<16xf32>
            %xor3A_595 = arith.constant 2 : i32
            %xor3A_596 = vector.broadcast %xor3A_595 : i32 to vector<16xi32>
            %xor3A_597 = arith.xori %iota3A, %xor3A_596 : vector<16xi32>
            %broadcast_in_dim3A_598 = vector.shape_cast %xor3A_597 : vector<16xi32> to vector<16x1xi32>
            %gather3A_599 = vector.shape_cast %broadcast_in_dim3A_598 : vector<16x1xi32> to vector<16xi32>
            %gather3A_600 = tpu.dynamic_gather %add3A_594[%gather3A_599] in [0] : vector<16xf32>, vector<16xi32> -> vector<16xf32>
            %add3A_601 = arith.addf %add3A_594, %gather3A_600 : vector<16xf32>
            %xor3A_602 = arith.constant 1 : i32
            %xor3A_603 = vector.broadcast %xor3A_602 : i32 to vector<16xi32>
            %xor3A_604 = arith.xori %iota3A, %xor3A_603 : vector<16xi32>
            %broadcast_in_dim3A_605 = vector.shape_cast %xor3A_604 : vector<16xi32> to vector<16x1xi32>
            %gather3A_606 = vector.shape_cast %broadcast_in_dim3A_605 : vector<16x1xi32> to vector<16xi32>
            %gather3A_607 = tpu.dynamic_gather %add3A_601[%gather3A_606] in [0] : vector<16xf32>, vector<16xi32> -> vector<16xf32>
            %add3A_608 = arith.addf %add3A_601, %gather3A_607 : vector<16xf32>
            %mul3A_609 = arith.mulf %add3A_608, %select_n3A : vector<16xf32>
            %get3A_610 = arith.index_cast %scan3A_327 : i32 to index
            %get3A_611 = tpu.vector_load %arg19[%get3A_610] {strides = array<i32>} : memref<1040xf32, #tpu.memory_space<vmem>>, vector<16xf32>,
            %get3A_612 = vector.shape_cast %get3A_611 : vector<16xf32> to vector<16xf32>
            %add3A_613 = arith.addf %get3A_612, %mul3A_609 : vector<16xf32>
            %swap3A_614 = arith.index_cast %scan3A_327 : i32 to index
            %swap3A_615 = tpu.vector_load %arg19[%swap3A_614] {strides = array<i32>} : memref<1040xf32, #tpu.memory_space<vmem>>, vector<16xf32>,
            %swap3A_616 = vector.shape_cast %swap3A_615 : vector<16xf32> to vector<16xf32>
            %swap3A_617 = vector.shape_cast %add3A_613 : vector<16xf32> to vector<16xf32>
            tpu.vector_store %arg19[%swap3A_614], %swap3A_617 {strides = array<i32>} : memref<1040xf32, #tpu.memory_space<vmem>>, vector<16xf32>,
            %xor3A_618 = arith.constant 8 : i32
            %xor3A_619 = vector.broadcast %xor3A_618 : i32 to vector<16xi32>
            %xor3A_620 = arith.xori %iota3A, %xor3A_619 : vector<16xi32>
            %broadcast_in_dim3A_621 = vector.shape_cast %xor3A_620 : vector<16xi32> to vector<16x1xi32>
            %gather3A_622 = vector.shape_cast %broadcast_in_dim3A_621 : vector<16x1xi32> to vector<16xi32>
            %gather3A_623 = tpu.dynamic_gather %scan3A_331[%gather3A_622] in [0] : vector<16xf32>, vector<16xi32> -> vector<16xf32>
            %add3A_624 = arith.addf %scan3A_331, %gather3A_623 : vector<16xf32>
            %xor3A_625 = arith.constant 4 : i32
            %xor3A_626 = vector.broadcast %xor3A_625 : i32 to vector<16xi32>
            %xor3A_627 = arith.xori %iota3A, %xor3A_626 : vector<16xi32>
            %broadcast_in_dim3A_628 = vector.shape_cast %xor3A_627 : vector<16xi32> to vector<16x1xi32>
            %gather3A_629 = vector.shape_cast %broadcast_in_dim3A_628 : vector<16x1xi32> to vector<16xi32>
            %gather3A_630 = tpu.dynamic_gather %add3A_624[%gather3A_629] in [0] : vector<16xf32>, vector<16xi32> -> vector<16xf32>
            %add3A_631 = arith.addf %add3A_624, %gather3A_630 : vector<16xf32>
            %xor3A_632 = arith.constant 2 : i32
            %xor3A_633 = vector.broadcast %xor3A_632 : i32 to vector<16xi32>
            %xor3A_634 = arith.xori %iota3A, %xor3A_633 : vector<16xi32>
            %broadcast_in_dim3A_635 = vector.shape_cast %xor3A_634 : vector<16xi32> to vector<16x1xi32>
            %gather3A_636 = vector.shape_cast %broadcast_in_dim3A_635 : vector<16x1xi32> to vector<16xi32>
            %gather3A_637 = tpu.dynamic_gather %add3A_631[%gather3A_636] in [0] : vector<16xf32>, vector<16xi32> -> vector<16xf32>
            %add3A_638 = arith.addf %add3A_631, %gather3A_637 : vector<16xf32>
            %xor3A_639 = arith.constant 1 : i32
            %xor3A_640 = vector.broadcast %xor3A_639 : i32 to vector<16xi32>
            %xor3A_641 = arith.xori %iota3A, %xor3A_640 : vector<16xi32>
            %broadcast_in_dim3A_642 = vector.shape_cast %xor3A_641 : vector<16xi32> to vector<16x1xi32>
            %gather3A_643 = vector.shape_cast %broadcast_in_dim3A_642 : vector<16x1xi32> to vector<16xi32>
            %gather3A_644 = tpu.dynamic_gather %add3A_638[%gather3A_643] in [0] : vector<16xf32>, vector<16xi32> -> vector<16xf32>
            %add3A_645 = arith.addf %add3A_638, %gather3A_644 : vector<16xf32>
            %mul3A_646 = arith.mulf %add3A_645, %select_n3A : vector<16xf32>
            %get3A_647 = arith.index_cast %scan3A_327 : i32 to index
            %get3A_648 = tpu.vector_load %arg20[%get3A_647] {strides = array<i32>} : memref<1040xf32, #tpu.memory_space<vmem>>, vector<16xf32>,
            %get3A_649 = vector.shape_cast %get3A_648 : vector<16xf32> to vector<16xf32>
            %add3A_650 = arith.addf %get3A_649, %mul3A_646 : vector<16xf32>
            %swap3A_651 = arith.index_cast %scan3A_327 : i32 to index
            %swap3A_652 = tpu.vector_load %arg20[%swap3A_651] {strides = array<i32>} : memref<1040xf32, #tpu.memory_space<vmem>>, vector<16xf32>,
            %swap3A_653 = vector.shape_cast %swap3A_652 : vector<16xf32> to vector<16xf32>
            %swap3A_654 = vector.shape_cast %add3A_650 : vector<16xf32> to vector<16xf32>
            tpu.vector_store %arg20[%swap3A_651], %swap3A_654 {strides = array<i32>} : memref<1040xf32, #tpu.memory_space<vmem>>, vector<16xf32>,
            %xor3A_655 = arith.constant 8 : i32
            %xor3A_656 = vector.broadcast %xor3A_655 : i32 to vector<16xi32>
            %xor3A_657 = arith.xori %iota3A, %xor3A_656 : vector<16xi32>
            %broadcast_in_dim3A_658 = vector.shape_cast %xor3A_657 : vector<16xi32> to vector<16x1xi32>
            %gather3A_659 = vector.shape_cast %broadcast_in_dim3A_658 : vector<16x1xi32> to vector<16xi32>
            %gather3A_660 = tpu.dynamic_gather %scan3A_328[%gather3A_659] in [0] : vector<16xf32>, vector<16xi32> -> vector<16xf32>
            %add3A_661 = arith.addf %scan3A_328, %gather3A_660 : vector<16xf32>
            %xor3A_662 = arith.constant 4 : i32
            %xor3A_663 = vector.broadcast %xor3A_662 : i32 to vector<16xi32>
            %xor3A_664 = arith.xori %iota3A, %xor3A_663 : vector<16xi32>
            %broadcast_in_dim3A_665 = vector.shape_cast %xor3A_664 : vector<16xi32> to vector<16x1xi32>
            %gather3A_666 = vector.shape_cast %broadcast_in_dim3A_665 : vector<16x1xi32> to vector<16xi32>
            %gather3A_667 = tpu.dynamic_gather %add3A_661[%gather3A_666] in [0] : vector<16xf32>, vector<16xi32> -> vector<16xf32>
            %add3A_668 = arith.addf %add3A_661, %gather3A_667 : vector<16xf32>
            %xor3A_669 = arith.constant 2 : i32
            %xor3A_670 = vector.broadcast %xor3A_669 : i32 to vector<16xi32>
            %xor3A_671 = arith.xori %iota3A, %xor3A_670 : vector<16xi32>
            %broadcast_in_dim3A_672 = vector.shape_cast %xor3A_671 : vector<16xi32> to vector<16x1xi32>
            %gather3A_673 = vector.shape_cast %broadcast_in_dim3A_672 : vector<16x1xi32> to vector<16xi32>
            %gather3A_674 = tpu.dynamic_gather %add3A_668[%gather3A_673] in [0] : vector<16xf32>, vector<16xi32> -> vector<16xf32>
            %add3A_675 = arith.addf %add3A_668, %gather3A_674 : vector<16xf32>
            %xor3A_676 = arith.constant 1 : i32
            %xor3A_677 = vector.broadcast %xor3A_676 : i32 to vector<16xi32>
            %xor3A_678 = arith.xori %iota3A, %xor3A_677 : vector<16xi32>
            %broadcast_in_dim3A_679 = vector.shape_cast %xor3A_678 : vector<16xi32> to vector<16x1xi32>
            %gather3A_680 = vector.shape_cast %broadcast_in_dim3A_679 : vector<16x1xi32> to vector<16xi32>
            %gather3A_681 = tpu.dynamic_gather %add3A_675[%gather3A_680] in [0] : vector<16xf32>, vector<16xi32> -> vector<16xf32>
            %add3A_682 = arith.addf %add3A_675, %gather3A_681 : vector<16xf32>
            %mul3A_683 = arith.mulf %add3A_682, %select_n3A : vector<16xf32>
            %get3A_684 = arith.index_cast %scan3A_327 : i32 to index
            %get3A_685 = tpu.vector_load %arg21[%get3A_684] {strides = array<i32>} : memref<1040xf32, #tpu.memory_space<vmem>>, vector<16xf32>,
            %get3A_686 = vector.shape_cast %get3A_685 : vector<16xf32> to vector<16xf32>
            %add3A_687 = arith.addf %get3A_686, %mul3A_683 : vector<16xf32>
            %swap3A_688 = arith.index_cast %scan3A_327 : i32 to index
            %swap3A_689 = tpu.vector_load %arg21[%swap3A_688] {strides = array<i32>} : memref<1040xf32, #tpu.memory_space<vmem>>, vector<16xf32>,
            %swap3A_690 = vector.shape_cast %swap3A_689 : vector<16xf32> to vector<16xf32>
            %swap3A_691 = vector.shape_cast %add3A_687 : vector<16xf32> to vector<16xf32>
            tpu.vector_store %arg21[%swap3A_688], %swap3A_691 {strides = array<i32>} : memref<1040xf32, #tpu.memory_space<vmem>>, vector<16xf32>,
            %swap3A_692 = arith.constant 0 : index
            %swap3A_693 = tpu.vector_load %arg22[%swap3A_692] {strides = array<i32>} : memref<32xf32, #tpu.memory_space<vmem>>, vector<16xf32>,
            %swap3A_694 = vector.shape_cast %swap3A_693 : vector<16xf32> to vector<16xf32>
            %swap3A_695 = vector.shape_cast %add3A_502 : vector<16xf32> to vector<16xf32>
            tpu.vector_store %arg22[%swap3A_692], %swap3A_695 {strides = array<i32>} : memref<32xf32, #tpu.memory_space<vmem>>, vector<16xf32>,
            %swap3A_696 = arith.constant 0 : index
            %swap3A_697 = tpu.vector_load %arg23[%swap3A_696] {strides = array<i32>} : memref<32xf32, #tpu.memory_space<vmem>>, vector<16xf32>,
            %swap3A_698 = vector.shape_cast %swap3A_697 : vector<16xf32> to vector<16xf32>
            %swap3A_699 = vector.shape_cast %add3A_510 : vector<16xf32> to vector<16xf32>
            tpu.vector_store %arg23[%swap3A_696], %swap3A_699 {strides = array<i32>} : memref<32xf32, #tpu.memory_space<vmem>>, vector<16xf32>,
            %swap3A_700 = arith.constant 0 : index
            %swap3A_701 = tpu.vector_load %arg24[%swap3A_700] {strides = array<i32>} : memref<32xf32, #tpu.memory_space<vmem>>, vector<16xf32>,
            %swap3A_702 = vector.shape_cast %swap3A_701 : vector<16xf32> to vector<16xf32>
            %swap3A_703 = vector.shape_cast %add3A_512 : vector<16xf32> to vector<16xf32>
            tpu.vector_store %arg24[%swap3A_700], %swap3A_703 {strides = array<i32>} : memref<32xf32, #tpu.memory_space<vmem>>, vector<16xf32>,
            %scan3A_704 = arith.constant 0 : i32
            %scan3A_705 = arith.constant 0 : i32
            %scan3A_706 = arith.constant 16 : i32
            %scan3A_707 = arith.addi %scan3A_705, %scan3A_706 : i32
            %scan3A_708 = arith.constant 1 : i32
            %scan3A_709 = scf.for %scan3A_711 = %scan3A_705 to %scan3A_707 step %scan3A_708 iter_args(%scan3A_712 = %scan3A_704) -> (i32)  : i32 {
              %add3A_713 = arith.addi %mul3A_333, %scan3A_711 : i32
              %get3A_714 = arith.index_cast %add3A_713 : i32 to index
              %get3A_715 = tpu.vector_load %arg11[%get3A_714] {strides = array<i32>} : memref<2064xi32, #tpu.memory_space<vmem>>, vector<16xi32>,
              %get3A_716 = vector.shape_cast %get3A_715 : vector<16xi32> to vector<16xi32>
              %slice3A_717 = vector.extract_strided_slice %get3A_716 {offsets = [0], sizes = [1], strides = [1]} : vector<16xi32> to vector<1xi32>
              %squeeze3A_718 = vector.extract %slice3A_717[0] : i32 from vector<1xi32>
              %get3A_719 = arith.index_cast %scan3A_711 : i32 to index
              %get3A_720 = tpu.vector_load %arg22[%get3A_719] {strides = array<i32>} : memref<32xf32, #tpu.memory_space<vmem>>, vector<16xf32>,
              %get3A_721 = vector.shape_cast %get3A_720 : vector<16xf32> to vector<16xf32>
              %mul3A_722 = arith.mulf %get3A_721, %select_n3A : vector<16xf32>
              %get3A_723 = arith.index_cast %squeeze3A_718 : i32 to index
              %get3A_724 = tpu.vector_load %arg18[%get3A_723] {strides = array<i32>} : memref<1040xf32, #tpu.memory_space<vmem>>, vector<16xf32>,
              %get3A_725 = vector.shape_cast %get3A_724 : vector<16xf32> to vector<16xf32>
              %add3A_726 = arith.addf %get3A_725, %mul3A_722 : vector<16xf32>
              %swap3A_727 = arith.index_cast %squeeze3A_718 : i32 to index
              %swap3A_728 = tpu.vector_load %arg18[%swap3A_727] {strides = array<i32>} : memref<1040xf32, #tpu.memory_space<vmem>>, vector<16xf32>,
              %swap3A_729 = vector.shape_cast %swap3A_728 : vector<16xf32> to vector<16xf32>
              %swap3A_730 = vector.shape_cast %add3A_726 : vector<16xf32> to vector<16xf32>
              tpu.vector_store %arg18[%swap3A_727], %swap3A_730 {strides = array<i32>} : memref<1040xf32, #tpu.memory_space<vmem>>, vector<16xf32>,
              %get3A_731 = arith.index_cast %scan3A_711 : i32 to index
              %get3A_732 = tpu.vector_load %arg23[%get3A_731] {strides = array<i32>} : memref<32xf32, #tpu.memory_space<vmem>>, vector<16xf32>,
              %get3A_733 = vector.shape_cast %get3A_732 : vector<16xf32> to vector<16xf32>
              %mul3A_734 = arith.mulf %get3A_733, %select_n3A : vector<16xf32>
              %get3A_735 = arith.index_cast %squeeze3A_718 : i32 to index
              %get3A_736 = tpu.vector_load %arg19[%get3A_735] {strides = array<i32>} : memref<1040xf32, #tpu.memory_space<vmem>>, vector<16xf32>,
              %get3A_737 = vector.shape_cast %get3A_736 : vector<16xf32> to vector<16xf32>
              %add3A_738 = arith.addf %get3A_737, %mul3A_734 : vector<16xf32>
              %swap3A_739 = arith.index_cast %squeeze3A_718 : i32 to index
              %swap3A_740 = tpu.vector_load %arg19[%swap3A_739] {strides = array<i32>} : memref<1040xf32, #tpu.memory_space<vmem>>, vector<16xf32>,
              %swap3A_741 = vector.shape_cast %swap3A_740 : vector<16xf32> to vector<16xf32>
              %swap3A_742 = vector.shape_cast %add3A_738 : vector<16xf32> to vector<16xf32>
              tpu.vector_store %arg19[%swap3A_739], %swap3A_742 {strides = array<i32>} : memref<1040xf32, #tpu.memory_space<vmem>>, vector<16xf32>,
              %get3A_743 = arith.index_cast %scan3A_711 : i32 to index
              %get3A_744 = tpu.vector_load %arg24[%get3A_743] {strides = array<i32>} : memref<32xf32, #tpu.memory_space<vmem>>, vector<16xf32>,
              %get3A_745 = vector.shape_cast %get3A_744 : vector<16xf32> to vector<16xf32>
              %mul3A_746 = arith.mulf %get3A_745, %select_n3A : vector<16xf32>
              %get3A_747 = arith.index_cast %squeeze3A_718 : i32 to index
              %get3A_748 = tpu.vector_load %arg20[%get3A_747] {strides = array<i32>} : memref<1040xf32, #tpu.memory_space<vmem>>, vector<16xf32>,
              %get3A_749 = vector.shape_cast %get3A_748 : vector<16xf32> to vector<16xf32>
              %add3A_750 = arith.addf %get3A_749, %mul3A_746 : vector<16xf32>
              %swap3A_751 = arith.index_cast %squeeze3A_718 : i32 to index
              %swap3A_752 = tpu.vector_load %arg20[%swap3A_751] {strides = array<i32>} : memref<1040xf32, #tpu.memory_space<vmem>>, vector<16xf32>,
              %swap3A_753 = vector.shape_cast %swap3A_752 : vector<16xf32> to vector<16xf32>
              %swap3A_754 = vector.shape_cast %add3A_750 : vector<16xf32> to vector<16xf32>
              tpu.vector_store %arg20[%swap3A_751], %swap3A_754 {strides = array<i32>} : memref<1040xf32, #tpu.memory_space<vmem>>, vector<16xf32>,
              %get3A_755 = arith.index_cast %squeeze3A_718 : i32 to index
              %get3A_756 = tpu.vector_load %arg21[%get3A_755] {strides = array<i32>} : memref<1040xf32, #tpu.memory_space<vmem>>, vector<16xf32>,
              %get3A_757 = vector.shape_cast %get3A_756 : vector<16xf32> to vector<16xf32>
              %add3A_758 = arith.addf %get3A_757, %select_n3A : vector<16xf32>
              %swap3A_759 = arith.index_cast %squeeze3A_718 : i32 to index
              %swap3A_760 = tpu.vector_load %arg21[%swap3A_759] {strides = array<i32>} : memref<1040xf32, #tpu.memory_space<vmem>>, vector<16xf32>,
              %swap3A_761 = vector.shape_cast %swap3A_760 : vector<16xf32> to vector<16xf32>
              %swap3A_762 = vector.shape_cast %add3A_758 : vector<16xf32> to vector<16xf32>
              tpu.vector_store %arg21[%swap3A_759], %swap3A_762 {strides = array<i32>} : memref<1040xf32, #tpu.memory_space<vmem>>, vector<16xf32>,
              %scan3A_763 = arith.constant 0 : i32
              scf.yield %scan3A_763 : i32
            }
            %scan3A_710 = arith.constant 16 : i32
          } else {
          }
          %select_n3A_535 = arith.select %and3A_529, %scan3A_327, %squeeze3A_526 : i32
          %add3A_536 = arith.addf %scan3A_328, %broadcast_in_dim3A_6 : vector<16xf32>
          %select_n3A_537 = arith.select %and3A_529, %add3A_536, %broadcast_in_dim3A_8 : vector<16xf32>
          %add3A_538 = arith.addf %scan3A_329, %add3A_502 : vector<16xf32>
          %select_n3A_539 = arith.select %and3A_529, %add3A_538, %broadcast_in_dim3A_8 : vector<16xf32>
          %add3A_540 = arith.addf %scan3A_330, %add3A_510 : vector<16xf32>
          %select_n3A_541 = arith.select %and3A_529, %add3A_540, %broadcast_in_dim3A_8 : vector<16xf32>
          %add3A_542 = arith.addf %scan3A_331, %add3A_512 : vector<16xf32>
          %select_n3A_543 = arith.select %and3A_529, %add3A_542, %broadcast_in_dim3A_8 : vector<16xf32>
          scf.yield %select_n3A_535, %select_n3A_537, %select_n3A_539, %select_n3A_541, %select_n3A_543 : i32, vector<16xf32>, vector<16xf32>, vector<16xf32>, vector<16xf32>
        }
        %scan3A_179 = arith.constant 128 : i32
        %xor3A = arith.constant 8 : i32
        %xor3A_180 = vector.broadcast %xor3A : i32 to vector<16xi32>
        %xor3A_181 = arith.xori %iota3A, %xor3A_180 : vector<16xi32>
        %broadcast_in_dim3A_182 = vector.shape_cast %xor3A_181 : vector<16xi32> to vector<16x1xi32>
        %gather3A = vector.shape_cast %broadcast_in_dim3A_182 : vector<16x1xi32> to vector<16xi32>
        %gather3A_183 = tpu.dynamic_gather %scan3A_178#2[%gather3A] in [0] : vector<16xf32>, vector<16xi32> -> vector<16xf32>
        %add3A_184 = arith.addf %scan3A_178#2, %gather3A_183 : vector<16xf32>
        %xor3A_185 = arith.constant 4 : i32
        %xor3A_186 = vector.broadcast %xor3A_185 : i32 to vector<16xi32>
        %xor3A_187 = arith.xori %iota3A, %xor3A_186 : vector<16xi32>
        %broadcast_in_dim3A_188 = vector.shape_cast %xor3A_187 : vector<16xi32> to vector<16x1xi32>
        %gather3A_189 = vector.shape_cast %broadcast_in_dim3A_188 : vector<16x1xi32> to vector<16xi32>
        %gather3A_190 = tpu.dynamic_gather %add3A_184[%gather3A_189] in [0] : vector<16xf32>, vector<16xi32> -> vector<16xf32>
        %add3A_191 = arith.addf %add3A_184, %gather3A_190 : vector<16xf32>
        %xor3A_192 = arith.constant 2 : i32
        %xor3A_193 = vector.broadcast %xor3A_192 : i32 to vector<16xi32>
        %xor3A_194 = arith.xori %iota3A, %xor3A_193 : vector<16xi32>
        %broadcast_in_dim3A_195 = vector.shape_cast %xor3A_194 : vector<16xi32> to vector<16x1xi32>
        %gather3A_196 = vector.shape_cast %broadcast_in_dim3A_195 : vector<16x1xi32> to vector<16xi32>
        %gather3A_197 = tpu.dynamic_gather %add3A_191[%gather3A_196] in [0] : vector<16xf32>, vector<16xi32> -> vector<16xf32>
        %add3A_198 = arith.addf %add3A_191, %gather3A_197 : vector<16xf32>
        %xor3A_199 = arith.constant 1 : i32
        %xor3A_200 = vector.broadcast %xor3A_199 : i32 to vector<16xi32>
        %xor3A_201 = arith.xori %iota3A, %xor3A_200 : vector<16xi32>
        %broadcast_in_dim3A_202 = vector.shape_cast %xor3A_201 : vector<16xi32> to vector<16x1xi32>
        %gather3A_203 = vector.shape_cast %broadcast_in_dim3A_202 : vector<16x1xi32> to vector<16xi32>
        %gather3A_204 = tpu.dynamic_gather %add3A_198[%gather3A_203] in [0] : vector<16xf32>, vector<16xi32> -> vector<16xf32>
        %add3A_205 = arith.addf %add3A_198, %gather3A_204 : vector<16xf32>
        %mul3A_206 = arith.mulf %add3A_205, %select_n3A : vector<16xf32>
        %get3A_207 = arith.index_cast %scan3A_178#0 : i32 to index
        %get3A_208 = tpu.vector_load %arg18[%get3A_207] {strides = array<i32>} : memref<1040xf32, #tpu.memory_space<vmem>>, vector<16xf32>,
        %get3A_209 = vector.shape_cast %get3A_208 : vector<16xf32> to vector<16xf32>
        %add3A_210 = arith.addf %get3A_209, %mul3A_206 : vector<16xf32>
        %swap3A_211 = arith.index_cast %scan3A_178#0 : i32 to index
        %swap3A_212 = tpu.vector_load %arg18[%swap3A_211] {strides = array<i32>} : memref<1040xf32, #tpu.memory_space<vmem>>, vector<16xf32>,
        %swap3A_213 = vector.shape_cast %swap3A_212 : vector<16xf32> to vector<16xf32>
        %swap3A_214 = vector.shape_cast %add3A_210 : vector<16xf32> to vector<16xf32>
        tpu.vector_store %arg18[%swap3A_211], %swap3A_214 {strides = array<i32>} : memref<1040xf32, #tpu.memory_space<vmem>>, vector<16xf32>,
        %xor3A_215 = arith.constant 8 : i32
        %xor3A_216 = vector.broadcast %xor3A_215 : i32 to vector<16xi32>
        %xor3A_217 = arith.xori %iota3A, %xor3A_216 : vector<16xi32>
        %broadcast_in_dim3A_218 = vector.shape_cast %xor3A_217 : vector<16xi32> to vector<16x1xi32>
        %gather3A_219 = vector.shape_cast %broadcast_in_dim3A_218 : vector<16x1xi32> to vector<16xi32>
        %gather3A_220 = tpu.dynamic_gather %scan3A_178#3[%gather3A_219] in [0] : vector<16xf32>, vector<16xi32> -> vector<16xf32>
        %add3A_221 = arith.addf %scan3A_178#3, %gather3A_220 : vector<16xf32>
        %xor3A_222 = arith.constant 4 : i32
        %xor3A_223 = vector.broadcast %xor3A_222 : i32 to vector<16xi32>
        %xor3A_224 = arith.xori %iota3A, %xor3A_223 : vector<16xi32>
        %broadcast_in_dim3A_225 = vector.shape_cast %xor3A_224 : vector<16xi32> to vector<16x1xi32>
        %gather3A_226 = vector.shape_cast %broadcast_in_dim3A_225 : vector<16x1xi32> to vector<16xi32>
        %gather3A_227 = tpu.dynamic_gather %add3A_221[%gather3A_226] in [0] : vector<16xf32>, vector<16xi32> -> vector<16xf32>
        %add3A_228 = arith.addf %add3A_221, %gather3A_227 : vector<16xf32>
        %xor3A_229 = arith.constant 2 : i32
        %xor3A_230 = vector.broadcast %xor3A_229 : i32 to vector<16xi32>
        %xor3A_231 = arith.xori %iota3A, %xor3A_230 : vector<16xi32>
        %broadcast_in_dim3A_232 = vector.shape_cast %xor3A_231 : vector<16xi32> to vector<16x1xi32>
        %gather3A_233 = vector.shape_cast %broadcast_in_dim3A_232 : vector<16x1xi32> to vector<16xi32>
        %gather3A_234 = tpu.dynamic_gather %add3A_228[%gather3A_233] in [0] : vector<16xf32>, vector<16xi32> -> vector<16xf32>
        %add3A_235 = arith.addf %add3A_228, %gather3A_234 : vector<16xf32>
        %xor3A_236 = arith.constant 1 : i32
        %xor3A_237 = vector.broadcast %xor3A_236 : i32 to vector<16xi32>
        %xor3A_238 = arith.xori %iota3A, %xor3A_237 : vector<16xi32>
        %broadcast_in_dim3A_239 = vector.shape_cast %xor3A_238 : vector<16xi32> to vector<16x1xi32>
        %gather3A_240 = vector.shape_cast %broadcast_in_dim3A_239 : vector<16x1xi32> to vector<16xi32>
        %gather3A_241 = tpu.dynamic_gather %add3A_235[%gather3A_240] in [0] : vector<16xf32>, vector<16xi32> -> vector<16xf32>
        %add3A_242 = arith.addf %add3A_235, %gather3A_241 : vector<16xf32>
        %mul3A_243 = arith.mulf %add3A_242, %select_n3A : vector<16xf32>
        %get3A_244 = arith.index_cast %scan3A_178#0 : i32 to index
        %get3A_245 = tpu.vector_load %arg19[%get3A_244] {strides = array<i32>} : memref<1040xf32, #tpu.memory_space<vmem>>, vector<16xf32>,
        %get3A_246 = vector.shape_cast %get3A_245 : vector<16xf32> to vector<16xf32>
        %add3A_247 = arith.addf %get3A_246, %mul3A_243 : vector<16xf32>
        %swap3A_248 = arith.index_cast %scan3A_178#0 : i32 to index
        %swap3A_249 = tpu.vector_load %arg19[%swap3A_248] {strides = array<i32>} : memref<1040xf32, #tpu.memory_space<vmem>>, vector<16xf32>,
        %swap3A_250 = vector.shape_cast %swap3A_249 : vector<16xf32> to vector<16xf32>
        %swap3A_251 = vector.shape_cast %add3A_247 : vector<16xf32> to vector<16xf32>
        tpu.vector_store %arg19[%swap3A_248], %swap3A_251 {strides = array<i32>} : memref<1040xf32, #tpu.memory_space<vmem>>, vector<16xf32>,
        %xor3A_252 = arith.constant 8 : i32
        %xor3A_253 = vector.broadcast %xor3A_252 : i32 to vector<16xi32>
        %xor3A_254 = arith.xori %iota3A, %xor3A_253 : vector<16xi32>
        %broadcast_in_dim3A_255 = vector.shape_cast %xor3A_254 : vector<16xi32> to vector<16x1xi32>
        %gather3A_256 = vector.shape_cast %broadcast_in_dim3A_255 : vector<16x1xi32> to vector<16xi32>
        %gather3A_257 = tpu.dynamic_gather %scan3A_178#4[%gather3A_256] in [0] : vector<16xf32>, vector<16xi32> -> vector<16xf32>
        %add3A_258 = arith.addf %scan3A_178#4, %gather3A_257 : vector<16xf32>
        %xor3A_259 = arith.constant 4 : i32
        %xor3A_260 = vector.broadcast %xor3A_259 : i32 to vector<16xi32>
        %xor3A_261 = arith.xori %iota3A, %xor3A_260 : vector<16xi32>
        %broadcast_in_dim3A_262 = vector.shape_cast %xor3A_261 : vector<16xi32> to vector<16x1xi32>
        %gather3A_263 = vector.shape_cast %broadcast_in_dim3A_262 : vector<16x1xi32> to vector<16xi32>
        %gather3A_264 = tpu.dynamic_gather %add3A_258[%gather3A_263] in [0] : vector<16xf32>, vector<16xi32> -> vector<16xf32>
        %add3A_265 = arith.addf %add3A_258, %gather3A_264 : vector<16xf32>
        %xor3A_266 = arith.constant 2 : i32
        %xor3A_267 = vector.broadcast %xor3A_266 : i32 to vector<16xi32>
        %xor3A_268 = arith.xori %iota3A, %xor3A_267 : vector<16xi32>
        %broadcast_in_dim3A_269 = vector.shape_cast %xor3A_268 : vector<16xi32> to vector<16x1xi32>
        %gather3A_270 = vector.shape_cast %broadcast_in_dim3A_269 : vector<16x1xi32> to vector<16xi32>
        %gather3A_271 = tpu.dynamic_gather %add3A_265[%gather3A_270] in [0] : vector<16xf32>, vector<16xi32> -> vector<16xf32>
        %add3A_272 = arith.addf %add3A_265, %gather3A_271 : vector<16xf32>
        %xor3A_273 = arith.constant 1 : i32
        %xor3A_274 = vector.broadcast %xor3A_273 : i32 to vector<16xi32>
        %xor3A_275 = arith.xori %iota3A, %xor3A_274 : vector<16xi32>
        %broadcast_in_dim3A_276 = vector.shape_cast %xor3A_275 : vector<16xi32> to vector<16x1xi32>
        %gather3A_277 = vector.shape_cast %broadcast_in_dim3A_276 : vector<16x1xi32> to vector<16xi32>
        %gather3A_278 = tpu.dynamic_gather %add3A_272[%gather3A_277] in [0] : vector<16xf32>, vector<16xi32> -> vector<16xf32>
        %add3A_279 = arith.addf %add3A_272, %gather3A_278 : vector<16xf32>
        %mul3A_280 = arith.mulf %add3A_279, %select_n3A : vector<16xf32>
        %get3A_281 = arith.index_cast %scan3A_178#0 : i32 to index
        %get3A_282 = tpu.vector_load %arg20[%get3A_281] {strides = array<i32>} : memref<1040xf32, #tpu.memory_space<vmem>>, vector<16xf32>,
        %get3A_283 = vector.shape_cast %get3A_282 : vector<16xf32> to vector<16xf32>
        %add3A_284 = arith.addf %get3A_283, %mul3A_280 : vector<16xf32>
        %swap3A_285 = arith.index_cast %scan3A_178#0 : i32 to index
        %swap3A_286 = tpu.vector_load %arg20[%swap3A_285] {strides = array<i32>} : memref<1040xf32, #tpu.memory_space<vmem>>, vector<16xf32>,
        %swap3A_287 = vector.shape_cast %swap3A_286 : vector<16xf32> to vector<16xf32>
        %swap3A_288 = vector.shape_cast %add3A_284 : vector<16xf32> to vector<16xf32>
        tpu.vector_store %arg20[%swap3A_285], %swap3A_288 {strides = array<i32>} : memref<1040xf32, #tpu.memory_space<vmem>>, vector<16xf32>,
        %xor3A_289 = arith.constant 8 : i32
        %xor3A_290 = vector.broadcast %xor3A_289 : i32 to vector<16xi32>
        %xor3A_291 = arith.xori %iota3A, %xor3A_290 : vector<16xi32>
        %broadcast_in_dim3A_292 = vector.shape_cast %xor3A_291 : vector<16xi32> to vector<16x1xi32>
        %gather3A_293 = vector.shape_cast %broadcast_in_dim3A_292 : vector<16x1xi32> to vector<16xi32>
        %gather3A_294 = tpu.dynamic_gather %scan3A_178#1[%gather3A_293] in [0] : vector<16xf32>, vector<16xi32> -> vector<16xf32>
        %add3A_295 = arith.addf %scan3A_178#1, %gather3A_294 : vector<16xf32>
        %xor3A_296 = arith.constant 4 : i32
        %xor3A_297 = vector.broadcast %xor3A_296 : i32 to vector<16xi32>
        %xor3A_298 = arith.xori %iota3A, %xor3A_297 : vector<16xi32>
        %broadcast_in_dim3A_299 = vector.shape_cast %xor3A_298 : vector<16xi32> to vector<16x1xi32>
        %gather3A_300 = vector.shape_cast %broadcast_in_dim3A_299 : vector<16x1xi32> to vector<16xi32>
        %gather3A_301 = tpu.dynamic_gather %add3A_295[%gather3A_300] in [0] : vector<16xf32>, vector<16xi32> -> vector<16xf32>
        %add3A_302 = arith.addf %add3A_295, %gather3A_301 : vector<16xf32>
        %xor3A_303 = arith.constant 2 : i32
        %xor3A_304 = vector.broadcast %xor3A_303 : i32 to vector<16xi32>
        %xor3A_305 = arith.xori %iota3A, %xor3A_304 : vector<16xi32>
        %broadcast_in_dim3A_306 = vector.shape_cast %xor3A_305 : vector<16xi32> to vector<16x1xi32>
        %gather3A_307 = vector.shape_cast %broadcast_in_dim3A_306 : vector<16x1xi32> to vector<16xi32>
        %gather3A_308 = tpu.dynamic_gather %add3A_302[%gather3A_307] in [0] : vector<16xf32>, vector<16xi32> -> vector<16xf32>
        %add3A_309 = arith.addf %add3A_302, %gather3A_308 : vector<16xf32>
        %xor3A_310 = arith.constant 1 : i32
        %xor3A_311 = vector.broadcast %xor3A_310 : i32 to vector<16xi32>
        %xor3A_312 = arith.xori %iota3A, %xor3A_311 : vector<16xi32>
        %broadcast_in_dim3A_313 = vector.shape_cast %xor3A_312 : vector<16xi32> to vector<16x1xi32>
        %gather3A_314 = vector.shape_cast %broadcast_in_dim3A_313 : vector<16x1xi32> to vector<16xi32>
        %gather3A_315 = tpu.dynamic_gather %add3A_309[%gather3A_314] in [0] : vector<16xf32>, vector<16xi32> -> vector<16xf32>
        %add3A_316 = arith.addf %add3A_309, %gather3A_315 : vector<16xf32>
        %mul3A_317 = arith.mulf %add3A_316, %select_n3A : vector<16xf32>
        %get3A_318 = arith.index_cast %scan3A_178#0 : i32 to index
        %get3A_319 = tpu.vector_load %arg21[%get3A_318] {strides = array<i32>} : memref<1040xf32, #tpu.memory_space<vmem>>, vector<16xf32>,
        %get3A_320 = vector.shape_cast %get3A_319 : vector<16xf32> to vector<16xf32>
        %add3A_321 = arith.addf %get3A_320, %mul3A_317 : vector<16xf32>
        %swap3A_322 = arith.index_cast %scan3A_178#0 : i32 to index
        %swap3A_323 = tpu.vector_load %arg21[%swap3A_322] {strides = array<i32>} : memref<1040xf32, #tpu.memory_space<vmem>>, vector<16xf32>,
        %swap3A_324 = vector.shape_cast %swap3A_323 : vector<16xf32> to vector<16xf32>
        %swap3A_325 = vector.shape_cast %add3A_321 : vector<16xf32> to vector<16xf32>
        tpu.vector_store %arg21[%swap3A_322], %swap3A_325 {strides = array<i32>} : memref<1040xf32, #tpu.memory_space<vmem>>, vector<16xf32>,
        "tpu.region"() ({
          %run_scoped3A = tpu.sem_alloc : memref<!tpu.dma_semaphore, #tpu.memory_space<semaphore_mem>>
          %dma_start3A = arith.constant 0 : i32
          %dma_start3A_326 = tpu.memref_slice %arg15[%dma_start3A] : memref<2048xf32, #tpu.memory_space<vmem>> -> memref<2048xf32, #tpu.memory_space<vmem>>
          %dma_start3A_327 = tpu.memref_slice %arg5[%mul3A_171] : memref<1600000xf32, #tpu.memory_space<hbm>> -> memref<2048xf32, #tpu.memory_space<hbm>>
          %dma_start3A_328 = tpu.memref_slice %arg5[%mul3A_171] : memref<1600000xf32, #tpu.memory_space<hbm>> -> memref<2048xf32, #tpu.memory_space<hbm>>
          %dma_start3A_329 = arith.constant 0 : i32
          %dma_start3A_330 = tpu.memref_slice %arg15[%dma_start3A_329] : memref<2048xf32, #tpu.memory_space<vmem>> -> memref<2048xf32, #tpu.memory_space<vmem>>
          tpu.enqueue_dma source(%dma_start3A_330 : memref<2048xf32, #tpu.memory_space<vmem>>) target(%dma_start3A_328 : memref<2048xf32, #tpu.memory_space<hbm>>) target_semaphore(%run_scoped3A : memref<!tpu.dma_semaphore, #tpu.memory_space<semaphore_mem>>)
          %dma_wait3A_331 = arith.constant 0 : i32
          %dma_wait3A_332 = tpu.memref_slice %arg15[%dma_wait3A_331] : memref<2048xf32, #tpu.memory_space<vmem>> -> memref<2048xf32, #tpu.memory_space<vmem>>
          %dma_wait3A_333 = tpu.memref_slice %arg5[%mul3A_171] : memref<1600000xf32, #tpu.memory_space<hbm>> -> memref<2048xf32, #tpu.memory_space<hbm>>
          %dma_wait3A_334 = tpu.memref_slice %arg5[%mul3A_171] : memref<1600000xf32, #tpu.memory_space<hbm>> -> memref<2048xf32, #tpu.memory_space<hbm>>
          %dma_wait3A_335 = arith.constant 0 : i32
          %dma_wait3A_336 = tpu.memref_slice %arg15[%dma_wait3A_335] : memref<2048xf32, #tpu.memory_space<vmem>> -> memref<2048xf32, #tpu.memory_space<vmem>>
          tpu.wait_dma2 semaphore(%run_scoped3A : memref<!tpu.dma_semaphore, #tpu.memory_space<semaphore_mem>>) src(%dma_wait3A_336 : memref<2048xf32, #tpu.memory_space<vmem>>) dst(%dma_wait3A_334 : memref<2048xf32, #tpu.memory_space<hbm>>)
          tpu.yield
        }) : () -> ()
        "tpu.region"() ({
          %run_scoped3A = tpu.sem_alloc : memref<!tpu.dma_semaphore, #tpu.memory_space<semaphore_mem>>
          %dma_start3A = arith.constant 0 : i32
          %dma_start3A_326 = tpu.memref_slice %arg16[%dma_start3A] : memref<2048xf32, #tpu.memory_space<vmem>> -> memref<2048xf32, #tpu.memory_space<vmem>>
          %dma_start3A_327 = tpu.memref_slice %arg6[%mul3A_171] : memref<1600000xf32, #tpu.memory_space<hbm>> -> memref<2048xf32, #tpu.memory_space<hbm>>
          %dma_start3A_328 = tpu.memref_slice %arg6[%mul3A_171] : memref<1600000xf32, #tpu.memory_space<hbm>> -> memref<2048xf32, #tpu.memory_space<hbm>>
          %dma_start3A_329 = arith.constant 0 : i32
          %dma_start3A_330 = tpu.memref_slice %arg16[%dma_start3A_329] : memref<2048xf32, #tpu.memory_space<vmem>> -> memref<2048xf32, #tpu.memory_space<vmem>>
          tpu.enqueue_dma source(%dma_start3A_330 : memref<2048xf32, #tpu.memory_space<vmem>>) target(%dma_start3A_328 : memref<2048xf32, #tpu.memory_space<hbm>>) target_semaphore(%run_scoped3A : memref<!tpu.dma_semaphore, #tpu.memory_space<semaphore_mem>>)
          %dma_wait3A_331 = arith.constant 0 : i32
          %dma_wait3A_332 = tpu.memref_slice %arg16[%dma_wait3A_331] : memref<2048xf32, #tpu.memory_space<vmem>> -> memref<2048xf32, #tpu.memory_space<vmem>>
          %dma_wait3A_333 = tpu.memref_slice %arg6[%mul3A_171] : memref<1600000xf32, #tpu.memory_space<hbm>> -> memref<2048xf32, #tpu.memory_space<hbm>>
          %dma_wait3A_334 = tpu.memref_slice %arg6[%mul3A_171] : memref<1600000xf32, #tpu.memory_space<hbm>> -> memref<2048xf32, #tpu.memory_space<hbm>>
          %dma_wait3A_335 = arith.constant 0 : i32
          %dma_wait3A_336 = tpu.memref_slice %arg16[%dma_wait3A_335] : memref<2048xf32, #tpu.memory_space<vmem>> -> memref<2048xf32, #tpu.memory_space<vmem>>
          tpu.wait_dma2 semaphore(%run_scoped3A : memref<!tpu.dma_semaphore, #tpu.memory_space<semaphore_mem>>) src(%dma_wait3A_336 : memref<2048xf32, #tpu.memory_space<vmem>>) dst(%dma_wait3A_334 : memref<2048xf32, #tpu.memory_space<hbm>>)
          tpu.yield
        }) : () -> ()
        "tpu.region"() ({
          %run_scoped3A = tpu.sem_alloc : memref<!tpu.dma_semaphore, #tpu.memory_space<semaphore_mem>>
          %dma_start3A = arith.constant 0 : i32
          %dma_start3A_326 = tpu.memref_slice %arg17[%dma_start3A] : memref<2048xf32, #tpu.memory_space<vmem>> -> memref<2048xf32, #tpu.memory_space<vmem>>
          %dma_start3A_327 = tpu.memref_slice %arg7[%mul3A_171] : memref<1600000xf32, #tpu.memory_space<hbm>> -> memref<2048xf32, #tpu.memory_space<hbm>>
          %dma_start3A_328 = tpu.memref_slice %arg7[%mul3A_171] : memref<1600000xf32, #tpu.memory_space<hbm>> -> memref<2048xf32, #tpu.memory_space<hbm>>
          %dma_start3A_329 = arith.constant 0 : i32
          %dma_start3A_330 = tpu.memref_slice %arg17[%dma_start3A_329] : memref<2048xf32, #tpu.memory_space<vmem>> -> memref<2048xf32, #tpu.memory_space<vmem>>
          tpu.enqueue_dma source(%dma_start3A_330 : memref<2048xf32, #tpu.memory_space<vmem>>) target(%dma_start3A_328 : memref<2048xf32, #tpu.memory_space<hbm>>) target_semaphore(%run_scoped3A : memref<!tpu.dma_semaphore, #tpu.memory_space<semaphore_mem>>)
          %dma_wait3A_331 = arith.constant 0 : i32
          %dma_wait3A_332 = tpu.memref_slice %arg17[%dma_wait3A_331] : memref<2048xf32, #tpu.memory_space<vmem>> -> memref<2048xf32, #tpu.memory_space<vmem>>
          %dma_wait3A_333 = tpu.memref_slice %arg7[%mul3A_171] : memref<1600000xf32, #tpu.memory_space<hbm>> -> memref<2048xf32, #tpu.memory_space<hbm>>
          %dma_wait3A_334 = tpu.memref_slice %arg7[%mul3A_171] : memref<1600000xf32, #tpu.memory_space<hbm>> -> memref<2048xf32, #tpu.memory_space<hbm>>
          %dma_wait3A_335 = arith.constant 0 : i32
          %dma_wait3A_336 = tpu.memref_slice %arg17[%dma_wait3A_335] : memref<2048xf32, #tpu.memory_space<vmem>> -> memref<2048xf32, #tpu.memory_space<vmem>>
          tpu.wait_dma2 semaphore(%run_scoped3A : memref<!tpu.dma_semaphore, #tpu.memory_space<semaphore_mem>>) src(%dma_wait3A_336 : memref<2048xf32, #tpu.memory_space<vmem>>) dst(%dma_wait3A_334 : memref<2048xf32, #tpu.memory_space<hbm>>)
          tpu.yield
        }) : () -> ()
      } else {
      }
      %not3A = arith.constant true
      %not3A_138 = arith.xori %eq3A_134, %not3A : i1
      %convert_element_type3A_139 = arith.extui %not3A_138 : i1 to i32
      %cond3A_140 = arith.constant 0 : i32
      %cond3A_141 = arith.cmpi ne, %convert_element_type3A_139, %cond3A_140 : i32
      scf.if %cond3A_141 {
        %dma_wait3A = arith.constant 0 : i32
        %dma_wait3A_143 = arith.constant 0 : i32
        %dma_wait3A_144 = arith.constant 0 : i32
        %dma_wait3A_145 = tpu.memref_slice %arg2[%dma_wait3A, %dma_wait3A_143, %dma_wait3A_144] : memref<3x4x1600000xf32, #tpu.memory_space<hbm>> -> memref<3x4x2048xf32, #tpu.memory_space<hbm>>
        %dma_wait3A_146 = arith.constant 0 : i32
        %dma_wait3A_147 = arith.constant 0 : i32
        %dma_wait3A_148 = arith.constant 0 : i32
        %dma_wait3A_149 = tpu.memref_slice %arg2[%dma_wait3A_146, %dma_wait3A_147, %dma_wait3A_148] : memref<3x4x1600000xf32, #tpu.memory_space<hbm>> -> memref<3x4x2048xf32, #tpu.memory_space<hbm>>
        tpu.wait_dma2 semaphore(%arg26 : memref<!tpu.dma_semaphore, #tpu.memory_space<semaphore_mem>>) src(%dma_wait3A_149 : memref<3x4x2048xf32, #tpu.memory_space<hbm>>) dst(%arg12 : memref<3x4x2048xf32, #tpu.memory_space<vmem>>)
        %dma_wait3A_150 = arith.constant 0 : i32
        %dma_wait3A_151 = arith.constant 0 : i32
        %dma_wait3A_152 = tpu.memref_slice %arg3[%dma_wait3A_150, %dma_wait3A_151] : memref<3x1600000xf32, #tpu.memory_space<hbm>> -> memref<3x2048xf32, #tpu.memory_space<hbm>>
        %dma_wait3A_153 = arith.constant 0 : i32
        %dma_wait3A_154 = arith.constant 0 : i32
        %dma_wait3A_155 = tpu.memref_slice %arg3[%dma_wait3A_153, %dma_wait3A_154] : memref<3x1600000xf32, #tpu.memory_space<hbm>> -> memref<3x2048xf32, #tpu.memory_space<hbm>>
        tpu.wait_dma2 semaphore(%arg26 : memref<!tpu.dma_semaphore, #tpu.memory_space<semaphore_mem>>) src(%dma_wait3A_155 : memref<3x2048xf32, #tpu.memory_space<hbm>>) dst(%arg13 : memref<3x2048xf32, #tpu.memory_space<vmem>>)
        %dma_wait3A_156 = arith.constant 0 : i32
        %dma_wait3A_157 = tpu.memref_slice %arg14[%dma_wait3A_156] : memref<2064xi32, #tpu.memory_space<vmem>> -> memref<2048xi32, #tpu.memory_space<vmem>>
        %dma_wait3A_158 = arith.constant 0 : i32
        %dma_wait3A_159 = tpu.memref_slice %arg4[%dma_wait3A_158] : memref<1600000xi32, #tpu.memory_space<hbm>> -> memref<2048xi32, #tpu.memory_space<hbm>>
        %dma_wait3A_160 = arith.constant 0 : i32
        %dma_wait3A_161 = tpu.memref_slice %arg14[%dma_wait3A_160] : memref<2064xi32, #tpu.memory_space<vmem>> -> memref<2048xi32, #tpu.memory_space<vmem>>
        %dma_wait3A_162 = arith.constant 0 : i32
        %dma_wait3A_163 = tpu.memref_slice %arg4[%dma_wait3A_162] : memref<1600000xi32, #tpu.memory_space<hbm>> -> memref<2048xi32, #tpu.memory_space<hbm>>
        tpu.wait_dma2 semaphore(%arg26 : memref<!tpu.dma_semaphore, #tpu.memory_space<semaphore_mem>>) src(%dma_wait3A_163 : memref<2048xi32, #tpu.memory_space<hbm>>) dst(%dma_wait3A_161 : memref<2048xi32, #tpu.memory_space<vmem>>)
        %add3A_164 = arith.constant 1 : i32
        %add3A_165 = arith.addi %add3A_117, %add3A_164 : i32
        %lt3A_166 = arith.cmpi slt, %add3A_165, %select_n3A_85 : i32
        %convert_element_type3A_167 = arith.extui %lt3A_166 : i1 to i32
        %cond3A_168 = arith.constant 0 : i32
        %cond3A_169 = arith.cmpi ne, %convert_element_type3A_167, %cond3A_168 : i32
        scf.if %cond3A_169 {
          %add3A_326 = arith.constant 1 : i32
          %add3A_327 = arith.addi %add3A_117, %add3A_326 : i32
          %mul3A_328 = arith.constant 2048 : i32
          %mul3A_329 = arith.muli %add3A_327, %mul3A_328 : i32
          %dma_start3A = arith.constant 0 : i32
          %dma_start3A_330 = arith.constant 0 : i32
          %dma_start3A_331 = tpu.memref_slice %arg2[%dma_start3A, %dma_start3A_330, %mul3A_329] : memref<3x4x1600000xf32, #tpu.memory_space<hbm>> -> memref<3x4x2048xf32, #tpu.memory_space<hbm>>
          %dma_start3A_332 = arith.constant 0 : i32
          %dma_start3A_333 = arith.constant 0 : i32
          %dma_start3A_334 = tpu.memref_slice %arg2[%dma_start3A_332, %dma_start3A_333, %mul3A_329] : memref<3x4x1600000xf32, #tpu.memory_space<hbm>> -> memref<3x4x2048xf32, #tpu.memory_space<hbm>>
          tpu.enqueue_dma source(%dma_start3A_334 : memref<3x4x2048xf32, #tpu.memory_space<hbm>>) target(%arg9 : memref<3x4x2048xf32, #tpu.memory_space<vmem>>) target_semaphore(%arg25 : memref<!tpu.dma_semaphore, #tpu.memory_space<semaphore_mem>>)
          %dma_start3A_335 = arith.constant 0 : i32
          %dma_start3A_336 = tpu.memref_slice %arg3[%dma_start3A_335, %mul3A_329] : memref<3x1600000xf32, #tpu.memory_space<hbm>> -> memref<3x2048xf32, #tpu.memory_space<hbm>>
          %dma_start3A_337 = arith.constant 0 : i32
          %dma_start3A_338 = tpu.memref_slice %arg3[%dma_start3A_337, %mul3A_329] : memref<3x1600000xf32, #tpu.memory_space<hbm>> -> memref<3x2048xf32, #tpu.memory_space<hbm>>
          tpu.enqueue_dma source(%dma_start3A_338 : memref<3x2048xf32, #tpu.memory_space<hbm>>) target(%arg10 : memref<3x2048xf32, #tpu.memory_space<vmem>>) target_semaphore(%arg25 : memref<!tpu.dma_semaphore, #tpu.memory_space<semaphore_mem>>)
          %dma_start3A_339 = arith.constant 0 : i32
          %dma_start3A_340 = tpu.memref_slice %arg11[%dma_start3A_339] : memref<2064xi32, #tpu.memory_space<vmem>> -> memref<2048xi32, #tpu.memory_space<vmem>>
          %dma_start3A_341 = tpu.memref_slice %arg4[%mul3A_329] : memref<1600000xi32, #tpu.memory_space<hbm>> -> memref<2048xi32, #tpu.memory_space<hbm>>
          %dma_start3A_342 = arith.constant 0 : i32
          %dma_start3A_343 = tpu.memref_slice %arg11[%dma_start3A_342] : memref<2064xi32, #tpu.memory_space<vmem>> -> memref<2048xi32, #tpu.memory_space<vmem>>
          %dma_start3A_344 = tpu.memref_slice %arg4[%mul3A_329] : memref<1600000xi32, #tpu.memory_space<hbm>> -> memref<2048xi32, #tpu.memory_space<hbm>>
          tpu.enqueue_dma source(%dma_start3A_344 : memref<2048xi32, #tpu.memory_space<hbm>>) target(%dma_start3A_343 : memref<2048xi32, #tpu.memory_space<vmem>>) target_semaphore(%arg25 : memref<!tpu.dma_semaphore, #tpu.memory_space<semaphore_mem>>)
        } else {
        }
        %mul3A_170 = arith.constant 2048 : i32
        %mul3A_171 = arith.muli %add3A_117, %mul3A_170 : i32
        %get3A = arith.constant 0 : index
        %get3A_172 = tpu.vector_load %arg14[%get3A] {strides = array<i32>} : memref<2064xi32, #tpu.memory_space<vmem>>, vector<16xi32>,
        %get3A_173 = vector.shape_cast %get3A_172 : vector<16xi32> to vector<16xi32>
        %slice3A = vector.extract_strided_slice %get3A_173 {offsets = [0], sizes = [1], strides = [1]} : vector<16xi32> to vector<1xi32>
        %squeeze3A = vector.extract %slice3A[0] : i32 from vector<1xi32>
        %scan3A_174 = arith.constant 0 : i32
        %scan3A_175 = arith.constant 128 : i32
        %scan3A_176 = arith.addi %scan3A_174, %scan3A_175 : i32
        %scan3A_177 = arith.constant 1 : i32
        %scan3A_178:5 = scf.for %scan3A_326 = %scan3A_174 to %scan3A_176 step %scan3A_177 iter_args(%scan3A_327 = %squeeze3A, %scan3A_328 = %broadcast_in_dim3A_8, %scan3A_329 = %broadcast_in_dim3A_8, %scan3A_330 = %broadcast_in_dim3A_8, %scan3A_331 = %broadcast_in_dim3A_8) -> (i32, vector<16xf32>, vector<16xf32>, vector<16xf32>, vector<16xf32>)  : i32 {
          %mul3A_332 = arith.constant 16 : i32
          %mul3A_333 = arith.muli %scan3A_326, %mul3A_332 : i32
          %get3A_334 = arith.constant 0 : i32
          %get3A_335 = arith.constant 0 : i32
          %get3A_336 = arith.index_cast %get3A_334 : i32 to index
          %get3A_337 = arith.index_cast %get3A_335 : i32 to index
          %get3A_338 = arith.index_cast %mul3A_333 : i32 to index
          %get3A_339 = tpu.vector_load %arg12[%get3A_336, %get3A_337, %get3A_338] {strides = array<i32>} : memref<3x4x2048xf32, #tpu.memory_space<vmem>>, vector<1x1x16xf32>,
          %get3A_340 = vector.shape_cast %get3A_339 : vector<1x1x16xf32> to vector<16xf32>
          %get3A_341 = arith.constant 0 : i32
          %get3A_342 = arith.constant 1 : i32
          %get3A_343 = arith.index_cast %get3A_341 : i32 to index
          %get3A_344 = arith.index_cast %get3A_342 : i32 to index
          %get3A_345 = arith.index_cast %mul3A_333 : i32 to index
          %get3A_346 = tpu.vector_load %arg12[%get3A_343, %get3A_344, %get3A_345] {strides = array<i32>} : memref<3x4x2048xf32, #tpu.memory_space<vmem>>, vector<1x1x16xf32>,
          %get3A_347 = vector.shape_cast %get3A_346 : vector<1x1x16xf32> to vector<16xf32>
          %get3A_348 = arith.constant 0 : i32
          %get3A_349 = arith.constant 2 : i32
          %get3A_350 = arith.index_cast %get3A_348 : i32 to index
          %get3A_351 = arith.index_cast %get3A_349 : i32 to index
          %get3A_352 = arith.index_cast %mul3A_333 : i32 to index
          %get3A_353 = tpu.vector_load %arg12[%get3A_350, %get3A_351, %get3A_352] {strides = array<i32>} : memref<3x4x2048xf32, #tpu.memory_space<vmem>>, vector<1x1x16xf32>,
          %get3A_354 = vector.shape_cast %get3A_353 : vector<1x1x16xf32> to vector<16xf32>
          %get3A_355 = arith.constant 0 : i32
          %get3A_356 = arith.constant 3 : i32
          %get3A_357 = arith.index_cast %get3A_355 : i32 to index
          %get3A_358 = arith.index_cast %get3A_356 : i32 to index
          %get3A_359 = arith.index_cast %mul3A_333 : i32 to index
          %get3A_360 = tpu.vector_load %arg12[%get3A_357, %get3A_358, %get3A_359] {strides = array<i32>} : memref<3x4x2048xf32, #tpu.memory_space<vmem>>, vector<1x1x16xf32>,
          %get3A_361 = vector.shape_cast %get3A_360 : vector<1x1x16xf32> to vector<16xf32>
          %add3A_362 = arith.addf %get3A_340, %get3A_347 : vector<16xf32>
          %add3A_363 = arith.addf %add3A_362, %get3A_354 : vector<16xf32>
          %add3A_364 = arith.addf %add3A_363, %get3A_361 : vector<16xf32>
          %mul3A_365 = arith.constant 2.500000e-01 : f32
          %mul3A_366 = vector.broadcast %mul3A_365 : f32 to vector<16xf32>
          %mul3A_367 = arith.mulf %add3A_364, %mul3A_366 : vector<16xf32>
          %swap3A_368 = arith.index_cast %mul3A_333 : i32 to index
          %swap3A_369 = tpu.vector_load %arg15[%swap3A_368] {strides = array<i32>} : memref<2048xf32, #tpu.memory_space<vmem>>, vector<16xf32>,
          %swap3A_370 = vector.shape_cast %swap3A_369 : vector<16xf32> to vector<16xf32>
          %swap3A_371 = vector.shape_cast %mul3A_367 : vector<16xf32> to vector<16xf32>
          tpu.vector_store %arg15[%swap3A_368], %swap3A_371 {strides = array<i32>} : memref<2048xf32, #tpu.memory_space<vmem>>, vector<16xf32>,
          %sub3A_372 = arith.subf %get3A_340, %mul3A_367 : vector<16xf32>
          %sub3A_373 = arith.subf %get3A_347, %mul3A_367 : vector<16xf32>
          %sub3A_374 = arith.subf %get3A_354, %mul3A_367 : vector<16xf32>
          %sub3A_375 = arith.subf %get3A_361, %mul3A_367 : vector<16xf32>
          %mul3A_376 = arith.mulf %sub3A_372, %sub3A_372 : vector<16xf32>
          %mul3A_377 = arith.mulf %sub3A_373, %sub3A_373 : vector<16xf32>
          %add3A_378 = arith.addf %mul3A_376, %mul3A_377 : vector<16xf32>
          %mul3A_379 = arith.mulf %sub3A_374, %sub3A_374 : vector<16xf32>
          %add3A_380 = arith.addf %add3A_378, %mul3A_379 : vector<16xf32>
          %mul3A_381 = arith.mulf %sub3A_375, %sub3A_375 : vector<16xf32>
          %add3A_382 = arith.addf %add3A_380, %mul3A_381 : vector<16xf32>
          %add3A_383 = arith.addf %broadcast_in_dim3A_8, %add3A_382 : vector<16xf32>
          %get3A_384 = arith.constant 0 : i32
          %get3A_385 = arith.index_cast %get3A_384 : i32 to index
          %get3A_386 = arith.index_cast %mul3A_333 : i32 to index
          %get3A_387 = tpu.vector_load %arg13[%get3A_385, %get3A_386] {strides = array<i32>} : memref<3x2048xf32, #tpu.memory_space<vmem>>, vector<1x16xf32>,
          %get3A_388 = vector.shape_cast %get3A_387 : vector<1x16xf32> to vector<16xf32>
          %sub3A_389 = arith.subf %mul3A_367, %get3A_388 : vector<16xf32>
          %abs3A = math.absf %sub3A_389 : vector<16xf32>
          %add3A_390 = arith.addf %broadcast_in_dim3A_8, %abs3A : vector<16xf32>
          %mul3A_391 = arith.mulf %sub3A_389, %sub3A_389 : vector<16xf32>
          %add3A_392 = arith.addf %broadcast_in_dim3A_8, %mul3A_391 : vector<16xf32>
          %get3A_393 = arith.constant 1 : i32
          %get3A_394 = arith.constant 0 : i32
          %get3A_395 = arith.index_cast %get3A_393 : i32 to index
          %get3A_396 = arith.index_cast %get3A_394 : i32 to index
          %get3A_397 = arith.index_cast %mul3A_333 : i32 to index
          %get3A_398 = tpu.vector_load %arg12[%get3A_395, %get3A_396, %get3A_397] {strides = array<i32>} : memref<3x4x2048xf32, #tpu.memory_space<vmem>>, vector<1x1x16xf32>,
          %get3A_399 = vector.shape_cast %get3A_398 : vector<1x1x16xf32> to vector<16xf32>
          %get3A_400 = arith.constant 1 : i32
          %get3A_401 = arith.constant 1 : i32
          %get3A_402 = arith.index_cast %get3A_400 : i32 to index
          %get3A_403 = arith.index_cast %get3A_401 : i32 to index
          %get3A_404 = arith.index_cast %mul3A_333 : i32 to index
          %get3A_405 = tpu.vector_load %arg12[%get3A_402, %get3A_403, %get3A_404] {strides = array<i32>} : memref<3x4x2048xf32, #tpu.memory_space<vmem>>, vector<1x1x16xf32>,
          %get3A_406 = vector.shape_cast %get3A_405 : vector<1x1x16xf32> to vector<16xf32>
          %get3A_407 = arith.constant 1 : i32
          %get3A_408 = arith.constant 2 : i32
          %get3A_409 = arith.index_cast %get3A_407 : i32 to index
          %get3A_410 = arith.index_cast %get3A_408 : i32 to index
          %get3A_411 = arith.index_cast %mul3A_333 : i32 to index
          %get3A_412 = tpu.vector_load %arg12[%get3A_409, %get3A_410, %get3A_411] {strides = array<i32>} : memref<3x4x2048xf32, #tpu.memory_space<vmem>>, vector<1x1x16xf32>,
          %get3A_413 = vector.shape_cast %get3A_412 : vector<1x1x16xf32> to vector<16xf32>
          %get3A_414 = arith.constant 1 : i32
          %get3A_415 = arith.constant 3 : i32
          %get3A_416 = arith.index_cast %get3A_414 : i32 to index
          %get3A_417 = arith.index_cast %get3A_415 : i32 to index
          %get3A_418 = arith.index_cast %mul3A_333 : i32 to index
          %get3A_419 = tpu.vector_load %arg12[%get3A_416, %get3A_417, %get3A_418] {strides = array<i32>} : memref<3x4x2048xf32, #tpu.memory_space<vmem>>, vector<1x1x16xf32>,
          %get3A_420 = vector.shape_cast %get3A_419 : vector<1x1x16xf32> to vector<16xf32>
          %add3A_421 = arith.addf %get3A_399, %get3A_406 : vector<16xf32>
          %add3A_422 = arith.addf %add3A_421, %get3A_413 : vector<16xf32>
          %add3A_423 = arith.addf %add3A_422, %get3A_420 : vector<16xf32>
          %mul3A_424 = arith.constant 2.500000e-01 : f32
          %mul3A_425 = vector.broadcast %mul3A_424 : f32 to vector<16xf32>
          %mul3A_426 = arith.mulf %add3A_423, %mul3A_425 : vector<16xf32>
          %swap3A_427 = arith.index_cast %mul3A_333 : i32 to index
          %swap3A_428 = tpu.vector_load %arg16[%swap3A_427] {strides = array<i32>} : memref<2048xf32, #tpu.memory_space<vmem>>, vector<16xf32>,
          %swap3A_429 = vector.shape_cast %swap3A_428 : vector<16xf32> to vector<16xf32>
          %swap3A_430 = vector.shape_cast %mul3A_426 : vector<16xf32> to vector<16xf32>
          tpu.vector_store %arg16[%swap3A_427], %swap3A_430 {strides = array<i32>} : memref<2048xf32, #tpu.memory_space<vmem>>, vector<16xf32>,
          %sub3A_431 = arith.subf %get3A_399, %mul3A_426 : vector<16xf32>
          %sub3A_432 = arith.subf %get3A_406, %mul3A_426 : vector<16xf32>
          %sub3A_433 = arith.subf %get3A_413, %mul3A_426 : vector<16xf32>
          %sub3A_434 = arith.subf %get3A_420, %mul3A_426 : vector<16xf32>
          %mul3A_435 = arith.mulf %sub3A_431, %sub3A_431 : vector<16xf32>
          %mul3A_436 = arith.mulf %sub3A_432, %sub3A_432 : vector<16xf32>
          %add3A_437 = arith.addf %mul3A_435, %mul3A_436 : vector<16xf32>
          %mul3A_438 = arith.mulf %sub3A_433, %sub3A_433 : vector<16xf32>
          %add3A_439 = arith.addf %add3A_437, %mul3A_438 : vector<16xf32>
          %mul3A_440 = arith.mulf %sub3A_434, %sub3A_434 : vector<16xf32>
          %add3A_441 = arith.addf %add3A_439, %mul3A_440 : vector<16xf32>
          %add3A_442 = arith.addf %add3A_383, %add3A_441 : vector<16xf32>
          %get3A_443 = arith.constant 1 : i32
          %get3A_444 = arith.index_cast %get3A_443 : i32 to index
          %get3A_445 = arith.index_cast %mul3A_333 : i32 to index
          %get3A_446 = tpu.vector_load %arg13[%get3A_444, %get3A_445] {strides = array<i32>} : memref<3x2048xf32, #tpu.memory_space<vmem>>, vector<1x16xf32>,
          %get3A_447 = vector.shape_cast %get3A_446 : vector<1x16xf32> to vector<16xf32>
          %sub3A_448 = arith.subf %mul3A_426, %get3A_447 : vector<16xf32>
          %abs3A_449 = math.absf %sub3A_448 : vector<16xf32>
          %add3A_450 = arith.addf %add3A_390, %abs3A_449 : vector<16xf32>
          %mul3A_451 = arith.mulf %sub3A_448, %sub3A_448 : vector<16xf32>
          %add3A_452 = arith.addf %add3A_392, %mul3A_451 : vector<16xf32>
          %get3A_453 = arith.constant 2 : i32
          %get3A_454 = arith.constant 0 : i32
          %get3A_455 = arith.index_cast %get3A_453 : i32 to index
          %get3A_456 = arith.index_cast %get3A_454 : i32 to index
          %get3A_457 = arith.index_cast %mul3A_333 : i32 to index
          %get3A_458 = tpu.vector_load %arg12[%get3A_455, %get3A_456, %get3A_457] {strides = array<i32>} : memref<3x4x2048xf32, #tpu.memory_space<vmem>>, vector<1x1x16xf32>,
          %get3A_459 = vector.shape_cast %get3A_458 : vector<1x1x16xf32> to vector<16xf32>
          %get3A_460 = arith.constant 2 : i32
          %get3A_461 = arith.constant 1 : i32
          %get3A_462 = arith.index_cast %get3A_460 : i32 to index
          %get3A_463 = arith.index_cast %get3A_461 : i32 to index
          %get3A_464 = arith.index_cast %mul3A_333 : i32 to index
          %get3A_465 = tpu.vector_load %arg12[%get3A_462, %get3A_463, %get3A_464] {strides = array<i32>} : memref<3x4x2048xf32, #tpu.memory_space<vmem>>, vector<1x1x16xf32>,
          %get3A_466 = vector.shape_cast %get3A_465 : vector<1x1x16xf32> to vector<16xf32>
          %get3A_467 = arith.constant 2 : i32
          %get3A_468 = arith.constant 2 : i32
          %get3A_469 = arith.index_cast %get3A_467 : i32 to index
          %get3A_470 = arith.index_cast %get3A_468 : i32 to index
          %get3A_471 = arith.index_cast %mul3A_333 : i32 to index
          %get3A_472 = tpu.vector_load %arg12[%get3A_469, %get3A_470, %get3A_471] {strides = array<i32>} : memref<3x4x2048xf32, #tpu.memory_space<vmem>>, vector<1x1x16xf32>,
          %get3A_473 = vector.shape_cast %get3A_472 : vector<1x1x16xf32> to vector<16xf32>
          %get3A_474 = arith.constant 2 : i32
          %get3A_475 = arith.constant 3 : i32
          %get3A_476 = arith.index_cast %get3A_474 : i32 to index
          %get3A_477 = arith.index_cast %get3A_475 : i32 to index
          %get3A_478 = arith.index_cast %mul3A_333 : i32 to index
          %get3A_479 = tpu.vector_load %arg12[%get3A_476, %get3A_477, %get3A_478] {strides = array<i32>} : memref<3x4x2048xf32, #tpu.memory_space<vmem>>, vector<1x1x16xf32>,
          %get3A_480 = vector.shape_cast %get3A_479 : vector<1x1x16xf32> to vector<16xf32>
          %add3A_481 = arith.addf %get3A_459, %get3A_466 : vector<16xf32>
          %add3A_482 = arith.addf %add3A_481, %get3A_473 : vector<16xf32>
          %add3A_483 = arith.addf %add3A_482, %get3A_480 : vector<16xf32>
          %mul3A_484 = arith.constant 2.500000e-01 : f32
          %mul3A_485 = vector.broadcast %mul3A_484 : f32 to vector<16xf32>
          %mul3A_486 = arith.mulf %add3A_483, %mul3A_485 : vector<16xf32>
          %swap3A_487 = arith.index_cast %mul3A_333 : i32 to index
          %swap3A_488 = tpu.vector_load %arg17[%swap3A_487] {strides = array<i32>} : memref<2048xf32, #tpu.memory_space<vmem>>, vector<16xf32>,
          %swap3A_489 = vector.shape_cast %swap3A_488 : vector<16xf32> to vector<16xf32>
          %swap3A_490 = vector.shape_cast %mul3A_486 : vector<16xf32> to vector<16xf32>
          tpu.vector_store %arg17[%swap3A_487], %swap3A_490 {strides = array<i32>} : memref<2048xf32, #tpu.memory_space<vmem>>, vector<16xf32>,
          %sub3A_491 = arith.subf %get3A_459, %mul3A_486 : vector<16xf32>
          %sub3A_492 = arith.subf %get3A_466, %mul3A_486 : vector<16xf32>
          %sub3A_493 = arith.subf %get3A_473, %mul3A_486 : vector<16xf32>
          %sub3A_494 = arith.subf %get3A_480, %mul3A_486 : vector<16xf32>
          %mul3A_495 = arith.mulf %sub3A_491, %sub3A_491 : vector<16xf32>
          %mul3A_496 = arith.mulf %sub3A_492, %sub3A_492 : vector<16xf32>
          %add3A_497 = arith.addf %mul3A_495, %mul3A_496 : vector<16xf32>
          %mul3A_498 = arith.mulf %sub3A_493, %sub3A_493 : vector<16xf32>
          %add3A_499 = arith.addf %add3A_497, %mul3A_498 : vector<16xf32>
          %mul3A_500 = arith.mulf %sub3A_494, %sub3A_494 : vector<16xf32>
          %add3A_501 = arith.addf %add3A_499, %mul3A_500 : vector<16xf32>
          %add3A_502 = arith.addf %add3A_442, %add3A_501 : vector<16xf32>
          %get3A_503 = arith.constant 2 : i32
          %get3A_504 = arith.index_cast %get3A_503 : i32 to index
          %get3A_505 = arith.index_cast %mul3A_333 : i32 to index
          %get3A_506 = tpu.vector_load %arg13[%get3A_504, %get3A_505] {strides = array<i32>} : memref<3x2048xf32, #tpu.memory_space<vmem>>, vector<1x16xf32>,
          %get3A_507 = vector.shape_cast %get3A_506 : vector<1x16xf32> to vector<16xf32>
          %sub3A_508 = arith.subf %mul3A_486, %get3A_507 : vector<16xf32>
          %abs3A_509 = math.absf %sub3A_508 : vector<16xf32>
          %add3A_510 = arith.addf %add3A_450, %abs3A_509 : vector<16xf32>
          %mul3A_511 = arith.mulf %sub3A_508, %sub3A_508 : vector<16xf32>
          %add3A_512 = arith.addf %add3A_452, %mul3A_511 : vector<16xf32>
          %get3A_513 = arith.index_cast %mul3A_333 : i32 to index
          %get3A_514 = tpu.vector_load %arg14[%get3A_513] {strides = array<i32>} : memref<2064xi32, #tpu.memory_space<vmem>>, vector<16xi32>,
          %get3A_515 = vector.shape_cast %get3A_514 : vector<16xi32> to vector<16xi32>
          %slice3A_516 = vector.extract_strided_slice %get3A_515 {offsets = [0], sizes = [1], strides = [1]} : vector<16xi32> to vector<1xi32>
          %squeeze3A_517 = vector.extract %slice3A_516[0] : i32 from vector<1xi32>
          %add3A_518 = arith.constant 16 : i32
          %add3A_519 = arith.addi %mul3A_333, %add3A_518 : i32
          %sub3A_520 = arith.constant 1 : i32
          %sub3A_521 = arith.subi %add3A_519, %sub3A_520 : i32
          %get3A_522 = arith.index_cast %sub3A_521 : i32 to index
          %get3A_523 = tpu.vector_load %arg14[%get3A_522] {strides = array<i32>} : memref<2064xi32, #tpu.memory_space<vmem>>, vector<16xi32>,
          %get3A_524 = vector.shape_cast %get3A_523 : vector<16xi32> to vector<16xi32>
          %slice3A_525 = vector.extract_strided_slice %get3A_524 {offsets = [0], sizes = [1], strides = [1]} : vector<16xi32> to vector<1xi32>
          %squeeze3A_526 = vector.extract %slice3A_525[0] : i32 from vector<1xi32>
          %eq3A_527 = arith.cmpi eq, %squeeze3A_517, %scan3A_327 : i32
          %eq3A_528 = arith.cmpi eq, %squeeze3A_526, %scan3A_327 : i32
          %and3A_529 = arith.andi %eq3A_527, %eq3A_528 : i1
          %not3A_530 = arith.constant true
          %not3A_531 = arith.xori %and3A_529, %not3A_530 : i1
          %convert_element_type3A_532 = arith.extui %not3A_531 : i1 to i32
          %cond3A_533 = arith.constant 0 : i32
          %cond3A_534 = arith.cmpi ne, %convert_element_type3A_532, %cond3A_533 : i32
          scf.if %cond3A_534 {
            %xor3A_544 = arith.constant 8 : i32
            %xor3A_545 = vector.broadcast %xor3A_544 : i32 to vector<16xi32>
            %xor3A_546 = arith.xori %iota3A, %xor3A_545 : vector<16xi32>
            %broadcast_in_dim3A_547 = vector.shape_cast %xor3A_546 : vector<16xi32> to vector<16x1xi32>
            %gather3A_548 = vector.shape_cast %broadcast_in_dim3A_547 : vector<16x1xi32> to vector<16xi32>
            %gather3A_549 = tpu.dynamic_gather %scan3A_329[%gather3A_548] in [0] : vector<16xf32>, vector<16xi32> -> vector<16xf32>
            %add3A_550 = arith.addf %scan3A_329, %gather3A_549 : vector<16xf32>
            %xor3A_551 = arith.constant 4 : i32
            %xor3A_552 = vector.broadcast %xor3A_551 : i32 to vector<16xi32>
            %xor3A_553 = arith.xori %iota3A, %xor3A_552 : vector<16xi32>
            %broadcast_in_dim3A_554 = vector.shape_cast %xor3A_553 : vector<16xi32> to vector<16x1xi32>
            %gather3A_555 = vector.shape_cast %broadcast_in_dim3A_554 : vector<16x1xi32> to vector<16xi32>
            %gather3A_556 = tpu.dynamic_gather %add3A_550[%gather3A_555] in [0] : vector<16xf32>, vector<16xi32> -> vector<16xf32>
            %add3A_557 = arith.addf %add3A_550, %gather3A_556 : vector<16xf32>
            %xor3A_558 = arith.constant 2 : i32
            %xor3A_559 = vector.broadcast %xor3A_558 : i32 to vector<16xi32>
            %xor3A_560 = arith.xori %iota3A, %xor3A_559 : vector<16xi32>
            %broadcast_in_dim3A_561 = vector.shape_cast %xor3A_560 : vector<16xi32> to vector<16x1xi32>
            %gather3A_562 = vector.shape_cast %broadcast_in_dim3A_561 : vector<16x1xi32> to vector<16xi32>
            %gather3A_563 = tpu.dynamic_gather %add3A_557[%gather3A_562] in [0] : vector<16xf32>, vector<16xi32> -> vector<16xf32>
            %add3A_564 = arith.addf %add3A_557, %gather3A_563 : vector<16xf32>
            %xor3A_565 = arith.constant 1 : i32
            %xor3A_566 = vector.broadcast %xor3A_565 : i32 to vector<16xi32>
            %xor3A_567 = arith.xori %iota3A, %xor3A_566 : vector<16xi32>
            %broadcast_in_dim3A_568 = vector.shape_cast %xor3A_567 : vector<16xi32> to vector<16x1xi32>
            %gather3A_569 = vector.shape_cast %broadcast_in_dim3A_568 : vector<16x1xi32> to vector<16xi32>
            %gather3A_570 = tpu.dynamic_gather %add3A_564[%gather3A_569] in [0] : vector<16xf32>, vector<16xi32> -> vector<16xf32>
            %add3A_571 = arith.addf %add3A_564, %gather3A_570 : vector<16xf32>
            %mul3A_572 = arith.mulf %add3A_571, %select_n3A : vector<16xf32>
            %get3A_573 = arith.index_cast %scan3A_327 : i32 to index
            %get3A_574 = tpu.vector_load %arg18[%get3A_573] {strides = array<i32>} : memref<1040xf32, #tpu.memory_space<vmem>>, vector<16xf32>,
            %get3A_575 = vector.shape_cast %get3A_574 : vector<16xf32> to vector<16xf32>
            %add3A_576 = arith.addf %get3A_575, %mul3A_572 : vector<16xf32>
            %swap3A_577 = arith.index_cast %scan3A_327 : i32 to index
            %swap3A_578 = tpu.vector_load %arg18[%swap3A_577] {strides = array<i32>} : memref<1040xf32, #tpu.memory_space<vmem>>, vector<16xf32>,
            %swap3A_579 = vector.shape_cast %swap3A_578 : vector<16xf32> to vector<16xf32>
            %swap3A_580 = vector.shape_cast %add3A_576 : vector<16xf32> to vector<16xf32>
            tpu.vector_store %arg18[%swap3A_577], %swap3A_580 {strides = array<i32>} : memref<1040xf32, #tpu.memory_space<vmem>>, vector<16xf32>,
            %xor3A_581 = arith.constant 8 : i32
            %xor3A_582 = vector.broadcast %xor3A_581 : i32 to vector<16xi32>
            %xor3A_583 = arith.xori %iota3A, %xor3A_582 : vector<16xi32>
            %broadcast_in_dim3A_584 = vector.shape_cast %xor3A_583 : vector<16xi32> to vector<16x1xi32>
            %gather3A_585 = vector.shape_cast %broadcast_in_dim3A_584 : vector<16x1xi32> to vector<16xi32>
            %gather3A_586 = tpu.dynamic_gather %scan3A_330[%gather3A_585] in [0] : vector<16xf32>, vector<16xi32> -> vector<16xf32>
            %add3A_587 = arith.addf %scan3A_330, %gather3A_586 : vector<16xf32>
            %xor3A_588 = arith.constant 4 : i32
            %xor3A_589 = vector.broadcast %xor3A_588 : i32 to vector<16xi32>
            %xor3A_590 = arith.xori %iota3A, %xor3A_589 : vector<16xi32>
            %broadcast_in_dim3A_591 = vector.shape_cast %xor3A_590 : vector<16xi32> to vector<16x1xi32>
            %gather3A_592 = vector.shape_cast %broadcast_in_dim3A_591 : vector<16x1xi32> to vector<16xi32>
            %gather3A_593 = tpu.dynamic_gather %add3A_587[%gather3A_592] in [0] : vector<16xf32>, vector<16xi32> -> vector<16xf32>
            %add3A_594 = arith.addf %add3A_587, %gather3A_593 : vector<16xf32>
            %xor3A_595 = arith.constant 2 : i32
            %xor3A_596 = vector.broadcast %xor3A_595 : i32 to vector<16xi32>
            %xor3A_597 = arith.xori %iota3A, %xor3A_596 : vector<16xi32>
            %broadcast_in_dim3A_598 = vector.shape_cast %xor3A_597 : vector<16xi32> to vector<16x1xi32>
            %gather3A_599 = vector.shape_cast %broadcast_in_dim3A_598 : vector<16x1xi32> to vector<16xi32>
            %gather3A_600 = tpu.dynamic_gather %add3A_594[%gather3A_599] in [0] : vector<16xf32>, vector<16xi32> -> vector<16xf32>
            %add3A_601 = arith.addf %add3A_594, %gather3A_600 : vector<16xf32>
            %xor3A_602 = arith.constant 1 : i32
            %xor3A_603 = vector.broadcast %xor3A_602 : i32 to vector<16xi32>
            %xor3A_604 = arith.xori %iota3A, %xor3A_603 : vector<16xi32>
            %broadcast_in_dim3A_605 = vector.shape_cast %xor3A_604 : vector<16xi32> to vector<16x1xi32>
            %gather3A_606 = vector.shape_cast %broadcast_in_dim3A_605 : vector<16x1xi32> to vector<16xi32>
            %gather3A_607 = tpu.dynamic_gather %add3A_601[%gather3A_606] in [0] : vector<16xf32>, vector<16xi32> -> vector<16xf32>
            %add3A_608 = arith.addf %add3A_601, %gather3A_607 : vector<16xf32>
            %mul3A_609 = arith.mulf %add3A_608, %select_n3A : vector<16xf32>
            %get3A_610 = arith.index_cast %scan3A_327 : i32 to index
            %get3A_611 = tpu.vector_load %arg19[%get3A_610] {strides = array<i32>} : memref<1040xf32, #tpu.memory_space<vmem>>, vector<16xf32>,
            %get3A_612 = vector.shape_cast %get3A_611 : vector<16xf32> to vector<16xf32>
            %add3A_613 = arith.addf %get3A_612, %mul3A_609 : vector<16xf32>
            %swap3A_614 = arith.index_cast %scan3A_327 : i32 to index
            %swap3A_615 = tpu.vector_load %arg19[%swap3A_614] {strides = array<i32>} : memref<1040xf32, #tpu.memory_space<vmem>>, vector<16xf32>,
            %swap3A_616 = vector.shape_cast %swap3A_615 : vector<16xf32> to vector<16xf32>
            %swap3A_617 = vector.shape_cast %add3A_613 : vector<16xf32> to vector<16xf32>
            tpu.vector_store %arg19[%swap3A_614], %swap3A_617 {strides = array<i32>} : memref<1040xf32, #tpu.memory_space<vmem>>, vector<16xf32>,
            %xor3A_618 = arith.constant 8 : i32
            %xor3A_619 = vector.broadcast %xor3A_618 : i32 to vector<16xi32>
            %xor3A_620 = arith.xori %iota3A, %xor3A_619 : vector<16xi32>
            %broadcast_in_dim3A_621 = vector.shape_cast %xor3A_620 : vector<16xi32> to vector<16x1xi32>
            %gather3A_622 = vector.shape_cast %broadcast_in_dim3A_621 : vector<16x1xi32> to vector<16xi32>
            %gather3A_623 = tpu.dynamic_gather %scan3A_331[%gather3A_622] in [0] : vector<16xf32>, vector<16xi32> -> vector<16xf32>
            %add3A_624 = arith.addf %scan3A_331, %gather3A_623 : vector<16xf32>
            %xor3A_625 = arith.constant 4 : i32
            %xor3A_626 = vector.broadcast %xor3A_625 : i32 to vector<16xi32>
            %xor3A_627 = arith.xori %iota3A, %xor3A_626 : vector<16xi32>
            %broadcast_in_dim3A_628 = vector.shape_cast %xor3A_627 : vector<16xi32> to vector<16x1xi32>
            %gather3A_629 = vector.shape_cast %broadcast_in_dim3A_628 : vector<16x1xi32> to vector<16xi32>
            %gather3A_630 = tpu.dynamic_gather %add3A_624[%gather3A_629] in [0] : vector<16xf32>, vector<16xi32> -> vector<16xf32>
            %add3A_631 = arith.addf %add3A_624, %gather3A_630 : vector<16xf32>
            %xor3A_632 = arith.constant 2 : i32
            %xor3A_633 = vector.broadcast %xor3A_632 : i32 to vector<16xi32>
            %xor3A_634 = arith.xori %iota3A, %xor3A_633 : vector<16xi32>
            %broadcast_in_dim3A_635 = vector.shape_cast %xor3A_634 : vector<16xi32> to vector<16x1xi32>
            %gather3A_636 = vector.shape_cast %broadcast_in_dim3A_635 : vector<16x1xi32> to vector<16xi32>
            %gather3A_637 = tpu.dynamic_gather %add3A_631[%gather3A_636] in [0] : vector<16xf32>, vector<16xi32> -> vector<16xf32>
            %add3A_638 = arith.addf %add3A_631, %gather3A_637 : vector<16xf32>
            %xor3A_639 = arith.constant 1 : i32
            %xor3A_640 = vector.broadcast %xor3A_639 : i32 to vector<16xi32>
            %xor3A_641 = arith.xori %iota3A, %xor3A_640 : vector<16xi32>
            %broadcast_in_dim3A_642 = vector.shape_cast %xor3A_641 : vector<16xi32> to vector<16x1xi32>
            %gather3A_643 = vector.shape_cast %broadcast_in_dim3A_642 : vector<16x1xi32> to vector<16xi32>
            %gather3A_644 = tpu.dynamic_gather %add3A_638[%gather3A_643] in [0] : vector<16xf32>, vector<16xi32> -> vector<16xf32>
            %add3A_645 = arith.addf %add3A_638, %gather3A_644 : vector<16xf32>
            %mul3A_646 = arith.mulf %add3A_645, %select_n3A : vector<16xf32>
            %get3A_647 = arith.index_cast %scan3A_327 : i32 to index
            %get3A_648 = tpu.vector_load %arg20[%get3A_647] {strides = array<i32>} : memref<1040xf32, #tpu.memory_space<vmem>>, vector<16xf32>,
            %get3A_649 = vector.shape_cast %get3A_648 : vector<16xf32> to vector<16xf32>
            %add3A_650 = arith.addf %get3A_649, %mul3A_646 : vector<16xf32>
            %swap3A_651 = arith.index_cast %scan3A_327 : i32 to index
            %swap3A_652 = tpu.vector_load %arg20[%swap3A_651] {strides = array<i32>} : memref<1040xf32, #tpu.memory_space<vmem>>, vector<16xf32>,
            %swap3A_653 = vector.shape_cast %swap3A_652 : vector<16xf32> to vector<16xf32>
            %swap3A_654 = vector.shape_cast %add3A_650 : vector<16xf32> to vector<16xf32>
            tpu.vector_store %arg20[%swap3A_651], %swap3A_654 {strides = array<i32>} : memref<1040xf32, #tpu.memory_space<vmem>>, vector<16xf32>,
            %xor3A_655 = arith.constant 8 : i32
            %xor3A_656 = vector.broadcast %xor3A_655 : i32 to vector<16xi32>
            %xor3A_657 = arith.xori %iota3A, %xor3A_656 : vector<16xi32>
            %broadcast_in_dim3A_658 = vector.shape_cast %xor3A_657 : vector<16xi32> to vector<16x1xi32>
            %gather3A_659 = vector.shape_cast %broadcast_in_dim3A_658 : vector<16x1xi32> to vector<16xi32>
            %gather3A_660 = tpu.dynamic_gather %scan3A_328[%gather3A_659] in [0] : vector<16xf32>, vector<16xi32> -> vector<16xf32>
            %add3A_661 = arith.addf %scan3A_328, %gather3A_660 : vector<16xf32>
            %xor3A_662 = arith.constant 4 : i32
            %xor3A_663 = vector.broadcast %xor3A_662 : i32 to vector<16xi32>
            %xor3A_664 = arith.xori %iota3A, %xor3A_663 : vector<16xi32>
            %broadcast_in_dim3A_665 = vector.shape_cast %xor3A_664 : vector<16xi32> to vector<16x1xi32>
            %gather3A_666 = vector.shape_cast %broadcast_in_dim3A_665 : vector<16x1xi32> to vector<16xi32>
            %gather3A_667 = tpu.dynamic_gather %add3A_661[%gather3A_666] in [0] : vector<16xf32>, vector<16xi32> -> vector<16xf32>
            %add3A_668 = arith.addf %add3A_661, %gather3A_667 : vector<16xf32>
            %xor3A_669 = arith.constant 2 : i32
            %xor3A_670 = vector.broadcast %xor3A_669 : i32 to vector<16xi32>
            %xor3A_671 = arith.xori %iota3A, %xor3A_670 : vector<16xi32>
            %broadcast_in_dim3A_672 = vector.shape_cast %xor3A_671 : vector<16xi32> to vector<16x1xi32>
            %gather3A_673 = vector.shape_cast %broadcast_in_dim3A_672 : vector<16x1xi32> to vector<16xi32>
            %gather3A_674 = tpu.dynamic_gather %add3A_668[%gather3A_673] in [0] : vector<16xf32>, vector<16xi32> -> vector<16xf32>
            %add3A_675 = arith.addf %add3A_668, %gather3A_674 : vector<16xf32>
            %xor3A_676 = arith.constant 1 : i32
            %xor3A_677 = vector.broadcast %xor3A_676 : i32 to vector<16xi32>
            %xor3A_678 = arith.xori %iota3A, %xor3A_677 : vector<16xi32>
            %broadcast_in_dim3A_679 = vector.shape_cast %xor3A_678 : vector<16xi32> to vector<16x1xi32>
            %gather3A_680 = vector.shape_cast %broadcast_in_dim3A_679 : vector<16x1xi32> to vector<16xi32>
            %gather3A_681 = tpu.dynamic_gather %add3A_675[%gather3A_680] in [0] : vector<16xf32>, vector<16xi32> -> vector<16xf32>
            %add3A_682 = arith.addf %add3A_675, %gather3A_681 : vector<16xf32>
            %mul3A_683 = arith.mulf %add3A_682, %select_n3A : vector<16xf32>
            %get3A_684 = arith.index_cast %scan3A_327 : i32 to index
            %get3A_685 = tpu.vector_load %arg21[%get3A_684] {strides = array<i32>} : memref<1040xf32, #tpu.memory_space<vmem>>, vector<16xf32>,
            %get3A_686 = vector.shape_cast %get3A_685 : vector<16xf32> to vector<16xf32>
            %add3A_687 = arith.addf %get3A_686, %mul3A_683 : vector<16xf32>
            %swap3A_688 = arith.index_cast %scan3A_327 : i32 to index
            %swap3A_689 = tpu.vector_load %arg21[%swap3A_688] {strides = array<i32>} : memref<1040xf32, #tpu.memory_space<vmem>>, vector<16xf32>,
            %swap3A_690 = vector.shape_cast %swap3A_689 : vector<16xf32> to vector<16xf32>
            %swap3A_691 = vector.shape_cast %add3A_687 : vector<16xf32> to vector<16xf32>
            tpu.vector_store %arg21[%swap3A_688], %swap3A_691 {strides = array<i32>} : memref<1040xf32, #tpu.memory_space<vmem>>, vector<16xf32>,
            %swap3A_692 = arith.constant 0 : index
            %swap3A_693 = tpu.vector_load %arg22[%swap3A_692] {strides = array<i32>} : memref<32xf32, #tpu.memory_space<vmem>>, vector<16xf32>,
            %swap3A_694 = vector.shape_cast %swap3A_693 : vector<16xf32> to vector<16xf32>
            %swap3A_695 = vector.shape_cast %add3A_502 : vector<16xf32> to vector<16xf32>
            tpu.vector_store %arg22[%swap3A_692], %swap3A_695 {strides = array<i32>} : memref<32xf32, #tpu.memory_space<vmem>>, vector<16xf32>,
            %swap3A_696 = arith.constant 0 : index
            %swap3A_697 = tpu.vector_load %arg23[%swap3A_696] {strides = array<i32>} : memref<32xf32, #tpu.memory_space<vmem>>, vector<16xf32>,
            %swap3A_698 = vector.shape_cast %swap3A_697 : vector<16xf32> to vector<16xf32>
            %swap3A_699 = vector.shape_cast %add3A_510 : vector<16xf32> to vector<16xf32>
            tpu.vector_store %arg23[%swap3A_696], %swap3A_699 {strides = array<i32>} : memref<32xf32, #tpu.memory_space<vmem>>, vector<16xf32>,
            %swap3A_700 = arith.constant 0 : index
            %swap3A_701 = tpu.vector_load %arg24[%swap3A_700] {strides = array<i32>} : memref<32xf32, #tpu.memory_space<vmem>>, vector<16xf32>,
            %swap3A_702 = vector.shape_cast %swap3A_701 : vector<16xf32> to vector<16xf32>
            %swap3A_703 = vector.shape_cast %add3A_512 : vector<16xf32> to vector<16xf32>
            tpu.vector_store %arg24[%swap3A_700], %swap3A_703 {strides = array<i32>} : memref<32xf32, #tpu.memory_space<vmem>>, vector<16xf32>,
            %scan3A_704 = arith.constant 0 : i32
            %scan3A_705 = arith.constant 0 : i32
            %scan3A_706 = arith.constant 16 : i32
            %scan3A_707 = arith.addi %scan3A_705, %scan3A_706 : i32
            %scan3A_708 = arith.constant 1 : i32
            %scan3A_709 = scf.for %scan3A_711 = %scan3A_705 to %scan3A_707 step %scan3A_708 iter_args(%scan3A_712 = %scan3A_704) -> (i32)  : i32 {
              %add3A_713 = arith.addi %mul3A_333, %scan3A_711 : i32
              %get3A_714 = arith.index_cast %add3A_713 : i32 to index
              %get3A_715 = tpu.vector_load %arg14[%get3A_714] {strides = array<i32>} : memref<2064xi32, #tpu.memory_space<vmem>>, vector<16xi32>,
              %get3A_716 = vector.shape_cast %get3A_715 : vector<16xi32> to vector<16xi32>
              %slice3A_717 = vector.extract_strided_slice %get3A_716 {offsets = [0], sizes = [1], strides = [1]} : vector<16xi32> to vector<1xi32>
              %squeeze3A_718 = vector.extract %slice3A_717[0] : i32 from vector<1xi32>
              %get3A_719 = arith.index_cast %scan3A_711 : i32 to index
              %get3A_720 = tpu.vector_load %arg22[%get3A_719] {strides = array<i32>} : memref<32xf32, #tpu.memory_space<vmem>>, vector<16xf32>,
              %get3A_721 = vector.shape_cast %get3A_720 : vector<16xf32> to vector<16xf32>
              %mul3A_722 = arith.mulf %get3A_721, %select_n3A : vector<16xf32>
              %get3A_723 = arith.index_cast %squeeze3A_718 : i32 to index
              %get3A_724 = tpu.vector_load %arg18[%get3A_723] {strides = array<i32>} : memref<1040xf32, #tpu.memory_space<vmem>>, vector<16xf32>,
              %get3A_725 = vector.shape_cast %get3A_724 : vector<16xf32> to vector<16xf32>
              %add3A_726 = arith.addf %get3A_725, %mul3A_722 : vector<16xf32>
              %swap3A_727 = arith.index_cast %squeeze3A_718 : i32 to index
              %swap3A_728 = tpu.vector_load %arg18[%swap3A_727] {strides = array<i32>} : memref<1040xf32, #tpu.memory_space<vmem>>, vector<16xf32>,
              %swap3A_729 = vector.shape_cast %swap3A_728 : vector<16xf32> to vector<16xf32>
              %swap3A_730 = vector.shape_cast %add3A_726 : vector<16xf32> to vector<16xf32>
              tpu.vector_store %arg18[%swap3A_727], %swap3A_730 {strides = array<i32>} : memref<1040xf32, #tpu.memory_space<vmem>>, vector<16xf32>,
              %get3A_731 = arith.index_cast %scan3A_711 : i32 to index
              %get3A_732 = tpu.vector_load %arg23[%get3A_731] {strides = array<i32>} : memref<32xf32, #tpu.memory_space<vmem>>, vector<16xf32>,
              %get3A_733 = vector.shape_cast %get3A_732 : vector<16xf32> to vector<16xf32>
              %mul3A_734 = arith.mulf %get3A_733, %select_n3A : vector<16xf32>
              %get3A_735 = arith.index_cast %squeeze3A_718 : i32 to index
              %get3A_736 = tpu.vector_load %arg19[%get3A_735] {strides = array<i32>} : memref<1040xf32, #tpu.memory_space<vmem>>, vector<16xf32>,
              %get3A_737 = vector.shape_cast %get3A_736 : vector<16xf32> to vector<16xf32>
              %add3A_738 = arith.addf %get3A_737, %mul3A_734 : vector<16xf32>
              %swap3A_739 = arith.index_cast %squeeze3A_718 : i32 to index
              %swap3A_740 = tpu.vector_load %arg19[%swap3A_739] {strides = array<i32>} : memref<1040xf32, #tpu.memory_space<vmem>>, vector<16xf32>,
              %swap3A_741 = vector.shape_cast %swap3A_740 : vector<16xf32> to vector<16xf32>
              %swap3A_742 = vector.shape_cast %add3A_738 : vector<16xf32> to vector<16xf32>
              tpu.vector_store %arg19[%swap3A_739], %swap3A_742 {strides = array<i32>} : memref<1040xf32, #tpu.memory_space<vmem>>, vector<16xf32>,
              %get3A_743 = arith.index_cast %scan3A_711 : i32 to index
              %get3A_744 = tpu.vector_load %arg24[%get3A_743] {strides = array<i32>} : memref<32xf32, #tpu.memory_space<vmem>>, vector<16xf32>,
              %get3A_745 = vector.shape_cast %get3A_744 : vector<16xf32> to vector<16xf32>
              %mul3A_746 = arith.mulf %get3A_745, %select_n3A : vector<16xf32>
              %get3A_747 = arith.index_cast %squeeze3A_718 : i32 to index
              %get3A_748 = tpu.vector_load %arg20[%get3A_747] {strides = array<i32>} : memref<1040xf32, #tpu.memory_space<vmem>>, vector<16xf32>,
              %get3A_749 = vector.shape_cast %get3A_748 : vector<16xf32> to vector<16xf32>
              %add3A_750 = arith.addf %get3A_749, %mul3A_746 : vector<16xf32>
              %swap3A_751 = arith.index_cast %squeeze3A_718 : i32 to index
              %swap3A_752 = tpu.vector_load %arg20[%swap3A_751] {strides = array<i32>} : memref<1040xf32, #tpu.memory_space<vmem>>, vector<16xf32>,
              %swap3A_753 = vector.shape_cast %swap3A_752 : vector<16xf32> to vector<16xf32>
              %swap3A_754 = vector.shape_cast %add3A_750 : vector<16xf32> to vector<16xf32>
              tpu.vector_store %arg20[%swap3A_751], %swap3A_754 {strides = array<i32>} : memref<1040xf32, #tpu.memory_space<vmem>>, vector<16xf32>,
              %get3A_755 = arith.index_cast %squeeze3A_718 : i32 to index
              %get3A_756 = tpu.vector_load %arg21[%get3A_755] {strides = array<i32>} : memref<1040xf32, #tpu.memory_space<vmem>>, vector<16xf32>,
              %get3A_757 = vector.shape_cast %get3A_756 : vector<16xf32> to vector<16xf32>
              %add3A_758 = arith.addf %get3A_757, %select_n3A : vector<16xf32>
              %swap3A_759 = arith.index_cast %squeeze3A_718 : i32 to index
              %swap3A_760 = tpu.vector_load %arg21[%swap3A_759] {strides = array<i32>} : memref<1040xf32, #tpu.memory_space<vmem>>, vector<16xf32>,
              %swap3A_761 = vector.shape_cast %swap3A_760 : vector<16xf32> to vector<16xf32>
              %swap3A_762 = vector.shape_cast %add3A_758 : vector<16xf32> to vector<16xf32>
              tpu.vector_store %arg21[%swap3A_759], %swap3A_762 {strides = array<i32>} : memref<1040xf32, #tpu.memory_space<vmem>>, vector<16xf32>,
              %scan3A_763 = arith.constant 0 : i32
              scf.yield %scan3A_763 : i32
            }
            %scan3A_710 = arith.constant 16 : i32
          } else {
          }
          %select_n3A_535 = arith.select %and3A_529, %scan3A_327, %squeeze3A_526 : i32
          %add3A_536 = arith.addf %scan3A_328, %broadcast_in_dim3A_6 : vector<16xf32>
          %select_n3A_537 = arith.select %and3A_529, %add3A_536, %broadcast_in_dim3A_8 : vector<16xf32>
          %add3A_538 = arith.addf %scan3A_329, %add3A_502 : vector<16xf32>
          %select_n3A_539 = arith.select %and3A_529, %add3A_538, %broadcast_in_dim3A_8 : vector<16xf32>
          %add3A_540 = arith.addf %scan3A_330, %add3A_510 : vector<16xf32>
          %select_n3A_541 = arith.select %and3A_529, %add3A_540, %broadcast_in_dim3A_8 : vector<16xf32>
          %add3A_542 = arith.addf %scan3A_331, %add3A_512 : vector<16xf32>
          %select_n3A_543 = arith.select %and3A_529, %add3A_542, %broadcast_in_dim3A_8 : vector<16xf32>
          scf.yield %select_n3A_535, %select_n3A_537, %select_n3A_539, %select_n3A_541, %select_n3A_543 : i32, vector<16xf32>, vector<16xf32>, vector<16xf32>, vector<16xf32>
        }
        %scan3A_179 = arith.constant 128 : i32
        %xor3A = arith.constant 8 : i32
        %xor3A_180 = vector.broadcast %xor3A : i32 to vector<16xi32>
        %xor3A_181 = arith.xori %iota3A, %xor3A_180 : vector<16xi32>
        %broadcast_in_dim3A_182 = vector.shape_cast %xor3A_181 : vector<16xi32> to vector<16x1xi32>
        %gather3A = vector.shape_cast %broadcast_in_dim3A_182 : vector<16x1xi32> to vector<16xi32>
        %gather3A_183 = tpu.dynamic_gather %scan3A_178#2[%gather3A] in [0] : vector<16xf32>, vector<16xi32> -> vector<16xf32>
        %add3A_184 = arith.addf %scan3A_178#2, %gather3A_183 : vector<16xf32>
        %xor3A_185 = arith.constant 4 : i32
        %xor3A_186 = vector.broadcast %xor3A_185 : i32 to vector<16xi32>
        %xor3A_187 = arith.xori %iota3A, %xor3A_186 : vector<16xi32>
        %broadcast_in_dim3A_188 = vector.shape_cast %xor3A_187 : vector<16xi32> to vector<16x1xi32>
        %gather3A_189 = vector.shape_cast %broadcast_in_dim3A_188 : vector<16x1xi32> to vector<16xi32>
        %gather3A_190 = tpu.dynamic_gather %add3A_184[%gather3A_189] in [0] : vector<16xf32>, vector<16xi32> -> vector<16xf32>
        %add3A_191 = arith.addf %add3A_184, %gather3A_190 : vector<16xf32>
        %xor3A_192 = arith.constant 2 : i32
        %xor3A_193 = vector.broadcast %xor3A_192 : i32 to vector<16xi32>
        %xor3A_194 = arith.xori %iota3A, %xor3A_193 : vector<16xi32>
        %broadcast_in_dim3A_195 = vector.shape_cast %xor3A_194 : vector<16xi32> to vector<16x1xi32>
        %gather3A_196 = vector.shape_cast %broadcast_in_dim3A_195 : vector<16x1xi32> to vector<16xi32>
        %gather3A_197 = tpu.dynamic_gather %add3A_191[%gather3A_196] in [0] : vector<16xf32>, vector<16xi32> -> vector<16xf32>
        %add3A_198 = arith.addf %add3A_191, %gather3A_197 : vector<16xf32>
        %xor3A_199 = arith.constant 1 : i32
        %xor3A_200 = vector.broadcast %xor3A_199 : i32 to vector<16xi32>
        %xor3A_201 = arith.xori %iota3A, %xor3A_200 : vector<16xi32>
        %broadcast_in_dim3A_202 = vector.shape_cast %xor3A_201 : vector<16xi32> to vector<16x1xi32>
        %gather3A_203 = vector.shape_cast %broadcast_in_dim3A_202 : vector<16x1xi32> to vector<16xi32>
        %gather3A_204 = tpu.dynamic_gather %add3A_198[%gather3A_203] in [0] : vector<16xf32>, vector<16xi32> -> vector<16xf32>
        %add3A_205 = arith.addf %add3A_198, %gather3A_204 : vector<16xf32>
        %mul3A_206 = arith.mulf %add3A_205, %select_n3A : vector<16xf32>
        %get3A_207 = arith.index_cast %scan3A_178#0 : i32 to index
        %get3A_208 = tpu.vector_load %arg18[%get3A_207] {strides = array<i32>} : memref<1040xf32, #tpu.memory_space<vmem>>, vector<16xf32>,
        %get3A_209 = vector.shape_cast %get3A_208 : vector<16xf32> to vector<16xf32>
        %add3A_210 = arith.addf %get3A_209, %mul3A_206 : vector<16xf32>
        %swap3A_211 = arith.index_cast %scan3A_178#0 : i32 to index
        %swap3A_212 = tpu.vector_load %arg18[%swap3A_211] {strides = array<i32>} : memref<1040xf32, #tpu.memory_space<vmem>>, vector<16xf32>,
        %swap3A_213 = vector.shape_cast %swap3A_212 : vector<16xf32> to vector<16xf32>
        %swap3A_214 = vector.shape_cast %add3A_210 : vector<16xf32> to vector<16xf32>
        tpu.vector_store %arg18[%swap3A_211], %swap3A_214 {strides = array<i32>} : memref<1040xf32, #tpu.memory_space<vmem>>, vector<16xf32>,
        %xor3A_215 = arith.constant 8 : i32
        %xor3A_216 = vector.broadcast %xor3A_215 : i32 to vector<16xi32>
        %xor3A_217 = arith.xori %iota3A, %xor3A_216 : vector<16xi32>
        %broadcast_in_dim3A_218 = vector.shape_cast %xor3A_217 : vector<16xi32> to vector<16x1xi32>
        %gather3A_219 = vector.shape_cast %broadcast_in_dim3A_218 : vector<16x1xi32> to vector<16xi32>
        %gather3A_220 = tpu.dynamic_gather %scan3A_178#3[%gather3A_219] in [0] : vector<16xf32>, vector<16xi32> -> vector<16xf32>
        %add3A_221 = arith.addf %scan3A_178#3, %gather3A_220 : vector<16xf32>
        %xor3A_222 = arith.constant 4 : i32
        %xor3A_223 = vector.broadcast %xor3A_222 : i32 to vector<16xi32>
        %xor3A_224 = arith.xori %iota3A, %xor3A_223 : vector<16xi32>
        %broadcast_in_dim3A_225 = vector.shape_cast %xor3A_224 : vector<16xi32> to vector<16x1xi32>
        %gather3A_226 = vector.shape_cast %broadcast_in_dim3A_225 : vector<16x1xi32> to vector<16xi32>
        %gather3A_227 = tpu.dynamic_gather %add3A_221[%gather3A_226] in [0] : vector<16xf32>, vector<16xi32> -> vector<16xf32>
        %add3A_228 = arith.addf %add3A_221, %gather3A_227 : vector<16xf32>
        %xor3A_229 = arith.constant 2 : i32
        %xor3A_230 = vector.broadcast %xor3A_229 : i32 to vector<16xi32>
        %xor3A_231 = arith.xori %iota3A, %xor3A_230 : vector<16xi32>
        %broadcast_in_dim3A_232 = vector.shape_cast %xor3A_231 : vector<16xi32> to vector<16x1xi32>
        %gather3A_233 = vector.shape_cast %broadcast_in_dim3A_232 : vector<16x1xi32> to vector<16xi32>
        %gather3A_234 = tpu.dynamic_gather %add3A_228[%gather3A_233] in [0] : vector<16xf32>, vector<16xi32> -> vector<16xf32>
        %add3A_235 = arith.addf %add3A_228, %gather3A_234 : vector<16xf32>
        %xor3A_236 = arith.constant 1 : i32
        %xor3A_237 = vector.broadcast %xor3A_236 : i32 to vector<16xi32>
        %xor3A_238 = arith.xori %iota3A, %xor3A_237 : vector<16xi32>
        %broadcast_in_dim3A_239 = vector.shape_cast %xor3A_238 : vector<16xi32> to vector<16x1xi32>
        %gather3A_240 = vector.shape_cast %broadcast_in_dim3A_239 : vector<16x1xi32> to vector<16xi32>
        %gather3A_241 = tpu.dynamic_gather %add3A_235[%gather3A_240] in [0] : vector<16xf32>, vector<16xi32> -> vector<16xf32>
        %add3A_242 = arith.addf %add3A_235, %gather3A_241 : vector<16xf32>
        %mul3A_243 = arith.mulf %add3A_242, %select_n3A : vector<16xf32>
        %get3A_244 = arith.index_cast %scan3A_178#0 : i32 to index
        %get3A_245 = tpu.vector_load %arg19[%get3A_244] {strides = array<i32>} : memref<1040xf32, #tpu.memory_space<vmem>>, vector<16xf32>,
        %get3A_246 = vector.shape_cast %get3A_245 : vector<16xf32> to vector<16xf32>
        %add3A_247 = arith.addf %get3A_246, %mul3A_243 : vector<16xf32>
        %swap3A_248 = arith.index_cast %scan3A_178#0 : i32 to index
        %swap3A_249 = tpu.vector_load %arg19[%swap3A_248] {strides = array<i32>} : memref<1040xf32, #tpu.memory_space<vmem>>, vector<16xf32>,
        %swap3A_250 = vector.shape_cast %swap3A_249 : vector<16xf32> to vector<16xf32>
        %swap3A_251 = vector.shape_cast %add3A_247 : vector<16xf32> to vector<16xf32>
        tpu.vector_store %arg19[%swap3A_248], %swap3A_251 {strides = array<i32>} : memref<1040xf32, #tpu.memory_space<vmem>>, vector<16xf32>,
        %xor3A_252 = arith.constant 8 : i32
        %xor3A_253 = vector.broadcast %xor3A_252 : i32 to vector<16xi32>
        %xor3A_254 = arith.xori %iota3A, %xor3A_253 : vector<16xi32>
        %broadcast_in_dim3A_255 = vector.shape_cast %xor3A_254 : vector<16xi32> to vector<16x1xi32>
        %gather3A_256 = vector.shape_cast %broadcast_in_dim3A_255 : vector<16x1xi32> to vector<16xi32>
        %gather3A_257 = tpu.dynamic_gather %scan3A_178#4[%gather3A_256] in [0] : vector<16xf32>, vector<16xi32> -> vector<16xf32>
        %add3A_258 = arith.addf %scan3A_178#4, %gather3A_257 : vector<16xf32>
        %xor3A_259 = arith.constant 4 : i32
        %xor3A_260 = vector.broadcast %xor3A_259 : i32 to vector<16xi32>
        %xor3A_261 = arith.xori %iota3A, %xor3A_260 : vector<16xi32>
        %broadcast_in_dim3A_262 = vector.shape_cast %xor3A_261 : vector<16xi32> to vector<16x1xi32>
        %gather3A_263 = vector.shape_cast %broadcast_in_dim3A_262 : vector<16x1xi32> to vector<16xi32>
        %gather3A_264 = tpu.dynamic_gather %add3A_258[%gather3A_263] in [0] : vector<16xf32>, vector<16xi32> -> vector<16xf32>
        %add3A_265 = arith.addf %add3A_258, %gather3A_264 : vector<16xf32>
        %xor3A_266 = arith.constant 2 : i32
        %xor3A_267 = vector.broadcast %xor3A_266 : i32 to vector<16xi32>
        %xor3A_268 = arith.xori %iota3A, %xor3A_267 : vector<16xi32>
        %broadcast_in_dim3A_269 = vector.shape_cast %xor3A_268 : vector<16xi32> to vector<16x1xi32>
        %gather3A_270 = vector.shape_cast %broadcast_in_dim3A_269 : vector<16x1xi32> to vector<16xi32>
        %gather3A_271 = tpu.dynamic_gather %add3A_265[%gather3A_270] in [0] : vector<16xf32>, vector<16xi32> -> vector<16xf32>
        %add3A_272 = arith.addf %add3A_265, %gather3A_271 : vector<16xf32>
        %xor3A_273 = arith.constant 1 : i32
        %xor3A_274 = vector.broadcast %xor3A_273 : i32 to vector<16xi32>
        %xor3A_275 = arith.xori %iota3A, %xor3A_274 : vector<16xi32>
        %broadcast_in_dim3A_276 = vector.shape_cast %xor3A_275 : vector<16xi32> to vector<16x1xi32>
        %gather3A_277 = vector.shape_cast %broadcast_in_dim3A_276 : vector<16x1xi32> to vector<16xi32>
        %gather3A_278 = tpu.dynamic_gather %add3A_272[%gather3A_277] in [0] : vector<16xf32>, vector<16xi32> -> vector<16xf32>
        %add3A_279 = arith.addf %add3A_272, %gather3A_278 : vector<16xf32>
        %mul3A_280 = arith.mulf %add3A_279, %select_n3A : vector<16xf32>
        %get3A_281 = arith.index_cast %scan3A_178#0 : i32 to index
        %get3A_282 = tpu.vector_load %arg20[%get3A_281] {strides = array<i32>} : memref<1040xf32, #tpu.memory_space<vmem>>, vector<16xf32>,
        %get3A_283 = vector.shape_cast %get3A_282 : vector<16xf32> to vector<16xf32>
        %add3A_284 = arith.addf %get3A_283, %mul3A_280 : vector<16xf32>
        %swap3A_285 = arith.index_cast %scan3A_178#0 : i32 to index
        %swap3A_286 = tpu.vector_load %arg20[%swap3A_285] {strides = array<i32>} : memref<1040xf32, #tpu.memory_space<vmem>>, vector<16xf32>,
        %swap3A_287 = vector.shape_cast %swap3A_286 : vector<16xf32> to vector<16xf32>
        %swap3A_288 = vector.shape_cast %add3A_284 : vector<16xf32> to vector<16xf32>
        tpu.vector_store %arg20[%swap3A_285], %swap3A_288 {strides = array<i32>} : memref<1040xf32, #tpu.memory_space<vmem>>, vector<16xf32>,
        %xor3A_289 = arith.constant 8 : i32
        %xor3A_290 = vector.broadcast %xor3A_289 : i32 to vector<16xi32>
        %xor3A_291 = arith.xori %iota3A, %xor3A_290 : vector<16xi32>
        %broadcast_in_dim3A_292 = vector.shape_cast %xor3A_291 : vector<16xi32> to vector<16x1xi32>
        %gather3A_293 = vector.shape_cast %broadcast_in_dim3A_292 : vector<16x1xi32> to vector<16xi32>
        %gather3A_294 = tpu.dynamic_gather %scan3A_178#1[%gather3A_293] in [0] : vector<16xf32>, vector<16xi32> -> vector<16xf32>
        %add3A_295 = arith.addf %scan3A_178#1, %gather3A_294 : vector<16xf32>
        %xor3A_296 = arith.constant 4 : i32
        %xor3A_297 = vector.broadcast %xor3A_296 : i32 to vector<16xi32>
        %xor3A_298 = arith.xori %iota3A, %xor3A_297 : vector<16xi32>
        %broadcast_in_dim3A_299 = vector.shape_cast %xor3A_298 : vector<16xi32> to vector<16x1xi32>
        %gather3A_300 = vector.shape_cast %broadcast_in_dim3A_299 : vector<16x1xi32> to vector<16xi32>
        %gather3A_301 = tpu.dynamic_gather %add3A_295[%gather3A_300] in [0] : vector<16xf32>, vector<16xi32> -> vector<16xf32>
        %add3A_302 = arith.addf %add3A_295, %gather3A_301 : vector<16xf32>
        %xor3A_303 = arith.constant 2 : i32
        %xor3A_304 = vector.broadcast %xor3A_303 : i32 to vector<16xi32>
        %xor3A_305 = arith.xori %iota3A, %xor3A_304 : vector<16xi32>
        %broadcast_in_dim3A_306 = vector.shape_cast %xor3A_305 : vector<16xi32> to vector<16x1xi32>
        %gather3A_307 = vector.shape_cast %broadcast_in_dim3A_306 : vector<16x1xi32> to vector<16xi32>
        %gather3A_308 = tpu.dynamic_gather %add3A_302[%gather3A_307] in [0] : vector<16xf32>, vector<16xi32> -> vector<16xf32>
        %add3A_309 = arith.addf %add3A_302, %gather3A_308 : vector<16xf32>
        %xor3A_310 = arith.constant 1 : i32
        %xor3A_311 = vector.broadcast %xor3A_310 : i32 to vector<16xi32>
        %xor3A_312 = arith.xori %iota3A, %xor3A_311 : vector<16xi32>
        %broadcast_in_dim3A_313 = vector.shape_cast %xor3A_312 : vector<16xi32> to vector<16x1xi32>
        %gather3A_314 = vector.shape_cast %broadcast_in_dim3A_313 : vector<16x1xi32> to vector<16xi32>
        %gather3A_315 = tpu.dynamic_gather %add3A_309[%gather3A_314] in [0] : vector<16xf32>, vector<16xi32> -> vector<16xf32>
        %add3A_316 = arith.addf %add3A_309, %gather3A_315 : vector<16xf32>
        %mul3A_317 = arith.mulf %add3A_316, %select_n3A : vector<16xf32>
        %get3A_318 = arith.index_cast %scan3A_178#0 : i32 to index
        %get3A_319 = tpu.vector_load %arg21[%get3A_318] {strides = array<i32>} : memref<1040xf32, #tpu.memory_space<vmem>>, vector<16xf32>,
        %get3A_320 = vector.shape_cast %get3A_319 : vector<16xf32> to vector<16xf32>
        %add3A_321 = arith.addf %get3A_320, %mul3A_317 : vector<16xf32>
        %swap3A_322 = arith.index_cast %scan3A_178#0 : i32 to index
        %swap3A_323 = tpu.vector_load %arg21[%swap3A_322] {strides = array<i32>} : memref<1040xf32, #tpu.memory_space<vmem>>, vector<16xf32>,
        %swap3A_324 = vector.shape_cast %swap3A_323 : vector<16xf32> to vector<16xf32>
        %swap3A_325 = vector.shape_cast %add3A_321 : vector<16xf32> to vector<16xf32>
        tpu.vector_store %arg21[%swap3A_322], %swap3A_325 {strides = array<i32>} : memref<1040xf32, #tpu.memory_space<vmem>>, vector<16xf32>,
        "tpu.region"() ({
          %run_scoped3A = tpu.sem_alloc : memref<!tpu.dma_semaphore, #tpu.memory_space<semaphore_mem>>
          %dma_start3A = arith.constant 0 : i32
          %dma_start3A_326 = tpu.memref_slice %arg15[%dma_start3A] : memref<2048xf32, #tpu.memory_space<vmem>> -> memref<2048xf32, #tpu.memory_space<vmem>>
          %dma_start3A_327 = tpu.memref_slice %arg5[%mul3A_171] : memref<1600000xf32, #tpu.memory_space<hbm>> -> memref<2048xf32, #tpu.memory_space<hbm>>
          %dma_start3A_328 = tpu.memref_slice %arg5[%mul3A_171] : memref<1600000xf32, #tpu.memory_space<hbm>> -> memref<2048xf32, #tpu.memory_space<hbm>>
          %dma_start3A_329 = arith.constant 0 : i32
          %dma_start3A_330 = tpu.memref_slice %arg15[%dma_start3A_329] : memref<2048xf32, #tpu.memory_space<vmem>> -> memref<2048xf32, #tpu.memory_space<vmem>>
          tpu.enqueue_dma source(%dma_start3A_330 : memref<2048xf32, #tpu.memory_space<vmem>>) target(%dma_start3A_328 : memref<2048xf32, #tpu.memory_space<hbm>>) target_semaphore(%run_scoped3A : memref<!tpu.dma_semaphore, #tpu.memory_space<semaphore_mem>>)
          %dma_wait3A_331 = arith.constant 0 : i32
          %dma_wait3A_332 = tpu.memref_slice %arg15[%dma_wait3A_331] : memref<2048xf32, #tpu.memory_space<vmem>> -> memref<2048xf32, #tpu.memory_space<vmem>>
          %dma_wait3A_333 = tpu.memref_slice %arg5[%mul3A_171] : memref<1600000xf32, #tpu.memory_space<hbm>> -> memref<2048xf32, #tpu.memory_space<hbm>>
          %dma_wait3A_334 = tpu.memref_slice %arg5[%mul3A_171] : memref<1600000xf32, #tpu.memory_space<hbm>> -> memref<2048xf32, #tpu.memory_space<hbm>>
          %dma_wait3A_335 = arith.constant 0 : i32
          %dma_wait3A_336 = tpu.memref_slice %arg15[%dma_wait3A_335] : memref<2048xf32, #tpu.memory_space<vmem>> -> memref<2048xf32, #tpu.memory_space<vmem>>
          tpu.wait_dma2 semaphore(%run_scoped3A : memref<!tpu.dma_semaphore, #tpu.memory_space<semaphore_mem>>) src(%dma_wait3A_336 : memref<2048xf32, #tpu.memory_space<vmem>>) dst(%dma_wait3A_334 : memref<2048xf32, #tpu.memory_space<hbm>>)
          tpu.yield
        }) : () -> ()
        "tpu.region"() ({
          %run_scoped3A = tpu.sem_alloc : memref<!tpu.dma_semaphore, #tpu.memory_space<semaphore_mem>>
          %dma_start3A = arith.constant 0 : i32
          %dma_start3A_326 = tpu.memref_slice %arg16[%dma_start3A] : memref<2048xf32, #tpu.memory_space<vmem>> -> memref<2048xf32, #tpu.memory_space<vmem>>
          %dma_start3A_327 = tpu.memref_slice %arg6[%mul3A_171] : memref<1600000xf32, #tpu.memory_space<hbm>> -> memref<2048xf32, #tpu.memory_space<hbm>>
          %dma_start3A_328 = tpu.memref_slice %arg6[%mul3A_171] : memref<1600000xf32, #tpu.memory_space<hbm>> -> memref<2048xf32, #tpu.memory_space<hbm>>
          %dma_start3A_329 = arith.constant 0 : i32
          %dma_start3A_330 = tpu.memref_slice %arg16[%dma_start3A_329] : memref<2048xf32, #tpu.memory_space<vmem>> -> memref<2048xf32, #tpu.memory_space<vmem>>
          tpu.enqueue_dma source(%dma_start3A_330 : memref<2048xf32, #tpu.memory_space<vmem>>) target(%dma_start3A_328 : memref<2048xf32, #tpu.memory_space<hbm>>) target_semaphore(%run_scoped3A : memref<!tpu.dma_semaphore, #tpu.memory_space<semaphore_mem>>)
          %dma_wait3A_331 = arith.constant 0 : i32
          %dma_wait3A_332 = tpu.memref_slice %arg16[%dma_wait3A_331] : memref<2048xf32, #tpu.memory_space<vmem>> -> memref<2048xf32, #tpu.memory_space<vmem>>
          %dma_wait3A_333 = tpu.memref_slice %arg6[%mul3A_171] : memref<1600000xf32, #tpu.memory_space<hbm>> -> memref<2048xf32, #tpu.memory_space<hbm>>
          %dma_wait3A_334 = tpu.memref_slice %arg6[%mul3A_171] : memref<1600000xf32, #tpu.memory_space<hbm>> -> memref<2048xf32, #tpu.memory_space<hbm>>
          %dma_wait3A_335 = arith.constant 0 : i32
          %dma_wait3A_336 = tpu.memref_slice %arg16[%dma_wait3A_335] : memref<2048xf32, #tpu.memory_space<vmem>> -> memref<2048xf32, #tpu.memory_space<vmem>>
          tpu.wait_dma2 semaphore(%run_scoped3A : memref<!tpu.dma_semaphore, #tpu.memory_space<semaphore_mem>>) src(%dma_wait3A_336 : memref<2048xf32, #tpu.memory_space<vmem>>) dst(%dma_wait3A_334 : memref<2048xf32, #tpu.memory_space<hbm>>)
          tpu.yield
        }) : () -> ()
        "tpu.region"() ({
          %run_scoped3A = tpu.sem_alloc : memref<!tpu.dma_semaphore, #tpu.memory_space<semaphore_mem>>
          %dma_start3A = arith.constant 0 : i32
          %dma_start3A_326 = tpu.memref_slice %arg17[%dma_start3A] : memref<2048xf32, #tpu.memory_space<vmem>> -> memref<2048xf32, #tpu.memory_space<vmem>>
          %dma_start3A_327 = tpu.memref_slice %arg7[%mul3A_171] : memref<1600000xf32, #tpu.memory_space<hbm>> -> memref<2048xf32, #tpu.memory_space<hbm>>
          %dma_start3A_328 = tpu.memref_slice %arg7[%mul3A_171] : memref<1600000xf32, #tpu.memory_space<hbm>> -> memref<2048xf32, #tpu.memory_space<hbm>>
          %dma_start3A_329 = arith.constant 0 : i32
          %dma_start3A_330 = tpu.memref_slice %arg17[%dma_start3A_329] : memref<2048xf32, #tpu.memory_space<vmem>> -> memref<2048xf32, #tpu.memory_space<vmem>>
          tpu.enqueue_dma source(%dma_start3A_330 : memref<2048xf32, #tpu.memory_space<vmem>>) target(%dma_start3A_328 : memref<2048xf32, #tpu.memory_space<hbm>>) target_semaphore(%run_scoped3A : memref<!tpu.dma_semaphore, #tpu.memory_space<semaphore_mem>>)
          %dma_wait3A_331 = arith.constant 0 : i32
          %dma_wait3A_332 = tpu.memref_slice %arg17[%dma_wait3A_331] : memref<2048xf32, #tpu.memory_space<vmem>> -> memref<2048xf32, #tpu.memory_space<vmem>>
          %dma_wait3A_333 = tpu.memref_slice %arg7[%mul3A_171] : memref<1600000xf32, #tpu.memory_space<hbm>> -> memref<2048xf32, #tpu.memory_space<hbm>>
          %dma_wait3A_334 = tpu.memref_slice %arg7[%mul3A_171] : memref<1600000xf32, #tpu.memory_space<hbm>> -> memref<2048xf32, #tpu.memory_space<hbm>>
          %dma_wait3A_335 = arith.constant 0 : i32
          %dma_wait3A_336 = tpu.memref_slice %arg17[%dma_wait3A_335] : memref<2048xf32, #tpu.memory_space<vmem>> -> memref<2048xf32, #tpu.memory_space<vmem>>
          tpu.wait_dma2 semaphore(%run_scoped3A : memref<!tpu.dma_semaphore, #tpu.memory_space<semaphore_mem>>) src(%dma_wait3A_336 : memref<2048xf32, #tpu.memory_space<vmem>>) dst(%dma_wait3A_334 : memref<2048xf32, #tpu.memory_space<hbm>>)
          tpu.yield
        }) : () -> ()
      } else {
      }
      %while3A_142 = arith.constant 0 : i32
      scf.yield %while3A_142 : i32
    }
    %while3A_98 = arith.constant 1 : i32
    %while3A_99 = scf.for %while3A_115 = %while3A_95 to %while3A_91 step %while3A_98 iter_args(%while3A_116 = %while3A_97) -> (i32)  : i32 {
      %add3A_117 = arith.addi %select_n3A_57, %while3A_115 : i32
      %jit3A_118 = arith.constant 2 : i32
      %eq3A_119 = arith.constant 0 : i32
      %eq3A_120 = arith.cmpi eq, %jit3A_118, %eq3A_119 : i32
      %jit3A_121 = arith.constant 1 : i32
      %select_n3A_122 = arith.select %eq3A_120, %jit3A_121, %jit3A_118 : i32
      %rem3A_123 = arith.remsi %while3A_115, %select_n3A_122 : i32
      %ne3A_124 = arith.constant 0 : i32
      %ne3A_125 = arith.cmpi ne, %rem3A_123, %ne3A_124 : i32
      %lt3A = arith.constant 0 : i32
      %lt3A_126 = arith.cmpi slt, %rem3A_123, %lt3A : i32
      %lt3A_127 = arith.constant 0 : i32
      %lt3A_128 = arith.cmpi slt, %select_n3A_122, %lt3A_127 : i32
      %ne3A_129 = arith.xori %lt3A_126, %lt3A_128 : i1
      %and3A_130 = arith.andi %ne3A_129, %ne3A_125 : i1
      %add3A_131 = arith.addi %rem3A_123, %select_n3A_122 : i32
      %select_n3A_132 = arith.select %and3A_130, %add3A_131, %rem3A_123 : i32
      %eq3A_133 = arith.constant 0 : i32
      %eq3A_134 = arith.cmpi eq, %select_n3A_132, %eq3A_133 : i32
      %convert_element_type3A_135 = arith.extui %eq3A_134 : i1 to i32
      %cond3A_136 = arith.constant 0 : i32
      %cond3A_137 = arith.cmpi ne, %convert_element_type3A_135, %cond3A_136 : i32
      scf.if %cond3A_137 {
        %dma_wait3A = arith.constant 0 : i32
        %dma_wait3A_143 = arith.constant 0 : i32
        %dma_wait3A_144 = arith.constant 0 : i32
        %dma_wait3A_145 = tpu.memref_slice %arg2[%dma_wait3A, %dma_wait3A_143, %dma_wait3A_144] : memref<3x4x1600000xf32, #tpu.memory_space<hbm>> -> memref<3x4x2048xf32, #tpu.memory_space<hbm>>
        %dma_wait3A_146 = arith.constant 0 : i32
        %dma_wait3A_147 = arith.constant 0 : i32
        %dma_wait3A_148 = arith.constant 0 : i32
        %dma_wait3A_149 = tpu.memref_slice %arg2[%dma_wait3A_146, %dma_wait3A_147, %dma_wait3A_148] : memref<3x4x1600000xf32, #tpu.memory_space<hbm>> -> memref<3x4x2048xf32, #tpu.memory_space<hbm>>
        tpu.wait_dma2 semaphore(%arg25 : memref<!tpu.dma_semaphore, #tpu.memory_space<semaphore_mem>>) src(%dma_wait3A_149 : memref<3x4x2048xf32, #tpu.memory_space<hbm>>) dst(%arg9 : memref<3x4x2048xf32, #tpu.memory_space<vmem>>)
        %dma_wait3A_150 = arith.constant 0 : i32
        %dma_wait3A_151 = arith.constant 0 : i32
        %dma_wait3A_152 = tpu.memref_slice %arg3[%dma_wait3A_150, %dma_wait3A_151] : memref<3x1600000xf32, #tpu.memory_space<hbm>> -> memref<3x2048xf32, #tpu.memory_space<hbm>>
        %dma_wait3A_153 = arith.constant 0 : i32
        %dma_wait3A_154 = arith.constant 0 : i32
        %dma_wait3A_155 = tpu.memref_slice %arg3[%dma_wait3A_153, %dma_wait3A_154] : memref<3x1600000xf32, #tpu.memory_space<hbm>> -> memref<3x2048xf32, #tpu.memory_space<hbm>>
        tpu.wait_dma2 semaphore(%arg25 : memref<!tpu.dma_semaphore, #tpu.memory_space<semaphore_mem>>) src(%dma_wait3A_155 : memref<3x2048xf32, #tpu.memory_space<hbm>>) dst(%arg10 : memref<3x2048xf32, #tpu.memory_space<vmem>>)
        %dma_wait3A_156 = arith.constant 0 : i32
        %dma_wait3A_157 = tpu.memref_slice %arg11[%dma_wait3A_156] : memref<2064xi32, #tpu.memory_space<vmem>> -> memref<2048xi32, #tpu.memory_space<vmem>>
        %dma_wait3A_158 = arith.constant 0 : i32
        %dma_wait3A_159 = tpu.memref_slice %arg4[%dma_wait3A_158] : memref<1600000xi32, #tpu.memory_space<hbm>> -> memref<2048xi32, #tpu.memory_space<hbm>>
        %dma_wait3A_160 = arith.constant 0 : i32
        %dma_wait3A_161 = tpu.memref_slice %arg11[%dma_wait3A_160] : memref<2064xi32, #tpu.memory_space<vmem>> -> memref<2048xi32, #tpu.memory_space<vmem>>
        %dma_wait3A_162 = arith.constant 0 : i32
        %dma_wait3A_163 = tpu.memref_slice %arg4[%dma_wait3A_162] : memref<1600000xi32, #tpu.memory_space<hbm>> -> memref<2048xi32, #tpu.memory_space<hbm>>
        tpu.wait_dma2 semaphore(%arg25 : memref<!tpu.dma_semaphore, #tpu.memory_space<semaphore_mem>>) src(%dma_wait3A_163 : memref<2048xi32, #tpu.memory_space<hbm>>) dst(%dma_wait3A_161 : memref<2048xi32, #tpu.memory_space<vmem>>)
        %add3A_164 = arith.constant 1 : i32
        %add3A_165 = arith.addi %add3A_117, %add3A_164 : i32
        %lt3A_166 = arith.cmpi slt, %add3A_165, %select_n3A_85 : i32
        %convert_element_type3A_167 = arith.extui %lt3A_166 : i1 to i32
        %cond3A_168 = arith.constant 0 : i32
        %cond3A_169 = arith.cmpi ne, %convert_element_type3A_167, %cond3A_168 : i32
        scf.if %cond3A_169 {
          %add3A_326 = arith.constant 1 : i32
          %add3A_327 = arith.addi %add3A_117, %add3A_326 : i32
          %mul3A_328 = arith.constant 2048 : i32
          %mul3A_329 = arith.muli %add3A_327, %mul3A_328 : i32
          %dma_start3A = arith.constant 0 : i32
          %dma_start3A_330 = arith.constant 0 : i32
          %dma_start3A_331 = tpu.memref_slice %arg2[%dma_start3A, %dma_start3A_330, %mul3A_329] : memref<3x4x1600000xf32, #tpu.memory_space<hbm>> -> memref<3x4x2048xf32, #tpu.memory_space<hbm>>
          %dma_start3A_332 = arith.constant 0 : i32
          %dma_start3A_333 = arith.constant 0 : i32
          %dma_start3A_334 = tpu.memref_slice %arg2[%dma_start3A_332, %dma_start3A_333, %mul3A_329] : memref<3x4x1600000xf32, #tpu.memory_space<hbm>> -> memref<3x4x2048xf32, #tpu.memory_space<hbm>>
          tpu.enqueue_dma source(%dma_start3A_334 : memref<3x4x2048xf32, #tpu.memory_space<hbm>>) target(%arg12 : memref<3x4x2048xf32, #tpu.memory_space<vmem>>) target_semaphore(%arg26 : memref<!tpu.dma_semaphore, #tpu.memory_space<semaphore_mem>>)
          %dma_start3A_335 = arith.constant 0 : i32
          %dma_start3A_336 = tpu.memref_slice %arg3[%dma_start3A_335, %mul3A_329] : memref<3x1600000xf32, #tpu.memory_space<hbm>> -> memref<3x2048xf32, #tpu.memory_space<hbm>>
          %dma_start3A_337 = arith.constant 0 : i32
          %dma_start3A_338 = tpu.memref_slice %arg3[%dma_start3A_337, %mul3A_329] : memref<3x1600000xf32, #tpu.memory_space<hbm>> -> memref<3x2048xf32, #tpu.memory_space<hbm>>
          tpu.enqueue_dma source(%dma_start3A_338 : memref<3x2048xf32, #tpu.memory_space<hbm>>) target(%arg13 : memref<3x2048xf32, #tpu.memory_space<vmem>>) target_semaphore(%arg26 : memref<!tpu.dma_semaphore, #tpu.memory_space<semaphore_mem>>)
          %dma_start3A_339 = arith.constant 0 : i32
          %dma_start3A_340 = tpu.memref_slice %arg14[%dma_start3A_339] : memref<2064xi32, #tpu.memory_space<vmem>> -> memref<2048xi32, #tpu.memory_space<vmem>>
          %dma_start3A_341 = tpu.memref_slice %arg4[%mul3A_329] : memref<1600000xi32, #tpu.memory_space<hbm>> -> memref<2048xi32, #tpu.memory_space<hbm>>
          %dma_start3A_342 = arith.constant 0 : i32
          %dma_start3A_343 = tpu.memref_slice %arg14[%dma_start3A_342] : memref<2064xi32, #tpu.memory_space<vmem>> -> memref<2048xi32, #tpu.memory_space<vmem>>
          %dma_start3A_344 = tpu.memref_slice %arg4[%mul3A_329] : memref<1600000xi32, #tpu.memory_space<hbm>> -> memref<2048xi32, #tpu.memory_space<hbm>>
          tpu.enqueue_dma source(%dma_start3A_344 : memref<2048xi32, #tpu.memory_space<hbm>>) target(%dma_start3A_343 : memref<2048xi32, #tpu.memory_space<vmem>>) target_semaphore(%arg26 : memref<!tpu.dma_semaphore, #tpu.memory_space<semaphore_mem>>)
        } else {
        }
        %mul3A_170 = arith.constant 2048 : i32
        %mul3A_171 = arith.muli %add3A_117, %mul3A_170 : i32
        %get3A = arith.constant 0 : index
        %get3A_172 = tpu.vector_load %arg11[%get3A] {strides = array<i32>} : memref<2064xi32, #tpu.memory_space<vmem>>, vector<16xi32>,
        %get3A_173 = vector.shape_cast %get3A_172 : vector<16xi32> to vector<16xi32>
        %slice3A = vector.extract_strided_slice %get3A_173 {offsets = [0], sizes = [1], strides = [1]} : vector<16xi32> to vector<1xi32>
        %squeeze3A = vector.extract %slice3A[0] : i32 from vector<1xi32>
        %scan3A_174 = arith.constant 0 : i32
        %scan3A_175 = arith.constant 128 : i32
        %scan3A_176 = arith.addi %scan3A_174, %scan3A_175 : i32
        %scan3A_177 = arith.constant 1 : i32
        %scan3A_178:5 = scf.for %scan3A_326 = %scan3A_174 to %scan3A_176 step %scan3A_177 iter_args(%scan3A_327 = %squeeze3A, %scan3A_328 = %broadcast_in_dim3A_8, %scan3A_329 = %broadcast_in_dim3A_8, %scan3A_330 = %broadcast_in_dim3A_8, %scan3A_331 = %broadcast_in_dim3A_8) -> (i32, vector<16xf32>, vector<16xf32>, vector<16xf32>, vector<16xf32>)  : i32 {
          %mul3A_332 = arith.constant 16 : i32
          %mul3A_333 = arith.muli %scan3A_326, %mul3A_332 : i32
          %get3A_334 = arith.constant 0 : i32
          %get3A_335 = arith.constant 0 : i32
          %get3A_336 = arith.index_cast %get3A_334 : i32 to index
          %get3A_337 = arith.index_cast %get3A_335 : i32 to index
          %get3A_338 = arith.index_cast %mul3A_333 : i32 to index
          %get3A_339 = tpu.vector_load %arg9[%get3A_336, %get3A_337, %get3A_338] {strides = array<i32>} : memref<3x4x2048xf32, #tpu.memory_space<vmem>>, vector<1x1x16xf32>,
          %get3A_340 = vector.shape_cast %get3A_339 : vector<1x1x16xf32> to vector<16xf32>
          %get3A_341 = arith.constant 0 : i32
          %get3A_342 = arith.constant 1 : i32
          %get3A_343 = arith.index_cast %get3A_341 : i32 to index
          %get3A_344 = arith.index_cast %get3A_342 : i32 to index
          %get3A_345 = arith.index_cast %mul3A_333 : i32 to index
          %get3A_346 = tpu.vector_load %arg9[%get3A_343, %get3A_344, %get3A_345] {strides = array<i32>} : memref<3x4x2048xf32, #tpu.memory_space<vmem>>, vector<1x1x16xf32>,
          %get3A_347 = vector.shape_cast %get3A_346 : vector<1x1x16xf32> to vector<16xf32>
          %get3A_348 = arith.constant 0 : i32
          %get3A_349 = arith.constant 2 : i32
          %get3A_350 = arith.index_cast %get3A_348 : i32 to index
          %get3A_351 = arith.index_cast %get3A_349 : i32 to index
          %get3A_352 = arith.index_cast %mul3A_333 : i32 to index
          %get3A_353 = tpu.vector_load %arg9[%get3A_350, %get3A_351, %get3A_352] {strides = array<i32>} : memref<3x4x2048xf32, #tpu.memory_space<vmem>>, vector<1x1x16xf32>,
          %get3A_354 = vector.shape_cast %get3A_353 : vector<1x1x16xf32> to vector<16xf32>
          %get3A_355 = arith.constant 0 : i32
          %get3A_356 = arith.constant 3 : i32
          %get3A_357 = arith.index_cast %get3A_355 : i32 to index
          %get3A_358 = arith.index_cast %get3A_356 : i32 to index
          %get3A_359 = arith.index_cast %mul3A_333 : i32 to index
          %get3A_360 = tpu.vector_load %arg9[%get3A_357, %get3A_358, %get3A_359] {strides = array<i32>} : memref<3x4x2048xf32, #tpu.memory_space<vmem>>, vector<1x1x16xf32>,
          %get3A_361 = vector.shape_cast %get3A_360 : vector<1x1x16xf32> to vector<16xf32>
          %add3A_362 = arith.addf %get3A_340, %get3A_347 : vector<16xf32>
          %add3A_363 = arith.addf %add3A_362, %get3A_354 : vector<16xf32>
          %add3A_364 = arith.addf %add3A_363, %get3A_361 : vector<16xf32>
          %mul3A_365 = arith.constant 2.500000e-01 : f32
          %mul3A_366 = vector.broadcast %mul3A_365 : f32 to vector<16xf32>
          %mul3A_367 = arith.mulf %add3A_364, %mul3A_366 : vector<16xf32>
          %swap3A_368 = arith.index_cast %mul3A_333 : i32 to index
          %swap3A_369 = tpu.vector_load %arg15[%swap3A_368] {strides = array<i32>} : memref<2048xf32, #tpu.memory_space<vmem>>, vector<16xf32>,
          %swap3A_370 = vector.shape_cast %swap3A_369 : vector<16xf32> to vector<16xf32>
          %swap3A_371 = vector.shape_cast %mul3A_367 : vector<16xf32> to vector<16xf32>
          tpu.vector_store %arg15[%swap3A_368], %swap3A_371 {strides = array<i32>} : memref<2048xf32, #tpu.memory_space<vmem>>, vector<16xf32>,
          %sub3A_372 = arith.subf %get3A_340, %mul3A_367 : vector<16xf32>
          %sub3A_373 = arith.subf %get3A_347, %mul3A_367 : vector<16xf32>
          %sub3A_374 = arith.subf %get3A_354, %mul3A_367 : vector<16xf32>
          %sub3A_375 = arith.subf %get3A_361, %mul3A_367 : vector<16xf32>
          %mul3A_376 = arith.mulf %sub3A_372, %sub3A_372 : vector<16xf32>
          %mul3A_377 = arith.mulf %sub3A_373, %sub3A_373 : vector<16xf32>
          %add3A_378 = arith.addf %mul3A_376, %mul3A_377 : vector<16xf32>
          %mul3A_379 = arith.mulf %sub3A_374, %sub3A_374 : vector<16xf32>
          %add3A_380 = arith.addf %add3A_378, %mul3A_379 : vector<16xf32>
          %mul3A_381 = arith.mulf %sub3A_375, %sub3A_375 : vector<16xf32>
          %add3A_382 = arith.addf %add3A_380, %mul3A_381 : vector<16xf32>
          %add3A_383 = arith.addf %broadcast_in_dim3A_8, %add3A_382 : vector<16xf32>
          %get3A_384 = arith.constant 0 : i32
          %get3A_385 = arith.index_cast %get3A_384 : i32 to index
          %get3A_386 = arith.index_cast %mul3A_333 : i32 to index
          %get3A_387 = tpu.vector_load %arg10[%get3A_385, %get3A_386] {strides = array<i32>} : memref<3x2048xf32, #tpu.memory_space<vmem>>, vector<1x16xf32>,
          %get3A_388 = vector.shape_cast %get3A_387 : vector<1x16xf32> to vector<16xf32>
          %sub3A_389 = arith.subf %mul3A_367, %get3A_388 : vector<16xf32>
          %abs3A = math.absf %sub3A_389 : vector<16xf32>
          %add3A_390 = arith.addf %broadcast_in_dim3A_8, %abs3A : vector<16xf32>
          %mul3A_391 = arith.mulf %sub3A_389, %sub3A_389 : vector<16xf32>
          %add3A_392 = arith.addf %broadcast_in_dim3A_8, %mul3A_391 : vector<16xf32>
          %get3A_393 = arith.constant 1 : i32
          %get3A_394 = arith.constant 0 : i32
          %get3A_395 = arith.index_cast %get3A_393 : i32 to index
          %get3A_396 = arith.index_cast %get3A_394 : i32 to index
          %get3A_397 = arith.index_cast %mul3A_333 : i32 to index
          %get3A_398 = tpu.vector_load %arg9[%get3A_395, %get3A_396, %get3A_397] {strides = array<i32>} : memref<3x4x2048xf32, #tpu.memory_space<vmem>>, vector<1x1x16xf32>,
          %get3A_399 = vector.shape_cast %get3A_398 : vector<1x1x16xf32> to vector<16xf32>
          %get3A_400 = arith.constant 1 : i32
          %get3A_401 = arith.constant 1 : i32
          %get3A_402 = arith.index_cast %get3A_400 : i32 to index
          %get3A_403 = arith.index_cast %get3A_401 : i32 to index
          %get3A_404 = arith.index_cast %mul3A_333 : i32 to index
          %get3A_405 = tpu.vector_load %arg9[%get3A_402, %get3A_403, %get3A_404] {strides = array<i32>} : memref<3x4x2048xf32, #tpu.memory_space<vmem>>, vector<1x1x16xf32>,
          %get3A_406 = vector.shape_cast %get3A_405 : vector<1x1x16xf32> to vector<16xf32>
          %get3A_407 = arith.constant 1 : i32
          %get3A_408 = arith.constant 2 : i32
          %get3A_409 = arith.index_cast %get3A_407 : i32 to index
          %get3A_410 = arith.index_cast %get3A_408 : i32 to index
          %get3A_411 = arith.index_cast %mul3A_333 : i32 to index
          %get3A_412 = tpu.vector_load %arg9[%get3A_409, %get3A_410, %get3A_411] {strides = array<i32>} : memref<3x4x2048xf32, #tpu.memory_space<vmem>>, vector<1x1x16xf32>,
          %get3A_413 = vector.shape_cast %get3A_412 : vector<1x1x16xf32> to vector<16xf32>
          %get3A_414 = arith.constant 1 : i32
          %get3A_415 = arith.constant 3 : i32
          %get3A_416 = arith.index_cast %get3A_414 : i32 to index
          %get3A_417 = arith.index_cast %get3A_415 : i32 to index
          %get3A_418 = arith.index_cast %mul3A_333 : i32 to index
          %get3A_419 = tpu.vector_load %arg9[%get3A_416, %get3A_417, %get3A_418] {strides = array<i32>} : memref<3x4x2048xf32, #tpu.memory_space<vmem>>, vector<1x1x16xf32>,
          %get3A_420 = vector.shape_cast %get3A_419 : vector<1x1x16xf32> to vector<16xf32>
          %add3A_421 = arith.addf %get3A_399, %get3A_406 : vector<16xf32>
          %add3A_422 = arith.addf %add3A_421, %get3A_413 : vector<16xf32>
          %add3A_423 = arith.addf %add3A_422, %get3A_420 : vector<16xf32>
          %mul3A_424 = arith.constant 2.500000e-01 : f32
          %mul3A_425 = vector.broadcast %mul3A_424 : f32 to vector<16xf32>
          %mul3A_426 = arith.mulf %add3A_423, %mul3A_425 : vector<16xf32>
          %swap3A_427 = arith.index_cast %mul3A_333 : i32 to index
          %swap3A_428 = tpu.vector_load %arg16[%swap3A_427] {strides = array<i32>} : memref<2048xf32, #tpu.memory_space<vmem>>, vector<16xf32>,
          %swap3A_429 = vector.shape_cast %swap3A_428 : vector<16xf32> to vector<16xf32>
          %swap3A_430 = vector.shape_cast %mul3A_426 : vector<16xf32> to vector<16xf32>
          tpu.vector_store %arg16[%swap3A_427], %swap3A_430 {strides = array<i32>} : memref<2048xf32, #tpu.memory_space<vmem>>, vector<16xf32>,
          %sub3A_431 = arith.subf %get3A_399, %mul3A_426 : vector<16xf32>
          %sub3A_432 = arith.subf %get3A_406, %mul3A_426 : vector<16xf32>
          %sub3A_433 = arith.subf %get3A_413, %mul3A_426 : vector<16xf32>
          %sub3A_434 = arith.subf %get3A_420, %mul3A_426 : vector<16xf32>
          %mul3A_435 = arith.mulf %sub3A_431, %sub3A_431 : vector<16xf32>
          %mul3A_436 = arith.mulf %sub3A_432, %sub3A_432 : vector<16xf32>
          %add3A_437 = arith.addf %mul3A_435, %mul3A_436 : vector<16xf32>
          %mul3A_438 = arith.mulf %sub3A_433, %sub3A_433 : vector<16xf32>
          %add3A_439 = arith.addf %add3A_437, %mul3A_438 : vector<16xf32>
          %mul3A_440 = arith.mulf %sub3A_434, %sub3A_434 : vector<16xf32>
          %add3A_441 = arith.addf %add3A_439, %mul3A_440 : vector<16xf32>
          %add3A_442 = arith.addf %add3A_383, %add3A_441 : vector<16xf32>
          %get3A_443 = arith.constant 1 : i32
          %get3A_444 = arith.index_cast %get3A_443 : i32 to index
          %get3A_445 = arith.index_cast %mul3A_333 : i32 to index
          %get3A_446 = tpu.vector_load %arg10[%get3A_444, %get3A_445] {strides = array<i32>} : memref<3x2048xf32, #tpu.memory_space<vmem>>, vector<1x16xf32>,
          %get3A_447 = vector.shape_cast %get3A_446 : vector<1x16xf32> to vector<16xf32>
          %sub3A_448 = arith.subf %mul3A_426, %get3A_447 : vector<16xf32>
          %abs3A_449 = math.absf %sub3A_448 : vector<16xf32>
          %add3A_450 = arith.addf %add3A_390, %abs3A_449 : vector<16xf32>
          %mul3A_451 = arith.mulf %sub3A_448, %sub3A_448 : vector<16xf32>
          %add3A_452 = arith.addf %add3A_392, %mul3A_451 : vector<16xf32>
          %get3A_453 = arith.constant 2 : i32
          %get3A_454 = arith.constant 0 : i32
          %get3A_455 = arith.index_cast %get3A_453 : i32 to index
          %get3A_456 = arith.index_cast %get3A_454 : i32 to index
          %get3A_457 = arith.index_cast %mul3A_333 : i32 to index
          %get3A_458 = tpu.vector_load %arg9[%get3A_455, %get3A_456, %get3A_457] {strides = array<i32>} : memref<3x4x2048xf32, #tpu.memory_space<vmem>>, vector<1x1x16xf32>,
          %get3A_459 = vector.shape_cast %get3A_458 : vector<1x1x16xf32> to vector<16xf32>
          %get3A_460 = arith.constant 2 : i32
          %get3A_461 = arith.constant 1 : i32
          %get3A_462 = arith.index_cast %get3A_460 : i32 to index
          %get3A_463 = arith.index_cast %get3A_461 : i32 to index
          %get3A_464 = arith.index_cast %mul3A_333 : i32 to index
          %get3A_465 = tpu.vector_load %arg9[%get3A_462, %get3A_463, %get3A_464] {strides = array<i32>} : memref<3x4x2048xf32, #tpu.memory_space<vmem>>, vector<1x1x16xf32>,
          %get3A_466 = vector.shape_cast %get3A_465 : vector<1x1x16xf32> to vector<16xf32>
          %get3A_467 = arith.constant 2 : i32
          %get3A_468 = arith.constant 2 : i32
          %get3A_469 = arith.index_cast %get3A_467 : i32 to index
          %get3A_470 = arith.index_cast %get3A_468 : i32 to index
          %get3A_471 = arith.index_cast %mul3A_333 : i32 to index
          %get3A_472 = tpu.vector_load %arg9[%get3A_469, %get3A_470, %get3A_471] {strides = array<i32>} : memref<3x4x2048xf32, #tpu.memory_space<vmem>>, vector<1x1x16xf32>,
          %get3A_473 = vector.shape_cast %get3A_472 : vector<1x1x16xf32> to vector<16xf32>
          %get3A_474 = arith.constant 2 : i32
          %get3A_475 = arith.constant 3 : i32
          %get3A_476 = arith.index_cast %get3A_474 : i32 to index
          %get3A_477 = arith.index_cast %get3A_475 : i32 to index
          %get3A_478 = arith.index_cast %mul3A_333 : i32 to index
          %get3A_479 = tpu.vector_load %arg9[%get3A_476, %get3A_477, %get3A_478] {strides = array<i32>} : memref<3x4x2048xf32, #tpu.memory_space<vmem>>, vector<1x1x16xf32>,
          %get3A_480 = vector.shape_cast %get3A_479 : vector<1x1x16xf32> to vector<16xf32>
          %add3A_481 = arith.addf %get3A_459, %get3A_466 : vector<16xf32>
          %add3A_482 = arith.addf %add3A_481, %get3A_473 : vector<16xf32>
          %add3A_483 = arith.addf %add3A_482, %get3A_480 : vector<16xf32>
          %mul3A_484 = arith.constant 2.500000e-01 : f32
          %mul3A_485 = vector.broadcast %mul3A_484 : f32 to vector<16xf32>
          %mul3A_486 = arith.mulf %add3A_483, %mul3A_485 : vector<16xf32>
          %swap3A_487 = arith.index_cast %mul3A_333 : i32 to index
          %swap3A_488 = tpu.vector_load %arg17[%swap3A_487] {strides = array<i32>} : memref<2048xf32, #tpu.memory_space<vmem>>, vector<16xf32>,
          %swap3A_489 = vector.shape_cast %swap3A_488 : vector<16xf32> to vector<16xf32>
          %swap3A_490 = vector.shape_cast %mul3A_486 : vector<16xf32> to vector<16xf32>
          tpu.vector_store %arg17[%swap3A_487], %swap3A_490 {strides = array<i32>} : memref<2048xf32, #tpu.memory_space<vmem>>, vector<16xf32>,
          %sub3A_491 = arith.subf %get3A_459, %mul3A_486 : vector<16xf32>
          %sub3A_492 = arith.subf %get3A_466, %mul3A_486 : vector<16xf32>
          %sub3A_493 = arith.subf %get3A_473, %mul3A_486 : vector<16xf32>
          %sub3A_494 = arith.subf %get3A_480, %mul3A_486 : vector<16xf32>
          %mul3A_495 = arith.mulf %sub3A_491, %sub3A_491 : vector<16xf32>
          %mul3A_496 = arith.mulf %sub3A_492, %sub3A_492 : vector<16xf32>
          %add3A_497 = arith.addf %mul3A_495, %mul3A_496 : vector<16xf32>
          %mul3A_498 = arith.mulf %sub3A_493, %sub3A_493 : vector<16xf32>
          %add3A_499 = arith.addf %add3A_497, %mul3A_498 : vector<16xf32>
          %mul3A_500 = arith.mulf %sub3A_494, %sub3A_494 : vector<16xf32>
          %add3A_501 = arith.addf %add3A_499, %mul3A_500 : vector<16xf32>
          %add3A_502 = arith.addf %add3A_442, %add3A_501 : vector<16xf32>
          %get3A_503 = arith.constant 2 : i32
          %get3A_504 = arith.index_cast %get3A_503 : i32 to index
          %get3A_505 = arith.index_cast %mul3A_333 : i32 to index
          %get3A_506 = tpu.vector_load %arg10[%get3A_504, %get3A_505] {strides = array<i32>} : memref<3x2048xf32, #tpu.memory_space<vmem>>, vector<1x16xf32>,
          %get3A_507 = vector.shape_cast %get3A_506 : vector<1x16xf32> to vector<16xf32>
          %sub3A_508 = arith.subf %mul3A_486, %get3A_507 : vector<16xf32>
          %abs3A_509 = math.absf %sub3A_508 : vector<16xf32>
          %add3A_510 = arith.addf %add3A_450, %abs3A_509 : vector<16xf32>
          %mul3A_511 = arith.mulf %sub3A_508, %sub3A_508 : vector<16xf32>
          %add3A_512 = arith.addf %add3A_452, %mul3A_511 : vector<16xf32>
          %get3A_513 = arith.index_cast %mul3A_333 : i32 to index
          %get3A_514 = tpu.vector_load %arg11[%get3A_513] {strides = array<i32>} : memref<2064xi32, #tpu.memory_space<vmem>>, vector<16xi32>,
          %get3A_515 = vector.shape_cast %get3A_514 : vector<16xi32> to vector<16xi32>
          %slice3A_516 = vector.extract_strided_slice %get3A_515 {offsets = [0], sizes = [1], strides = [1]} : vector<16xi32> to vector<1xi32>
          %squeeze3A_517 = vector.extract %slice3A_516[0] : i32 from vector<1xi32>
          %add3A_518 = arith.constant 16 : i32
          %add3A_519 = arith.addi %mul3A_333, %add3A_518 : i32
          %sub3A_520 = arith.constant 1 : i32
          %sub3A_521 = arith.subi %add3A_519, %sub3A_520 : i32
          %get3A_522 = arith.index_cast %sub3A_521 : i32 to index
          %get3A_523 = tpu.vector_load %arg11[%get3A_522] {strides = array<i32>} : memref<2064xi32, #tpu.memory_space<vmem>>, vector<16xi32>,
          %get3A_524 = vector.shape_cast %get3A_523 : vector<16xi32> to vector<16xi32>
          %slice3A_525 = vector.extract_strided_slice %get3A_524 {offsets = [0], sizes = [1], strides = [1]} : vector<16xi32> to vector<1xi32>
          %squeeze3A_526 = vector.extract %slice3A_525[0] : i32 from vector<1xi32>
          %eq3A_527 = arith.cmpi eq, %squeeze3A_517, %scan3A_327 : i32
          %eq3A_528 = arith.cmpi eq, %squeeze3A_526, %scan3A_327 : i32
          %and3A_529 = arith.andi %eq3A_527, %eq3A_528 : i1
          %not3A_530 = arith.constant true
          %not3A_531 = arith.xori %and3A_529, %not3A_530 : i1
          %convert_element_type3A_532 = arith.extui %not3A_531 : i1 to i32
          %cond3A_533 = arith.constant 0 : i32
          %cond3A_534 = arith.cmpi ne, %convert_element_type3A_532, %cond3A_533 : i32
          scf.if %cond3A_534 {
            %xor3A_544 = arith.constant 8 : i32
            %xor3A_545 = vector.broadcast %xor3A_544 : i32 to vector<16xi32>
            %xor3A_546 = arith.xori %iota3A, %xor3A_545 : vector<16xi32>
            %broadcast_in_dim3A_547 = vector.shape_cast %xor3A_546 : vector<16xi32> to vector<16x1xi32>
            %gather3A_548 = vector.shape_cast %broadcast_in_dim3A_547 : vector<16x1xi32> to vector<16xi32>
            %gather3A_549 = tpu.dynamic_gather %scan3A_329[%gather3A_548] in [0] : vector<16xf32>, vector<16xi32> -> vector<16xf32>
            %add3A_550 = arith.addf %scan3A_329, %gather3A_549 : vector<16xf32>
            %xor3A_551 = arith.constant 4 : i32
            %xor3A_552 = vector.broadcast %xor3A_551 : i32 to vector<16xi32>
            %xor3A_553 = arith.xori %iota3A, %xor3A_552 : vector<16xi32>
            %broadcast_in_dim3A_554 = vector.shape_cast %xor3A_553 : vector<16xi32> to vector<16x1xi32>
            %gather3A_555 = vector.shape_cast %broadcast_in_dim3A_554 : vector<16x1xi32> to vector<16xi32>
            %gather3A_556 = tpu.dynamic_gather %add3A_550[%gather3A_555] in [0] : vector<16xf32>, vector<16xi32> -> vector<16xf32>
            %add3A_557 = arith.addf %add3A_550, %gather3A_556 : vector<16xf32>
            %xor3A_558 = arith.constant 2 : i32
            %xor3A_559 = vector.broadcast %xor3A_558 : i32 to vector<16xi32>
            %xor3A_560 = arith.xori %iota3A, %xor3A_559 : vector<16xi32>
            %broadcast_in_dim3A_561 = vector.shape_cast %xor3A_560 : vector<16xi32> to vector<16x1xi32>
            %gather3A_562 = vector.shape_cast %broadcast_in_dim3A_561 : vector<16x1xi32> to vector<16xi32>
            %gather3A_563 = tpu.dynamic_gather %add3A_557[%gather3A_562] in [0] : vector<16xf32>, vector<16xi32> -> vector<16xf32>
            %add3A_564 = arith.addf %add3A_557, %gather3A_563 : vector<16xf32>
            %xor3A_565 = arith.constant 1 : i32
            %xor3A_566 = vector.broadcast %xor3A_565 : i32 to vector<16xi32>
            %xor3A_567 = arith.xori %iota3A, %xor3A_566 : vector<16xi32>
            %broadcast_in_dim3A_568 = vector.shape_cast %xor3A_567 : vector<16xi32> to vector<16x1xi32>
            %gather3A_569 = vector.shape_cast %broadcast_in_dim3A_568 : vector<16x1xi32> to vector<16xi32>
            %gather3A_570 = tpu.dynamic_gather %add3A_564[%gather3A_569] in [0] : vector<16xf32>, vector<16xi32> -> vector<16xf32>
            %add3A_571 = arith.addf %add3A_564, %gather3A_570 : vector<16xf32>
            %mul3A_572 = arith.mulf %add3A_571, %select_n3A : vector<16xf32>
            %get3A_573 = arith.index_cast %scan3A_327 : i32 to index
            %get3A_574 = tpu.vector_load %arg18[%get3A_573] {strides = array<i32>} : memref<1040xf32, #tpu.memory_space<vmem>>, vector<16xf32>,
            %get3A_575 = vector.shape_cast %get3A_574 : vector<16xf32> to vector<16xf32>
            %add3A_576 = arith.addf %get3A_575, %mul3A_572 : vector<16xf32>
            %swap3A_577 = arith.index_cast %scan3A_327 : i32 to index
            %swap3A_578 = tpu.vector_load %arg18[%swap3A_577] {strides = array<i32>} : memref<1040xf32, #tpu.memory_space<vmem>>, vector<16xf32>,
            %swap3A_579 = vector.shape_cast %swap3A_578 : vector<16xf32> to vector<16xf32>
            %swap3A_580 = vector.shape_cast %add3A_576 : vector<16xf32> to vector<16xf32>
            tpu.vector_store %arg18[%swap3A_577], %swap3A_580 {strides = array<i32>} : memref<1040xf32, #tpu.memory_space<vmem>>, vector<16xf32>,
            %xor3A_581 = arith.constant 8 : i32
            %xor3A_582 = vector.broadcast %xor3A_581 : i32 to vector<16xi32>
            %xor3A_583 = arith.xori %iota3A, %xor3A_582 : vector<16xi32>
            %broadcast_in_dim3A_584 = vector.shape_cast %xor3A_583 : vector<16xi32> to vector<16x1xi32>
            %gather3A_585 = vector.shape_cast %broadcast_in_dim3A_584 : vector<16x1xi32> to vector<16xi32>
            %gather3A_586 = tpu.dynamic_gather %scan3A_330[%gather3A_585] in [0] : vector<16xf32>, vector<16xi32> -> vector<16xf32>
            %add3A_587 = arith.addf %scan3A_330, %gather3A_586 : vector<16xf32>
            %xor3A_588 = arith.constant 4 : i32
            %xor3A_589 = vector.broadcast %xor3A_588 : i32 to vector<16xi32>
            %xor3A_590 = arith.xori %iota3A, %xor3A_589 : vector<16xi32>
            %broadcast_in_dim3A_591 = vector.shape_cast %xor3A_590 : vector<16xi32> to vector<16x1xi32>
            %gather3A_592 = vector.shape_cast %broadcast_in_dim3A_591 : vector<16x1xi32> to vector<16xi32>
            %gather3A_593 = tpu.dynamic_gather %add3A_587[%gather3A_592] in [0] : vector<16xf32>, vector<16xi32> -> vector<16xf32>
            %add3A_594 = arith.addf %add3A_587, %gather3A_593 : vector<16xf32>
            %xor3A_595 = arith.constant 2 : i32
            %xor3A_596 = vector.broadcast %xor3A_595 : i32 to vector<16xi32>
            %xor3A_597 = arith.xori %iota3A, %xor3A_596 : vector<16xi32>
            %broadcast_in_dim3A_598 = vector.shape_cast %xor3A_597 : vector<16xi32> to vector<16x1xi32>
            %gather3A_599 = vector.shape_cast %broadcast_in_dim3A_598 : vector<16x1xi32> to vector<16xi32>
            %gather3A_600 = tpu.dynamic_gather %add3A_594[%gather3A_599] in [0] : vector<16xf32>, vector<16xi32> -> vector<16xf32>
            %add3A_601 = arith.addf %add3A_594, %gather3A_600 : vector<16xf32>
            %xor3A_602 = arith.constant 1 : i32
            %xor3A_603 = vector.broadcast %xor3A_602 : i32 to vector<16xi32>
            %xor3A_604 = arith.xori %iota3A, %xor3A_603 : vector<16xi32>
            %broadcast_in_dim3A_605 = vector.shape_cast %xor3A_604 : vector<16xi32> to vector<16x1xi32>
            %gather3A_606 = vector.shape_cast %broadcast_in_dim3A_605 : vector<16x1xi32> to vector<16xi32>
            %gather3A_607 = tpu.dynamic_gather %add3A_601[%gather3A_606] in [0] : vector<16xf32>, vector<16xi32> -> vector<16xf32>
            %add3A_608 = arith.addf %add3A_601, %gather3A_607 : vector<16xf32>
            %mul3A_609 = arith.mulf %add3A_608, %select_n3A : vector<16xf32>
            %get3A_610 = arith.index_cast %scan3A_327 : i32 to index
            %get3A_611 = tpu.vector_load %arg19[%get3A_610] {strides = array<i32>} : memref<1040xf32, #tpu.memory_space<vmem>>, vector<16xf32>,
            %get3A_612 = vector.shape_cast %get3A_611 : vector<16xf32> to vector<16xf32>
            %add3A_613 = arith.addf %get3A_612, %mul3A_609 : vector<16xf32>
            %swap3A_614 = arith.index_cast %scan3A_327 : i32 to index
            %swap3A_615 = tpu.vector_load %arg19[%swap3A_614] {strides = array<i32>} : memref<1040xf32, #tpu.memory_space<vmem>>, vector<16xf32>,
            %swap3A_616 = vector.shape_cast %swap3A_615 : vector<16xf32> to vector<16xf32>
            %swap3A_617 = vector.shape_cast %add3A_613 : vector<16xf32> to vector<16xf32>
            tpu.vector_store %arg19[%swap3A_614], %swap3A_617 {strides = array<i32>} : memref<1040xf32, #tpu.memory_space<vmem>>, vector<16xf32>,
            %xor3A_618 = arith.constant 8 : i32
            %xor3A_619 = vector.broadcast %xor3A_618 : i32 to vector<16xi32>
            %xor3A_620 = arith.xori %iota3A, %xor3A_619 : vector<16xi32>
            %broadcast_in_dim3A_621 = vector.shape_cast %xor3A_620 : vector<16xi32> to vector<16x1xi32>
            %gather3A_622 = vector.shape_cast %broadcast_in_dim3A_621 : vector<16x1xi32> to vector<16xi32>
            %gather3A_623 = tpu.dynamic_gather %scan3A_331[%gather3A_622] in [0] : vector<16xf32>, vector<16xi32> -> vector<16xf32>
            %add3A_624 = arith.addf %scan3A_331, %gather3A_623 : vector<16xf32>
            %xor3A_625 = arith.constant 4 : i32
            %xor3A_626 = vector.broadcast %xor3A_625 : i32 to vector<16xi32>
            %xor3A_627 = arith.xori %iota3A, %xor3A_626 : vector<16xi32>
            %broadcast_in_dim3A_628 = vector.shape_cast %xor3A_627 : vector<16xi32> to vector<16x1xi32>
            %gather3A_629 = vector.shape_cast %broadcast_in_dim3A_628 : vector<16x1xi32> to vector<16xi32>
            %gather3A_630 = tpu.dynamic_gather %add3A_624[%gather3A_629] in [0] : vector<16xf32>, vector<16xi32> -> vector<16xf32>
            %add3A_631 = arith.addf %add3A_624, %gather3A_630 : vector<16xf32>
            %xor3A_632 = arith.constant 2 : i32
            %xor3A_633 = vector.broadcast %xor3A_632 : i32 to vector<16xi32>
            %xor3A_634 = arith.xori %iota3A, %xor3A_633 : vector<16xi32>
            %broadcast_in_dim3A_635 = vector.shape_cast %xor3A_634 : vector<16xi32> to vector<16x1xi32>
            %gather3A_636 = vector.shape_cast %broadcast_in_dim3A_635 : vector<16x1xi32> to vector<16xi32>
            %gather3A_637 = tpu.dynamic_gather %add3A_631[%gather3A_636] in [0] : vector<16xf32>, vector<16xi32> -> vector<16xf32>
            %add3A_638 = arith.addf %add3A_631, %gather3A_637 : vector<16xf32>
            %xor3A_639 = arith.constant 1 : i32
            %xor3A_640 = vector.broadcast %xor3A_639 : i32 to vector<16xi32>
            %xor3A_641 = arith.xori %iota3A, %xor3A_640 : vector<16xi32>
            %broadcast_in_dim3A_642 = vector.shape_cast %xor3A_641 : vector<16xi32> to vector<16x1xi32>
            %gather3A_643 = vector.shape_cast %broadcast_in_dim3A_642 : vector<16x1xi32> to vector<16xi32>
            %gather3A_644 = tpu.dynamic_gather %add3A_638[%gather3A_643] in [0] : vector<16xf32>, vector<16xi32> -> vector<16xf32>
            %add3A_645 = arith.addf %add3A_638, %gather3A_644 : vector<16xf32>
            %mul3A_646 = arith.mulf %add3A_645, %select_n3A : vector<16xf32>
            %get3A_647 = arith.index_cast %scan3A_327 : i32 to index
            %get3A_648 = tpu.vector_load %arg20[%get3A_647] {strides = array<i32>} : memref<1040xf32, #tpu.memory_space<vmem>>, vector<16xf32>,
            %get3A_649 = vector.shape_cast %get3A_648 : vector<16xf32> to vector<16xf32>
            %add3A_650 = arith.addf %get3A_649, %mul3A_646 : vector<16xf32>
            %swap3A_651 = arith.index_cast %scan3A_327 : i32 to index
            %swap3A_652 = tpu.vector_load %arg20[%swap3A_651] {strides = array<i32>} : memref<1040xf32, #tpu.memory_space<vmem>>, vector<16xf32>,
            %swap3A_653 = vector.shape_cast %swap3A_652 : vector<16xf32> to vector<16xf32>
            %swap3A_654 = vector.shape_cast %add3A_650 : vector<16xf32> to vector<16xf32>
            tpu.vector_store %arg20[%swap3A_651], %swap3A_654 {strides = array<i32>} : memref<1040xf32, #tpu.memory_space<vmem>>, vector<16xf32>,
            %xor3A_655 = arith.constant 8 : i32
            %xor3A_656 = vector.broadcast %xor3A_655 : i32 to vector<16xi32>
            %xor3A_657 = arith.xori %iota3A, %xor3A_656 : vector<16xi32>
            %broadcast_in_dim3A_658 = vector.shape_cast %xor3A_657 : vector<16xi32> to vector<16x1xi32>
            %gather3A_659 = vector.shape_cast %broadcast_in_dim3A_658 : vector<16x1xi32> to vector<16xi32>
            %gather3A_660 = tpu.dynamic_gather %scan3A_328[%gather3A_659] in [0] : vector<16xf32>, vector<16xi32> -> vector<16xf32>
            %add3A_661 = arith.addf %scan3A_328, %gather3A_660 : vector<16xf32>
            %xor3A_662 = arith.constant 4 : i32
            %xor3A_663 = vector.broadcast %xor3A_662 : i32 to vector<16xi32>
            %xor3A_664 = arith.xori %iota3A, %xor3A_663 : vector<16xi32>
            %broadcast_in_dim3A_665 = vector.shape_cast %xor3A_664 : vector<16xi32> to vector<16x1xi32>
            %gather3A_666 = vector.shape_cast %broadcast_in_dim3A_665 : vector<16x1xi32> to vector<16xi32>
            %gather3A_667 = tpu.dynamic_gather %add3A_661[%gather3A_666] in [0] : vector<16xf32>, vector<16xi32> -> vector<16xf32>
            %add3A_668 = arith.addf %add3A_661, %gather3A_667 : vector<16xf32>
            %xor3A_669 = arith.constant 2 : i32
            %xor3A_670 = vector.broadcast %xor3A_669 : i32 to vector<16xi32>
            %xor3A_671 = arith.xori %iota3A, %xor3A_670 : vector<16xi32>
            %broadcast_in_dim3A_672 = vector.shape_cast %xor3A_671 : vector<16xi32> to vector<16x1xi32>
            %gather3A_673 = vector.shape_cast %broadcast_in_dim3A_672 : vector<16x1xi32> to vector<16xi32>
            %gather3A_674 = tpu.dynamic_gather %add3A_668[%gather3A_673] in [0] : vector<16xf32>, vector<16xi32> -> vector<16xf32>
            %add3A_675 = arith.addf %add3A_668, %gather3A_674 : vector<16xf32>
            %xor3A_676 = arith.constant 1 : i32
            %xor3A_677 = vector.broadcast %xor3A_676 : i32 to vector<16xi32>
            %xor3A_678 = arith.xori %iota3A, %xor3A_677 : vector<16xi32>
            %broadcast_in_dim3A_679 = vector.shape_cast %xor3A_678 : vector<16xi32> to vector<16x1xi32>
            %gather3A_680 = vector.shape_cast %broadcast_in_dim3A_679 : vector<16x1xi32> to vector<16xi32>
            %gather3A_681 = tpu.dynamic_gather %add3A_675[%gather3A_680] in [0] : vector<16xf32>, vector<16xi32> -> vector<16xf32>
            %add3A_682 = arith.addf %add3A_675, %gather3A_681 : vector<16xf32>
            %mul3A_683 = arith.mulf %add3A_682, %select_n3A : vector<16xf32>
            %get3A_684 = arith.index_cast %scan3A_327 : i32 to index
            %get3A_685 = tpu.vector_load %arg21[%get3A_684] {strides = array<i32>} : memref<1040xf32, #tpu.memory_space<vmem>>, vector<16xf32>,
            %get3A_686 = vector.shape_cast %get3A_685 : vector<16xf32> to vector<16xf32>
            %add3A_687 = arith.addf %get3A_686, %mul3A_683 : vector<16xf32>
            %swap3A_688 = arith.index_cast %scan3A_327 : i32 to index
            %swap3A_689 = tpu.vector_load %arg21[%swap3A_688] {strides = array<i32>} : memref<1040xf32, #tpu.memory_space<vmem>>, vector<16xf32>,
            %swap3A_690 = vector.shape_cast %swap3A_689 : vector<16xf32> to vector<16xf32>
            %swap3A_691 = vector.shape_cast %add3A_687 : vector<16xf32> to vector<16xf32>
            tpu.vector_store %arg21[%swap3A_688], %swap3A_691 {strides = array<i32>} : memref<1040xf32, #tpu.memory_space<vmem>>, vector<16xf32>,
            %swap3A_692 = arith.constant 0 : index
            %swap3A_693 = tpu.vector_load %arg22[%swap3A_692] {strides = array<i32>} : memref<32xf32, #tpu.memory_space<vmem>>, vector<16xf32>,
            %swap3A_694 = vector.shape_cast %swap3A_693 : vector<16xf32> to vector<16xf32>
            %swap3A_695 = vector.shape_cast %add3A_502 : vector<16xf32> to vector<16xf32>
            tpu.vector_store %arg22[%swap3A_692], %swap3A_695 {strides = array<i32>} : memref<32xf32, #tpu.memory_space<vmem>>, vector<16xf32>,
            %swap3A_696 = arith.constant 0 : index
            %swap3A_697 = tpu.vector_load %arg23[%swap3A_696] {strides = array<i32>} : memref<32xf32, #tpu.memory_space<vmem>>, vector<16xf32>,
            %swap3A_698 = vector.shape_cast %swap3A_697 : vector<16xf32> to vector<16xf32>
            %swap3A_699 = vector.shape_cast %add3A_510 : vector<16xf32> to vector<16xf32>
            tpu.vector_store %arg23[%swap3A_696], %swap3A_699 {strides = array<i32>} : memref<32xf32, #tpu.memory_space<vmem>>, vector<16xf32>,
            %swap3A_700 = arith.constant 0 : index
            %swap3A_701 = tpu.vector_load %arg24[%swap3A_700] {strides = array<i32>} : memref<32xf32, #tpu.memory_space<vmem>>, vector<16xf32>,
            %swap3A_702 = vector.shape_cast %swap3A_701 : vector<16xf32> to vector<16xf32>
            %swap3A_703 = vector.shape_cast %add3A_512 : vector<16xf32> to vector<16xf32>
            tpu.vector_store %arg24[%swap3A_700], %swap3A_703 {strides = array<i32>} : memref<32xf32, #tpu.memory_space<vmem>>, vector<16xf32>,
            %scan3A_704 = arith.constant 0 : i32
            %scan3A_705 = arith.constant 0 : i32
            %scan3A_706 = arith.constant 16 : i32
            %scan3A_707 = arith.addi %scan3A_705, %scan3A_706 : i32
            %scan3A_708 = arith.constant 1 : i32
            %scan3A_709 = scf.for %scan3A_711 = %scan3A_705 to %scan3A_707 step %scan3A_708 iter_args(%scan3A_712 = %scan3A_704) -> (i32)  : i32 {
              %add3A_713 = arith.addi %mul3A_333, %scan3A_711 : i32
              %get3A_714 = arith.index_cast %add3A_713 : i32 to index
              %get3A_715 = tpu.vector_load %arg11[%get3A_714] {strides = array<i32>} : memref<2064xi32, #tpu.memory_space<vmem>>, vector<16xi32>,
              %get3A_716 = vector.shape_cast %get3A_715 : vector<16xi32> to vector<16xi32>
              %slice3A_717 = vector.extract_strided_slice %get3A_716 {offsets = [0], sizes = [1], strides = [1]} : vector<16xi32> to vector<1xi32>
              %squeeze3A_718 = vector.extract %slice3A_717[0] : i32 from vector<1xi32>
              %get3A_719 = arith.index_cast %scan3A_711 : i32 to index
              %get3A_720 = tpu.vector_load %arg22[%get3A_719] {strides = array<i32>} : memref<32xf32, #tpu.memory_space<vmem>>, vector<16xf32>,
              %get3A_721 = vector.shape_cast %get3A_720 : vector<16xf32> to vector<16xf32>
              %mul3A_722 = arith.mulf %get3A_721, %select_n3A : vector<16xf32>
              %get3A_723 = arith.index_cast %squeeze3A_718 : i32 to index
              %get3A_724 = tpu.vector_load %arg18[%get3A_723] {strides = array<i32>} : memref<1040xf32, #tpu.memory_space<vmem>>, vector<16xf32>,
              %get3A_725 = vector.shape_cast %get3A_724 : vector<16xf32> to vector<16xf32>
              %add3A_726 = arith.addf %get3A_725, %mul3A_722 : vector<16xf32>
              %swap3A_727 = arith.index_cast %squeeze3A_718 : i32 to index
              %swap3A_728 = tpu.vector_load %arg18[%swap3A_727] {strides = array<i32>} : memref<1040xf32, #tpu.memory_space<vmem>>, vector<16xf32>,
              %swap3A_729 = vector.shape_cast %swap3A_728 : vector<16xf32> to vector<16xf32>
              %swap3A_730 = vector.shape_cast %add3A_726 : vector<16xf32> to vector<16xf32>
              tpu.vector_store %arg18[%swap3A_727], %swap3A_730 {strides = array<i32>} : memref<1040xf32, #tpu.memory_space<vmem>>, vector<16xf32>,
              %get3A_731 = arith.index_cast %scan3A_711 : i32 to index
              %get3A_732 = tpu.vector_load %arg23[%get3A_731] {strides = array<i32>} : memref<32xf32, #tpu.memory_space<vmem>>, vector<16xf32>,
              %get3A_733 = vector.shape_cast %get3A_732 : vector<16xf32> to vector<16xf32>
              %mul3A_734 = arith.mulf %get3A_733, %select_n3A : vector<16xf32>
              %get3A_735 = arith.index_cast %squeeze3A_718 : i32 to index
              %get3A_736 = tpu.vector_load %arg19[%get3A_735] {strides = array<i32>} : memref<1040xf32, #tpu.memory_space<vmem>>, vector<16xf32>,
              %get3A_737 = vector.shape_cast %get3A_736 : vector<16xf32> to vector<16xf32>
              %add3A_738 = arith.addf %get3A_737, %mul3A_734 : vector<16xf32>
              %swap3A_739 = arith.index_cast %squeeze3A_718 : i32 to index
              %swap3A_740 = tpu.vector_load %arg19[%swap3A_739] {strides = array<i32>} : memref<1040xf32, #tpu.memory_space<vmem>>, vector<16xf32>,
              %swap3A_741 = vector.shape_cast %swap3A_740 : vector<16xf32> to vector<16xf32>
              %swap3A_742 = vector.shape_cast %add3A_738 : vector<16xf32> to vector<16xf32>
              tpu.vector_store %arg19[%swap3A_739], %swap3A_742 {strides = array<i32>} : memref<1040xf32, #tpu.memory_space<vmem>>, vector<16xf32>,
              %get3A_743 = arith.index_cast %scan3A_711 : i32 to index
              %get3A_744 = tpu.vector_load %arg24[%get3A_743] {strides = array<i32>} : memref<32xf32, #tpu.memory_space<vmem>>, vector<16xf32>,
              %get3A_745 = vector.shape_cast %get3A_744 : vector<16xf32> to vector<16xf32>
              %mul3A_746 = arith.mulf %get3A_745, %select_n3A : vector<16xf32>
              %get3A_747 = arith.index_cast %squeeze3A_718 : i32 to index
              %get3A_748 = tpu.vector_load %arg20[%get3A_747] {strides = array<i32>} : memref<1040xf32, #tpu.memory_space<vmem>>, vector<16xf32>,
              %get3A_749 = vector.shape_cast %get3A_748 : vector<16xf32> to vector<16xf32>
              %add3A_750 = arith.addf %get3A_749, %mul3A_746 : vector<16xf32>
              %swap3A_751 = arith.index_cast %squeeze3A_718 : i32 to index
              %swap3A_752 = tpu.vector_load %arg20[%swap3A_751] {strides = array<i32>} : memref<1040xf32, #tpu.memory_space<vmem>>, vector<16xf32>,
              %swap3A_753 = vector.shape_cast %swap3A_752 : vector<16xf32> to vector<16xf32>
              %swap3A_754 = vector.shape_cast %add3A_750 : vector<16xf32> to vector<16xf32>
              tpu.vector_store %arg20[%swap3A_751], %swap3A_754 {strides = array<i32>} : memref<1040xf32, #tpu.memory_space<vmem>>, vector<16xf32>,
              %get3A_755 = arith.index_cast %squeeze3A_718 : i32 to index
              %get3A_756 = tpu.vector_load %arg21[%get3A_755] {strides = array<i32>} : memref<1040xf32, #tpu.memory_space<vmem>>, vector<16xf32>,
              %get3A_757 = vector.shape_cast %get3A_756 : vector<16xf32> to vector<16xf32>
              %add3A_758 = arith.addf %get3A_757, %select_n3A : vector<16xf32>
              %swap3A_759 = arith.index_cast %squeeze3A_718 : i32 to index
              %swap3A_760 = tpu.vector_load %arg21[%swap3A_759] {strides = array<i32>} : memref<1040xf32, #tpu.memory_space<vmem>>, vector<16xf32>,
              %swap3A_761 = vector.shape_cast %swap3A_760 : vector<16xf32> to vector<16xf32>
              %swap3A_762 = vector.shape_cast %add3A_758 : vector<16xf32> to vector<16xf32>
              tpu.vector_store %arg21[%swap3A_759], %swap3A_762 {strides = array<i32>} : memref<1040xf32, #tpu.memory_space<vmem>>, vector<16xf32>,
              %scan3A_763 = arith.constant 0 : i32
              scf.yield %scan3A_763 : i32
            }
            %scan3A_710 = arith.constant 16 : i32
          } else {
          }
          %select_n3A_535 = arith.select %and3A_529, %scan3A_327, %squeeze3A_526 : i32
          %add3A_536 = arith.addf %scan3A_328, %broadcast_in_dim3A_6 : vector<16xf32>
          %select_n3A_537 = arith.select %and3A_529, %add3A_536, %broadcast_in_dim3A_8 : vector<16xf32>
          %add3A_538 = arith.addf %scan3A_329, %add3A_502 : vector<16xf32>
          %select_n3A_539 = arith.select %and3A_529, %add3A_538, %broadcast_in_dim3A_8 : vector<16xf32>
          %add3A_540 = arith.addf %scan3A_330, %add3A_510 : vector<16xf32>
          %select_n3A_541 = arith.select %and3A_529, %add3A_540, %broadcast_in_dim3A_8 : vector<16xf32>
          %add3A_542 = arith.addf %scan3A_331, %add3A_512 : vector<16xf32>
          %select_n3A_543 = arith.select %and3A_529, %add3A_542, %broadcast_in_dim3A_8 : vector<16xf32>
          scf.yield %select_n3A_535, %select_n3A_537, %select_n3A_539, %select_n3A_541, %select_n3A_543 : i32, vector<16xf32>, vector<16xf32>, vector<16xf32>, vector<16xf32>
        }
        %scan3A_179 = arith.constant 128 : i32
        %xor3A = arith.constant 8 : i32
        %xor3A_180 = vector.broadcast %xor3A : i32 to vector<16xi32>
        %xor3A_181 = arith.xori %iota3A, %xor3A_180 : vector<16xi32>
        %broadcast_in_dim3A_182 = vector.shape_cast %xor3A_181 : vector<16xi32> to vector<16x1xi32>
        %gather3A = vector.shape_cast %broadcast_in_dim3A_182 : vector<16x1xi32> to vector<16xi32>
        %gather3A_183 = tpu.dynamic_gather %scan3A_178#2[%gather3A] in [0] : vector<16xf32>, vector<16xi32> -> vector<16xf32>
        %add3A_184 = arith.addf %scan3A_178#2, %gather3A_183 : vector<16xf32>
        %xor3A_185 = arith.constant 4 : i32
        %xor3A_186 = vector.broadcast %xor3A_185 : i32 to vector<16xi32>
        %xor3A_187 = arith.xori %iota3A, %xor3A_186 : vector<16xi32>
        %broadcast_in_dim3A_188 = vector.shape_cast %xor3A_187 : vector<16xi32> to vector<16x1xi32>
        %gather3A_189 = vector.shape_cast %broadcast_in_dim3A_188 : vector<16x1xi32> to vector<16xi32>
        %gather3A_190 = tpu.dynamic_gather %add3A_184[%gather3A_189] in [0] : vector<16xf32>, vector<16xi32> -> vector<16xf32>
        %add3A_191 = arith.addf %add3A_184, %gather3A_190 : vector<16xf32>
        %xor3A_192 = arith.constant 2 : i32
        %xor3A_193 = vector.broadcast %xor3A_192 : i32 to vector<16xi32>
        %xor3A_194 = arith.xori %iota3A, %xor3A_193 : vector<16xi32>
        %broadcast_in_dim3A_195 = vector.shape_cast %xor3A_194 : vector<16xi32> to vector<16x1xi32>
        %gather3A_196 = vector.shape_cast %broadcast_in_dim3A_195 : vector<16x1xi32> to vector<16xi32>
        %gather3A_197 = tpu.dynamic_gather %add3A_191[%gather3A_196] in [0] : vector<16xf32>, vector<16xi32> -> vector<16xf32>
        %add3A_198 = arith.addf %add3A_191, %gather3A_197 : vector<16xf32>
        %xor3A_199 = arith.constant 1 : i32
        %xor3A_200 = vector.broadcast %xor3A_199 : i32 to vector<16xi32>
        %xor3A_201 = arith.xori %iota3A, %xor3A_200 : vector<16xi32>
        %broadcast_in_dim3A_202 = vector.shape_cast %xor3A_201 : vector<16xi32> to vector<16x1xi32>
        %gather3A_203 = vector.shape_cast %broadcast_in_dim3A_202 : vector<16x1xi32> to vector<16xi32>
        %gather3A_204 = tpu.dynamic_gather %add3A_198[%gather3A_203] in [0] : vector<16xf32>, vector<16xi32> -> vector<16xf32>
        %add3A_205 = arith.addf %add3A_198, %gather3A_204 : vector<16xf32>
        %mul3A_206 = arith.mulf %add3A_205, %select_n3A : vector<16xf32>
        %get3A_207 = arith.index_cast %scan3A_178#0 : i32 to index
        %get3A_208 = tpu.vector_load %arg18[%get3A_207] {strides = array<i32>} : memref<1040xf32, #tpu.memory_space<vmem>>, vector<16xf32>,
        %get3A_209 = vector.shape_cast %get3A_208 : vector<16xf32> to vector<16xf32>
        %add3A_210 = arith.addf %get3A_209, %mul3A_206 : vector<16xf32>
        %swap3A_211 = arith.index_cast %scan3A_178#0 : i32 to index
        %swap3A_212 = tpu.vector_load %arg18[%swap3A_211] {strides = array<i32>} : memref<1040xf32, #tpu.memory_space<vmem>>, vector<16xf32>,
        %swap3A_213 = vector.shape_cast %swap3A_212 : vector<16xf32> to vector<16xf32>
        %swap3A_214 = vector.shape_cast %add3A_210 : vector<16xf32> to vector<16xf32>
        tpu.vector_store %arg18[%swap3A_211], %swap3A_214 {strides = array<i32>} : memref<1040xf32, #tpu.memory_space<vmem>>, vector<16xf32>,
        %xor3A_215 = arith.constant 8 : i32
        %xor3A_216 = vector.broadcast %xor3A_215 : i32 to vector<16xi32>
        %xor3A_217 = arith.xori %iota3A, %xor3A_216 : vector<16xi32>
        %broadcast_in_dim3A_218 = vector.shape_cast %xor3A_217 : vector<16xi32> to vector<16x1xi32>
        %gather3A_219 = vector.shape_cast %broadcast_in_dim3A_218 : vector<16x1xi32> to vector<16xi32>
        %gather3A_220 = tpu.dynamic_gather %scan3A_178#3[%gather3A_219] in [0] : vector<16xf32>, vector<16xi32> -> vector<16xf32>
        %add3A_221 = arith.addf %scan3A_178#3, %gather3A_220 : vector<16xf32>
        %xor3A_222 = arith.constant 4 : i32
        %xor3A_223 = vector.broadcast %xor3A_222 : i32 to vector<16xi32>
        %xor3A_224 = arith.xori %iota3A, %xor3A_223 : vector<16xi32>
        %broadcast_in_dim3A_225 = vector.shape_cast %xor3A_224 : vector<16xi32> to vector<16x1xi32>
        %gather3A_226 = vector.shape_cast %broadcast_in_dim3A_225 : vector<16x1xi32> to vector<16xi32>
        %gather3A_227 = tpu.dynamic_gather %add3A_221[%gather3A_226] in [0] : vector<16xf32>, vector<16xi32> -> vector<16xf32>
        %add3A_228 = arith.addf %add3A_221, %gather3A_227 : vector<16xf32>
        %xor3A_229 = arith.constant 2 : i32
        %xor3A_230 = vector.broadcast %xor3A_229 : i32 to vector<16xi32>
        %xor3A_231 = arith.xori %iota3A, %xor3A_230 : vector<16xi32>
        %broadcast_in_dim3A_232 = vector.shape_cast %xor3A_231 : vector<16xi32> to vector<16x1xi32>
        %gather3A_233 = vector.shape_cast %broadcast_in_dim3A_232 : vector<16x1xi32> to vector<16xi32>
        %gather3A_234 = tpu.dynamic_gather %add3A_228[%gather3A_233] in [0] : vector<16xf32>, vector<16xi32> -> vector<16xf32>
        %add3A_235 = arith.addf %add3A_228, %gather3A_234 : vector<16xf32>
        %xor3A_236 = arith.constant 1 : i32
        %xor3A_237 = vector.broadcast %xor3A_236 : i32 to vector<16xi32>
        %xor3A_238 = arith.xori %iota3A, %xor3A_237 : vector<16xi32>
        %broadcast_in_dim3A_239 = vector.shape_cast %xor3A_238 : vector<16xi32> to vector<16x1xi32>
        %gather3A_240 = vector.shape_cast %broadcast_in_dim3A_239 : vector<16x1xi32> to vector<16xi32>
        %gather3A_241 = tpu.dynamic_gather %add3A_235[%gather3A_240] in [0] : vector<16xf32>, vector<16xi32> -> vector<16xf32>
        %add3A_242 = arith.addf %add3A_235, %gather3A_241 : vector<16xf32>
        %mul3A_243 = arith.mulf %add3A_242, %select_n3A : vector<16xf32>
        %get3A_244 = arith.index_cast %scan3A_178#0 : i32 to index
        %get3A_245 = tpu.vector_load %arg19[%get3A_244] {strides = array<i32>} : memref<1040xf32, #tpu.memory_space<vmem>>, vector<16xf32>,
        %get3A_246 = vector.shape_cast %get3A_245 : vector<16xf32> to vector<16xf32>
        %add3A_247 = arith.addf %get3A_246, %mul3A_243 : vector<16xf32>
        %swap3A_248 = arith.index_cast %scan3A_178#0 : i32 to index
        %swap3A_249 = tpu.vector_load %arg19[%swap3A_248] {strides = array<i32>} : memref<1040xf32, #tpu.memory_space<vmem>>, vector<16xf32>,
        %swap3A_250 = vector.shape_cast %swap3A_249 : vector<16xf32> to vector<16xf32>
        %swap3A_251 = vector.shape_cast %add3A_247 : vector<16xf32> to vector<16xf32>
        tpu.vector_store %arg19[%swap3A_248], %swap3A_251 {strides = array<i32>} : memref<1040xf32, #tpu.memory_space<vmem>>, vector<16xf32>,
        %xor3A_252 = arith.constant 8 : i32
        %xor3A_253 = vector.broadcast %xor3A_252 : i32 to vector<16xi32>
        %xor3A_254 = arith.xori %iota3A, %xor3A_253 : vector<16xi32>
        %broadcast_in_dim3A_255 = vector.shape_cast %xor3A_254 : vector<16xi32> to vector<16x1xi32>
        %gather3A_256 = vector.shape_cast %broadcast_in_dim3A_255 : vector<16x1xi32> to vector<16xi32>
        %gather3A_257 = tpu.dynamic_gather %scan3A_178#4[%gather3A_256] in [0] : vector<16xf32>, vector<16xi32> -> vector<16xf32>
        %add3A_258 = arith.addf %scan3A_178#4, %gather3A_257 : vector<16xf32>
        %xor3A_259 = arith.constant 4 : i32
        %xor3A_260 = vector.broadcast %xor3A_259 : i32 to vector<16xi32>
        %xor3A_261 = arith.xori %iota3A, %xor3A_260 : vector<16xi32>
        %broadcast_in_dim3A_262 = vector.shape_cast %xor3A_261 : vector<16xi32> to vector<16x1xi32>
        %gather3A_263 = vector.shape_cast %broadcast_in_dim3A_262 : vector<16x1xi32> to vector<16xi32>
        %gather3A_264 = tpu.dynamic_gather %add3A_258[%gather3A_263] in [0] : vector<16xf32>, vector<16xi32> -> vector<16xf32>
        %add3A_265 = arith.addf %add3A_258, %gather3A_264 : vector<16xf32>
        %xor3A_266 = arith.constant 2 : i32
        %xor3A_267 = vector.broadcast %xor3A_266 : i32 to vector<16xi32>
        %xor3A_268 = arith.xori %iota3A, %xor3A_267 : vector<16xi32>
        %broadcast_in_dim3A_269 = vector.shape_cast %xor3A_268 : vector<16xi32> to vector<16x1xi32>
        %gather3A_270 = vector.shape_cast %broadcast_in_dim3A_269 : vector<16x1xi32> to vector<16xi32>
        %gather3A_271 = tpu.dynamic_gather %add3A_265[%gather3A_270] in [0] : vector<16xf32>, vector<16xi32> -> vector<16xf32>
        %add3A_272 = arith.addf %add3A_265, %gather3A_271 : vector<16xf32>
        %xor3A_273 = arith.constant 1 : i32
        %xor3A_274 = vector.broadcast %xor3A_273 : i32 to vector<16xi32>
        %xor3A_275 = arith.xori %iota3A, %xor3A_274 : vector<16xi32>
        %broadcast_in_dim3A_276 = vector.shape_cast %xor3A_275 : vector<16xi32> to vector<16x1xi32>
        %gather3A_277 = vector.shape_cast %broadcast_in_dim3A_276 : vector<16x1xi32> to vector<16xi32>
        %gather3A_278 = tpu.dynamic_gather %add3A_272[%gather3A_277] in [0] : vector<16xf32>, vector<16xi32> -> vector<16xf32>
        %add3A_279 = arith.addf %add3A_272, %gather3A_278 : vector<16xf32>
        %mul3A_280 = arith.mulf %add3A_279, %select_n3A : vector<16xf32>
        %get3A_281 = arith.index_cast %scan3A_178#0 : i32 to index
        %get3A_282 = tpu.vector_load %arg20[%get3A_281] {strides = array<i32>} : memref<1040xf32, #tpu.memory_space<vmem>>, vector<16xf32>,
        %get3A_283 = vector.shape_cast %get3A_282 : vector<16xf32> to vector<16xf32>
        %add3A_284 = arith.addf %get3A_283, %mul3A_280 : vector<16xf32>
        %swap3A_285 = arith.index_cast %scan3A_178#0 : i32 to index
        %swap3A_286 = tpu.vector_load %arg20[%swap3A_285] {strides = array<i32>} : memref<1040xf32, #tpu.memory_space<vmem>>, vector<16xf32>,
        %swap3A_287 = vector.shape_cast %swap3A_286 : vector<16xf32> to vector<16xf32>
        %swap3A_288 = vector.shape_cast %add3A_284 : vector<16xf32> to vector<16xf32>
        tpu.vector_store %arg20[%swap3A_285], %swap3A_288 {strides = array<i32>} : memref<1040xf32, #tpu.memory_space<vmem>>, vector<16xf32>,
        %xor3A_289 = arith.constant 8 : i32
        %xor3A_290 = vector.broadcast %xor3A_289 : i32 to vector<16xi32>
        %xor3A_291 = arith.xori %iota3A, %xor3A_290 : vector<16xi32>
        %broadcast_in_dim3A_292 = vector.shape_cast %xor3A_291 : vector<16xi32> to vector<16x1xi32>
        %gather3A_293 = vector.shape_cast %broadcast_in_dim3A_292 : vector<16x1xi32> to vector<16xi32>
        %gather3A_294 = tpu.dynamic_gather %scan3A_178#1[%gather3A_293] in [0] : vector<16xf32>, vector<16xi32> -> vector<16xf32>
        %add3A_295 = arith.addf %scan3A_178#1, %gather3A_294 : vector<16xf32>
        %xor3A_296 = arith.constant 4 : i32
        %xor3A_297 = vector.broadcast %xor3A_296 : i32 to vector<16xi32>
        %xor3A_298 = arith.xori %iota3A, %xor3A_297 : vector<16xi32>
        %broadcast_in_dim3A_299 = vector.shape_cast %xor3A_298 : vector<16xi32> to vector<16x1xi32>
        %gather3A_300 = vector.shape_cast %broadcast_in_dim3A_299 : vector<16x1xi32> to vector<16xi32>
        %gather3A_301 = tpu.dynamic_gather %add3A_295[%gather3A_300] in [0] : vector<16xf32>, vector<16xi32> -> vector<16xf32>
        %add3A_302 = arith.addf %add3A_295, %gather3A_301 : vector<16xf32>
        %xor3A_303 = arith.constant 2 : i32
        %xor3A_304 = vector.broadcast %xor3A_303 : i32 to vector<16xi32>
        %xor3A_305 = arith.xori %iota3A, %xor3A_304 : vector<16xi32>
        %broadcast_in_dim3A_306 = vector.shape_cast %xor3A_305 : vector<16xi32> to vector<16x1xi32>
        %gather3A_307 = vector.shape_cast %broadcast_in_dim3A_306 : vector<16x1xi32> to vector<16xi32>
        %gather3A_308 = tpu.dynamic_gather %add3A_302[%gather3A_307] in [0] : vector<16xf32>, vector<16xi32> -> vector<16xf32>
        %add3A_309 = arith.addf %add3A_302, %gather3A_308 : vector<16xf32>
        %xor3A_310 = arith.constant 1 : i32
        %xor3A_311 = vector.broadcast %xor3A_310 : i32 to vector<16xi32>
        %xor3A_312 = arith.xori %iota3A, %xor3A_311 : vector<16xi32>
        %broadcast_in_dim3A_313 = vector.shape_cast %xor3A_312 : vector<16xi32> to vector<16x1xi32>
        %gather3A_314 = vector.shape_cast %broadcast_in_dim3A_313 : vector<16x1xi32> to vector<16xi32>
        %gather3A_315 = tpu.dynamic_gather %add3A_309[%gather3A_314] in [0] : vector<16xf32>, vector<16xi32> -> vector<16xf32>
        %add3A_316 = arith.addf %add3A_309, %gather3A_315 : vector<16xf32>
        %mul3A_317 = arith.mulf %add3A_316, %select_n3A : vector<16xf32>
        %get3A_318 = arith.index_cast %scan3A_178#0 : i32 to index
        %get3A_319 = tpu.vector_load %arg21[%get3A_318] {strides = array<i32>} : memref<1040xf32, #tpu.memory_space<vmem>>, vector<16xf32>,
        %get3A_320 = vector.shape_cast %get3A_319 : vector<16xf32> to vector<16xf32>
        %add3A_321 = arith.addf %get3A_320, %mul3A_317 : vector<16xf32>
        %swap3A_322 = arith.index_cast %scan3A_178#0 : i32 to index
        %swap3A_323 = tpu.vector_load %arg21[%swap3A_322] {strides = array<i32>} : memref<1040xf32, #tpu.memory_space<vmem>>, vector<16xf32>,
        %swap3A_324 = vector.shape_cast %swap3A_323 : vector<16xf32> to vector<16xf32>
        %swap3A_325 = vector.shape_cast %add3A_321 : vector<16xf32> to vector<16xf32>
        tpu.vector_store %arg21[%swap3A_322], %swap3A_325 {strides = array<i32>} : memref<1040xf32, #tpu.memory_space<vmem>>, vector<16xf32>,
        "tpu.region"() ({
          %run_scoped3A = tpu.sem_alloc : memref<!tpu.dma_semaphore, #tpu.memory_space<semaphore_mem>>
          %dma_start3A = arith.constant 0 : i32
          %dma_start3A_326 = tpu.memref_slice %arg15[%dma_start3A] : memref<2048xf32, #tpu.memory_space<vmem>> -> memref<2048xf32, #tpu.memory_space<vmem>>
          %dma_start3A_327 = tpu.memref_slice %arg5[%mul3A_171] : memref<1600000xf32, #tpu.memory_space<hbm>> -> memref<2048xf32, #tpu.memory_space<hbm>>
          %dma_start3A_328 = tpu.memref_slice %arg5[%mul3A_171] : memref<1600000xf32, #tpu.memory_space<hbm>> -> memref<2048xf32, #tpu.memory_space<hbm>>
          %dma_start3A_329 = arith.constant 0 : i32
          %dma_start3A_330 = tpu.memref_slice %arg15[%dma_start3A_329] : memref<2048xf32, #tpu.memory_space<vmem>> -> memref<2048xf32, #tpu.memory_space<vmem>>
          tpu.enqueue_dma source(%dma_start3A_330 : memref<2048xf32, #tpu.memory_space<vmem>>) target(%dma_start3A_328 : memref<2048xf32, #tpu.memory_space<hbm>>) target_semaphore(%run_scoped3A : memref<!tpu.dma_semaphore, #tpu.memory_space<semaphore_mem>>)
          %dma_wait3A_331 = arith.constant 0 : i32
          %dma_wait3A_332 = tpu.memref_slice %arg15[%dma_wait3A_331] : memref<2048xf32, #tpu.memory_space<vmem>> -> memref<2048xf32, #tpu.memory_space<vmem>>
          %dma_wait3A_333 = tpu.memref_slice %arg5[%mul3A_171] : memref<1600000xf32, #tpu.memory_space<hbm>> -> memref<2048xf32, #tpu.memory_space<hbm>>
          %dma_wait3A_334 = tpu.memref_slice %arg5[%mul3A_171] : memref<1600000xf32, #tpu.memory_space<hbm>> -> memref<2048xf32, #tpu.memory_space<hbm>>
          %dma_wait3A_335 = arith.constant 0 : i32
          %dma_wait3A_336 = tpu.memref_slice %arg15[%dma_wait3A_335] : memref<2048xf32, #tpu.memory_space<vmem>> -> memref<2048xf32, #tpu.memory_space<vmem>>
          tpu.wait_dma2 semaphore(%run_scoped3A : memref<!tpu.dma_semaphore, #tpu.memory_space<semaphore_mem>>) src(%dma_wait3A_336 : memref<2048xf32, #tpu.memory_space<vmem>>) dst(%dma_wait3A_334 : memref<2048xf32, #tpu.memory_space<hbm>>)
          tpu.yield
        }) : () -> ()
        "tpu.region"() ({
          %run_scoped3A = tpu.sem_alloc : memref<!tpu.dma_semaphore, #tpu.memory_space<semaphore_mem>>
          %dma_start3A = arith.constant 0 : i32
          %dma_start3A_326 = tpu.memref_slice %arg16[%dma_start3A] : memref<2048xf32, #tpu.memory_space<vmem>> -> memref<2048xf32, #tpu.memory_space<vmem>>
          %dma_start3A_327 = tpu.memref_slice %arg6[%mul3A_171] : memref<1600000xf32, #tpu.memory_space<hbm>> -> memref<2048xf32, #tpu.memory_space<hbm>>
          %dma_start3A_328 = tpu.memref_slice %arg6[%mul3A_171] : memref<1600000xf32, #tpu.memory_space<hbm>> -> memref<2048xf32, #tpu.memory_space<hbm>>
          %dma_start3A_329 = arith.constant 0 : i32
          %dma_start3A_330 = tpu.memref_slice %arg16[%dma_start3A_329] : memref<2048xf32, #tpu.memory_space<vmem>> -> memref<2048xf32, #tpu.memory_space<vmem>>
          tpu.enqueue_dma source(%dma_start3A_330 : memref<2048xf32, #tpu.memory_space<vmem>>) target(%dma_start3A_328 : memref<2048xf32, #tpu.memory_space<hbm>>) target_semaphore(%run_scoped3A : memref<!tpu.dma_semaphore, #tpu.memory_space<semaphore_mem>>)
          %dma_wait3A_331 = arith.constant 0 : i32
          %dma_wait3A_332 = tpu.memref_slice %arg16[%dma_wait3A_331] : memref<2048xf32, #tpu.memory_space<vmem>> -> memref<2048xf32, #tpu.memory_space<vmem>>
          %dma_wait3A_333 = tpu.memref_slice %arg6[%mul3A_171] : memref<1600000xf32, #tpu.memory_space<hbm>> -> memref<2048xf32, #tpu.memory_space<hbm>>
          %dma_wait3A_334 = tpu.memref_slice %arg6[%mul3A_171] : memref<1600000xf32, #tpu.memory_space<hbm>> -> memref<2048xf32, #tpu.memory_space<hbm>>
          %dma_wait3A_335 = arith.constant 0 : i32
          %dma_wait3A_336 = tpu.memref_slice %arg16[%dma_wait3A_335] : memref<2048xf32, #tpu.memory_space<vmem>> -> memref<2048xf32, #tpu.memory_space<vmem>>
          tpu.wait_dma2 semaphore(%run_scoped3A : memref<!tpu.dma_semaphore, #tpu.memory_space<semaphore_mem>>) src(%dma_wait3A_336 : memref<2048xf32, #tpu.memory_space<vmem>>) dst(%dma_wait3A_334 : memref<2048xf32, #tpu.memory_space<hbm>>)
          tpu.yield
        }) : () -> ()
        "tpu.region"() ({
          %run_scoped3A = tpu.sem_alloc : memref<!tpu.dma_semaphore, #tpu.memory_space<semaphore_mem>>
          %dma_start3A = arith.constant 0 : i32
          %dma_start3A_326 = tpu.memref_slice %arg17[%dma_start3A] : memref<2048xf32, #tpu.memory_space<vmem>> -> memref<2048xf32, #tpu.memory_space<vmem>>
          %dma_start3A_327 = tpu.memref_slice %arg7[%mul3A_171] : memref<1600000xf32, #tpu.memory_space<hbm>> -> memref<2048xf32, #tpu.memory_space<hbm>>
          %dma_start3A_328 = tpu.memref_slice %arg7[%mul3A_171] : memref<1600000xf32, #tpu.memory_space<hbm>> -> memref<2048xf32, #tpu.memory_space<hbm>>
          %dma_start3A_329 = arith.constant 0 : i32
          %dma_start3A_330 = tpu.memref_slice %arg17[%dma_start3A_329] : memref<2048xf32, #tpu.memory_space<vmem>> -> memref<2048xf32, #tpu.memory_space<vmem>>
          tpu.enqueue_dma source(%dma_start3A_330 : memref<2048xf32, #tpu.memory_space<vmem>>) target(%dma_start3A_328 : memref<2048xf32, #tpu.memory_space<hbm>>) target_semaphore(%run_scoped3A : memref<!tpu.dma_semaphore, #tpu.memory_space<semaphore_mem>>)
          %dma_wait3A_331 = arith.constant 0 : i32
          %dma_wait3A_332 = tpu.memref_slice %arg17[%dma_wait3A_331] : memref<2048xf32, #tpu.memory_space<vmem>> -> memref<2048xf32, #tpu.memory_space<vmem>>
          %dma_wait3A_333 = tpu.memref_slice %arg7[%mul3A_171] : memref<1600000xf32, #tpu.memory_space<hbm>> -> memref<2048xf32, #tpu.memory_space<hbm>>
          %dma_wait3A_334 = tpu.memref_slice %arg7[%mul3A_171] : memref<1600000xf32, #tpu.memory_space<hbm>> -> memref<2048xf32, #tpu.memory_space<hbm>>
          %dma_wait3A_335 = arith.constant 0 : i32
          %dma_wait3A_336 = tpu.memref_slice %arg17[%dma_wait3A_335] : memref<2048xf32, #tpu.memory_space<vmem>> -> memref<2048xf32, #tpu.memory_space<vmem>>
          tpu.wait_dma2 semaphore(%run_scoped3A : memref<!tpu.dma_semaphore, #tpu.memory_space<semaphore_mem>>) src(%dma_wait3A_336 : memref<2048xf32, #tpu.memory_space<vmem>>) dst(%dma_wait3A_334 : memref<2048xf32, #tpu.memory_space<hbm>>)
          tpu.yield
        }) : () -> ()
      } else {
      }
      %not3A = arith.constant true
      %not3A_138 = arith.xori %eq3A_134, %not3A : i1
      %convert_element_type3A_139 = arith.extui %not3A_138 : i1 to i32
      %cond3A_140 = arith.constant 0 : i32
      %cond3A_141 = arith.cmpi ne, %convert_element_type3A_139, %cond3A_140 : i32
      scf.if %cond3A_141 {
        %dma_wait3A = arith.constant 0 : i32
        %dma_wait3A_143 = arith.constant 0 : i32
        %dma_wait3A_144 = arith.constant 0 : i32
        %dma_wait3A_145 = tpu.memref_slice %arg2[%dma_wait3A, %dma_wait3A_143, %dma_wait3A_144] : memref<3x4x1600000xf32, #tpu.memory_space<hbm>> -> memref<3x4x2048xf32, #tpu.memory_space<hbm>>
        %dma_wait3A_146 = arith.constant 0 : i32
        %dma_wait3A_147 = arith.constant 0 : i32
        %dma_wait3A_148 = arith.constant 0 : i32
        %dma_wait3A_149 = tpu.memref_slice %arg2[%dma_wait3A_146, %dma_wait3A_147, %dma_wait3A_148] : memref<3x4x1600000xf32, #tpu.memory_space<hbm>> -> memref<3x4x2048xf32, #tpu.memory_space<hbm>>
        tpu.wait_dma2 semaphore(%arg26 : memref<!tpu.dma_semaphore, #tpu.memory_space<semaphore_mem>>) src(%dma_wait3A_149 : memref<3x4x2048xf32, #tpu.memory_space<hbm>>) dst(%arg12 : memref<3x4x2048xf32, #tpu.memory_space<vmem>>)
        %dma_wait3A_150 = arith.constant 0 : i32
        %dma_wait3A_151 = arith.constant 0 : i32
        %dma_wait3A_152 = tpu.memref_slice %arg3[%dma_wait3A_150, %dma_wait3A_151] : memref<3x1600000xf32, #tpu.memory_space<hbm>> -> memref<3x2048xf32, #tpu.memory_space<hbm>>
        %dma_wait3A_153 = arith.constant 0 : i32
        %dma_wait3A_154 = arith.constant 0 : i32
        %dma_wait3A_155 = tpu.memref_slice %arg3[%dma_wait3A_153, %dma_wait3A_154] : memref<3x1600000xf32, #tpu.memory_space<hbm>> -> memref<3x2048xf32, #tpu.memory_space<hbm>>
        tpu.wait_dma2 semaphore(%arg26 : memref<!tpu.dma_semaphore, #tpu.memory_space<semaphore_mem>>) src(%dma_wait3A_155 : memref<3x2048xf32, #tpu.memory_space<hbm>>) dst(%arg13 : memref<3x2048xf32, #tpu.memory_space<vmem>>)
        %dma_wait3A_156 = arith.constant 0 : i32
        %dma_wait3A_157 = tpu.memref_slice %arg14[%dma_wait3A_156] : memref<2064xi32, #tpu.memory_space<vmem>> -> memref<2048xi32, #tpu.memory_space<vmem>>
        %dma_wait3A_158 = arith.constant 0 : i32
        %dma_wait3A_159 = tpu.memref_slice %arg4[%dma_wait3A_158] : memref<1600000xi32, #tpu.memory_space<hbm>> -> memref<2048xi32, #tpu.memory_space<hbm>>
        %dma_wait3A_160 = arith.constant 0 : i32
        %dma_wait3A_161 = tpu.memref_slice %arg14[%dma_wait3A_160] : memref<2064xi32, #tpu.memory_space<vmem>> -> memref<2048xi32, #tpu.memory_space<vmem>>
        %dma_wait3A_162 = arith.constant 0 : i32
        %dma_wait3A_163 = tpu.memref_slice %arg4[%dma_wait3A_162] : memref<1600000xi32, #tpu.memory_space<hbm>> -> memref<2048xi32, #tpu.memory_space<hbm>>
        tpu.wait_dma2 semaphore(%arg26 : memref<!tpu.dma_semaphore, #tpu.memory_space<semaphore_mem>>) src(%dma_wait3A_163 : memref<2048xi32, #tpu.memory_space<hbm>>) dst(%dma_wait3A_161 : memref<2048xi32, #tpu.memory_space<vmem>>)
        %add3A_164 = arith.constant 1 : i32
        %add3A_165 = arith.addi %add3A_117, %add3A_164 : i32
        %lt3A_166 = arith.cmpi slt, %add3A_165, %select_n3A_85 : i32
        %convert_element_type3A_167 = arith.extui %lt3A_166 : i1 to i32
        %cond3A_168 = arith.constant 0 : i32
        %cond3A_169 = arith.cmpi ne, %convert_element_type3A_167, %cond3A_168 : i32
        scf.if %cond3A_169 {
          %add3A_326 = arith.constant 1 : i32
          %add3A_327 = arith.addi %add3A_117, %add3A_326 : i32
          %mul3A_328 = arith.constant 2048 : i32
          %mul3A_329 = arith.muli %add3A_327, %mul3A_328 : i32
          %dma_start3A = arith.constant 0 : i32
          %dma_start3A_330 = arith.constant 0 : i32
          %dma_start3A_331 = tpu.memref_slice %arg2[%dma_start3A, %dma_start3A_330, %mul3A_329] : memref<3x4x1600000xf32, #tpu.memory_space<hbm>> -> memref<3x4x2048xf32, #tpu.memory_space<hbm>>
          %dma_start3A_332 = arith.constant 0 : i32
          %dma_start3A_333 = arith.constant 0 : i32
          %dma_start3A_334 = tpu.memref_slice %arg2[%dma_start3A_332, %dma_start3A_333, %mul3A_329] : memref<3x4x1600000xf32, #tpu.memory_space<hbm>> -> memref<3x4x2048xf32, #tpu.memory_space<hbm>>
          tpu.enqueue_dma source(%dma_start3A_334 : memref<3x4x2048xf32, #tpu.memory_space<hbm>>) target(%arg9 : memref<3x4x2048xf32, #tpu.memory_space<vmem>>) target_semaphore(%arg25 : memref<!tpu.dma_semaphore, #tpu.memory_space<semaphore_mem>>)
          %dma_start3A_335 = arith.constant 0 : i32
          %dma_start3A_336 = tpu.memref_slice %arg3[%dma_start3A_335, %mul3A_329] : memref<3x1600000xf32, #tpu.memory_space<hbm>> -> memref<3x2048xf32, #tpu.memory_space<hbm>>
          %dma_start3A_337 = arith.constant 0 : i32
          %dma_start3A_338 = tpu.memref_slice %arg3[%dma_start3A_337, %mul3A_329] : memref<3x1600000xf32, #tpu.memory_space<hbm>> -> memref<3x2048xf32, #tpu.memory_space<hbm>>
          tpu.enqueue_dma source(%dma_start3A_338 : memref<3x2048xf32, #tpu.memory_space<hbm>>) target(%arg10 : memref<3x2048xf32, #tpu.memory_space<vmem>>) target_semaphore(%arg25 : memref<!tpu.dma_semaphore, #tpu.memory_space<semaphore_mem>>)
          %dma_start3A_339 = arith.constant 0 : i32
          %dma_start3A_340 = tpu.memref_slice %arg11[%dma_start3A_339] : memref<2064xi32, #tpu.memory_space<vmem>> -> memref<2048xi32, #tpu.memory_space<vmem>>
          %dma_start3A_341 = tpu.memref_slice %arg4[%mul3A_329] : memref<1600000xi32, #tpu.memory_space<hbm>> -> memref<2048xi32, #tpu.memory_space<hbm>>
          %dma_start3A_342 = arith.constant 0 : i32
          %dma_start3A_343 = tpu.memref_slice %arg11[%dma_start3A_342] : memref<2064xi32, #tpu.memory_space<vmem>> -> memref<2048xi32, #tpu.memory_space<vmem>>
          %dma_start3A_344 = tpu.memref_slice %arg4[%mul3A_329] : memref<1600000xi32, #tpu.memory_space<hbm>> -> memref<2048xi32, #tpu.memory_space<hbm>>
          tpu.enqueue_dma source(%dma_start3A_344 : memref<2048xi32, #tpu.memory_space<hbm>>) target(%dma_start3A_343 : memref<2048xi32, #tpu.memory_space<vmem>>) target_semaphore(%arg25 : memref<!tpu.dma_semaphore, #tpu.memory_space<semaphore_mem>>)
        } else {
        }
        %mul3A_170 = arith.constant 2048 : i32
        %mul3A_171 = arith.muli %add3A_117, %mul3A_170 : i32
        %get3A = arith.constant 0 : index
        %get3A_172 = tpu.vector_load %arg14[%get3A] {strides = array<i32>} : memref<2064xi32, #tpu.memory_space<vmem>>, vector<16xi32>,
        %get3A_173 = vector.shape_cast %get3A_172 : vector<16xi32> to vector<16xi32>
        %slice3A = vector.extract_strided_slice %get3A_173 {offsets = [0], sizes = [1], strides = [1]} : vector<16xi32> to vector<1xi32>
        %squeeze3A = vector.extract %slice3A[0] : i32 from vector<1xi32>
        %scan3A_174 = arith.constant 0 : i32
        %scan3A_175 = arith.constant 128 : i32
        %scan3A_176 = arith.addi %scan3A_174, %scan3A_175 : i32
        %scan3A_177 = arith.constant 1 : i32
        %scan3A_178:5 = scf.for %scan3A_326 = %scan3A_174 to %scan3A_176 step %scan3A_177 iter_args(%scan3A_327 = %squeeze3A, %scan3A_328 = %broadcast_in_dim3A_8, %scan3A_329 = %broadcast_in_dim3A_8, %scan3A_330 = %broadcast_in_dim3A_8, %scan3A_331 = %broadcast_in_dim3A_8) -> (i32, vector<16xf32>, vector<16xf32>, vector<16xf32>, vector<16xf32>)  : i32 {
          %mul3A_332 = arith.constant 16 : i32
          %mul3A_333 = arith.muli %scan3A_326, %mul3A_332 : i32
          %get3A_334 = arith.constant 0 : i32
          %get3A_335 = arith.constant 0 : i32
          %get3A_336 = arith.index_cast %get3A_334 : i32 to index
          %get3A_337 = arith.index_cast %get3A_335 : i32 to index
          %get3A_338 = arith.index_cast %mul3A_333 : i32 to index
          %get3A_339 = tpu.vector_load %arg12[%get3A_336, %get3A_337, %get3A_338] {strides = array<i32>} : memref<3x4x2048xf32, #tpu.memory_space<vmem>>, vector<1x1x16xf32>,
          %get3A_340 = vector.shape_cast %get3A_339 : vector<1x1x16xf32> to vector<16xf32>
          %get3A_341 = arith.constant 0 : i32
          %get3A_342 = arith.constant 1 : i32
          %get3A_343 = arith.index_cast %get3A_341 : i32 to index
          %get3A_344 = arith.index_cast %get3A_342 : i32 to index
          %get3A_345 = arith.index_cast %mul3A_333 : i32 to index
          %get3A_346 = tpu.vector_load %arg12[%get3A_343, %get3A_344, %get3A_345] {strides = array<i32>} : memref<3x4x2048xf32, #tpu.memory_space<vmem>>, vector<1x1x16xf32>,
          %get3A_347 = vector.shape_cast %get3A_346 : vector<1x1x16xf32> to vector<16xf32>
          %get3A_348 = arith.constant 0 : i32
          %get3A_349 = arith.constant 2 : i32
          %get3A_350 = arith.index_cast %get3A_348 : i32 to index
          %get3A_351 = arith.index_cast %get3A_349 : i32 to index
          %get3A_352 = arith.index_cast %mul3A_333 : i32 to index
          %get3A_353 = tpu.vector_load %arg12[%get3A_350, %get3A_351, %get3A_352] {strides = array<i32>} : memref<3x4x2048xf32, #tpu.memory_space<vmem>>, vector<1x1x16xf32>,
          %get3A_354 = vector.shape_cast %get3A_353 : vector<1x1x16xf32> to vector<16xf32>
          %get3A_355 = arith.constant 0 : i32
          %get3A_356 = arith.constant 3 : i32
          %get3A_357 = arith.index_cast %get3A_355 : i32 to index
          %get3A_358 = arith.index_cast %get3A_356 : i32 to index
          %get3A_359 = arith.index_cast %mul3A_333 : i32 to index
          %get3A_360 = tpu.vector_load %arg12[%get3A_357, %get3A_358, %get3A_359] {strides = array<i32>} : memref<3x4x2048xf32, #tpu.memory_space<vmem>>, vector<1x1x16xf32>,
          %get3A_361 = vector.shape_cast %get3A_360 : vector<1x1x16xf32> to vector<16xf32>
          %add3A_362 = arith.addf %get3A_340, %get3A_347 : vector<16xf32>
          %add3A_363 = arith.addf %add3A_362, %get3A_354 : vector<16xf32>
          %add3A_364 = arith.addf %add3A_363, %get3A_361 : vector<16xf32>
          %mul3A_365 = arith.constant 2.500000e-01 : f32
          %mul3A_366 = vector.broadcast %mul3A_365 : f32 to vector<16xf32>
          %mul3A_367 = arith.mulf %add3A_364, %mul3A_366 : vector<16xf32>
          %swap3A_368 = arith.index_cast %mul3A_333 : i32 to index
          %swap3A_369 = tpu.vector_load %arg15[%swap3A_368] {strides = array<i32>} : memref<2048xf32, #tpu.memory_space<vmem>>, vector<16xf32>,
          %swap3A_370 = vector.shape_cast %swap3A_369 : vector<16xf32> to vector<16xf32>
          %swap3A_371 = vector.shape_cast %mul3A_367 : vector<16xf32> to vector<16xf32>
          tpu.vector_store %arg15[%swap3A_368], %swap3A_371 {strides = array<i32>} : memref<2048xf32, #tpu.memory_space<vmem>>, vector<16xf32>,
          %sub3A_372 = arith.subf %get3A_340, %mul3A_367 : vector<16xf32>
          %sub3A_373 = arith.subf %get3A_347, %mul3A_367 : vector<16xf32>
          %sub3A_374 = arith.subf %get3A_354, %mul3A_367 : vector<16xf32>
          %sub3A_375 = arith.subf %get3A_361, %mul3A_367 : vector<16xf32>
          %mul3A_376 = arith.mulf %sub3A_372, %sub3A_372 : vector<16xf32>
          %mul3A_377 = arith.mulf %sub3A_373, %sub3A_373 : vector<16xf32>
          %add3A_378 = arith.addf %mul3A_376, %mul3A_377 : vector<16xf32>
          %mul3A_379 = arith.mulf %sub3A_374, %sub3A_374 : vector<16xf32>
          %add3A_380 = arith.addf %add3A_378, %mul3A_379 : vector<16xf32>
          %mul3A_381 = arith.mulf %sub3A_375, %sub3A_375 : vector<16xf32>
          %add3A_382 = arith.addf %add3A_380, %mul3A_381 : vector<16xf32>
          %add3A_383 = arith.addf %broadcast_in_dim3A_8, %add3A_382 : vector<16xf32>
          %get3A_384 = arith.constant 0 : i32
          %get3A_385 = arith.index_cast %get3A_384 : i32 to index
          %get3A_386 = arith.index_cast %mul3A_333 : i32 to index
          %get3A_387 = tpu.vector_load %arg13[%get3A_385, %get3A_386] {strides = array<i32>} : memref<3x2048xf32, #tpu.memory_space<vmem>>, vector<1x16xf32>,
          %get3A_388 = vector.shape_cast %get3A_387 : vector<1x16xf32> to vector<16xf32>
          %sub3A_389 = arith.subf %mul3A_367, %get3A_388 : vector<16xf32>
          %abs3A = math.absf %sub3A_389 : vector<16xf32>
          %add3A_390 = arith.addf %broadcast_in_dim3A_8, %abs3A : vector<16xf32>
          %mul3A_391 = arith.mulf %sub3A_389, %sub3A_389 : vector<16xf32>
          %add3A_392 = arith.addf %broadcast_in_dim3A_8, %mul3A_391 : vector<16xf32>
          %get3A_393 = arith.constant 1 : i32
          %get3A_394 = arith.constant 0 : i32
          %get3A_395 = arith.index_cast %get3A_393 : i32 to index
          %get3A_396 = arith.index_cast %get3A_394 : i32 to index
          %get3A_397 = arith.index_cast %mul3A_333 : i32 to index
          %get3A_398 = tpu.vector_load %arg12[%get3A_395, %get3A_396, %get3A_397] {strides = array<i32>} : memref<3x4x2048xf32, #tpu.memory_space<vmem>>, vector<1x1x16xf32>,
          %get3A_399 = vector.shape_cast %get3A_398 : vector<1x1x16xf32> to vector<16xf32>
          %get3A_400 = arith.constant 1 : i32
          %get3A_401 = arith.constant 1 : i32
          %get3A_402 = arith.index_cast %get3A_400 : i32 to index
          %get3A_403 = arith.index_cast %get3A_401 : i32 to index
          %get3A_404 = arith.index_cast %mul3A_333 : i32 to index
          %get3A_405 = tpu.vector_load %arg12[%get3A_402, %get3A_403, %get3A_404] {strides = array<i32>} : memref<3x4x2048xf32, #tpu.memory_space<vmem>>, vector<1x1x16xf32>,
          %get3A_406 = vector.shape_cast %get3A_405 : vector<1x1x16xf32> to vector<16xf32>
          %get3A_407 = arith.constant 1 : i32
          %get3A_408 = arith.constant 2 : i32
          %get3A_409 = arith.index_cast %get3A_407 : i32 to index
          %get3A_410 = arith.index_cast %get3A_408 : i32 to index
          %get3A_411 = arith.index_cast %mul3A_333 : i32 to index
          %get3A_412 = tpu.vector_load %arg12[%get3A_409, %get3A_410, %get3A_411] {strides = array<i32>} : memref<3x4x2048xf32, #tpu.memory_space<vmem>>, vector<1x1x16xf32>,
          %get3A_413 = vector.shape_cast %get3A_412 : vector<1x1x16xf32> to vector<16xf32>
          %get3A_414 = arith.constant 1 : i32
          %get3A_415 = arith.constant 3 : i32
          %get3A_416 = arith.index_cast %get3A_414 : i32 to index
          %get3A_417 = arith.index_cast %get3A_415 : i32 to index
          %get3A_418 = arith.index_cast %mul3A_333 : i32 to index
          %get3A_419 = tpu.vector_load %arg12[%get3A_416, %get3A_417, %get3A_418] {strides = array<i32>} : memref<3x4x2048xf32, #tpu.memory_space<vmem>>, vector<1x1x16xf32>,
          %get3A_420 = vector.shape_cast %get3A_419 : vector<1x1x16xf32> to vector<16xf32>
          %add3A_421 = arith.addf %get3A_399, %get3A_406 : vector<16xf32>
          %add3A_422 = arith.addf %add3A_421, %get3A_413 : vector<16xf32>
          %add3A_423 = arith.addf %add3A_422, %get3A_420 : vector<16xf32>
          %mul3A_424 = arith.constant 2.500000e-01 : f32
          %mul3A_425 = vector.broadcast %mul3A_424 : f32 to vector<16xf32>
          %mul3A_426 = arith.mulf %add3A_423, %mul3A_425 : vector<16xf32>
          %swap3A_427 = arith.index_cast %mul3A_333 : i32 to index
          %swap3A_428 = tpu.vector_load %arg16[%swap3A_427] {strides = array<i32>} : memref<2048xf32, #tpu.memory_space<vmem>>, vector<16xf32>,
          %swap3A_429 = vector.shape_cast %swap3A_428 : vector<16xf32> to vector<16xf32>
          %swap3A_430 = vector.shape_cast %mul3A_426 : vector<16xf32> to vector<16xf32>
          tpu.vector_store %arg16[%swap3A_427], %swap3A_430 {strides = array<i32>} : memref<2048xf32, #tpu.memory_space<vmem>>, vector<16xf32>,
          %sub3A_431 = arith.subf %get3A_399, %mul3A_426 : vector<16xf32>
          %sub3A_432 = arith.subf %get3A_406, %mul3A_426 : vector<16xf32>
          %sub3A_433 = arith.subf %get3A_413, %mul3A_426 : vector<16xf32>
          %sub3A_434 = arith.subf %get3A_420, %mul3A_426 : vector<16xf32>
          %mul3A_435 = arith.mulf %sub3A_431, %sub3A_431 : vector<16xf32>
          %mul3A_436 = arith.mulf %sub3A_432, %sub3A_432 : vector<16xf32>
          %add3A_437 = arith.addf %mul3A_435, %mul3A_436 : vector<16xf32>
          %mul3A_438 = arith.mulf %sub3A_433, %sub3A_433 : vector<16xf32>
          %add3A_439 = arith.addf %add3A_437, %mul3A_438 : vector<16xf32>
          %mul3A_440 = arith.mulf %sub3A_434, %sub3A_434 : vector<16xf32>
          %add3A_441 = arith.addf %add3A_439, %mul3A_440 : vector<16xf32>
          %add3A_442 = arith.addf %add3A_383, %add3A_441 : vector<16xf32>
          %get3A_443 = arith.constant 1 : i32
          %get3A_444 = arith.index_cast %get3A_443 : i32 to index
          %get3A_445 = arith.index_cast %mul3A_333 : i32 to index
          %get3A_446 = tpu.vector_load %arg13[%get3A_444, %get3A_445] {strides = array<i32>} : memref<3x2048xf32, #tpu.memory_space<vmem>>, vector<1x16xf32>,
          %get3A_447 = vector.shape_cast %get3A_446 : vector<1x16xf32> to vector<16xf32>
          %sub3A_448 = arith.subf %mul3A_426, %get3A_447 : vector<16xf32>
          %abs3A_449 = math.absf %sub3A_448 : vector<16xf32>
          %add3A_450 = arith.addf %add3A_390, %abs3A_449 : vector<16xf32>
          %mul3A_451 = arith.mulf %sub3A_448, %sub3A_448 : vector<16xf32>
          %add3A_452 = arith.addf %add3A_392, %mul3A_451 : vector<16xf32>
          %get3A_453 = arith.constant 2 : i32
          %get3A_454 = arith.constant 0 : i32
          %get3A_455 = arith.index_cast %get3A_453 : i32 to index
          %get3A_456 = arith.index_cast %get3A_454 : i32 to index
          %get3A_457 = arith.index_cast %mul3A_333 : i32 to index
          %get3A_458 = tpu.vector_load %arg12[%get3A_455, %get3A_456, %get3A_457] {strides = array<i32>} : memref<3x4x2048xf32, #tpu.memory_space<vmem>>, vector<1x1x16xf32>,
          %get3A_459 = vector.shape_cast %get3A_458 : vector<1x1x16xf32> to vector<16xf32>
          %get3A_460 = arith.constant 2 : i32
          %get3A_461 = arith.constant 1 : i32
          %get3A_462 = arith.index_cast %get3A_460 : i32 to index
          %get3A_463 = arith.index_cast %get3A_461 : i32 to index
          %get3A_464 = arith.index_cast %mul3A_333 : i32 to index
          %get3A_465 = tpu.vector_load %arg12[%get3A_462, %get3A_463, %get3A_464] {strides = array<i32>} : memref<3x4x2048xf32, #tpu.memory_space<vmem>>, vector<1x1x16xf32>,
          %get3A_466 = vector.shape_cast %get3A_465 : vector<1x1x16xf32> to vector<16xf32>
          %get3A_467 = arith.constant 2 : i32
          %get3A_468 = arith.constant 2 : i32
          %get3A_469 = arith.index_cast %get3A_467 : i32 to index
          %get3A_470 = arith.index_cast %get3A_468 : i32 to index
          %get3A_471 = arith.index_cast %mul3A_333 : i32 to index
          %get3A_472 = tpu.vector_load %arg12[%get3A_469, %get3A_470, %get3A_471] {strides = array<i32>} : memref<3x4x2048xf32, #tpu.memory_space<vmem>>, vector<1x1x16xf32>,
          %get3A_473 = vector.shape_cast %get3A_472 : vector<1x1x16xf32> to vector<16xf32>
          %get3A_474 = arith.constant 2 : i32
          %get3A_475 = arith.constant 3 : i32
          %get3A_476 = arith.index_cast %get3A_474 : i32 to index
          %get3A_477 = arith.index_cast %get3A_475 : i32 to index
          %get3A_478 = arith.index_cast %mul3A_333 : i32 to index
          %get3A_479 = tpu.vector_load %arg12[%get3A_476, %get3A_477, %get3A_478] {strides = array<i32>} : memref<3x4x2048xf32, #tpu.memory_space<vmem>>, vector<1x1x16xf32>,
          %get3A_480 = vector.shape_cast %get3A_479 : vector<1x1x16xf32> to vector<16xf32>
          %add3A_481 = arith.addf %get3A_459, %get3A_466 : vector<16xf32>
          %add3A_482 = arith.addf %add3A_481, %get3A_473 : vector<16xf32>
          %add3A_483 = arith.addf %add3A_482, %get3A_480 : vector<16xf32>
          %mul3A_484 = arith.constant 2.500000e-01 : f32
          %mul3A_485 = vector.broadcast %mul3A_484 : f32 to vector<16xf32>
          %mul3A_486 = arith.mulf %add3A_483, %mul3A_485 : vector<16xf32>
          %swap3A_487 = arith.index_cast %mul3A_333 : i32 to index
          %swap3A_488 = tpu.vector_load %arg17[%swap3A_487] {strides = array<i32>} : memref<2048xf32, #tpu.memory_space<vmem>>, vector<16xf32>,
          %swap3A_489 = vector.shape_cast %swap3A_488 : vector<16xf32> to vector<16xf32>
          %swap3A_490 = vector.shape_cast %mul3A_486 : vector<16xf32> to vector<16xf32>
          tpu.vector_store %arg17[%swap3A_487], %swap3A_490 {strides = array<i32>} : memref<2048xf32, #tpu.memory_space<vmem>>, vector<16xf32>,
          %sub3A_491 = arith.subf %get3A_459, %mul3A_486 : vector<16xf32>
          %sub3A_492 = arith.subf %get3A_466, %mul3A_486 : vector<16xf32>
          %sub3A_493 = arith.subf %get3A_473, %mul3A_486 : vector<16xf32>
          %sub3A_494 = arith.subf %get3A_480, %mul3A_486 : vector<16xf32>
          %mul3A_495 = arith.mulf %sub3A_491, %sub3A_491 : vector<16xf32>
          %mul3A_496 = arith.mulf %sub3A_492, %sub3A_492 : vector<16xf32>
          %add3A_497 = arith.addf %mul3A_495, %mul3A_496 : vector<16xf32>
          %mul3A_498 = arith.mulf %sub3A_493, %sub3A_493 : vector<16xf32>
          %add3A_499 = arith.addf %add3A_497, %mul3A_498 : vector<16xf32>
          %mul3A_500 = arith.mulf %sub3A_494, %sub3A_494 : vector<16xf32>
          %add3A_501 = arith.addf %add3A_499, %mul3A_500 : vector<16xf32>
          %add3A_502 = arith.addf %add3A_442, %add3A_501 : vector<16xf32>
          %get3A_503 = arith.constant 2 : i32
          %get3A_504 = arith.index_cast %get3A_503 : i32 to index
          %get3A_505 = arith.index_cast %mul3A_333 : i32 to index
          %get3A_506 = tpu.vector_load %arg13[%get3A_504, %get3A_505] {strides = array<i32>} : memref<3x2048xf32, #tpu.memory_space<vmem>>, vector<1x16xf32>,
          %get3A_507 = vector.shape_cast %get3A_506 : vector<1x16xf32> to vector<16xf32>
          %sub3A_508 = arith.subf %mul3A_486, %get3A_507 : vector<16xf32>
          %abs3A_509 = math.absf %sub3A_508 : vector<16xf32>
          %add3A_510 = arith.addf %add3A_450, %abs3A_509 : vector<16xf32>
          %mul3A_511 = arith.mulf %sub3A_508, %sub3A_508 : vector<16xf32>
          %add3A_512 = arith.addf %add3A_452, %mul3A_511 : vector<16xf32>
          %get3A_513 = arith.index_cast %mul3A_333 : i32 to index
          %get3A_514 = tpu.vector_load %arg14[%get3A_513] {strides = array<i32>} : memref<2064xi32, #tpu.memory_space<vmem>>, vector<16xi32>,
          %get3A_515 = vector.shape_cast %get3A_514 : vector<16xi32> to vector<16xi32>
          %slice3A_516 = vector.extract_strided_slice %get3A_515 {offsets = [0], sizes = [1], strides = [1]} : vector<16xi32> to vector<1xi32>
          %squeeze3A_517 = vector.extract %slice3A_516[0] : i32 from vector<1xi32>
          %add3A_518 = arith.constant 16 : i32
          %add3A_519 = arith.addi %mul3A_333, %add3A_518 : i32
          %sub3A_520 = arith.constant 1 : i32
          %sub3A_521 = arith.subi %add3A_519, %sub3A_520 : i32
          %get3A_522 = arith.index_cast %sub3A_521 : i32 to index
          %get3A_523 = tpu.vector_load %arg14[%get3A_522] {strides = array<i32>} : memref<2064xi32, #tpu.memory_space<vmem>>, vector<16xi32>,
          %get3A_524 = vector.shape_cast %get3A_523 : vector<16xi32> to vector<16xi32>
          %slice3A_525 = vector.extract_strided_slice %get3A_524 {offsets = [0], sizes = [1], strides = [1]} : vector<16xi32> to vector<1xi32>
          %squeeze3A_526 = vector.extract %slice3A_525[0] : i32 from vector<1xi32>
          %eq3A_527 = arith.cmpi eq, %squeeze3A_517, %scan3A_327 : i32
          %eq3A_528 = arith.cmpi eq, %squeeze3A_526, %scan3A_327 : i32
          %and3A_529 = arith.andi %eq3A_527, %eq3A_528 : i1
          %not3A_530 = arith.constant true
          %not3A_531 = arith.xori %and3A_529, %not3A_530 : i1
          %convert_element_type3A_532 = arith.extui %not3A_531 : i1 to i32
          %cond3A_533 = arith.constant 0 : i32
          %cond3A_534 = arith.cmpi ne, %convert_element_type3A_532, %cond3A_533 : i32
          scf.if %cond3A_534 {
            %xor3A_544 = arith.constant 8 : i32
            %xor3A_545 = vector.broadcast %xor3A_544 : i32 to vector<16xi32>
            %xor3A_546 = arith.xori %iota3A, %xor3A_545 : vector<16xi32>
            %broadcast_in_dim3A_547 = vector.shape_cast %xor3A_546 : vector<16xi32> to vector<16x1xi32>
            %gather3A_548 = vector.shape_cast %broadcast_in_dim3A_547 : vector<16x1xi32> to vector<16xi32>
            %gather3A_549 = tpu.dynamic_gather %scan3A_329[%gather3A_548] in [0] : vector<16xf32>, vector<16xi32> -> vector<16xf32>
            %add3A_550 = arith.addf %scan3A_329, %gather3A_549 : vector<16xf32>
            %xor3A_551 = arith.constant 4 : i32
            %xor3A_552 = vector.broadcast %xor3A_551 : i32 to vector<16xi32>
            %xor3A_553 = arith.xori %iota3A, %xor3A_552 : vector<16xi32>
            %broadcast_in_dim3A_554 = vector.shape_cast %xor3A_553 : vector<16xi32> to vector<16x1xi32>
            %gather3A_555 = vector.shape_cast %broadcast_in_dim3A_554 : vector<16x1xi32> to vector<16xi32>
            %gather3A_556 = tpu.dynamic_gather %add3A_550[%gather3A_555] in [0] : vector<16xf32>, vector<16xi32> -> vector<16xf32>
            %add3A_557 = arith.addf %add3A_550, %gather3A_556 : vector<16xf32>
            %xor3A_558 = arith.constant 2 : i32
            %xor3A_559 = vector.broadcast %xor3A_558 : i32 to vector<16xi32>
            %xor3A_560 = arith.xori %iota3A, %xor3A_559 : vector<16xi32>
            %broadcast_in_dim3A_561 = vector.shape_cast %xor3A_560 : vector<16xi32> to vector<16x1xi32>
            %gather3A_562 = vector.shape_cast %broadcast_in_dim3A_561 : vector<16x1xi32> to vector<16xi32>
            %gather3A_563 = tpu.dynamic_gather %add3A_557[%gather3A_562] in [0] : vector<16xf32>, vector<16xi32> -> vector<16xf32>
            %add3A_564 = arith.addf %add3A_557, %gather3A_563 : vector<16xf32>
            %xor3A_565 = arith.constant 1 : i32
            %xor3A_566 = vector.broadcast %xor3A_565 : i32 to vector<16xi32>
            %xor3A_567 = arith.xori %iota3A, %xor3A_566 : vector<16xi32>
            %broadcast_in_dim3A_568 = vector.shape_cast %xor3A_567 : vector<16xi32> to vector<16x1xi32>
            %gather3A_569 = vector.shape_cast %broadcast_in_dim3A_568 : vector<16x1xi32> to vector<16xi32>
            %gather3A_570 = tpu.dynamic_gather %add3A_564[%gather3A_569] in [0] : vector<16xf32>, vector<16xi32> -> vector<16xf32>
            %add3A_571 = arith.addf %add3A_564, %gather3A_570 : vector<16xf32>
            %mul3A_572 = arith.mulf %add3A_571, %select_n3A : vector<16xf32>
            %get3A_573 = arith.index_cast %scan3A_327 : i32 to index
            %get3A_574 = tpu.vector_load %arg18[%get3A_573] {strides = array<i32>} : memref<1040xf32, #tpu.memory_space<vmem>>, vector<16xf32>,
            %get3A_575 = vector.shape_cast %get3A_574 : vector<16xf32> to vector<16xf32>
            %add3A_576 = arith.addf %get3A_575, %mul3A_572 : vector<16xf32>
            %swap3A_577 = arith.index_cast %scan3A_327 : i32 to index
            %swap3A_578 = tpu.vector_load %arg18[%swap3A_577] {strides = array<i32>} : memref<1040xf32, #tpu.memory_space<vmem>>, vector<16xf32>,
            %swap3A_579 = vector.shape_cast %swap3A_578 : vector<16xf32> to vector<16xf32>
            %swap3A_580 = vector.shape_cast %add3A_576 : vector<16xf32> to vector<16xf32>
            tpu.vector_store %arg18[%swap3A_577], %swap3A_580 {strides = array<i32>} : memref<1040xf32, #tpu.memory_space<vmem>>, vector<16xf32>,
            %xor3A_581 = arith.constant 8 : i32
            %xor3A_582 = vector.broadcast %xor3A_581 : i32 to vector<16xi32>
            %xor3A_583 = arith.xori %iota3A, %xor3A_582 : vector<16xi32>
            %broadcast_in_dim3A_584 = vector.shape_cast %xor3A_583 : vector<16xi32> to vector<16x1xi32>
            %gather3A_585 = vector.shape_cast %broadcast_in_dim3A_584 : vector<16x1xi32> to vector<16xi32>
            %gather3A_586 = tpu.dynamic_gather %scan3A_330[%gather3A_585] in [0] : vector<16xf32>, vector<16xi32> -> vector<16xf32>
            %add3A_587 = arith.addf %scan3A_330, %gather3A_586 : vector<16xf32>
            %xor3A_588 = arith.constant 4 : i32
            %xor3A_589 = vector.broadcast %xor3A_588 : i32 to vector<16xi32>
            %xor3A_590 = arith.xori %iota3A, %xor3A_589 : vector<16xi32>
            %broadcast_in_dim3A_591 = vector.shape_cast %xor3A_590 : vector<16xi32> to vector<16x1xi32>
            %gather3A_592 = vector.shape_cast %broadcast_in_dim3A_591 : vector<16x1xi32> to vector<16xi32>
            %gather3A_593 = tpu.dynamic_gather %add3A_587[%gather3A_592] in [0] : vector<16xf32>, vector<16xi32> -> vector<16xf32>
            %add3A_594 = arith.addf %add3A_587, %gather3A_593 : vector<16xf32>
            %xor3A_595 = arith.constant 2 : i32
            %xor3A_596 = vector.broadcast %xor3A_595 : i32 to vector<16xi32>
            %xor3A_597 = arith.xori %iota3A, %xor3A_596 : vector<16xi32>
            %broadcast_in_dim3A_598 = vector.shape_cast %xor3A_597 : vector<16xi32> to vector<16x1xi32>
            %gather3A_599 = vector.shape_cast %broadcast_in_dim3A_598 : vector<16x1xi32> to vector<16xi32>
            %gather3A_600 = tpu.dynamic_gather %add3A_594[%gather3A_599] in [0] : vector<16xf32>, vector<16xi32> -> vector<16xf32>
            %add3A_601 = arith.addf %add3A_594, %gather3A_600 : vector<16xf32>
            %xor3A_602 = arith.constant 1 : i32
            %xor3A_603 = vector.broadcast %xor3A_602 : i32 to vector<16xi32>
            %xor3A_604 = arith.xori %iota3A, %xor3A_603 : vector<16xi32>
            %broadcast_in_dim3A_605 = vector.shape_cast %xor3A_604 : vector<16xi32> to vector<16x1xi32>
            %gather3A_606 = vector.shape_cast %broadcast_in_dim3A_605 : vector<16x1xi32> to vector<16xi32>
            %gather3A_607 = tpu.dynamic_gather %add3A_601[%gather3A_606] in [0] : vector<16xf32>, vector<16xi32> -> vector<16xf32>
            %add3A_608 = arith.addf %add3A_601, %gather3A_607 : vector<16xf32>
            %mul3A_609 = arith.mulf %add3A_608, %select_n3A : vector<16xf32>
            %get3A_610 = arith.index_cast %scan3A_327 : i32 to index
            %get3A_611 = tpu.vector_load %arg19[%get3A_610] {strides = array<i32>} : memref<1040xf32, #tpu.memory_space<vmem>>, vector<16xf32>,
            %get3A_612 = vector.shape_cast %get3A_611 : vector<16xf32> to vector<16xf32>
            %add3A_613 = arith.addf %get3A_612, %mul3A_609 : vector<16xf32>
            %swap3A_614 = arith.index_cast %scan3A_327 : i32 to index
            %swap3A_615 = tpu.vector_load %arg19[%swap3A_614] {strides = array<i32>} : memref<1040xf32, #tpu.memory_space<vmem>>, vector<16xf32>,
            %swap3A_616 = vector.shape_cast %swap3A_615 : vector<16xf32> to vector<16xf32>
            %swap3A_617 = vector.shape_cast %add3A_613 : vector<16xf32> to vector<16xf32>
            tpu.vector_store %arg19[%swap3A_614], %swap3A_617 {strides = array<i32>} : memref<1040xf32, #tpu.memory_space<vmem>>, vector<16xf32>,
            %xor3A_618 = arith.constant 8 : i32
            %xor3A_619 = vector.broadcast %xor3A_618 : i32 to vector<16xi32>
            %xor3A_620 = arith.xori %iota3A, %xor3A_619 : vector<16xi32>
            %broadcast_in_dim3A_621 = vector.shape_cast %xor3A_620 : vector<16xi32> to vector<16x1xi32>
            %gather3A_622 = vector.shape_cast %broadcast_in_dim3A_621 : vector<16x1xi32> to vector<16xi32>
            %gather3A_623 = tpu.dynamic_gather %scan3A_331[%gather3A_622] in [0] : vector<16xf32>, vector<16xi32> -> vector<16xf32>
            %add3A_624 = arith.addf %scan3A_331, %gather3A_623 : vector<16xf32>
            %xor3A_625 = arith.constant 4 : i32
            %xor3A_626 = vector.broadcast %xor3A_625 : i32 to vector<16xi32>
            %xor3A_627 = arith.xori %iota3A, %xor3A_626 : vector<16xi32>
            %broadcast_in_dim3A_628 = vector.shape_cast %xor3A_627 : vector<16xi32> to vector<16x1xi32>
            %gather3A_629 = vector.shape_cast %broadcast_in_dim3A_628 : vector<16x1xi32> to vector<16xi32>
            %gather3A_630 = tpu.dynamic_gather %add3A_624[%gather3A_629] in [0] : vector<16xf32>, vector<16xi32> -> vector<16xf32>
            %add3A_631 = arith.addf %add3A_624, %gather3A_630 : vector<16xf32>
            %xor3A_632 = arith.constant 2 : i32
            %xor3A_633 = vector.broadcast %xor3A_632 : i32 to vector<16xi32>
            %xor3A_634 = arith.xori %iota3A, %xor3A_633 : vector<16xi32>
            %broadcast_in_dim3A_635 = vector.shape_cast %xor3A_634 : vector<16xi32> to vector<16x1xi32>
            %gather3A_636 = vector.shape_cast %broadcast_in_dim3A_635 : vector<16x1xi32> to vector<16xi32>
            %gather3A_637 = tpu.dynamic_gather %add3A_631[%gather3A_636] in [0] : vector<16xf32>, vector<16xi32> -> vector<16xf32>
            %add3A_638 = arith.addf %add3A_631, %gather3A_637 : vector<16xf32>
            %xor3A_639 = arith.constant 1 : i32
            %xor3A_640 = vector.broadcast %xor3A_639 : i32 to vector<16xi32>
            %xor3A_641 = arith.xori %iota3A, %xor3A_640 : vector<16xi32>
            %broadcast_in_dim3A_642 = vector.shape_cast %xor3A_641 : vector<16xi32> to vector<16x1xi32>
            %gather3A_643 = vector.shape_cast %broadcast_in_dim3A_642 : vector<16x1xi32> to vector<16xi32>
            %gather3A_644 = tpu.dynamic_gather %add3A_638[%gather3A_643] in [0] : vector<16xf32>, vector<16xi32> -> vector<16xf32>
            %add3A_645 = arith.addf %add3A_638, %gather3A_644 : vector<16xf32>
            %mul3A_646 = arith.mulf %add3A_645, %select_n3A : vector<16xf32>
            %get3A_647 = arith.index_cast %scan3A_327 : i32 to index
            %get3A_648 = tpu.vector_load %arg20[%get3A_647] {strides = array<i32>} : memref<1040xf32, #tpu.memory_space<vmem>>, vector<16xf32>,
            %get3A_649 = vector.shape_cast %get3A_648 : vector<16xf32> to vector<16xf32>
            %add3A_650 = arith.addf %get3A_649, %mul3A_646 : vector<16xf32>
            %swap3A_651 = arith.index_cast %scan3A_327 : i32 to index
            %swap3A_652 = tpu.vector_load %arg20[%swap3A_651] {strides = array<i32>} : memref<1040xf32, #tpu.memory_space<vmem>>, vector<16xf32>,
            %swap3A_653 = vector.shape_cast %swap3A_652 : vector<16xf32> to vector<16xf32>
            %swap3A_654 = vector.shape_cast %add3A_650 : vector<16xf32> to vector<16xf32>
            tpu.vector_store %arg20[%swap3A_651], %swap3A_654 {strides = array<i32>} : memref<1040xf32, #tpu.memory_space<vmem>>, vector<16xf32>,
            %xor3A_655 = arith.constant 8 : i32
            %xor3A_656 = vector.broadcast %xor3A_655 : i32 to vector<16xi32>
            %xor3A_657 = arith.xori %iota3A, %xor3A_656 : vector<16xi32>
            %broadcast_in_dim3A_658 = vector.shape_cast %xor3A_657 : vector<16xi32> to vector<16x1xi32>
            %gather3A_659 = vector.shape_cast %broadcast_in_dim3A_658 : vector<16x1xi32> to vector<16xi32>
            %gather3A_660 = tpu.dynamic_gather %scan3A_328[%gather3A_659] in [0] : vector<16xf32>, vector<16xi32> -> vector<16xf32>
            %add3A_661 = arith.addf %scan3A_328, %gather3A_660 : vector<16xf32>
            %xor3A_662 = arith.constant 4 : i32
            %xor3A_663 = vector.broadcast %xor3A_662 : i32 to vector<16xi32>
            %xor3A_664 = arith.xori %iota3A, %xor3A_663 : vector<16xi32>
            %broadcast_in_dim3A_665 = vector.shape_cast %xor3A_664 : vector<16xi32> to vector<16x1xi32>
            %gather3A_666 = vector.shape_cast %broadcast_in_dim3A_665 : vector<16x1xi32> to vector<16xi32>
            %gather3A_667 = tpu.dynamic_gather %add3A_661[%gather3A_666] in [0] : vector<16xf32>, vector<16xi32> -> vector<16xf32>
            %add3A_668 = arith.addf %add3A_661, %gather3A_667 : vector<16xf32>
            %xor3A_669 = arith.constant 2 : i32
            %xor3A_670 = vector.broadcast %xor3A_669 : i32 to vector<16xi32>
            %xor3A_671 = arith.xori %iota3A, %xor3A_670 : vector<16xi32>
            %broadcast_in_dim3A_672 = vector.shape_cast %xor3A_671 : vector<16xi32> to vector<16x1xi32>
            %gather3A_673 = vector.shape_cast %broadcast_in_dim3A_672 : vector<16x1xi32> to vector<16xi32>
            %gather3A_674 = tpu.dynamic_gather %add3A_668[%gather3A_673] in [0] : vector<16xf32>, vector<16xi32> -> vector<16xf32>
            %add3A_675 = arith.addf %add3A_668, %gather3A_674 : vector<16xf32>
            %xor3A_676 = arith.constant 1 : i32
            %xor3A_677 = vector.broadcast %xor3A_676 : i32 to vector<16xi32>
            %xor3A_678 = arith.xori %iota3A, %xor3A_677 : vector<16xi32>
            %broadcast_in_dim3A_679 = vector.shape_cast %xor3A_678 : vector<16xi32> to vector<16x1xi32>
            %gather3A_680 = vector.shape_cast %broadcast_in_dim3A_679 : vector<16x1xi32> to vector<16xi32>
            %gather3A_681 = tpu.dynamic_gather %add3A_675[%gather3A_680] in [0] : vector<16xf32>, vector<16xi32> -> vector<16xf32>
            %add3A_682 = arith.addf %add3A_675, %gather3A_681 : vector<16xf32>
            %mul3A_683 = arith.mulf %add3A_682, %select_n3A : vector<16xf32>
            %get3A_684 = arith.index_cast %scan3A_327 : i32 to index
            %get3A_685 = tpu.vector_load %arg21[%get3A_684] {strides = array<i32>} : memref<1040xf32, #tpu.memory_space<vmem>>, vector<16xf32>,
            %get3A_686 = vector.shape_cast %get3A_685 : vector<16xf32> to vector<16xf32>
            %add3A_687 = arith.addf %get3A_686, %mul3A_683 : vector<16xf32>
            %swap3A_688 = arith.index_cast %scan3A_327 : i32 to index
            %swap3A_689 = tpu.vector_load %arg21[%swap3A_688] {strides = array<i32>} : memref<1040xf32, #tpu.memory_space<vmem>>, vector<16xf32>,
            %swap3A_690 = vector.shape_cast %swap3A_689 : vector<16xf32> to vector<16xf32>
            %swap3A_691 = vector.shape_cast %add3A_687 : vector<16xf32> to vector<16xf32>
            tpu.vector_store %arg21[%swap3A_688], %swap3A_691 {strides = array<i32>} : memref<1040xf32, #tpu.memory_space<vmem>>, vector<16xf32>,
            %swap3A_692 = arith.constant 0 : index
            %swap3A_693 = tpu.vector_load %arg22[%swap3A_692] {strides = array<i32>} : memref<32xf32, #tpu.memory_space<vmem>>, vector<16xf32>,
            %swap3A_694 = vector.shape_cast %swap3A_693 : vector<16xf32> to vector<16xf32>
            %swap3A_695 = vector.shape_cast %add3A_502 : vector<16xf32> to vector<16xf32>
            tpu.vector_store %arg22[%swap3A_692], %swap3A_695 {strides = array<i32>} : memref<32xf32, #tpu.memory_space<vmem>>, vector<16xf32>,
            %swap3A_696 = arith.constant 0 : index
            %swap3A_697 = tpu.vector_load %arg23[%swap3A_696] {strides = array<i32>} : memref<32xf32, #tpu.memory_space<vmem>>, vector<16xf32>,
            %swap3A_698 = vector.shape_cast %swap3A_697 : vector<16xf32> to vector<16xf32>
            %swap3A_699 = vector.shape_cast %add3A_510 : vector<16xf32> to vector<16xf32>
            tpu.vector_store %arg23[%swap3A_696], %swap3A_699 {strides = array<i32>} : memref<32xf32, #tpu.memory_space<vmem>>, vector<16xf32>,
            %swap3A_700 = arith.constant 0 : index
            %swap3A_701 = tpu.vector_load %arg24[%swap3A_700] {strides = array<i32>} : memref<32xf32, #tpu.memory_space<vmem>>, vector<16xf32>,
            %swap3A_702 = vector.shape_cast %swap3A_701 : vector<16xf32> to vector<16xf32>
            %swap3A_703 = vector.shape_cast %add3A_512 : vector<16xf32> to vector<16xf32>
            tpu.vector_store %arg24[%swap3A_700], %swap3A_703 {strides = array<i32>} : memref<32xf32, #tpu.memory_space<vmem>>, vector<16xf32>,
            %scan3A_704 = arith.constant 0 : i32
            %scan3A_705 = arith.constant 0 : i32
            %scan3A_706 = arith.constant 16 : i32
            %scan3A_707 = arith.addi %scan3A_705, %scan3A_706 : i32
            %scan3A_708 = arith.constant 1 : i32
            %scan3A_709 = scf.for %scan3A_711 = %scan3A_705 to %scan3A_707 step %scan3A_708 iter_args(%scan3A_712 = %scan3A_704) -> (i32)  : i32 {
              %add3A_713 = arith.addi %mul3A_333, %scan3A_711 : i32
              %get3A_714 = arith.index_cast %add3A_713 : i32 to index
              %get3A_715 = tpu.vector_load %arg14[%get3A_714] {strides = array<i32>} : memref<2064xi32, #tpu.memory_space<vmem>>, vector<16xi32>,
              %get3A_716 = vector.shape_cast %get3A_715 : vector<16xi32> to vector<16xi32>
              %slice3A_717 = vector.extract_strided_slice %get3A_716 {offsets = [0], sizes = [1], strides = [1]} : vector<16xi32> to vector<1xi32>
              %squeeze3A_718 = vector.extract %slice3A_717[0] : i32 from vector<1xi32>
              %get3A_719 = arith.index_cast %scan3A_711 : i32 to index
              %get3A_720 = tpu.vector_load %arg22[%get3A_719] {strides = array<i32>} : memref<32xf32, #tpu.memory_space<vmem>>, vector<16xf32>,
              %get3A_721 = vector.shape_cast %get3A_720 : vector<16xf32> to vector<16xf32>
              %mul3A_722 = arith.mulf %get3A_721, %select_n3A : vector<16xf32>
              %get3A_723 = arith.index_cast %squeeze3A_718 : i32 to index
              %get3A_724 = tpu.vector_load %arg18[%get3A_723] {strides = array<i32>} : memref<1040xf32, #tpu.memory_space<vmem>>, vector<16xf32>,
              %get3A_725 = vector.shape_cast %get3A_724 : vector<16xf32> to vector<16xf32>
              %add3A_726 = arith.addf %get3A_725, %mul3A_722 : vector<16xf32>
              %swap3A_727 = arith.index_cast %squeeze3A_718 : i32 to index
              %swap3A_728 = tpu.vector_load %arg18[%swap3A_727] {strides = array<i32>} : memref<1040xf32, #tpu.memory_space<vmem>>, vector<16xf32>,
              %swap3A_729 = vector.shape_cast %swap3A_728 : vector<16xf32> to vector<16xf32>
              %swap3A_730 = vector.shape_cast %add3A_726 : vector<16xf32> to vector<16xf32>
              tpu.vector_store %arg18[%swap3A_727], %swap3A_730 {strides = array<i32>} : memref<1040xf32, #tpu.memory_space<vmem>>, vector<16xf32>,
              %get3A_731 = arith.index_cast %scan3A_711 : i32 to index
              %get3A_732 = tpu.vector_load %arg23[%get3A_731] {strides = array<i32>} : memref<32xf32, #tpu.memory_space<vmem>>, vector<16xf32>,
              %get3A_733 = vector.shape_cast %get3A_732 : vector<16xf32> to vector<16xf32>
              %mul3A_734 = arith.mulf %get3A_733, %select_n3A : vector<16xf32>
              %get3A_735 = arith.index_cast %squeeze3A_718 : i32 to index
              %get3A_736 = tpu.vector_load %arg19[%get3A_735] {strides = array<i32>} : memref<1040xf32, #tpu.memory_space<vmem>>, vector<16xf32>,
              %get3A_737 = vector.shape_cast %get3A_736 : vector<16xf32> to vector<16xf32>
              %add3A_738 = arith.addf %get3A_737, %mul3A_734 : vector<16xf32>
              %swap3A_739 = arith.index_cast %squeeze3A_718 : i32 to index
              %swap3A_740 = tpu.vector_load %arg19[%swap3A_739] {strides = array<i32>} : memref<1040xf32, #tpu.memory_space<vmem>>, vector<16xf32>,
              %swap3A_741 = vector.shape_cast %swap3A_740 : vector<16xf32> to vector<16xf32>
              %swap3A_742 = vector.shape_cast %add3A_738 : vector<16xf32> to vector<16xf32>
              tpu.vector_store %arg19[%swap3A_739], %swap3A_742 {strides = array<i32>} : memref<1040xf32, #tpu.memory_space<vmem>>, vector<16xf32>,
              %get3A_743 = arith.index_cast %scan3A_711 : i32 to index
              %get3A_744 = tpu.vector_load %arg24[%get3A_743] {strides = array<i32>} : memref<32xf32, #tpu.memory_space<vmem>>, vector<16xf32>,
              %get3A_745 = vector.shape_cast %get3A_744 : vector<16xf32> to vector<16xf32>
              %mul3A_746 = arith.mulf %get3A_745, %select_n3A : vector<16xf32>
              %get3A_747 = arith.index_cast %squeeze3A_718 : i32 to index
              %get3A_748 = tpu.vector_load %arg20[%get3A_747] {strides = array<i32>} : memref<1040xf32, #tpu.memory_space<vmem>>, vector<16xf32>,
              %get3A_749 = vector.shape_cast %get3A_748 : vector<16xf32> to vector<16xf32>
              %add3A_750 = arith.addf %get3A_749, %mul3A_746 : vector<16xf32>
              %swap3A_751 = arith.index_cast %squeeze3A_718 : i32 to index
              %swap3A_752 = tpu.vector_load %arg20[%swap3A_751] {strides = array<i32>} : memref<1040xf32, #tpu.memory_space<vmem>>, vector<16xf32>,
              %swap3A_753 = vector.shape_cast %swap3A_752 : vector<16xf32> to vector<16xf32>
              %swap3A_754 = vector.shape_cast %add3A_750 : vector<16xf32> to vector<16xf32>
              tpu.vector_store %arg20[%swap3A_751], %swap3A_754 {strides = array<i32>} : memref<1040xf32, #tpu.memory_space<vmem>>, vector<16xf32>,
              %get3A_755 = arith.index_cast %squeeze3A_718 : i32 to index
              %get3A_756 = tpu.vector_load %arg21[%get3A_755] {strides = array<i32>} : memref<1040xf32, #tpu.memory_space<vmem>>, vector<16xf32>,
              %get3A_757 = vector.shape_cast %get3A_756 : vector<16xf32> to vector<16xf32>
              %add3A_758 = arith.addf %get3A_757, %select_n3A : vector<16xf32>
              %swap3A_759 = arith.index_cast %squeeze3A_718 : i32 to index
              %swap3A_760 = tpu.vector_load %arg21[%swap3A_759] {strides = array<i32>} : memref<1040xf32, #tpu.memory_space<vmem>>, vector<16xf32>,
              %swap3A_761 = vector.shape_cast %swap3A_760 : vector<16xf32> to vector<16xf32>
              %swap3A_762 = vector.shape_cast %add3A_758 : vector<16xf32> to vector<16xf32>
              tpu.vector_store %arg21[%swap3A_759], %swap3A_762 {strides = array<i32>} : memref<1040xf32, #tpu.memory_space<vmem>>, vector<16xf32>,
              %scan3A_763 = arith.constant 0 : i32
              scf.yield %scan3A_763 : i32
            }
            %scan3A_710 = arith.constant 16 : i32
          } else {
          }
          %select_n3A_535 = arith.select %and3A_529, %scan3A_327, %squeeze3A_526 : i32
          %add3A_536 = arith.addf %scan3A_328, %broadcast_in_dim3A_6 : vector<16xf32>
          %select_n3A_537 = arith.select %and3A_529, %add3A_536, %broadcast_in_dim3A_8 : vector<16xf32>
          %add3A_538 = arith.addf %scan3A_329, %add3A_502 : vector<16xf32>
          %select_n3A_539 = arith.select %and3A_529, %add3A_538, %broadcast_in_dim3A_8 : vector<16xf32>
          %add3A_540 = arith.addf %scan3A_330, %add3A_510 : vector<16xf32>
          %select_n3A_541 = arith.select %and3A_529, %add3A_540, %broadcast_in_dim3A_8 : vector<16xf32>
          %add3A_542 = arith.addf %scan3A_331, %add3A_512 : vector<16xf32>
          %select_n3A_543 = arith.select %and3A_529, %add3A_542, %broadcast_in_dim3A_8 : vector<16xf32>
          scf.yield %select_n3A_535, %select_n3A_537, %select_n3A_539, %select_n3A_541, %select_n3A_543 : i32, vector<16xf32>, vector<16xf32>, vector<16xf32>, vector<16xf32>
        }
        %scan3A_179 = arith.constant 128 : i32
        %xor3A = arith.constant 8 : i32
        %xor3A_180 = vector.broadcast %xor3A : i32 to vector<16xi32>
        %xor3A_181 = arith.xori %iota3A, %xor3A_180 : vector<16xi32>
        %broadcast_in_dim3A_182 = vector.shape_cast %xor3A_181 : vector<16xi32> to vector<16x1xi32>
        %gather3A = vector.shape_cast %broadcast_in_dim3A_182 : vector<16x1xi32> to vector<16xi32>
        %gather3A_183 = tpu.dynamic_gather %scan3A_178#2[%gather3A] in [0] : vector<16xf32>, vector<16xi32> -> vector<16xf32>
        %add3A_184 = arith.addf %scan3A_178#2, %gather3A_183 : vector<16xf32>
        %xor3A_185 = arith.constant 4 : i32
        %xor3A_186 = vector.broadcast %xor3A_185 : i32 to vector<16xi32>
        %xor3A_187 = arith.xori %iota3A, %xor3A_186 : vector<16xi32>
        %broadcast_in_dim3A_188 = vector.shape_cast %xor3A_187 : vector<16xi32> to vector<16x1xi32>
        %gather3A_189 = vector.shape_cast %broadcast_in_dim3A_188 : vector<16x1xi32> to vector<16xi32>
        %gather3A_190 = tpu.dynamic_gather %add3A_184[%gather3A_189] in [0] : vector<16xf32>, vector<16xi32> -> vector<16xf32>
        %add3A_191 = arith.addf %add3A_184, %gather3A_190 : vector<16xf32>
        %xor3A_192 = arith.constant 2 : i32
        %xor3A_193 = vector.broadcast %xor3A_192 : i32 to vector<16xi32>
        %xor3A_194 = arith.xori %iota3A, %xor3A_193 : vector<16xi32>
        %broadcast_in_dim3A_195 = vector.shape_cast %xor3A_194 : vector<16xi32> to vector<16x1xi32>
        %gather3A_196 = vector.shape_cast %broadcast_in_dim3A_195 : vector<16x1xi32> to vector<16xi32>
        %gather3A_197 = tpu.dynamic_gather %add3A_191[%gather3A_196] in [0] : vector<16xf32>, vector<16xi32> -> vector<16xf32>
        %add3A_198 = arith.addf %add3A_191, %gather3A_197 : vector<16xf32>
        %xor3A_199 = arith.constant 1 : i32
        %xor3A_200 = vector.broadcast %xor3A_199 : i32 to vector<16xi32>
        %xor3A_201 = arith.xori %iota3A, %xor3A_200 : vector<16xi32>
        %broadcast_in_dim3A_202 = vector.shape_cast %xor3A_201 : vector<16xi32> to vector<16x1xi32>
        %gather3A_203 = vector.shape_cast %broadcast_in_dim3A_202 : vector<16x1xi32> to vector<16xi32>
        %gather3A_204 = tpu.dynamic_gather %add3A_198[%gather3A_203] in [0] : vector<16xf32>, vector<16xi32> -> vector<16xf32>
        %add3A_205 = arith.addf %add3A_198, %gather3A_204 : vector<16xf32>
        %mul3A_206 = arith.mulf %add3A_205, %select_n3A : vector<16xf32>
        %get3A_207 = arith.index_cast %scan3A_178#0 : i32 to index
        %get3A_208 = tpu.vector_load %arg18[%get3A_207] {strides = array<i32>} : memref<1040xf32, #tpu.memory_space<vmem>>, vector<16xf32>,
        %get3A_209 = vector.shape_cast %get3A_208 : vector<16xf32> to vector<16xf32>
        %add3A_210 = arith.addf %get3A_209, %mul3A_206 : vector<16xf32>
        %swap3A_211 = arith.index_cast %scan3A_178#0 : i32 to index
        %swap3A_212 = tpu.vector_load %arg18[%swap3A_211] {strides = array<i32>} : memref<1040xf32, #tpu.memory_space<vmem>>, vector<16xf32>,
        %swap3A_213 = vector.shape_cast %swap3A_212 : vector<16xf32> to vector<16xf32>
        %swap3A_214 = vector.shape_cast %add3A_210 : vector<16xf32> to vector<16xf32>
        tpu.vector_store %arg18[%swap3A_211], %swap3A_214 {strides = array<i32>} : memref<1040xf32, #tpu.memory_space<vmem>>, vector<16xf32>,
        %xor3A_215 = arith.constant 8 : i32
        %xor3A_216 = vector.broadcast %xor3A_215 : i32 to vector<16xi32>
        %xor3A_217 = arith.xori %iota3A, %xor3A_216 : vector<16xi32>
        %broadcast_in_dim3A_218 = vector.shape_cast %xor3A_217 : vector<16xi32> to vector<16x1xi32>
        %gather3A_219 = vector.shape_cast %broadcast_in_dim3A_218 : vector<16x1xi32> to vector<16xi32>
        %gather3A_220 = tpu.dynamic_gather %scan3A_178#3[%gather3A_219] in [0] : vector<16xf32>, vector<16xi32> -> vector<16xf32>
        %add3A_221 = arith.addf %scan3A_178#3, %gather3A_220 : vector<16xf32>
        %xor3A_222 = arith.constant 4 : i32
        %xor3A_223 = vector.broadcast %xor3A_222 : i32 to vector<16xi32>
        %xor3A_224 = arith.xori %iota3A, %xor3A_223 : vector<16xi32>
        %broadcast_in_dim3A_225 = vector.shape_cast %xor3A_224 : vector<16xi32> to vector<16x1xi32>
        %gather3A_226 = vector.shape_cast %broadcast_in_dim3A_225 : vector<16x1xi32> to vector<16xi32>
        %gather3A_227 = tpu.dynamic_gather %add3A_221[%gather3A_226] in [0] : vector<16xf32>, vector<16xi32> -> vector<16xf32>
        %add3A_228 = arith.addf %add3A_221, %gather3A_227 : vector<16xf32>
        %xor3A_229 = arith.constant 2 : i32
        %xor3A_230 = vector.broadcast %xor3A_229 : i32 to vector<16xi32>
        %xor3A_231 = arith.xori %iota3A, %xor3A_230 : vector<16xi32>
        %broadcast_in_dim3A_232 = vector.shape_cast %xor3A_231 : vector<16xi32> to vector<16x1xi32>
        %gather3A_233 = vector.shape_cast %broadcast_in_dim3A_232 : vector<16x1xi32> to vector<16xi32>
        %gather3A_234 = tpu.dynamic_gather %add3A_228[%gather3A_233] in [0] : vector<16xf32>, vector<16xi32> -> vector<16xf32>
        %add3A_235 = arith.addf %add3A_228, %gather3A_234 : vector<16xf32>
        %xor3A_236 = arith.constant 1 : i32
        %xor3A_237 = vector.broadcast %xor3A_236 : i32 to vector<16xi32>
        %xor3A_238 = arith.xori %iota3A, %xor3A_237 : vector<16xi32>
        %broadcast_in_dim3A_239 = vector.shape_cast %xor3A_238 : vector<16xi32> to vector<16x1xi32>
        %gather3A_240 = vector.shape_cast %broadcast_in_dim3A_239 : vector<16x1xi32> to vector<16xi32>
        %gather3A_241 = tpu.dynamic_gather %add3A_235[%gather3A_240] in [0] : vector<16xf32>, vector<16xi32> -> vector<16xf32>
        %add3A_242 = arith.addf %add3A_235, %gather3A_241 : vector<16xf32>
        %mul3A_243 = arith.mulf %add3A_242, %select_n3A : vector<16xf32>
        %get3A_244 = arith.index_cast %scan3A_178#0 : i32 to index
        %get3A_245 = tpu.vector_load %arg19[%get3A_244] {strides = array<i32>} : memref<1040xf32, #tpu.memory_space<vmem>>, vector<16xf32>,
        %get3A_246 = vector.shape_cast %get3A_245 : vector<16xf32> to vector<16xf32>
        %add3A_247 = arith.addf %get3A_246, %mul3A_243 : vector<16xf32>
        %swap3A_248 = arith.index_cast %scan3A_178#0 : i32 to index
        %swap3A_249 = tpu.vector_load %arg19[%swap3A_248] {strides = array<i32>} : memref<1040xf32, #tpu.memory_space<vmem>>, vector<16xf32>,
        %swap3A_250 = vector.shape_cast %swap3A_249 : vector<16xf32> to vector<16xf32>
        %swap3A_251 = vector.shape_cast %add3A_247 : vector<16xf32> to vector<16xf32>
        tpu.vector_store %arg19[%swap3A_248], %swap3A_251 {strides = array<i32>} : memref<1040xf32, #tpu.memory_space<vmem>>, vector<16xf32>,
        %xor3A_252 = arith.constant 8 : i32
        %xor3A_253 = vector.broadcast %xor3A_252 : i32 to vector<16xi32>
        %xor3A_254 = arith.xori %iota3A, %xor3A_253 : vector<16xi32>
        %broadcast_in_dim3A_255 = vector.shape_cast %xor3A_254 : vector<16xi32> to vector<16x1xi32>
        %gather3A_256 = vector.shape_cast %broadcast_in_dim3A_255 : vector<16x1xi32> to vector<16xi32>
        %gather3A_257 = tpu.dynamic_gather %scan3A_178#4[%gather3A_256] in [0] : vector<16xf32>, vector<16xi32> -> vector<16xf32>
        %add3A_258 = arith.addf %scan3A_178#4, %gather3A_257 : vector<16xf32>
        %xor3A_259 = arith.constant 4 : i32
        %xor3A_260 = vector.broadcast %xor3A_259 : i32 to vector<16xi32>
        %xor3A_261 = arith.xori %iota3A, %xor3A_260 : vector<16xi32>
        %broadcast_in_dim3A_262 = vector.shape_cast %xor3A_261 : vector<16xi32> to vector<16x1xi32>
        %gather3A_263 = vector.shape_cast %broadcast_in_dim3A_262 : vector<16x1xi32> to vector<16xi32>
        %gather3A_264 = tpu.dynamic_gather %add3A_258[%gather3A_263] in [0] : vector<16xf32>, vector<16xi32> -> vector<16xf32>
        %add3A_265 = arith.addf %add3A_258, %gather3A_264 : vector<16xf32>
        %xor3A_266 = arith.constant 2 : i32
        %xor3A_267 = vector.broadcast %xor3A_266 : i32 to vector<16xi32>
        %xor3A_268 = arith.xori %iota3A, %xor3A_267 : vector<16xi32>
        %broadcast_in_dim3A_269 = vector.shape_cast %xor3A_268 : vector<16xi32> to vector<16x1xi32>
        %gather3A_270 = vector.shape_cast %broadcast_in_dim3A_269 : vector<16x1xi32> to vector<16xi32>
        %gather3A_271 = tpu.dynamic_gather %add3A_265[%gather3A_270] in [0] : vector<16xf32>, vector<16xi32> -> vector<16xf32>
        %add3A_272 = arith.addf %add3A_265, %gather3A_271 : vector<16xf32>
        %xor3A_273 = arith.constant 1 : i32
        %xor3A_274 = vector.broadcast %xor3A_273 : i32 to vector<16xi32>
        %xor3A_275 = arith.xori %iota3A, %xor3A_274 : vector<16xi32>
        %broadcast_in_dim3A_276 = vector.shape_cast %xor3A_275 : vector<16xi32> to vector<16x1xi32>
        %gather3A_277 = vector.shape_cast %broadcast_in_dim3A_276 : vector<16x1xi32> to vector<16xi32>
        %gather3A_278 = tpu.dynamic_gather %add3A_272[%gather3A_277] in [0] : vector<16xf32>, vector<16xi32> -> vector<16xf32>
        %add3A_279 = arith.addf %add3A_272, %gather3A_278 : vector<16xf32>
        %mul3A_280 = arith.mulf %add3A_279, %select_n3A : vector<16xf32>
        %get3A_281 = arith.index_cast %scan3A_178#0 : i32 to index
        %get3A_282 = tpu.vector_load %arg20[%get3A_281] {strides = array<i32>} : memref<1040xf32, #tpu.memory_space<vmem>>, vector<16xf32>,
        %get3A_283 = vector.shape_cast %get3A_282 : vector<16xf32> to vector<16xf32>
        %add3A_284 = arith.addf %get3A_283, %mul3A_280 : vector<16xf32>
        %swap3A_285 = arith.index_cast %scan3A_178#0 : i32 to index
        %swap3A_286 = tpu.vector_load %arg20[%swap3A_285] {strides = array<i32>} : memref<1040xf32, #tpu.memory_space<vmem>>, vector<16xf32>,
        %swap3A_287 = vector.shape_cast %swap3A_286 : vector<16xf32> to vector<16xf32>
        %swap3A_288 = vector.shape_cast %add3A_284 : vector<16xf32> to vector<16xf32>
        tpu.vector_store %arg20[%swap3A_285], %swap3A_288 {strides = array<i32>} : memref<1040xf32, #tpu.memory_space<vmem>>, vector<16xf32>,
        %xor3A_289 = arith.constant 8 : i32
        %xor3A_290 = vector.broadcast %xor3A_289 : i32 to vector<16xi32>
        %xor3A_291 = arith.xori %iota3A, %xor3A_290 : vector<16xi32>
        %broadcast_in_dim3A_292 = vector.shape_cast %xor3A_291 : vector<16xi32> to vector<16x1xi32>
        %gather3A_293 = vector.shape_cast %broadcast_in_dim3A_292 : vector<16x1xi32> to vector<16xi32>
        %gather3A_294 = tpu.dynamic_gather %scan3A_178#1[%gather3A_293] in [0] : vector<16xf32>, vector<16xi32> -> vector<16xf32>
        %add3A_295 = arith.addf %scan3A_178#1, %gather3A_294 : vector<16xf32>
        %xor3A_296 = arith.constant 4 : i32
        %xor3A_297 = vector.broadcast %xor3A_296 : i32 to vector<16xi32>
        %xor3A_298 = arith.xori %iota3A, %xor3A_297 : vector<16xi32>
        %broadcast_in_dim3A_299 = vector.shape_cast %xor3A_298 : vector<16xi32> to vector<16x1xi32>
        %gather3A_300 = vector.shape_cast %broadcast_in_dim3A_299 : vector<16x1xi32> to vector<16xi32>
        %gather3A_301 = tpu.dynamic_gather %add3A_295[%gather3A_300] in [0] : vector<16xf32>, vector<16xi32> -> vector<16xf32>
        %add3A_302 = arith.addf %add3A_295, %gather3A_301 : vector<16xf32>
        %xor3A_303 = arith.constant 2 : i32
        %xor3A_304 = vector.broadcast %xor3A_303 : i32 to vector<16xi32>
        %xor3A_305 = arith.xori %iota3A, %xor3A_304 : vector<16xi32>
        %broadcast_in_dim3A_306 = vector.shape_cast %xor3A_305 : vector<16xi32> to vector<16x1xi32>
        %gather3A_307 = vector.shape_cast %broadcast_in_dim3A_306 : vector<16x1xi32> to vector<16xi32>
        %gather3A_308 = tpu.dynamic_gather %add3A_302[%gather3A_307] in [0] : vector<16xf32>, vector<16xi32> -> vector<16xf32>
        %add3A_309 = arith.addf %add3A_302, %gather3A_308 : vector<16xf32>
        %xor3A_310 = arith.constant 1 : i32
        %xor3A_311 = vector.broadcast %xor3A_310 : i32 to vector<16xi32>
        %xor3A_312 = arith.xori %iota3A, %xor3A_311 : vector<16xi32>
        %broadcast_in_dim3A_313 = vector.shape_cast %xor3A_312 : vector<16xi32> to vector<16x1xi32>
        %gather3A_314 = vector.shape_cast %broadcast_in_dim3A_313 : vector<16x1xi32> to vector<16xi32>
        %gather3A_315 = tpu.dynamic_gather %add3A_309[%gather3A_314] in [0] : vector<16xf32>, vector<16xi32> -> vector<16xf32>
        %add3A_316 = arith.addf %add3A_309, %gather3A_315 : vector<16xf32>
        %mul3A_317 = arith.mulf %add3A_316, %select_n3A : vector<16xf32>
        %get3A_318 = arith.index_cast %scan3A_178#0 : i32 to index
        %get3A_319 = tpu.vector_load %arg21[%get3A_318] {strides = array<i32>} : memref<1040xf32, #tpu.memory_space<vmem>>, vector<16xf32>,
        %get3A_320 = vector.shape_cast %get3A_319 : vector<16xf32> to vector<16xf32>
        %add3A_321 = arith.addf %get3A_320, %mul3A_317 : vector<16xf32>
        %swap3A_322 = arith.index_cast %scan3A_178#0 : i32 to index
        %swap3A_323 = tpu.vector_load %arg21[%swap3A_322] {strides = array<i32>} : memref<1040xf32, #tpu.memory_space<vmem>>, vector<16xf32>,
        %swap3A_324 = vector.shape_cast %swap3A_323 : vector<16xf32> to vector<16xf32>
        %swap3A_325 = vector.shape_cast %add3A_321 : vector<16xf32> to vector<16xf32>
        tpu.vector_store %arg21[%swap3A_322], %swap3A_325 {strides = array<i32>} : memref<1040xf32, #tpu.memory_space<vmem>>, vector<16xf32>,
        "tpu.region"() ({
          %run_scoped3A = tpu.sem_alloc : memref<!tpu.dma_semaphore, #tpu.memory_space<semaphore_mem>>
          %dma_start3A = arith.constant 0 : i32
          %dma_start3A_326 = tpu.memref_slice %arg15[%dma_start3A] : memref<2048xf32, #tpu.memory_space<vmem>> -> memref<2048xf32, #tpu.memory_space<vmem>>
          %dma_start3A_327 = tpu.memref_slice %arg5[%mul3A_171] : memref<1600000xf32, #tpu.memory_space<hbm>> -> memref<2048xf32, #tpu.memory_space<hbm>>
          %dma_start3A_328 = tpu.memref_slice %arg5[%mul3A_171] : memref<1600000xf32, #tpu.memory_space<hbm>> -> memref<2048xf32, #tpu.memory_space<hbm>>
          %dma_start3A_329 = arith.constant 0 : i32
          %dma_start3A_330 = tpu.memref_slice %arg15[%dma_start3A_329] : memref<2048xf32, #tpu.memory_space<vmem>> -> memref<2048xf32, #tpu.memory_space<vmem>>
          tpu.enqueue_dma source(%dma_start3A_330 : memref<2048xf32, #tpu.memory_space<vmem>>) target(%dma_start3A_328 : memref<2048xf32, #tpu.memory_space<hbm>>) target_semaphore(%run_scoped3A : memref<!tpu.dma_semaphore, #tpu.memory_space<semaphore_mem>>)
          %dma_wait3A_331 = arith.constant 0 : i32
          %dma_wait3A_332 = tpu.memref_slice %arg15[%dma_wait3A_331] : memref<2048xf32, #tpu.memory_space<vmem>> -> memref<2048xf32, #tpu.memory_space<vmem>>
          %dma_wait3A_333 = tpu.memref_slice %arg5[%mul3A_171] : memref<1600000xf32, #tpu.memory_space<hbm>> -> memref<2048xf32, #tpu.memory_space<hbm>>
          %dma_wait3A_334 = tpu.memref_slice %arg5[%mul3A_171] : memref<1600000xf32, #tpu.memory_space<hbm>> -> memref<2048xf32, #tpu.memory_space<hbm>>
          %dma_wait3A_335 = arith.constant 0 : i32
          %dma_wait3A_336 = tpu.memref_slice %arg15[%dma_wait3A_335] : memref<2048xf32, #tpu.memory_space<vmem>> -> memref<2048xf32, #tpu.memory_space<vmem>>
          tpu.wait_dma2 semaphore(%run_scoped3A : memref<!tpu.dma_semaphore, #tpu.memory_space<semaphore_mem>>) src(%dma_wait3A_336 : memref<2048xf32, #tpu.memory_space<vmem>>) dst(%dma_wait3A_334 : memref<2048xf32, #tpu.memory_space<hbm>>)
          tpu.yield
        }) : () -> ()
        "tpu.region"() ({
          %run_scoped3A = tpu.sem_alloc : memref<!tpu.dma_semaphore, #tpu.memory_space<semaphore_mem>>
          %dma_start3A = arith.constant 0 : i32
          %dma_start3A_326 = tpu.memref_slice %arg16[%dma_start3A] : memref<2048xf32, #tpu.memory_space<vmem>> -> memref<2048xf32, #tpu.memory_space<vmem>>
          %dma_start3A_327 = tpu.memref_slice %arg6[%mul3A_171] : memref<1600000xf32, #tpu.memory_space<hbm>> -> memref<2048xf32, #tpu.memory_space<hbm>>
          %dma_start3A_328 = tpu.memref_slice %arg6[%mul3A_171] : memref<1600000xf32, #tpu.memory_space<hbm>> -> memref<2048xf32, #tpu.memory_space<hbm>>
          %dma_start3A_329 = arith.constant 0 : i32
          %dma_start3A_330 = tpu.memref_slice %arg16[%dma_start3A_329] : memref<2048xf32, #tpu.memory_space<vmem>> -> memref<2048xf32, #tpu.memory_space<vmem>>
          tpu.enqueue_dma source(%dma_start3A_330 : memref<2048xf32, #tpu.memory_space<vmem>>) target(%dma_start3A_328 : memref<2048xf32, #tpu.memory_space<hbm>>) target_semaphore(%run_scoped3A : memref<!tpu.dma_semaphore, #tpu.memory_space<semaphore_mem>>)
          %dma_wait3A_331 = arith.constant 0 : i32
          %dma_wait3A_332 = tpu.memref_slice %arg16[%dma_wait3A_331] : memref<2048xf32, #tpu.memory_space<vmem>> -> memref<2048xf32, #tpu.memory_space<vmem>>
          %dma_wait3A_333 = tpu.memref_slice %arg6[%mul3A_171] : memref<1600000xf32, #tpu.memory_space<hbm>> -> memref<2048xf32, #tpu.memory_space<hbm>>
          %dma_wait3A_334 = tpu.memref_slice %arg6[%mul3A_171] : memref<1600000xf32, #tpu.memory_space<hbm>> -> memref<2048xf32, #tpu.memory_space<hbm>>
          %dma_wait3A_335 = arith.constant 0 : i32
          %dma_wait3A_336 = tpu.memref_slice %arg16[%dma_wait3A_335] : memref<2048xf32, #tpu.memory_space<vmem>> -> memref<2048xf32, #tpu.memory_space<vmem>>
          tpu.wait_dma2 semaphore(%run_scoped3A : memref<!tpu.dma_semaphore, #tpu.memory_space<semaphore_mem>>) src(%dma_wait3A_336 : memref<2048xf32, #tpu.memory_space<vmem>>) dst(%dma_wait3A_334 : memref<2048xf32, #tpu.memory_space<hbm>>)
          tpu.yield
        }) : () -> ()
        "tpu.region"() ({
          %run_scoped3A = tpu.sem_alloc : memref<!tpu.dma_semaphore, #tpu.memory_space<semaphore_mem>>
          %dma_start3A = arith.constant 0 : i32
          %dma_start3A_326 = tpu.memref_slice %arg17[%dma_start3A] : memref<2048xf32, #tpu.memory_space<vmem>> -> memref<2048xf32, #tpu.memory_space<vmem>>
          %dma_start3A_327 = tpu.memref_slice %arg7[%mul3A_171] : memref<1600000xf32, #tpu.memory_space<hbm>> -> memref<2048xf32, #tpu.memory_space<hbm>>
          %dma_start3A_328 = tpu.memref_slice %arg7[%mul3A_171] : memref<1600000xf32, #tpu.memory_space<hbm>> -> memref<2048xf32, #tpu.memory_space<hbm>>
          %dma_start3A_329 = arith.constant 0 : i32
          %dma_start3A_330 = tpu.memref_slice %arg17[%dma_start3A_329] : memref<2048xf32, #tpu.memory_space<vmem>> -> memref<2048xf32, #tpu.memory_space<vmem>>
          tpu.enqueue_dma source(%dma_start3A_330 : memref<2048xf32, #tpu.memory_space<vmem>>) target(%dma_start3A_328 : memref<2048xf32, #tpu.memory_space<hbm>>) target_semaphore(%run_scoped3A : memref<!tpu.dma_semaphore, #tpu.memory_space<semaphore_mem>>)
          %dma_wait3A_331 = arith.constant 0 : i32
          %dma_wait3A_332 = tpu.memref_slice %arg17[%dma_wait3A_331] : memref<2048xf32, #tpu.memory_space<vmem>> -> memref<2048xf32, #tpu.memory_space<vmem>>
          %dma_wait3A_333 = tpu.memref_slice %arg7[%mul3A_171] : memref<1600000xf32, #tpu.memory_space<hbm>> -> memref<2048xf32, #tpu.memory_space<hbm>>
          %dma_wait3A_334 = tpu.memref_slice %arg7[%mul3A_171] : memref<1600000xf32, #tpu.memory_space<hbm>> -> memref<2048xf32, #tpu.memory_space<hbm>>
          %dma_wait3A_335 = arith.constant 0 : i32
          %dma_wait3A_336 = tpu.memref_slice %arg17[%dma_wait3A_335] : memref<2048xf32, #tpu.memory_space<vmem>> -> memref<2048xf32, #tpu.memory_space<vmem>>
          tpu.wait_dma2 semaphore(%run_scoped3A : memref<!tpu.dma_semaphore, #tpu.memory_space<semaphore_mem>>) src(%dma_wait3A_336 : memref<2048xf32, #tpu.memory_space<vmem>>) dst(%dma_wait3A_334 : memref<2048xf32, #tpu.memory_space<hbm>>)
          tpu.yield
        }) : () -> ()
      } else {
      }
      %while3A_142 = arith.constant 0 : i32
      scf.yield %while3A_142 : i32
    }
    %eq3A_100 = arith.constant 31 : i32
    %eq3A_101 = arith.cmpi eq, %add3A, %eq3A_100 : i32
    %convert_element_type3A_102 = arith.extui %eq3A_101 : i1 to i32
    %cond3A_103 = arith.constant 0 : i32
    %cond3A_104 = arith.cmpi ne, %convert_element_type3A_102, %cond3A_103 : i32
    scf.if %cond3A_104 {
      "tpu.region"() ({
        %run_scoped3A = tpu.sem_alloc : memref<!tpu.dma_semaphore, #tpu.memory_space<semaphore_mem>>
        %dma_start3A = arith.constant 0 : i32
        %dma_start3A_269 = arith.constant 0 : i32
        %dma_start3A_270 = arith.constant 0 : i32
        %dma_start3A_271 = tpu.memref_slice %arg9[%dma_start3A, %dma_start3A_269, %dma_start3A_270] : memref<3x4x2048xf32, #tpu.memory_space<vmem>> -> memref<3x4x512xf32, #tpu.memory_space<vmem>>
        %dma_start3A_272 = arith.constant 0 : i32
        %dma_start3A_273 = arith.constant 0 : i32
        %dma_start3A_274 = arith.constant 1599488 : i32
        %dma_start3A_275 = tpu.memref_slice %arg2[%dma_start3A_272, %dma_start3A_273, %dma_start3A_274] : memref<3x4x1600000xf32, #tpu.memory_space<hbm>> -> memref<3x4x512xf32, #tpu.memory_space<hbm>>
        %dma_start3A_276 = arith.constant 0 : i32
        %dma_start3A_277 = arith.constant 0 : i32
        %dma_start3A_278 = arith.constant 0 : i32
        %dma_start3A_279 = tpu.memref_slice %arg9[%dma_start3A_276, %dma_start3A_277, %dma_start3A_278] : memref<3x4x2048xf32, #tpu.memory_space<vmem>> -> memref<3x4x512xf32, #tpu.memory_space<vmem>>
        %dma_start3A_280 = arith.constant 0 : i32
        %dma_start3A_281 = arith.constant 0 : i32
        %dma_start3A_282 = arith.constant 1599488 : i32
        %dma_start3A_283 = tpu.memref_slice %arg2[%dma_start3A_280, %dma_start3A_281, %dma_start3A_282] : memref<3x4x1600000xf32, #tpu.memory_space<hbm>> -> memref<3x4x512xf32, #tpu.memory_space<hbm>>
        tpu.enqueue_dma source(%dma_start3A_283 : memref<3x4x512xf32, #tpu.memory_space<hbm>>) target(%dma_start3A_279 : memref<3x4x512xf32, #tpu.memory_space<vmem>>) target_semaphore(%run_scoped3A : memref<!tpu.dma_semaphore, #tpu.memory_space<semaphore_mem>>)
        %dma_wait3A = arith.constant 0 : i32
        %dma_wait3A_284 = arith.constant 0 : i32
        %dma_wait3A_285 = arith.constant 0 : i32
        %dma_wait3A_286 = tpu.memref_slice %arg9[%dma_wait3A, %dma_wait3A_284, %dma_wait3A_285] : memref<3x4x2048xf32, #tpu.memory_space<vmem>> -> memref<3x4x512xf32, #tpu.memory_space<vmem>>
        %dma_wait3A_287 = arith.constant 0 : i32
        %dma_wait3A_288 = arith.constant 0 : i32
        %dma_wait3A_289 = arith.constant 1599488 : i32
        %dma_wait3A_290 = tpu.memref_slice %arg2[%dma_wait3A_287, %dma_wait3A_288, %dma_wait3A_289] : memref<3x4x1600000xf32, #tpu.memory_space<hbm>> -> memref<3x4x512xf32, #tpu.memory_space<hbm>>
        %dma_wait3A_291 = arith.constant 0 : i32
        %dma_wait3A_292 = arith.constant 0 : i32
        %dma_wait3A_293 = arith.constant 0 : i32
        %dma_wait3A_294 = tpu.memref_slice %arg9[%dma_wait3A_291, %dma_wait3A_292, %dma_wait3A_293] : memref<3x4x2048xf32, #tpu.memory_space<vmem>> -> memref<3x4x512xf32, #tpu.memory_space<vmem>>
        %dma_wait3A_295 = arith.constant 0 : i32
        %dma_wait3A_296 = arith.constant 0 : i32
        %dma_wait3A_297 = arith.constant 1599488 : i32
        %dma_wait3A_298 = tpu.memref_slice %arg2[%dma_wait3A_295, %dma_wait3A_296, %dma_wait3A_297] : memref<3x4x1600000xf32, #tpu.memory_space<hbm>> -> memref<3x4x512xf32, #tpu.memory_space<hbm>>
        tpu.wait_dma2 semaphore(%run_scoped3A : memref<!tpu.dma_semaphore, #tpu.memory_space<semaphore_mem>>) src(%dma_wait3A_298 : memref<3x4x512xf32, #tpu.memory_space<hbm>>) dst(%dma_wait3A_294 : memref<3x4x512xf32, #tpu.memory_space<vmem>>)
        tpu.yield
      }) : () -> ()
      "tpu.region"() ({
        %run_scoped3A = tpu.sem_alloc : memref<!tpu.dma_semaphore, #tpu.memory_space<semaphore_mem>>
        %dma_start3A = arith.constant 0 : i32
        %dma_start3A_269 = arith.constant 0 : i32
        %dma_start3A_270 = tpu.memref_slice %arg10[%dma_start3A, %dma_start3A_269] : memref<3x2048xf32, #tpu.memory_space<vmem>> -> memref<3x512xf32, #tpu.memory_space<vmem>>
        %dma_start3A_271 = arith.constant 0 : i32
        %dma_start3A_272 = arith.constant 1599488 : i32
        %dma_start3A_273 = tpu.memref_slice %arg3[%dma_start3A_271, %dma_start3A_272] : memref<3x1600000xf32, #tpu.memory_space<hbm>> -> memref<3x512xf32, #tpu.memory_space<hbm>>
        %dma_start3A_274 = arith.constant 0 : i32
        %dma_start3A_275 = arith.constant 0 : i32
        %dma_start3A_276 = tpu.memref_slice %arg10[%dma_start3A_274, %dma_start3A_275] : memref<3x2048xf32, #tpu.memory_space<vmem>> -> memref<3x512xf32, #tpu.memory_space<vmem>>
        %dma_start3A_277 = arith.constant 0 : i32
        %dma_start3A_278 = arith.constant 1599488 : i32
        %dma_start3A_279 = tpu.memref_slice %arg3[%dma_start3A_277, %dma_start3A_278] : memref<3x1600000xf32, #tpu.memory_space<hbm>> -> memref<3x512xf32, #tpu.memory_space<hbm>>
        tpu.enqueue_dma source(%dma_start3A_279 : memref<3x512xf32, #tpu.memory_space<hbm>>) target(%dma_start3A_276 : memref<3x512xf32, #tpu.memory_space<vmem>>) target_semaphore(%run_scoped3A : memref<!tpu.dma_semaphore, #tpu.memory_space<semaphore_mem>>)
        %dma_wait3A = arith.constant 0 : i32
        %dma_wait3A_280 = arith.constant 0 : i32
        %dma_wait3A_281 = tpu.memref_slice %arg10[%dma_wait3A, %dma_wait3A_280] : memref<3x2048xf32, #tpu.memory_space<vmem>> -> memref<3x512xf32, #tpu.memory_space<vmem>>
        %dma_wait3A_282 = arith.constant 0 : i32
        %dma_wait3A_283 = arith.constant 1599488 : i32
        %dma_wait3A_284 = tpu.memref_slice %arg3[%dma_wait3A_282, %dma_wait3A_283] : memref<3x1600000xf32, #tpu.memory_space<hbm>> -> memref<3x512xf32, #tpu.memory_space<hbm>>
        %dma_wait3A_285 = arith.constant 0 : i32
        %dma_wait3A_286 = arith.constant 0 : i32
        %dma_wait3A_287 = tpu.memref_slice %arg10[%dma_wait3A_285, %dma_wait3A_286] : memref<3x2048xf32, #tpu.memory_space<vmem>> -> memref<3x512xf32, #tpu.memory_space<vmem>>
        %dma_wait3A_288 = arith.constant 0 : i32
        %dma_wait3A_289 = arith.constant 1599488 : i32
        %dma_wait3A_290 = tpu.memref_slice %arg3[%dma_wait3A_288, %dma_wait3A_289] : memref<3x1600000xf32, #tpu.memory_space<hbm>> -> memref<3x512xf32, #tpu.memory_space<hbm>>
        tpu.wait_dma2 semaphore(%run_scoped3A : memref<!tpu.dma_semaphore, #tpu.memory_space<semaphore_mem>>) src(%dma_wait3A_290 : memref<3x512xf32, #tpu.memory_space<hbm>>) dst(%dma_wait3A_287 : memref<3x512xf32, #tpu.memory_space<vmem>>)
        tpu.yield
      }) : () -> ()
      "tpu.region"() ({
        %run_scoped3A = tpu.sem_alloc : memref<!tpu.dma_semaphore, #tpu.memory_space<semaphore_mem>>
        %dma_start3A = arith.constant 0 : i32
        %dma_start3A_269 = tpu.memref_slice %arg11[%dma_start3A] : memref<2064xi32, #tpu.memory_space<vmem>> -> memref<512xi32, #tpu.memory_space<vmem>>
        %dma_start3A_270 = arith.constant 1599488 : i32
        %dma_start3A_271 = tpu.memref_slice %arg4[%dma_start3A_270] : memref<1600000xi32, #tpu.memory_space<hbm>> -> memref<512xi32, #tpu.memory_space<hbm>>
        %dma_start3A_272 = arith.constant 0 : i32
        %dma_start3A_273 = tpu.memref_slice %arg11[%dma_start3A_272] : memref<2064xi32, #tpu.memory_space<vmem>> -> memref<512xi32, #tpu.memory_space<vmem>>
        %dma_start3A_274 = arith.constant 1599488 : i32
        %dma_start3A_275 = tpu.memref_slice %arg4[%dma_start3A_274] : memref<1600000xi32, #tpu.memory_space<hbm>> -> memref<512xi32, #tpu.memory_space<hbm>>
        tpu.enqueue_dma source(%dma_start3A_275 : memref<512xi32, #tpu.memory_space<hbm>>) target(%dma_start3A_273 : memref<512xi32, #tpu.memory_space<vmem>>) target_semaphore(%run_scoped3A : memref<!tpu.dma_semaphore, #tpu.memory_space<semaphore_mem>>)
        %dma_wait3A = arith.constant 0 : i32
        %dma_wait3A_276 = tpu.memref_slice %arg11[%dma_wait3A] : memref<2064xi32, #tpu.memory_space<vmem>> -> memref<512xi32, #tpu.memory_space<vmem>>
        %dma_wait3A_277 = arith.constant 1599488 : i32
        %dma_wait3A_278 = tpu.memref_slice %arg4[%dma_wait3A_277] : memref<1600000xi32, #tpu.memory_space<hbm>> -> memref<512xi32, #tpu.memory_space<hbm>>
        %dma_wait3A_279 = arith.constant 0 : i32
        %dma_wait3A_280 = tpu.memref_slice %arg11[%dma_wait3A_279] : memref<2064xi32, #tpu.memory_space<vmem>> -> memref<512xi32, #tpu.memory_space<vmem>>
        %dma_wait3A_281 = arith.constant 1599488 : i32
        %dma_wait3A_282 = tpu.memref_slice %arg4[%dma_wait3A_281] : memref<1600000xi32, #tpu.memory_space<hbm>> -> memref<512xi32, #tpu.memory_space<hbm>>
        tpu.wait_dma2 semaphore(%run_scoped3A : memref<!tpu.dma_semaphore, #tpu.memory_space<semaphore_mem>>) src(%dma_wait3A_282 : memref<512xi32, #tpu.memory_space<hbm>>) dst(%dma_wait3A_280 : memref<512xi32, #tpu.memory_space<vmem>>)
        tpu.yield
      }) : () -> ()
      %get3A = arith.constant 0 : index
      %get3A_115 = tpu.vector_load %arg11[%get3A] {strides = array<i32>} : memref<2064xi32, #tpu.memory_space<vmem>>, vector<16xi32>,
      %get3A_116 = vector.shape_cast %get3A_115 : vector<16xi32> to vector<16xi32>
      %slice3A = vector.extract_strided_slice %get3A_116 {offsets = [0], sizes = [1], strides = [1]} : vector<16xi32> to vector<1xi32>
      %squeeze3A = vector.extract %slice3A[0] : i32 from vector<1xi32>
      %scan3A_117 = arith.constant 0 : i32
      %scan3A_118 = arith.constant 32 : i32
      %scan3A_119 = arith.addi %scan3A_117, %scan3A_118 : i32
      %scan3A_120 = arith.constant 1 : i32
      %scan3A_121:5 = scf.for %scan3A_269 = %scan3A_117 to %scan3A_119 step %scan3A_120 iter_args(%scan3A_270 = %squeeze3A, %scan3A_271 = %broadcast_in_dim3A_8, %scan3A_272 = %broadcast_in_dim3A_8, %scan3A_273 = %broadcast_in_dim3A_8, %scan3A_274 = %broadcast_in_dim3A_8) -> (i32, vector<16xf32>, vector<16xf32>, vector<16xf32>, vector<16xf32>)  : i32 {
        %mul3A_275 = arith.constant 16 : i32
        %mul3A_276 = arith.muli %scan3A_269, %mul3A_275 : i32
        %get3A_277 = arith.constant 0 : i32
        %get3A_278 = arith.constant 0 : i32
        %get3A_279 = arith.index_cast %get3A_277 : i32 to index
        %get3A_280 = arith.index_cast %get3A_278 : i32 to index
        %get3A_281 = arith.index_cast %mul3A_276 : i32 to index
        %get3A_282 = tpu.vector_load %arg9[%get3A_279, %get3A_280, %get3A_281] {strides = array<i32>} : memref<3x4x2048xf32, #tpu.memory_space<vmem>>, vector<1x1x16xf32>,
        %get3A_283 = vector.shape_cast %get3A_282 : vector<1x1x16xf32> to vector<16xf32>
        %get3A_284 = arith.constant 0 : i32
        %get3A_285 = arith.constant 1 : i32
        %get3A_286 = arith.index_cast %get3A_284 : i32 to index
        %get3A_287 = arith.index_cast %get3A_285 : i32 to index
        %get3A_288 = arith.index_cast %mul3A_276 : i32 to index
        %get3A_289 = tpu.vector_load %arg9[%get3A_286, %get3A_287, %get3A_288] {strides = array<i32>} : memref<3x4x2048xf32, #tpu.memory_space<vmem>>, vector<1x1x16xf32>,
        %get3A_290 = vector.shape_cast %get3A_289 : vector<1x1x16xf32> to vector<16xf32>
        %get3A_291 = arith.constant 0 : i32
        %get3A_292 = arith.constant 2 : i32
        %get3A_293 = arith.index_cast %get3A_291 : i32 to index
        %get3A_294 = arith.index_cast %get3A_292 : i32 to index
        %get3A_295 = arith.index_cast %mul3A_276 : i32 to index
        %get3A_296 = tpu.vector_load %arg9[%get3A_293, %get3A_294, %get3A_295] {strides = array<i32>} : memref<3x4x2048xf32, #tpu.memory_space<vmem>>, vector<1x1x16xf32>,
        %get3A_297 = vector.shape_cast %get3A_296 : vector<1x1x16xf32> to vector<16xf32>
        %get3A_298 = arith.constant 0 : i32
        %get3A_299 = arith.constant 3 : i32
        %get3A_300 = arith.index_cast %get3A_298 : i32 to index
        %get3A_301 = arith.index_cast %get3A_299 : i32 to index
        %get3A_302 = arith.index_cast %mul3A_276 : i32 to index
        %get3A_303 = tpu.vector_load %arg9[%get3A_300, %get3A_301, %get3A_302] {strides = array<i32>} : memref<3x4x2048xf32, #tpu.memory_space<vmem>>, vector<1x1x16xf32>,
        %get3A_304 = vector.shape_cast %get3A_303 : vector<1x1x16xf32> to vector<16xf32>
        %add3A_305 = arith.addf %get3A_283, %get3A_290 : vector<16xf32>
        %add3A_306 = arith.addf %add3A_305, %get3A_297 : vector<16xf32>
        %add3A_307 = arith.addf %add3A_306, %get3A_304 : vector<16xf32>
        %mul3A_308 = arith.constant 2.500000e-01 : f32
        %mul3A_309 = vector.broadcast %mul3A_308 : f32 to vector<16xf32>
        %mul3A_310 = arith.mulf %add3A_307, %mul3A_309 : vector<16xf32>
        %swap3A_311 = arith.index_cast %mul3A_276 : i32 to index
        %swap3A_312 = tpu.vector_load %arg15[%swap3A_311] {strides = array<i32>} : memref<2048xf32, #tpu.memory_space<vmem>>, vector<16xf32>,
        %swap3A_313 = vector.shape_cast %swap3A_312 : vector<16xf32> to vector<16xf32>
        %swap3A_314 = vector.shape_cast %mul3A_310 : vector<16xf32> to vector<16xf32>
        tpu.vector_store %arg15[%swap3A_311], %swap3A_314 {strides = array<i32>} : memref<2048xf32, #tpu.memory_space<vmem>>, vector<16xf32>,
        %sub3A_315 = arith.subf %get3A_283, %mul3A_310 : vector<16xf32>
        %sub3A_316 = arith.subf %get3A_290, %mul3A_310 : vector<16xf32>
        %sub3A_317 = arith.subf %get3A_297, %mul3A_310 : vector<16xf32>
        %sub3A_318 = arith.subf %get3A_304, %mul3A_310 : vector<16xf32>
        %mul3A_319 = arith.mulf %sub3A_315, %sub3A_315 : vector<16xf32>
        %mul3A_320 = arith.mulf %sub3A_316, %sub3A_316 : vector<16xf32>
        %add3A_321 = arith.addf %mul3A_319, %mul3A_320 : vector<16xf32>
        %mul3A_322 = arith.mulf %sub3A_317, %sub3A_317 : vector<16xf32>
        %add3A_323 = arith.addf %add3A_321, %mul3A_322 : vector<16xf32>
        %mul3A_324 = arith.mulf %sub3A_318, %sub3A_318 : vector<16xf32>
        %add3A_325 = arith.addf %add3A_323, %mul3A_324 : vector<16xf32>
        %add3A_326 = arith.addf %broadcast_in_dim3A_8, %add3A_325 : vector<16xf32>
        %get3A_327 = arith.constant 0 : i32
        %get3A_328 = arith.index_cast %get3A_327 : i32 to index
        %get3A_329 = arith.index_cast %mul3A_276 : i32 to index
        %get3A_330 = tpu.vector_load %arg10[%get3A_328, %get3A_329] {strides = array<i32>} : memref<3x2048xf32, #tpu.memory_space<vmem>>, vector<1x16xf32>,
        %get3A_331 = vector.shape_cast %get3A_330 : vector<1x16xf32> to vector<16xf32>
        %sub3A_332 = arith.subf %mul3A_310, %get3A_331 : vector<16xf32>
        %abs3A = math.absf %sub3A_332 : vector<16xf32>
        %add3A_333 = arith.addf %broadcast_in_dim3A_8, %abs3A : vector<16xf32>
        %mul3A_334 = arith.mulf %sub3A_332, %sub3A_332 : vector<16xf32>
        %add3A_335 = arith.addf %broadcast_in_dim3A_8, %mul3A_334 : vector<16xf32>
        %get3A_336 = arith.constant 1 : i32
        %get3A_337 = arith.constant 0 : i32
        %get3A_338 = arith.index_cast %get3A_336 : i32 to index
        %get3A_339 = arith.index_cast %get3A_337 : i32 to index
        %get3A_340 = arith.index_cast %mul3A_276 : i32 to index
        %get3A_341 = tpu.vector_load %arg9[%get3A_338, %get3A_339, %get3A_340] {strides = array<i32>} : memref<3x4x2048xf32, #tpu.memory_space<vmem>>, vector<1x1x16xf32>,
        %get3A_342 = vector.shape_cast %get3A_341 : vector<1x1x16xf32> to vector<16xf32>
        %get3A_343 = arith.constant 1 : i32
        %get3A_344 = arith.constant 1 : i32
        %get3A_345 = arith.index_cast %get3A_343 : i32 to index
        %get3A_346 = arith.index_cast %get3A_344 : i32 to index
        %get3A_347 = arith.index_cast %mul3A_276 : i32 to index
        %get3A_348 = tpu.vector_load %arg9[%get3A_345, %get3A_346, %get3A_347] {strides = array<i32>} : memref<3x4x2048xf32, #tpu.memory_space<vmem>>, vector<1x1x16xf32>,
        %get3A_349 = vector.shape_cast %get3A_348 : vector<1x1x16xf32> to vector<16xf32>
        %get3A_350 = arith.constant 1 : i32
        %get3A_351 = arith.constant 2 : i32
        %get3A_352 = arith.index_cast %get3A_350 : i32 to index
        %get3A_353 = arith.index_cast %get3A_351 : i32 to index
        %get3A_354 = arith.index_cast %mul3A_276 : i32 to index
        %get3A_355 = tpu.vector_load %arg9[%get3A_352, %get3A_353, %get3A_354] {strides = array<i32>} : memref<3x4x2048xf32, #tpu.memory_space<vmem>>, vector<1x1x16xf32>,
        %get3A_356 = vector.shape_cast %get3A_355 : vector<1x1x16xf32> to vector<16xf32>
        %get3A_357 = arith.constant 1 : i32
        %get3A_358 = arith.constant 3 : i32
        %get3A_359 = arith.index_cast %get3A_357 : i32 to index
        %get3A_360 = arith.index_cast %get3A_358 : i32 to index
        %get3A_361 = arith.index_cast %mul3A_276 : i32 to index
        %get3A_362 = tpu.vector_load %arg9[%get3A_359, %get3A_360, %get3A_361] {strides = array<i32>} : memref<3x4x2048xf32, #tpu.memory_space<vmem>>, vector<1x1x16xf32>,
        %get3A_363 = vector.shape_cast %get3A_362 : vector<1x1x16xf32> to vector<16xf32>
        %add3A_364 = arith.addf %get3A_342, %get3A_349 : vector<16xf32>
        %add3A_365 = arith.addf %add3A_364, %get3A_356 : vector<16xf32>
        %add3A_366 = arith.addf %add3A_365, %get3A_363 : vector<16xf32>
        %mul3A_367 = arith.constant 2.500000e-01 : f32
        %mul3A_368 = vector.broadcast %mul3A_367 : f32 to vector<16xf32>
        %mul3A_369 = arith.mulf %add3A_366, %mul3A_368 : vector<16xf32>
        %swap3A_370 = arith.index_cast %mul3A_276 : i32 to index
        %swap3A_371 = tpu.vector_load %arg16[%swap3A_370] {strides = array<i32>} : memref<2048xf32, #tpu.memory_space<vmem>>, vector<16xf32>,
        %swap3A_372 = vector.shape_cast %swap3A_371 : vector<16xf32> to vector<16xf32>
        %swap3A_373 = vector.shape_cast %mul3A_369 : vector<16xf32> to vector<16xf32>
        tpu.vector_store %arg16[%swap3A_370], %swap3A_373 {strides = array<i32>} : memref<2048xf32, #tpu.memory_space<vmem>>, vector<16xf32>,
        %sub3A_374 = arith.subf %get3A_342, %mul3A_369 : vector<16xf32>
        %sub3A_375 = arith.subf %get3A_349, %mul3A_369 : vector<16xf32>
        %sub3A_376 = arith.subf %get3A_356, %mul3A_369 : vector<16xf32>
        %sub3A_377 = arith.subf %get3A_363, %mul3A_369 : vector<16xf32>
        %mul3A_378 = arith.mulf %sub3A_374, %sub3A_374 : vector<16xf32>
        %mul3A_379 = arith.mulf %sub3A_375, %sub3A_375 : vector<16xf32>
        %add3A_380 = arith.addf %mul3A_378, %mul3A_379 : vector<16xf32>
        %mul3A_381 = arith.mulf %sub3A_376, %sub3A_376 : vector<16xf32>
        %add3A_382 = arith.addf %add3A_380, %mul3A_381 : vector<16xf32>
        %mul3A_383 = arith.mulf %sub3A_377, %sub3A_377 : vector<16xf32>
        %add3A_384 = arith.addf %add3A_382, %mul3A_383 : vector<16xf32>
        %add3A_385 = arith.addf %add3A_326, %add3A_384 : vector<16xf32>
        %get3A_386 = arith.constant 1 : i32
        %get3A_387 = arith.index_cast %get3A_386 : i32 to index
        %get3A_388 = arith.index_cast %mul3A_276 : i32 to index
        %get3A_389 = tpu.vector_load %arg10[%get3A_387, %get3A_388] {strides = array<i32>} : memref<3x2048xf32, #tpu.memory_space<vmem>>, vector<1x16xf32>,
        %get3A_390 = vector.shape_cast %get3A_389 : vector<1x16xf32> to vector<16xf32>
        %sub3A_391 = arith.subf %mul3A_369, %get3A_390 : vector<16xf32>
        %abs3A_392 = math.absf %sub3A_391 : vector<16xf32>
        %add3A_393 = arith.addf %add3A_333, %abs3A_392 : vector<16xf32>
        %mul3A_394 = arith.mulf %sub3A_391, %sub3A_391 : vector<16xf32>
        %add3A_395 = arith.addf %add3A_335, %mul3A_394 : vector<16xf32>
        %get3A_396 = arith.constant 2 : i32
        %get3A_397 = arith.constant 0 : i32
        %get3A_398 = arith.index_cast %get3A_396 : i32 to index
        %get3A_399 = arith.index_cast %get3A_397 : i32 to index
        %get3A_400 = arith.index_cast %mul3A_276 : i32 to index
        %get3A_401 = tpu.vector_load %arg9[%get3A_398, %get3A_399, %get3A_400] {strides = array<i32>} : memref<3x4x2048xf32, #tpu.memory_space<vmem>>, vector<1x1x16xf32>,
        %get3A_402 = vector.shape_cast %get3A_401 : vector<1x1x16xf32> to vector<16xf32>
        %get3A_403 = arith.constant 2 : i32
        %get3A_404 = arith.constant 1 : i32
        %get3A_405 = arith.index_cast %get3A_403 : i32 to index
        %get3A_406 = arith.index_cast %get3A_404 : i32 to index
        %get3A_407 = arith.index_cast %mul3A_276 : i32 to index
        %get3A_408 = tpu.vector_load %arg9[%get3A_405, %get3A_406, %get3A_407] {strides = array<i32>} : memref<3x4x2048xf32, #tpu.memory_space<vmem>>, vector<1x1x16xf32>,
        %get3A_409 = vector.shape_cast %get3A_408 : vector<1x1x16xf32> to vector<16xf32>
        %get3A_410 = arith.constant 2 : i32
        %get3A_411 = arith.constant 2 : i32
        %get3A_412 = arith.index_cast %get3A_410 : i32 to index
        %get3A_413 = arith.index_cast %get3A_411 : i32 to index
        %get3A_414 = arith.index_cast %mul3A_276 : i32 to index
        %get3A_415 = tpu.vector_load %arg9[%get3A_412, %get3A_413, %get3A_414] {strides = array<i32>} : memref<3x4x2048xf32, #tpu.memory_space<vmem>>, vector<1x1x16xf32>,
        %get3A_416 = vector.shape_cast %get3A_415 : vector<1x1x16xf32> to vector<16xf32>
        %get3A_417 = arith.constant 2 : i32
        %get3A_418 = arith.constant 3 : i32
        %get3A_419 = arith.index_cast %get3A_417 : i32 to index
        %get3A_420 = arith.index_cast %get3A_418 : i32 to index
        %get3A_421 = arith.index_cast %mul3A_276 : i32 to index
        %get3A_422 = tpu.vector_load %arg9[%get3A_419, %get3A_420, %get3A_421] {strides = array<i32>} : memref<3x4x2048xf32, #tpu.memory_space<vmem>>, vector<1x1x16xf32>,
        %get3A_423 = vector.shape_cast %get3A_422 : vector<1x1x16xf32> to vector<16xf32>
        %add3A_424 = arith.addf %get3A_402, %get3A_409 : vector<16xf32>
        %add3A_425 = arith.addf %add3A_424, %get3A_416 : vector<16xf32>
        %add3A_426 = arith.addf %add3A_425, %get3A_423 : vector<16xf32>
        %mul3A_427 = arith.constant 2.500000e-01 : f32
        %mul3A_428 = vector.broadcast %mul3A_427 : f32 to vector<16xf32>
        %mul3A_429 = arith.mulf %add3A_426, %mul3A_428 : vector<16xf32>
        %swap3A_430 = arith.index_cast %mul3A_276 : i32 to index
        %swap3A_431 = tpu.vector_load %arg17[%swap3A_430] {strides = array<i32>} : memref<2048xf32, #tpu.memory_space<vmem>>, vector<16xf32>,
        %swap3A_432 = vector.shape_cast %swap3A_431 : vector<16xf32> to vector<16xf32>
        %swap3A_433 = vector.shape_cast %mul3A_429 : vector<16xf32> to vector<16xf32>
        tpu.vector_store %arg17[%swap3A_430], %swap3A_433 {strides = array<i32>} : memref<2048xf32, #tpu.memory_space<vmem>>, vector<16xf32>,
        %sub3A_434 = arith.subf %get3A_402, %mul3A_429 : vector<16xf32>
        %sub3A_435 = arith.subf %get3A_409, %mul3A_429 : vector<16xf32>
        %sub3A_436 = arith.subf %get3A_416, %mul3A_429 : vector<16xf32>
        %sub3A_437 = arith.subf %get3A_423, %mul3A_429 : vector<16xf32>
        %mul3A_438 = arith.mulf %sub3A_434, %sub3A_434 : vector<16xf32>
        %mul3A_439 = arith.mulf %sub3A_435, %sub3A_435 : vector<16xf32>
        %add3A_440 = arith.addf %mul3A_438, %mul3A_439 : vector<16xf32>
        %mul3A_441 = arith.mulf %sub3A_436, %sub3A_436 : vector<16xf32>
        %add3A_442 = arith.addf %add3A_440, %mul3A_441 : vector<16xf32>
        %mul3A_443 = arith.mulf %sub3A_437, %sub3A_437 : vector<16xf32>
        %add3A_444 = arith.addf %add3A_442, %mul3A_443 : vector<16xf32>
        %add3A_445 = arith.addf %add3A_385, %add3A_444 : vector<16xf32>
        %get3A_446 = arith.constant 2 : i32
        %get3A_447 = arith.index_cast %get3A_446 : i32 to index
        %get3A_448 = arith.index_cast %mul3A_276 : i32 to index
        %get3A_449 = tpu.vector_load %arg10[%get3A_447, %get3A_448] {strides = array<i32>} : memref<3x2048xf32, #tpu.memory_space<vmem>>, vector<1x16xf32>,
        %get3A_450 = vector.shape_cast %get3A_449 : vector<1x16xf32> to vector<16xf32>
        %sub3A_451 = arith.subf %mul3A_429, %get3A_450 : vector<16xf32>
        %abs3A_452 = math.absf %sub3A_451 : vector<16xf32>
        %add3A_453 = arith.addf %add3A_393, %abs3A_452 : vector<16xf32>
        %mul3A_454 = arith.mulf %sub3A_451, %sub3A_451 : vector<16xf32>
        %add3A_455 = arith.addf %add3A_395, %mul3A_454 : vector<16xf32>
        %get3A_456 = arith.index_cast %mul3A_276 : i32 to index
        %get3A_457 = tpu.vector_load %arg11[%get3A_456] {strides = array<i32>} : memref<2064xi32, #tpu.memory_space<vmem>>, vector<16xi32>,
        %get3A_458 = vector.shape_cast %get3A_457 : vector<16xi32> to vector<16xi32>
        %slice3A_459 = vector.extract_strided_slice %get3A_458 {offsets = [0], sizes = [1], strides = [1]} : vector<16xi32> to vector<1xi32>
        %squeeze3A_460 = vector.extract %slice3A_459[0] : i32 from vector<1xi32>
        %add3A_461 = arith.constant 16 : i32
        %add3A_462 = arith.addi %mul3A_276, %add3A_461 : i32
        %sub3A_463 = arith.constant 1 : i32
        %sub3A_464 = arith.subi %add3A_462, %sub3A_463 : i32
        %get3A_465 = arith.index_cast %sub3A_464 : i32 to index
        %get3A_466 = tpu.vector_load %arg11[%get3A_465] {strides = array<i32>} : memref<2064xi32, #tpu.memory_space<vmem>>, vector<16xi32>,
        %get3A_467 = vector.shape_cast %get3A_466 : vector<16xi32> to vector<16xi32>
        %slice3A_468 = vector.extract_strided_slice %get3A_467 {offsets = [0], sizes = [1], strides = [1]} : vector<16xi32> to vector<1xi32>
        %squeeze3A_469 = vector.extract %slice3A_468[0] : i32 from vector<1xi32>
        %eq3A_470 = arith.cmpi eq, %squeeze3A_460, %scan3A_270 : i32
        %eq3A_471 = arith.cmpi eq, %squeeze3A_469, %scan3A_270 : i32
        %and3A_472 = arith.andi %eq3A_470, %eq3A_471 : i1
        %not3A = arith.constant true
        %not3A_473 = arith.xori %and3A_472, %not3A : i1
        %convert_element_type3A_474 = arith.extui %not3A_473 : i1 to i32
        %cond3A_475 = arith.constant 0 : i32
        %cond3A_476 = arith.cmpi ne, %convert_element_type3A_474, %cond3A_475 : i32
        scf.if %cond3A_476 {
          %xor3A_486 = arith.constant 8 : i32
          %xor3A_487 = vector.broadcast %xor3A_486 : i32 to vector<16xi32>
          %xor3A_488 = arith.xori %iota3A, %xor3A_487 : vector<16xi32>
          %broadcast_in_dim3A_489 = vector.shape_cast %xor3A_488 : vector<16xi32> to vector<16x1xi32>
          %gather3A_490 = vector.shape_cast %broadcast_in_dim3A_489 : vector<16x1xi32> to vector<16xi32>
          %gather3A_491 = tpu.dynamic_gather %scan3A_272[%gather3A_490] in [0] : vector<16xf32>, vector<16xi32> -> vector<16xf32>
          %add3A_492 = arith.addf %scan3A_272, %gather3A_491 : vector<16xf32>
          %xor3A_493 = arith.constant 4 : i32
          %xor3A_494 = vector.broadcast %xor3A_493 : i32 to vector<16xi32>
          %xor3A_495 = arith.xori %iota3A, %xor3A_494 : vector<16xi32>
          %broadcast_in_dim3A_496 = vector.shape_cast %xor3A_495 : vector<16xi32> to vector<16x1xi32>
          %gather3A_497 = vector.shape_cast %broadcast_in_dim3A_496 : vector<16x1xi32> to vector<16xi32>
          %gather3A_498 = tpu.dynamic_gather %add3A_492[%gather3A_497] in [0] : vector<16xf32>, vector<16xi32> -> vector<16xf32>
          %add3A_499 = arith.addf %add3A_492, %gather3A_498 : vector<16xf32>
          %xor3A_500 = arith.constant 2 : i32
          %xor3A_501 = vector.broadcast %xor3A_500 : i32 to vector<16xi32>
          %xor3A_502 = arith.xori %iota3A, %xor3A_501 : vector<16xi32>
          %broadcast_in_dim3A_503 = vector.shape_cast %xor3A_502 : vector<16xi32> to vector<16x1xi32>
          %gather3A_504 = vector.shape_cast %broadcast_in_dim3A_503 : vector<16x1xi32> to vector<16xi32>
          %gather3A_505 = tpu.dynamic_gather %add3A_499[%gather3A_504] in [0] : vector<16xf32>, vector<16xi32> -> vector<16xf32>
          %add3A_506 = arith.addf %add3A_499, %gather3A_505 : vector<16xf32>
          %xor3A_507 = arith.constant 1 : i32
          %xor3A_508 = vector.broadcast %xor3A_507 : i32 to vector<16xi32>
          %xor3A_509 = arith.xori %iota3A, %xor3A_508 : vector<16xi32>
          %broadcast_in_dim3A_510 = vector.shape_cast %xor3A_509 : vector<16xi32> to vector<16x1xi32>
          %gather3A_511 = vector.shape_cast %broadcast_in_dim3A_510 : vector<16x1xi32> to vector<16xi32>
          %gather3A_512 = tpu.dynamic_gather %add3A_506[%gather3A_511] in [0] : vector<16xf32>, vector<16xi32> -> vector<16xf32>
          %add3A_513 = arith.addf %add3A_506, %gather3A_512 : vector<16xf32>
          %mul3A_514 = arith.mulf %add3A_513, %select_n3A : vector<16xf32>
          %get3A_515 = arith.index_cast %scan3A_270 : i32 to index
          %get3A_516 = tpu.vector_load %arg18[%get3A_515] {strides = array<i32>} : memref<1040xf32, #tpu.memory_space<vmem>>, vector<16xf32>,
          %get3A_517 = vector.shape_cast %get3A_516 : vector<16xf32> to vector<16xf32>
          %add3A_518 = arith.addf %get3A_517, %mul3A_514 : vector<16xf32>
          %swap3A_519 = arith.index_cast %scan3A_270 : i32 to index
          %swap3A_520 = tpu.vector_load %arg18[%swap3A_519] {strides = array<i32>} : memref<1040xf32, #tpu.memory_space<vmem>>, vector<16xf32>,
          %swap3A_521 = vector.shape_cast %swap3A_520 : vector<16xf32> to vector<16xf32>
          %swap3A_522 = vector.shape_cast %add3A_518 : vector<16xf32> to vector<16xf32>
          tpu.vector_store %arg18[%swap3A_519], %swap3A_522 {strides = array<i32>} : memref<1040xf32, #tpu.memory_space<vmem>>, vector<16xf32>,
          %xor3A_523 = arith.constant 8 : i32
          %xor3A_524 = vector.broadcast %xor3A_523 : i32 to vector<16xi32>
          %xor3A_525 = arith.xori %iota3A, %xor3A_524 : vector<16xi32>
          %broadcast_in_dim3A_526 = vector.shape_cast %xor3A_525 : vector<16xi32> to vector<16x1xi32>
          %gather3A_527 = vector.shape_cast %broadcast_in_dim3A_526 : vector<16x1xi32> to vector<16xi32>
          %gather3A_528 = tpu.dynamic_gather %scan3A_273[%gather3A_527] in [0] : vector<16xf32>, vector<16xi32> -> vector<16xf32>
          %add3A_529 = arith.addf %scan3A_273, %gather3A_528 : vector<16xf32>
          %xor3A_530 = arith.constant 4 : i32
          %xor3A_531 = vector.broadcast %xor3A_530 : i32 to vector<16xi32>
          %xor3A_532 = arith.xori %iota3A, %xor3A_531 : vector<16xi32>
          %broadcast_in_dim3A_533 = vector.shape_cast %xor3A_532 : vector<16xi32> to vector<16x1xi32>
          %gather3A_534 = vector.shape_cast %broadcast_in_dim3A_533 : vector<16x1xi32> to vector<16xi32>
          %gather3A_535 = tpu.dynamic_gather %add3A_529[%gather3A_534] in [0] : vector<16xf32>, vector<16xi32> -> vector<16xf32>
          %add3A_536 = arith.addf %add3A_529, %gather3A_535 : vector<16xf32>
          %xor3A_537 = arith.constant 2 : i32
          %xor3A_538 = vector.broadcast %xor3A_537 : i32 to vector<16xi32>
          %xor3A_539 = arith.xori %iota3A, %xor3A_538 : vector<16xi32>
          %broadcast_in_dim3A_540 = vector.shape_cast %xor3A_539 : vector<16xi32> to vector<16x1xi32>
          %gather3A_541 = vector.shape_cast %broadcast_in_dim3A_540 : vector<16x1xi32> to vector<16xi32>
          %gather3A_542 = tpu.dynamic_gather %add3A_536[%gather3A_541] in [0] : vector<16xf32>, vector<16xi32> -> vector<16xf32>
          %add3A_543 = arith.addf %add3A_536, %gather3A_542 : vector<16xf32>
          %xor3A_544 = arith.constant 1 : i32
          %xor3A_545 = vector.broadcast %xor3A_544 : i32 to vector<16xi32>
          %xor3A_546 = arith.xori %iota3A, %xor3A_545 : vector<16xi32>
          %broadcast_in_dim3A_547 = vector.shape_cast %xor3A_546 : vector<16xi32> to vector<16x1xi32>
          %gather3A_548 = vector.shape_cast %broadcast_in_dim3A_547 : vector<16x1xi32> to vector<16xi32>
          %gather3A_549 = tpu.dynamic_gather %add3A_543[%gather3A_548] in [0] : vector<16xf32>, vector<16xi32> -> vector<16xf32>
          %add3A_550 = arith.addf %add3A_543, %gather3A_549 : vector<16xf32>
          %mul3A_551 = arith.mulf %add3A_550, %select_n3A : vector<16xf32>
          %get3A_552 = arith.index_cast %scan3A_270 : i32 to index
          %get3A_553 = tpu.vector_load %arg19[%get3A_552] {strides = array<i32>} : memref<1040xf32, #tpu.memory_space<vmem>>, vector<16xf32>,
          %get3A_554 = vector.shape_cast %get3A_553 : vector<16xf32> to vector<16xf32>
          %add3A_555 = arith.addf %get3A_554, %mul3A_551 : vector<16xf32>
          %swap3A_556 = arith.index_cast %scan3A_270 : i32 to index
          %swap3A_557 = tpu.vector_load %arg19[%swap3A_556] {strides = array<i32>} : memref<1040xf32, #tpu.memory_space<vmem>>, vector<16xf32>,
          %swap3A_558 = vector.shape_cast %swap3A_557 : vector<16xf32> to vector<16xf32>
          %swap3A_559 = vector.shape_cast %add3A_555 : vector<16xf32> to vector<16xf32>
          tpu.vector_store %arg19[%swap3A_556], %swap3A_559 {strides = array<i32>} : memref<1040xf32, #tpu.memory_space<vmem>>, vector<16xf32>,
          %xor3A_560 = arith.constant 8 : i32
          %xor3A_561 = vector.broadcast %xor3A_560 : i32 to vector<16xi32>
          %xor3A_562 = arith.xori %iota3A, %xor3A_561 : vector<16xi32>
          %broadcast_in_dim3A_563 = vector.shape_cast %xor3A_562 : vector<16xi32> to vector<16x1xi32>
          %gather3A_564 = vector.shape_cast %broadcast_in_dim3A_563 : vector<16x1xi32> to vector<16xi32>
          %gather3A_565 = tpu.dynamic_gather %scan3A_274[%gather3A_564] in [0] : vector<16xf32>, vector<16xi32> -> vector<16xf32>
          %add3A_566 = arith.addf %scan3A_274, %gather3A_565 : vector<16xf32>
          %xor3A_567 = arith.constant 4 : i32
          %xor3A_568 = vector.broadcast %xor3A_567 : i32 to vector<16xi32>
          %xor3A_569 = arith.xori %iota3A, %xor3A_568 : vector<16xi32>
          %broadcast_in_dim3A_570 = vector.shape_cast %xor3A_569 : vector<16xi32> to vector<16x1xi32>
          %gather3A_571 = vector.shape_cast %broadcast_in_dim3A_570 : vector<16x1xi32> to vector<16xi32>
          %gather3A_572 = tpu.dynamic_gather %add3A_566[%gather3A_571] in [0] : vector<16xf32>, vector<16xi32> -> vector<16xf32>
          %add3A_573 = arith.addf %add3A_566, %gather3A_572 : vector<16xf32>
          %xor3A_574 = arith.constant 2 : i32
          %xor3A_575 = vector.broadcast %xor3A_574 : i32 to vector<16xi32>
          %xor3A_576 = arith.xori %iota3A, %xor3A_575 : vector<16xi32>
          %broadcast_in_dim3A_577 = vector.shape_cast %xor3A_576 : vector<16xi32> to vector<16x1xi32>
          %gather3A_578 = vector.shape_cast %broadcast_in_dim3A_577 : vector<16x1xi32> to vector<16xi32>
          %gather3A_579 = tpu.dynamic_gather %add3A_573[%gather3A_578] in [0] : vector<16xf32>, vector<16xi32> -> vector<16xf32>
          %add3A_580 = arith.addf %add3A_573, %gather3A_579 : vector<16xf32>
          %xor3A_581 = arith.constant 1 : i32
          %xor3A_582 = vector.broadcast %xor3A_581 : i32 to vector<16xi32>
          %xor3A_583 = arith.xori %iota3A, %xor3A_582 : vector<16xi32>
          %broadcast_in_dim3A_584 = vector.shape_cast %xor3A_583 : vector<16xi32> to vector<16x1xi32>
          %gather3A_585 = vector.shape_cast %broadcast_in_dim3A_584 : vector<16x1xi32> to vector<16xi32>
          %gather3A_586 = tpu.dynamic_gather %add3A_580[%gather3A_585] in [0] : vector<16xf32>, vector<16xi32> -> vector<16xf32>
          %add3A_587 = arith.addf %add3A_580, %gather3A_586 : vector<16xf32>
          %mul3A_588 = arith.mulf %add3A_587, %select_n3A : vector<16xf32>
          %get3A_589 = arith.index_cast %scan3A_270 : i32 to index
          %get3A_590 = tpu.vector_load %arg20[%get3A_589] {strides = array<i32>} : memref<1040xf32, #tpu.memory_space<vmem>>, vector<16xf32>,
          %get3A_591 = vector.shape_cast %get3A_590 : vector<16xf32> to vector<16xf32>
          %add3A_592 = arith.addf %get3A_591, %mul3A_588 : vector<16xf32>
          %swap3A_593 = arith.index_cast %scan3A_270 : i32 to index
          %swap3A_594 = tpu.vector_load %arg20[%swap3A_593] {strides = array<i32>} : memref<1040xf32, #tpu.memory_space<vmem>>, vector<16xf32>,
          %swap3A_595 = vector.shape_cast %swap3A_594 : vector<16xf32> to vector<16xf32>
          %swap3A_596 = vector.shape_cast %add3A_592 : vector<16xf32> to vector<16xf32>
          tpu.vector_store %arg20[%swap3A_593], %swap3A_596 {strides = array<i32>} : memref<1040xf32, #tpu.memory_space<vmem>>, vector<16xf32>,
          %xor3A_597 = arith.constant 8 : i32
          %xor3A_598 = vector.broadcast %xor3A_597 : i32 to vector<16xi32>
          %xor3A_599 = arith.xori %iota3A, %xor3A_598 : vector<16xi32>
          %broadcast_in_dim3A_600 = vector.shape_cast %xor3A_599 : vector<16xi32> to vector<16x1xi32>
          %gather3A_601 = vector.shape_cast %broadcast_in_dim3A_600 : vector<16x1xi32> to vector<16xi32>
          %gather3A_602 = tpu.dynamic_gather %scan3A_271[%gather3A_601] in [0] : vector<16xf32>, vector<16xi32> -> vector<16xf32>
          %add3A_603 = arith.addf %scan3A_271, %gather3A_602 : vector<16xf32>
          %xor3A_604 = arith.constant 4 : i32
          %xor3A_605 = vector.broadcast %xor3A_604 : i32 to vector<16xi32>
          %xor3A_606 = arith.xori %iota3A, %xor3A_605 : vector<16xi32>
          %broadcast_in_dim3A_607 = vector.shape_cast %xor3A_606 : vector<16xi32> to vector<16x1xi32>
          %gather3A_608 = vector.shape_cast %broadcast_in_dim3A_607 : vector<16x1xi32> to vector<16xi32>
          %gather3A_609 = tpu.dynamic_gather %add3A_603[%gather3A_608] in [0] : vector<16xf32>, vector<16xi32> -> vector<16xf32>
          %add3A_610 = arith.addf %add3A_603, %gather3A_609 : vector<16xf32>
          %xor3A_611 = arith.constant 2 : i32
          %xor3A_612 = vector.broadcast %xor3A_611 : i32 to vector<16xi32>
          %xor3A_613 = arith.xori %iota3A, %xor3A_612 : vector<16xi32>
          %broadcast_in_dim3A_614 = vector.shape_cast %xor3A_613 : vector<16xi32> to vector<16x1xi32>
          %gather3A_615 = vector.shape_cast %broadcast_in_dim3A_614 : vector<16x1xi32> to vector<16xi32>
          %gather3A_616 = tpu.dynamic_gather %add3A_610[%gather3A_615] in [0] : vector<16xf32>, vector<16xi32> -> vector<16xf32>
          %add3A_617 = arith.addf %add3A_610, %gather3A_616 : vector<16xf32>
          %xor3A_618 = arith.constant 1 : i32
          %xor3A_619 = vector.broadcast %xor3A_618 : i32 to vector<16xi32>
          %xor3A_620 = arith.xori %iota3A, %xor3A_619 : vector<16xi32>
          %broadcast_in_dim3A_621 = vector.shape_cast %xor3A_620 : vector<16xi32> to vector<16x1xi32>
          %gather3A_622 = vector.shape_cast %broadcast_in_dim3A_621 : vector<16x1xi32> to vector<16xi32>
          %gather3A_623 = tpu.dynamic_gather %add3A_617[%gather3A_622] in [0] : vector<16xf32>, vector<16xi32> -> vector<16xf32>
          %add3A_624 = arith.addf %add3A_617, %gather3A_623 : vector<16xf32>
          %mul3A_625 = arith.mulf %add3A_624, %select_n3A : vector<16xf32>
          %get3A_626 = arith.index_cast %scan3A_270 : i32 to index
          %get3A_627 = tpu.vector_load %arg21[%get3A_626] {strides = array<i32>} : memref<1040xf32, #tpu.memory_space<vmem>>, vector<16xf32>,
          %get3A_628 = vector.shape_cast %get3A_627 : vector<16xf32> to vector<16xf32>
          %add3A_629 = arith.addf %get3A_628, %mul3A_625 : vector<16xf32>
          %swap3A_630 = arith.index_cast %scan3A_270 : i32 to index
          %swap3A_631 = tpu.vector_load %arg21[%swap3A_630] {strides = array<i32>} : memref<1040xf32, #tpu.memory_space<vmem>>, vector<16xf32>,
          %swap3A_632 = vector.shape_cast %swap3A_631 : vector<16xf32> to vector<16xf32>
          %swap3A_633 = vector.shape_cast %add3A_629 : vector<16xf32> to vector<16xf32>
          tpu.vector_store %arg21[%swap3A_630], %swap3A_633 {strides = array<i32>} : memref<1040xf32, #tpu.memory_space<vmem>>, vector<16xf32>,
          %swap3A_634 = arith.constant 0 : index
          %swap3A_635 = tpu.vector_load %arg22[%swap3A_634] {strides = array<i32>} : memref<32xf32, #tpu.memory_space<vmem>>, vector<16xf32>,
          %swap3A_636 = vector.shape_cast %swap3A_635 : vector<16xf32> to vector<16xf32>
          %swap3A_637 = vector.shape_cast %add3A_445 : vector<16xf32> to vector<16xf32>
          tpu.vector_store %arg22[%swap3A_634], %swap3A_637 {strides = array<i32>} : memref<32xf32, #tpu.memory_space<vmem>>, vector<16xf32>,
          %swap3A_638 = arith.constant 0 : index
          %swap3A_639 = tpu.vector_load %arg23[%swap3A_638] {strides = array<i32>} : memref<32xf32, #tpu.memory_space<vmem>>, vector<16xf32>,
          %swap3A_640 = vector.shape_cast %swap3A_639 : vector<16xf32> to vector<16xf32>
          %swap3A_641 = vector.shape_cast %add3A_453 : vector<16xf32> to vector<16xf32>
          tpu.vector_store %arg23[%swap3A_638], %swap3A_641 {strides = array<i32>} : memref<32xf32, #tpu.memory_space<vmem>>, vector<16xf32>,
          %swap3A_642 = arith.constant 0 : index
          %swap3A_643 = tpu.vector_load %arg24[%swap3A_642] {strides = array<i32>} : memref<32xf32, #tpu.memory_space<vmem>>, vector<16xf32>,
          %swap3A_644 = vector.shape_cast %swap3A_643 : vector<16xf32> to vector<16xf32>
          %swap3A_645 = vector.shape_cast %add3A_455 : vector<16xf32> to vector<16xf32>
          tpu.vector_store %arg24[%swap3A_642], %swap3A_645 {strides = array<i32>} : memref<32xf32, #tpu.memory_space<vmem>>, vector<16xf32>,
          %scan3A_646 = arith.constant 0 : i32
          %scan3A_647 = arith.constant 0 : i32
          %scan3A_648 = arith.constant 16 : i32
          %scan3A_649 = arith.addi %scan3A_647, %scan3A_648 : i32
          %scan3A_650 = arith.constant 1 : i32
          %scan3A_651 = scf.for %scan3A_653 = %scan3A_647 to %scan3A_649 step %scan3A_650 iter_args(%scan3A_654 = %scan3A_646) -> (i32)  : i32 {
            %add3A_655 = arith.addi %mul3A_276, %scan3A_653 : i32
            %get3A_656 = arith.index_cast %add3A_655 : i32 to index
            %get3A_657 = tpu.vector_load %arg11[%get3A_656] {strides = array<i32>} : memref<2064xi32, #tpu.memory_space<vmem>>, vector<16xi32>,
            %get3A_658 = vector.shape_cast %get3A_657 : vector<16xi32> to vector<16xi32>
            %slice3A_659 = vector.extract_strided_slice %get3A_658 {offsets = [0], sizes = [1], strides = [1]} : vector<16xi32> to vector<1xi32>
            %squeeze3A_660 = vector.extract %slice3A_659[0] : i32 from vector<1xi32>
            %get3A_661 = arith.index_cast %scan3A_653 : i32 to index
            %get3A_662 = tpu.vector_load %arg22[%get3A_661] {strides = array<i32>} : memref<32xf32, #tpu.memory_space<vmem>>, vector<16xf32>,
            %get3A_663 = vector.shape_cast %get3A_662 : vector<16xf32> to vector<16xf32>
            %mul3A_664 = arith.mulf %get3A_663, %select_n3A : vector<16xf32>
            %get3A_665 = arith.index_cast %squeeze3A_660 : i32 to index
            %get3A_666 = tpu.vector_load %arg18[%get3A_665] {strides = array<i32>} : memref<1040xf32, #tpu.memory_space<vmem>>, vector<16xf32>,
            %get3A_667 = vector.shape_cast %get3A_666 : vector<16xf32> to vector<16xf32>
            %add3A_668 = arith.addf %get3A_667, %mul3A_664 : vector<16xf32>
            %swap3A_669 = arith.index_cast %squeeze3A_660 : i32 to index
            %swap3A_670 = tpu.vector_load %arg18[%swap3A_669] {strides = array<i32>} : memref<1040xf32, #tpu.memory_space<vmem>>, vector<16xf32>,
            %swap3A_671 = vector.shape_cast %swap3A_670 : vector<16xf32> to vector<16xf32>
            %swap3A_672 = vector.shape_cast %add3A_668 : vector<16xf32> to vector<16xf32>
            tpu.vector_store %arg18[%swap3A_669], %swap3A_672 {strides = array<i32>} : memref<1040xf32, #tpu.memory_space<vmem>>, vector<16xf32>,
            %get3A_673 = arith.index_cast %scan3A_653 : i32 to index
            %get3A_674 = tpu.vector_load %arg23[%get3A_673] {strides = array<i32>} : memref<32xf32, #tpu.memory_space<vmem>>, vector<16xf32>,
            %get3A_675 = vector.shape_cast %get3A_674 : vector<16xf32> to vector<16xf32>
            %mul3A_676 = arith.mulf %get3A_675, %select_n3A : vector<16xf32>
            %get3A_677 = arith.index_cast %squeeze3A_660 : i32 to index
            %get3A_678 = tpu.vector_load %arg19[%get3A_677] {strides = array<i32>} : memref<1040xf32, #tpu.memory_space<vmem>>, vector<16xf32>,
            %get3A_679 = vector.shape_cast %get3A_678 : vector<16xf32> to vector<16xf32>
            %add3A_680 = arith.addf %get3A_679, %mul3A_676 : vector<16xf32>
            %swap3A_681 = arith.index_cast %squeeze3A_660 : i32 to index
            %swap3A_682 = tpu.vector_load %arg19[%swap3A_681] {strides = array<i32>} : memref<1040xf32, #tpu.memory_space<vmem>>, vector<16xf32>,
            %swap3A_683 = vector.shape_cast %swap3A_682 : vector<16xf32> to vector<16xf32>
            %swap3A_684 = vector.shape_cast %add3A_680 : vector<16xf32> to vector<16xf32>
            tpu.vector_store %arg19[%swap3A_681], %swap3A_684 {strides = array<i32>} : memref<1040xf32, #tpu.memory_space<vmem>>, vector<16xf32>,
            %get3A_685 = arith.index_cast %scan3A_653 : i32 to index
            %get3A_686 = tpu.vector_load %arg24[%get3A_685] {strides = array<i32>} : memref<32xf32, #tpu.memory_space<vmem>>, vector<16xf32>,
            %get3A_687 = vector.shape_cast %get3A_686 : vector<16xf32> to vector<16xf32>
            %mul3A_688 = arith.mulf %get3A_687, %select_n3A : vector<16xf32>
            %get3A_689 = arith.index_cast %squeeze3A_660 : i32 to index
            %get3A_690 = tpu.vector_load %arg20[%get3A_689] {strides = array<i32>} : memref<1040xf32, #tpu.memory_space<vmem>>, vector<16xf32>,
            %get3A_691 = vector.shape_cast %get3A_690 : vector<16xf32> to vector<16xf32>
            %add3A_692 = arith.addf %get3A_691, %mul3A_688 : vector<16xf32>
            %swap3A_693 = arith.index_cast %squeeze3A_660 : i32 to index
            %swap3A_694 = tpu.vector_load %arg20[%swap3A_693] {strides = array<i32>} : memref<1040xf32, #tpu.memory_space<vmem>>, vector<16xf32>,
            %swap3A_695 = vector.shape_cast %swap3A_694 : vector<16xf32> to vector<16xf32>
            %swap3A_696 = vector.shape_cast %add3A_692 : vector<16xf32> to vector<16xf32>
            tpu.vector_store %arg20[%swap3A_693], %swap3A_696 {strides = array<i32>} : memref<1040xf32, #tpu.memory_space<vmem>>, vector<16xf32>,
            %get3A_697 = arith.index_cast %squeeze3A_660 : i32 to index
            %get3A_698 = tpu.vector_load %arg21[%get3A_697] {strides = array<i32>} : memref<1040xf32, #tpu.memory_space<vmem>>, vector<16xf32>,
            %get3A_699 = vector.shape_cast %get3A_698 : vector<16xf32> to vector<16xf32>
            %add3A_700 = arith.addf %get3A_699, %select_n3A : vector<16xf32>
            %swap3A_701 = arith.index_cast %squeeze3A_660 : i32 to index
            %swap3A_702 = tpu.vector_load %arg21[%swap3A_701] {strides = array<i32>} : memref<1040xf32, #tpu.memory_space<vmem>>, vector<16xf32>,
            %swap3A_703 = vector.shape_cast %swap3A_702 : vector<16xf32> to vector<16xf32>
            %swap3A_704 = vector.shape_cast %add3A_700 : vector<16xf32> to vector<16xf32>
            tpu.vector_store %arg21[%swap3A_701], %swap3A_704 {strides = array<i32>} : memref<1040xf32, #tpu.memory_space<vmem>>, vector<16xf32>,
            %scan3A_705 = arith.constant 0 : i32
            scf.yield %scan3A_705 : i32
          }
          %scan3A_652 = arith.constant 16 : i32
        } else {
        }
        %select_n3A_477 = arith.select %and3A_472, %scan3A_270, %squeeze3A_469 : i32
        %add3A_478 = arith.addf %scan3A_271, %broadcast_in_dim3A_6 : vector<16xf32>
        %select_n3A_479 = arith.select %and3A_472, %add3A_478, %broadcast_in_dim3A_8 : vector<16xf32>
        %add3A_480 = arith.addf %scan3A_272, %add3A_445 : vector<16xf32>
        %select_n3A_481 = arith.select %and3A_472, %add3A_480, %broadcast_in_dim3A_8 : vector<16xf32>
        %add3A_482 = arith.addf %scan3A_273, %add3A_453 : vector<16xf32>
        %select_n3A_483 = arith.select %and3A_472, %add3A_482, %broadcast_in_dim3A_8 : vector<16xf32>
        %add3A_484 = arith.addf %scan3A_274, %add3A_455 : vector<16xf32>
        %select_n3A_485 = arith.select %and3A_472, %add3A_484, %broadcast_in_dim3A_8 : vector<16xf32>
        scf.yield %select_n3A_477, %select_n3A_479, %select_n3A_481, %select_n3A_483, %select_n3A_485 : i32, vector<16xf32>, vector<16xf32>, vector<16xf32>, vector<16xf32>
      }
      %scan3A_122 = arith.constant 32 : i32
      %xor3A = arith.constant 8 : i32
      %xor3A_123 = vector.broadcast %xor3A : i32 to vector<16xi32>
      %xor3A_124 = arith.xori %iota3A, %xor3A_123 : vector<16xi32>
      %broadcast_in_dim3A_125 = vector.shape_cast %xor3A_124 : vector<16xi32> to vector<16x1xi32>
      %gather3A = vector.shape_cast %broadcast_in_dim3A_125 : vector<16x1xi32> to vector<16xi32>
      %gather3A_126 = tpu.dynamic_gather %scan3A_121#2[%gather3A] in [0] : vector<16xf32>, vector<16xi32> -> vector<16xf32>
      %add3A_127 = arith.addf %scan3A_121#2, %gather3A_126 : vector<16xf32>
      %xor3A_128 = arith.constant 4 : i32
      %xor3A_129 = vector.broadcast %xor3A_128 : i32 to vector<16xi32>
      %xor3A_130 = arith.xori %iota3A, %xor3A_129 : vector<16xi32>
      %broadcast_in_dim3A_131 = vector.shape_cast %xor3A_130 : vector<16xi32> to vector<16x1xi32>
      %gather3A_132 = vector.shape_cast %broadcast_in_dim3A_131 : vector<16x1xi32> to vector<16xi32>
      %gather3A_133 = tpu.dynamic_gather %add3A_127[%gather3A_132] in [0] : vector<16xf32>, vector<16xi32> -> vector<16xf32>
      %add3A_134 = arith.addf %add3A_127, %gather3A_133 : vector<16xf32>
      %xor3A_135 = arith.constant 2 : i32
      %xor3A_136 = vector.broadcast %xor3A_135 : i32 to vector<16xi32>
      %xor3A_137 = arith.xori %iota3A, %xor3A_136 : vector<16xi32>
      %broadcast_in_dim3A_138 = vector.shape_cast %xor3A_137 : vector<16xi32> to vector<16x1xi32>
      %gather3A_139 = vector.shape_cast %broadcast_in_dim3A_138 : vector<16x1xi32> to vector<16xi32>
      %gather3A_140 = tpu.dynamic_gather %add3A_134[%gather3A_139] in [0] : vector<16xf32>, vector<16xi32> -> vector<16xf32>
      %add3A_141 = arith.addf %add3A_134, %gather3A_140 : vector<16xf32>
      %xor3A_142 = arith.constant 1 : i32
      %xor3A_143 = vector.broadcast %xor3A_142 : i32 to vector<16xi32>
      %xor3A_144 = arith.xori %iota3A, %xor3A_143 : vector<16xi32>
      %broadcast_in_dim3A_145 = vector.shape_cast %xor3A_144 : vector<16xi32> to vector<16x1xi32>
      %gather3A_146 = vector.shape_cast %broadcast_in_dim3A_145 : vector<16x1xi32> to vector<16xi32>
      %gather3A_147 = tpu.dynamic_gather %add3A_141[%gather3A_146] in [0] : vector<16xf32>, vector<16xi32> -> vector<16xf32>
      %add3A_148 = arith.addf %add3A_141, %gather3A_147 : vector<16xf32>
      %mul3A_149 = arith.mulf %add3A_148, %select_n3A : vector<16xf32>
      %get3A_150 = arith.index_cast %scan3A_121#0 : i32 to index
      %get3A_151 = tpu.vector_load %arg18[%get3A_150] {strides = array<i32>} : memref<1040xf32, #tpu.memory_space<vmem>>, vector<16xf32>,
      %get3A_152 = vector.shape_cast %get3A_151 : vector<16xf32> to vector<16xf32>
      %add3A_153 = arith.addf %get3A_152, %mul3A_149 : vector<16xf32>
      %swap3A_154 = arith.index_cast %scan3A_121#0 : i32 to index
      %swap3A_155 = tpu.vector_load %arg18[%swap3A_154] {strides = array<i32>} : memref<1040xf32, #tpu.memory_space<vmem>>, vector<16xf32>,
      %swap3A_156 = vector.shape_cast %swap3A_155 : vector<16xf32> to vector<16xf32>
      %swap3A_157 = vector.shape_cast %add3A_153 : vector<16xf32> to vector<16xf32>
      tpu.vector_store %arg18[%swap3A_154], %swap3A_157 {strides = array<i32>} : memref<1040xf32, #tpu.memory_space<vmem>>, vector<16xf32>,
      %xor3A_158 = arith.constant 8 : i32
      %xor3A_159 = vector.broadcast %xor3A_158 : i32 to vector<16xi32>
      %xor3A_160 = arith.xori %iota3A, %xor3A_159 : vector<16xi32>
      %broadcast_in_dim3A_161 = vector.shape_cast %xor3A_160 : vector<16xi32> to vector<16x1xi32>
      %gather3A_162 = vector.shape_cast %broadcast_in_dim3A_161 : vector<16x1xi32> to vector<16xi32>
      %gather3A_163 = tpu.dynamic_gather %scan3A_121#3[%gather3A_162] in [0] : vector<16xf32>, vector<16xi32> -> vector<16xf32>
      %add3A_164 = arith.addf %scan3A_121#3, %gather3A_163 : vector<16xf32>
      %xor3A_165 = arith.constant 4 : i32
      %xor3A_166 = vector.broadcast %xor3A_165 : i32 to vector<16xi32>
      %xor3A_167 = arith.xori %iota3A, %xor3A_166 : vector<16xi32>
      %broadcast_in_dim3A_168 = vector.shape_cast %xor3A_167 : vector<16xi32> to vector<16x1xi32>
      %gather3A_169 = vector.shape_cast %broadcast_in_dim3A_168 : vector<16x1xi32> to vector<16xi32>
      %gather3A_170 = tpu.dynamic_gather %add3A_164[%gather3A_169] in [0] : vector<16xf32>, vector<16xi32> -> vector<16xf32>
      %add3A_171 = arith.addf %add3A_164, %gather3A_170 : vector<16xf32>
      %xor3A_172 = arith.constant 2 : i32
      %xor3A_173 = vector.broadcast %xor3A_172 : i32 to vector<16xi32>
      %xor3A_174 = arith.xori %iota3A, %xor3A_173 : vector<16xi32>
      %broadcast_in_dim3A_175 = vector.shape_cast %xor3A_174 : vector<16xi32> to vector<16x1xi32>
      %gather3A_176 = vector.shape_cast %broadcast_in_dim3A_175 : vector<16x1xi32> to vector<16xi32>
      %gather3A_177 = tpu.dynamic_gather %add3A_171[%gather3A_176] in [0] : vector<16xf32>, vector<16xi32> -> vector<16xf32>
      %add3A_178 = arith.addf %add3A_171, %gather3A_177 : vector<16xf32>
      %xor3A_179 = arith.constant 1 : i32
      %xor3A_180 = vector.broadcast %xor3A_179 : i32 to vector<16xi32>
      %xor3A_181 = arith.xori %iota3A, %xor3A_180 : vector<16xi32>
      %broadcast_in_dim3A_182 = vector.shape_cast %xor3A_181 : vector<16xi32> to vector<16x1xi32>
      %gather3A_183 = vector.shape_cast %broadcast_in_dim3A_182 : vector<16x1xi32> to vector<16xi32>
      %gather3A_184 = tpu.dynamic_gather %add3A_178[%gather3A_183] in [0] : vector<16xf32>, vector<16xi32> -> vector<16xf32>
      %add3A_185 = arith.addf %add3A_178, %gather3A_184 : vector<16xf32>
      %mul3A_186 = arith.mulf %add3A_185, %select_n3A : vector<16xf32>
      %get3A_187 = arith.index_cast %scan3A_121#0 : i32 to index
      %get3A_188 = tpu.vector_load %arg19[%get3A_187] {strides = array<i32>} : memref<1040xf32, #tpu.memory_space<vmem>>, vector<16xf32>,
      %get3A_189 = vector.shape_cast %get3A_188 : vector<16xf32> to vector<16xf32>
      %add3A_190 = arith.addf %get3A_189, %mul3A_186 : vector<16xf32>
      %swap3A_191 = arith.index_cast %scan3A_121#0 : i32 to index
      %swap3A_192 = tpu.vector_load %arg19[%swap3A_191] {strides = array<i32>} : memref<1040xf32, #tpu.memory_space<vmem>>, vector<16xf32>,
      %swap3A_193 = vector.shape_cast %swap3A_192 : vector<16xf32> to vector<16xf32>
      %swap3A_194 = vector.shape_cast %add3A_190 : vector<16xf32> to vector<16xf32>
      tpu.vector_store %arg19[%swap3A_191], %swap3A_194 {strides = array<i32>} : memref<1040xf32, #tpu.memory_space<vmem>>, vector<16xf32>,
      %xor3A_195 = arith.constant 8 : i32
      %xor3A_196 = vector.broadcast %xor3A_195 : i32 to vector<16xi32>
      %xor3A_197 = arith.xori %iota3A, %xor3A_196 : vector<16xi32>
      %broadcast_in_dim3A_198 = vector.shape_cast %xor3A_197 : vector<16xi32> to vector<16x1xi32>
      %gather3A_199 = vector.shape_cast %broadcast_in_dim3A_198 : vector<16x1xi32> to vector<16xi32>
      %gather3A_200 = tpu.dynamic_gather %scan3A_121#4[%gather3A_199] in [0] : vector<16xf32>, vector<16xi32> -> vector<16xf32>
      %add3A_201 = arith.addf %scan3A_121#4, %gather3A_200 : vector<16xf32>
      %xor3A_202 = arith.constant 4 : i32
      %xor3A_203 = vector.broadcast %xor3A_202 : i32 to vector<16xi32>
      %xor3A_204 = arith.xori %iota3A, %xor3A_203 : vector<16xi32>
      %broadcast_in_dim3A_205 = vector.shape_cast %xor3A_204 : vector<16xi32> to vector<16x1xi32>
      %gather3A_206 = vector.shape_cast %broadcast_in_dim3A_205 : vector<16x1xi32> to vector<16xi32>
      %gather3A_207 = tpu.dynamic_gather %add3A_201[%gather3A_206] in [0] : vector<16xf32>, vector<16xi32> -> vector<16xf32>
      %add3A_208 = arith.addf %add3A_201, %gather3A_207 : vector<16xf32>
      %xor3A_209 = arith.constant 2 : i32
      %xor3A_210 = vector.broadcast %xor3A_209 : i32 to vector<16xi32>
      %xor3A_211 = arith.xori %iota3A, %xor3A_210 : vector<16xi32>
      %broadcast_in_dim3A_212 = vector.shape_cast %xor3A_211 : vector<16xi32> to vector<16x1xi32>
      %gather3A_213 = vector.shape_cast %broadcast_in_dim3A_212 : vector<16x1xi32> to vector<16xi32>
      %gather3A_214 = tpu.dynamic_gather %add3A_208[%gather3A_213] in [0] : vector<16xf32>, vector<16xi32> -> vector<16xf32>
      %add3A_215 = arith.addf %add3A_208, %gather3A_214 : vector<16xf32>
      %xor3A_216 = arith.constant 1 : i32
      %xor3A_217 = vector.broadcast %xor3A_216 : i32 to vector<16xi32>
      %xor3A_218 = arith.xori %iota3A, %xor3A_217 : vector<16xi32>
      %broadcast_in_dim3A_219 = vector.shape_cast %xor3A_218 : vector<16xi32> to vector<16x1xi32>
      %gather3A_220 = vector.shape_cast %broadcast_in_dim3A_219 : vector<16x1xi32> to vector<16xi32>
      %gather3A_221 = tpu.dynamic_gather %add3A_215[%gather3A_220] in [0] : vector<16xf32>, vector<16xi32> -> vector<16xf32>
      %add3A_222 = arith.addf %add3A_215, %gather3A_221 : vector<16xf32>
      %mul3A_223 = arith.mulf %add3A_222, %select_n3A : vector<16xf32>
      %get3A_224 = arith.index_cast %scan3A_121#0 : i32 to index
      %get3A_225 = tpu.vector_load %arg20[%get3A_224] {strides = array<i32>} : memref<1040xf32, #tpu.memory_space<vmem>>, vector<16xf32>,
      %get3A_226 = vector.shape_cast %get3A_225 : vector<16xf32> to vector<16xf32>
      %add3A_227 = arith.addf %get3A_226, %mul3A_223 : vector<16xf32>
      %swap3A_228 = arith.index_cast %scan3A_121#0 : i32 to index
      %swap3A_229 = tpu.vector_load %arg20[%swap3A_228] {strides = array<i32>} : memref<1040xf32, #tpu.memory_space<vmem>>, vector<16xf32>,
      %swap3A_230 = vector.shape_cast %swap3A_229 : vector<16xf32> to vector<16xf32>
      %swap3A_231 = vector.shape_cast %add3A_227 : vector<16xf32> to vector<16xf32>
      tpu.vector_store %arg20[%swap3A_228], %swap3A_231 {strides = array<i32>} : memref<1040xf32, #tpu.memory_space<vmem>>, vector<16xf32>,
      %xor3A_232 = arith.constant 8 : i32
      %xor3A_233 = vector.broadcast %xor3A_232 : i32 to vector<16xi32>
      %xor3A_234 = arith.xori %iota3A, %xor3A_233 : vector<16xi32>
      %broadcast_in_dim3A_235 = vector.shape_cast %xor3A_234 : vector<16xi32> to vector<16x1xi32>
      %gather3A_236 = vector.shape_cast %broadcast_in_dim3A_235 : vector<16x1xi32> to vector<16xi32>
      %gather3A_237 = tpu.dynamic_gather %scan3A_121#1[%gather3A_236] in [0] : vector<16xf32>, vector<16xi32> -> vector<16xf32>
      %add3A_238 = arith.addf %scan3A_121#1, %gather3A_237 : vector<16xf32>
      %xor3A_239 = arith.constant 4 : i32
      %xor3A_240 = vector.broadcast %xor3A_239 : i32 to vector<16xi32>
      %xor3A_241 = arith.xori %iota3A, %xor3A_240 : vector<16xi32>
      %broadcast_in_dim3A_242 = vector.shape_cast %xor3A_241 : vector<16xi32> to vector<16x1xi32>
      %gather3A_243 = vector.shape_cast %broadcast_in_dim3A_242 : vector<16x1xi32> to vector<16xi32>
      %gather3A_244 = tpu.dynamic_gather %add3A_238[%gather3A_243] in [0] : vector<16xf32>, vector<16xi32> -> vector<16xf32>
      %add3A_245 = arith.addf %add3A_238, %gather3A_244 : vector<16xf32>
      %xor3A_246 = arith.constant 2 : i32
      %xor3A_247 = vector.broadcast %xor3A_246 : i32 to vector<16xi32>
      %xor3A_248 = arith.xori %iota3A, %xor3A_247 : vector<16xi32>
      %broadcast_in_dim3A_249 = vector.shape_cast %xor3A_248 : vector<16xi32> to vector<16x1xi32>
      %gather3A_250 = vector.shape_cast %broadcast_in_dim3A_249 : vector<16x1xi32> to vector<16xi32>
      %gather3A_251 = tpu.dynamic_gather %add3A_245[%gather3A_250] in [0] : vector<16xf32>, vector<16xi32> -> vector<16xf32>
      %add3A_252 = arith.addf %add3A_245, %gather3A_251 : vector<16xf32>
      %xor3A_253 = arith.constant 1 : i32
      %xor3A_254 = vector.broadcast %xor3A_253 : i32 to vector<16xi32>
      %xor3A_255 = arith.xori %iota3A, %xor3A_254 : vector<16xi32>
      %broadcast_in_dim3A_256 = vector.shape_cast %xor3A_255 : vector<16xi32> to vector<16x1xi32>
      %gather3A_257 = vector.shape_cast %broadcast_in_dim3A_256 : vector<16x1xi32> to vector<16xi32>
      %gather3A_258 = tpu.dynamic_gather %add3A_252[%gather3A_257] in [0] : vector<16xf32>, vector<16xi32> -> vector<16xf32>
      %add3A_259 = arith.addf %add3A_252, %gather3A_258 : vector<16xf32>
      %mul3A_260 = arith.mulf %add3A_259, %select_n3A : vector<16xf32>
      %get3A_261 = arith.index_cast %scan3A_121#0 : i32 to index
      %get3A_262 = tpu.vector_load %arg21[%get3A_261] {strides = array<i32>} : memref<1040xf32, #tpu.memory_space<vmem>>, vector<16xf32>,
      %get3A_263 = vector.shape_cast %get3A_262 : vector<16xf32> to vector<16xf32>
      %add3A_264 = arith.addf %get3A_263, %mul3A_260 : vector<16xf32>
      %swap3A_265 = arith.index_cast %scan3A_121#0 : i32 to index
      %swap3A_266 = tpu.vector_load %arg21[%swap3A_265] {strides = array<i32>} : memref<1040xf32, #tpu.memory_space<vmem>>, vector<16xf32>,
      %swap3A_267 = vector.shape_cast %swap3A_266 : vector<16xf32> to vector<16xf32>
      %swap3A_268 = vector.shape_cast %add3A_264 : vector<16xf32> to vector<16xf32>
      tpu.vector_store %arg21[%swap3A_265], %swap3A_268 {strides = array<i32>} : memref<1040xf32, #tpu.memory_space<vmem>>, vector<16xf32>,
      "tpu.region"() ({
        %run_scoped3A = tpu.sem_alloc : memref<!tpu.dma_semaphore, #tpu.memory_space<semaphore_mem>>
        %dma_start3A = arith.constant 0 : i32
        %dma_start3A_269 = tpu.memref_slice %arg15[%dma_start3A] : memref<2048xf32, #tpu.memory_space<vmem>> -> memref<512xf32, #tpu.memory_space<vmem>>
        %dma_start3A_270 = arith.constant 1599488 : i32
        %dma_start3A_271 = tpu.memref_slice %arg5[%dma_start3A_270] : memref<1600000xf32, #tpu.memory_space<hbm>> -> memref<512xf32, #tpu.memory_space<hbm>>
        %dma_start3A_272 = arith.constant 1599488 : i32
        %dma_start3A_273 = tpu.memref_slice %arg5[%dma_start3A_272] : memref<1600000xf32, #tpu.memory_space<hbm>> -> memref<512xf32, #tpu.memory_space<hbm>>
        %dma_start3A_274 = arith.constant 0 : i32
        %dma_start3A_275 = tpu.memref_slice %arg15[%dma_start3A_274] : memref<2048xf32, #tpu.memory_space<vmem>> -> memref<512xf32, #tpu.memory_space<vmem>>
        tpu.enqueue_dma source(%dma_start3A_275 : memref<512xf32, #tpu.memory_space<vmem>>) target(%dma_start3A_273 : memref<512xf32, #tpu.memory_space<hbm>>) target_semaphore(%run_scoped3A : memref<!tpu.dma_semaphore, #tpu.memory_space<semaphore_mem>>)
        %dma_wait3A = arith.constant 0 : i32
        %dma_wait3A_276 = tpu.memref_slice %arg15[%dma_wait3A] : memref<2048xf32, #tpu.memory_space<vmem>> -> memref<512xf32, #tpu.memory_space<vmem>>
        %dma_wait3A_277 = arith.constant 1599488 : i32
        %dma_wait3A_278 = tpu.memref_slice %arg5[%dma_wait3A_277] : memref<1600000xf32, #tpu.memory_space<hbm>> -> memref<512xf32, #tpu.memory_space<hbm>>
        %dma_wait3A_279 = arith.constant 1599488 : i32
        %dma_wait3A_280 = tpu.memref_slice %arg5[%dma_wait3A_279] : memref<1600000xf32, #tpu.memory_space<hbm>> -> memref<512xf32, #tpu.memory_space<hbm>>
        %dma_wait3A_281 = arith.constant 0 : i32
        %dma_wait3A_282 = tpu.memref_slice %arg15[%dma_wait3A_281] : memref<2048xf32, #tpu.memory_space<vmem>> -> memref<512xf32, #tpu.memory_space<vmem>>
        tpu.wait_dma2 semaphore(%run_scoped3A : memref<!tpu.dma_semaphore, #tpu.memory_space<semaphore_mem>>) src(%dma_wait3A_282 : memref<512xf32, #tpu.memory_space<vmem>>) dst(%dma_wait3A_280 : memref<512xf32, #tpu.memory_space<hbm>>)
        tpu.yield
      }) : () -> ()
      "tpu.region"() ({
        %run_scoped3A = tpu.sem_alloc : memref<!tpu.dma_semaphore, #tpu.memory_space<semaphore_mem>>
        %dma_start3A = arith.constant 0 : i32
        %dma_start3A_269 = tpu.memref_slice %arg16[%dma_start3A] : memref<2048xf32, #tpu.memory_space<vmem>> -> memref<512xf32, #tpu.memory_space<vmem>>
        %dma_start3A_270 = arith.constant 1599488 : i32
        %dma_start3A_271 = tpu.memref_slice %arg6[%dma_start3A_270] : memref<1600000xf32, #tpu.memory_space<hbm>> -> memref<512xf32, #tpu.memory_space<hbm>>
        %dma_start3A_272 = arith.constant 1599488 : i32
        %dma_start3A_273 = tpu.memref_slice %arg6[%dma_start3A_272] : memref<1600000xf32, #tpu.memory_space<hbm>> -> memref<512xf32, #tpu.memory_space<hbm>>
        %dma_start3A_274 = arith.constant 0 : i32
        %dma_start3A_275 = tpu.memref_slice %arg16[%dma_start3A_274] : memref<2048xf32, #tpu.memory_space<vmem>> -> memref<512xf32, #tpu.memory_space<vmem>>
        tpu.enqueue_dma source(%dma_start3A_275 : memref<512xf32, #tpu.memory_space<vmem>>) target(%dma_start3A_273 : memref<512xf32, #tpu.memory_space<hbm>>) target_semaphore(%run_scoped3A : memref<!tpu.dma_semaphore, #tpu.memory_space<semaphore_mem>>)
        %dma_wait3A = arith.constant 0 : i32
        %dma_wait3A_276 = tpu.memref_slice %arg16[%dma_wait3A] : memref<2048xf32, #tpu.memory_space<vmem>> -> memref<512xf32, #tpu.memory_space<vmem>>
        %dma_wait3A_277 = arith.constant 1599488 : i32
        %dma_wait3A_278 = tpu.memref_slice %arg6[%dma_wait3A_277] : memref<1600000xf32, #tpu.memory_space<hbm>> -> memref<512xf32, #tpu.memory_space<hbm>>
        %dma_wait3A_279 = arith.constant 1599488 : i32
        %dma_wait3A_280 = tpu.memref_slice %arg6[%dma_wait3A_279] : memref<1600000xf32, #tpu.memory_space<hbm>> -> memref<512xf32, #tpu.memory_space<hbm>>
        %dma_wait3A_281 = arith.constant 0 : i32
        %dma_wait3A_282 = tpu.memref_slice %arg16[%dma_wait3A_281] : memref<2048xf32, #tpu.memory_space<vmem>> -> memref<512xf32, #tpu.memory_space<vmem>>
        tpu.wait_dma2 semaphore(%run_scoped3A : memref<!tpu.dma_semaphore, #tpu.memory_space<semaphore_mem>>) src(%dma_wait3A_282 : memref<512xf32, #tpu.memory_space<vmem>>) dst(%dma_wait3A_280 : memref<512xf32, #tpu.memory_space<hbm>>)
        tpu.yield
      }) : () -> ()
      "tpu.region"() ({
        %run_scoped3A = tpu.sem_alloc : memref<!tpu.dma_semaphore, #tpu.memory_space<semaphore_mem>>
        %dma_start3A = arith.constant 0 : i32
        %dma_start3A_269 = tpu.memref_slice %arg17[%dma_start3A] : memref<2048xf32, #tpu.memory_space<vmem>> -> memref<512xf32, #tpu.memory_space<vmem>>
        %dma_start3A_270 = arith.constant 1599488 : i32
        %dma_start3A_271 = tpu.memref_slice %arg7[%dma_start3A_270] : memref<1600000xf32, #tpu.memory_space<hbm>> -> memref<512xf32, #tpu.memory_space<hbm>>
        %dma_start3A_272 = arith.constant 1599488 : i32
        %dma_start3A_273 = tpu.memref_slice %arg7[%dma_start3A_272] : memref<1600000xf32, #tpu.memory_space<hbm>> -> memref<512xf32, #tpu.memory_space<hbm>>
        %dma_start3A_274 = arith.constant 0 : i32
        %dma_start3A_275 = tpu.memref_slice %arg17[%dma_start3A_274] : memref<2048xf32, #tpu.memory_space<vmem>> -> memref<512xf32, #tpu.memory_space<vmem>>
        tpu.enqueue_dma source(%dma_start3A_275 : memref<512xf32, #tpu.memory_space<vmem>>) target(%dma_start3A_273 : memref<512xf32, #tpu.memory_space<hbm>>) target_semaphore(%run_scoped3A : memref<!tpu.dma_semaphore, #tpu.memory_space<semaphore_mem>>)
        %dma_wait3A = arith.constant 0 : i32
        %dma_wait3A_276 = tpu.memref_slice %arg17[%dma_wait3A] : memref<2048xf32, #tpu.memory_space<vmem>> -> memref<512xf32, #tpu.memory_space<vmem>>
        %dma_wait3A_277 = arith.constant 1599488 : i32
        %dma_wait3A_278 = tpu.memref_slice %arg7[%dma_wait3A_277] : memref<1600000xf32, #tpu.memory_space<hbm>> -> memref<512xf32, #tpu.memory_space<hbm>>
        %dma_wait3A_279 = arith.constant 1599488 : i32
        %dma_wait3A_280 = tpu.memref_slice %arg7[%dma_wait3A_279] : memref<1600000xf32, #tpu.memory_space<hbm>> -> memref<512xf32, #tpu.memory_space<hbm>>
        %dma_wait3A_281 = arith.constant 0 : i32
        %dma_wait3A_282 = tpu.memref_slice %arg17[%dma_wait3A_281] : memref<2048xf32, #tpu.memory_space<vmem>> -> memref<512xf32, #tpu.memory_space<vmem>>
        tpu.wait_dma2 semaphore(%run_scoped3A : memref<!tpu.dma_semaphore, #tpu.memory_space<semaphore_mem>>) src(%dma_wait3A_282 : memref<512xf32, #tpu.memory_space<vmem>>) dst(%dma_wait3A_280 : memref<512xf32, #tpu.memory_space<hbm>>)
        tpu.yield
      }) : () -> ()
    } else {
    }
    %mul3A_105 = arith.constant 4 : i32
    %mul3A_106 = arith.muli %add3A, %mul3A_105 : i32
    %mul3A_107 = arith.constant 1024 : i32
    %mul3A_108 = arith.muli %mul3A_106, %mul3A_107 : i32
    "tpu.region"() ({
      %run_scoped3A = tpu.sem_alloc : memref<!tpu.dma_semaphore, #tpu.memory_space<semaphore_mem>>
      %dma_start3A = arith.constant 0 : i32
      %dma_start3A_115 = tpu.memref_slice %arg18[%dma_start3A] : memref<1040xf32, #tpu.memory_space<vmem>> -> memref<1024xf32, #tpu.memory_space<vmem>>
      %dma_start3A_116 = tpu.memref_slice %arg8[%mul3A_108] : memref<131072xf32, #tpu.memory_space<hbm>> -> memref<1024xf32, #tpu.memory_space<hbm>>
      %dma_start3A_117 = tpu.memref_slice %arg8[%mul3A_108] : memref<131072xf32, #tpu.memory_space<hbm>> -> memref<1024xf32, #tpu.memory_space<hbm>>
      %dma_start3A_118 = arith.constant 0 : i32
      %dma_start3A_119 = tpu.memref_slice %arg18[%dma_start3A_118] : memref<1040xf32, #tpu.memory_space<vmem>> -> memref<1024xf32, #tpu.memory_space<vmem>>
      tpu.enqueue_dma source(%dma_start3A_119 : memref<1024xf32, #tpu.memory_space<vmem>>) target(%dma_start3A_117 : memref<1024xf32, #tpu.memory_space<hbm>>) target_semaphore(%run_scoped3A : memref<!tpu.dma_semaphore, #tpu.memory_space<semaphore_mem>>)
      %dma_wait3A = arith.constant 0 : i32
      %dma_wait3A_120 = tpu.memref_slice %arg18[%dma_wait3A] : memref<1040xf32, #tpu.memory_space<vmem>> -> memref<1024xf32, #tpu.memory_space<vmem>>
      %dma_wait3A_121 = tpu.memref_slice %arg8[%mul3A_108] : memref<131072xf32, #tpu.memory_space<hbm>> -> memref<1024xf32, #tpu.memory_space<hbm>>
      %dma_wait3A_122 = tpu.memref_slice %arg8[%mul3A_108] : memref<131072xf32, #tpu.memory_space<hbm>> -> memref<1024xf32, #tpu.memory_space<hbm>>
      %dma_wait3A_123 = arith.constant 0 : i32
      %dma_wait3A_124 = tpu.memref_slice %arg18[%dma_wait3A_123] : memref<1040xf32, #tpu.memory_space<vmem>> -> memref<1024xf32, #tpu.memory_space<vmem>>
      tpu.wait_dma2 semaphore(%run_scoped3A : memref<!tpu.dma_semaphore, #tpu.memory_space<semaphore_mem>>) src(%dma_wait3A_124 : memref<1024xf32, #tpu.memory_space<vmem>>) dst(%dma_wait3A_122 : memref<1024xf32, #tpu.memory_space<hbm>>)
      tpu.yield
    }) : () -> ()
    %add3A_109 = arith.constant 1024 : i32
    %add3A_110 = arith.addi %mul3A_108, %add3A_109 : i32
    "tpu.region"() ({
      %run_scoped3A = tpu.sem_alloc : memref<!tpu.dma_semaphore, #tpu.memory_space<semaphore_mem>>
      %dma_start3A = arith.constant 0 : i32
      %dma_start3A_115 = tpu.memref_slice %arg19[%dma_start3A] : memref<1040xf32, #tpu.memory_space<vmem>> -> memref<1024xf32, #tpu.memory_space<vmem>>
      %dma_start3A_116 = tpu.memref_slice %arg8[%add3A_110] : memref<131072xf32, #tpu.memory_space<hbm>> -> memref<1024xf32, #tpu.memory_space<hbm>>
      %dma_start3A_117 = tpu.memref_slice %arg8[%add3A_110] : memref<131072xf32, #tpu.memory_space<hbm>> -> memref<1024xf32, #tpu.memory_space<hbm>>
      %dma_start3A_118 = arith.constant 0 : i32
      %dma_start3A_119 = tpu.memref_slice %arg19[%dma_start3A_118] : memref<1040xf32, #tpu.memory_space<vmem>> -> memref<1024xf32, #tpu.memory_space<vmem>>
      tpu.enqueue_dma source(%dma_start3A_119 : memref<1024xf32, #tpu.memory_space<vmem>>) target(%dma_start3A_117 : memref<1024xf32, #tpu.memory_space<hbm>>) target_semaphore(%run_scoped3A : memref<!tpu.dma_semaphore, #tpu.memory_space<semaphore_mem>>)
      %dma_wait3A = arith.constant 0 : i32
      %dma_wait3A_120 = tpu.memref_slice %arg19[%dma_wait3A] : memref<1040xf32, #tpu.memory_space<vmem>> -> memref<1024xf32, #tpu.memory_space<vmem>>
      %dma_wait3A_121 = tpu.memref_slice %arg8[%add3A_110] : memref<131072xf32, #tpu.memory_space<hbm>> -> memref<1024xf32, #tpu.memory_space<hbm>>
      %dma_wait3A_122 = tpu.memref_slice %arg8[%add3A_110] : memref<131072xf32, #tpu.memory_space<hbm>> -> memref<1024xf32, #tpu.memory_space<hbm>>
      %dma_wait3A_123 = arith.constant 0 : i32
      %dma_wait3A_124 = tpu.memref_slice %arg19[%dma_wait3A_123] : memref<1040xf32, #tpu.memory_space<vmem>> -> memref<1024xf32, #tpu.memory_space<vmem>>
      tpu.wait_dma2 semaphore(%run_scoped3A : memref<!tpu.dma_semaphore, #tpu.memory_space<semaphore_mem>>) src(%dma_wait3A_124 : memref<1024xf32, #tpu.memory_space<vmem>>) dst(%dma_wait3A_122 : memref<1024xf32, #tpu.memory_space<hbm>>)
      tpu.yield
    }) : () -> ()
    %add3A_111 = arith.constant 2048 : i32
    %add3A_112 = arith.addi %mul3A_108, %add3A_111 : i32
    "tpu.region"() ({
      %run_scoped3A = tpu.sem_alloc : memref<!tpu.dma_semaphore, #tpu.memory_space<semaphore_mem>>
      %dma_start3A = arith.constant 0 : i32
      %dma_start3A_115 = tpu.memref_slice %arg20[%dma_start3A] : memref<1040xf32, #tpu.memory_space<vmem>> -> memref<1024xf32, #tpu.memory_space<vmem>>
      %dma_start3A_116 = tpu.memref_slice %arg8[%add3A_112] : memref<131072xf32, #tpu.memory_space<hbm>> -> memref<1024xf32, #tpu.memory_space<hbm>>
      %dma_start3A_117 = tpu.memref_slice %arg8[%add3A_112] : memref<131072xf32, #tpu.memory_space<hbm>> -> memref<1024xf32, #tpu.memory_space<hbm>>
      %dma_start3A_118 = arith.constant 0 : i32
      %dma_start3A_119 = tpu.memref_slice %arg20[%dma_start3A_118] : memref<1040xf32, #tpu.memory_space<vmem>> -> memref<1024xf32, #tpu.memory_space<vmem>>
      tpu.enqueue_dma source(%dma_start3A_119 : memref<1024xf32, #tpu.memory_space<vmem>>) target(%dma_start3A_117 : memref<1024xf32, #tpu.memory_space<hbm>>) target_semaphore(%run_scoped3A : memref<!tpu.dma_semaphore, #tpu.memory_space<semaphore_mem>>)
      %dma_wait3A = arith.constant 0 : i32
      %dma_wait3A_120 = tpu.memref_slice %arg20[%dma_wait3A] : memref<1040xf32, #tpu.memory_space<vmem>> -> memref<1024xf32, #tpu.memory_space<vmem>>
      %dma_wait3A_121 = tpu.memref_slice %arg8[%add3A_112] : memref<131072xf32, #tpu.memory_space<hbm>> -> memref<1024xf32, #tpu.memory_space<hbm>>
      %dma_wait3A_122 = tpu.memref_slice %arg8[%add3A_112] : memref<131072xf32, #tpu.memory_space<hbm>> -> memref<1024xf32, #tpu.memory_space<hbm>>
      %dma_wait3A_123 = arith.constant 0 : i32
      %dma_wait3A_124 = tpu.memref_slice %arg20[%dma_wait3A_123] : memref<1040xf32, #tpu.memory_space<vmem>> -> memref<1024xf32, #tpu.memory_space<vmem>>
      tpu.wait_dma2 semaphore(%run_scoped3A : memref<!tpu.dma_semaphore, #tpu.memory_space<semaphore_mem>>) src(%dma_wait3A_124 : memref<1024xf32, #tpu.memory_space<vmem>>) dst(%dma_wait3A_122 : memref<1024xf32, #tpu.memory_space<hbm>>)
      tpu.yield
    }) : () -> ()
    %add3A_113 = arith.constant 3072 : i32
    %add3A_114 = arith.addi %mul3A_108, %add3A_113 : i32
    "tpu.region"() ({
      %run_scoped3A = tpu.sem_alloc : memref<!tpu.dma_semaphore, #tpu.memory_space<semaphore_mem>>
      %dma_start3A = arith.constant 0 : i32
      %dma_start3A_115 = tpu.memref_slice %arg21[%dma_start3A] : memref<1040xf32, #tpu.memory_space<vmem>> -> memref<1024xf32, #tpu.memory_space<vmem>>
      %dma_start3A_116 = tpu.memref_slice %arg8[%add3A_114] : memref<131072xf32, #tpu.memory_space<hbm>> -> memref<1024xf32, #tpu.memory_space<hbm>>
      %dma_start3A_117 = tpu.memref_slice %arg8[%add3A_114] : memref<131072xf32, #tpu.memory_space<hbm>> -> memref<1024xf32, #tpu.memory_space<hbm>>
      %dma_start3A_118 = arith.constant 0 : i32
      %dma_start3A_119 = tpu.memref_slice %arg21[%dma_start3A_118] : memref<1040xf32, #tpu.memory_space<vmem>> -> memref<1024xf32, #tpu.memory_space<vmem>>
      tpu.enqueue_dma source(%dma_start3A_119 : memref<1024xf32, #tpu.memory_space<vmem>>) target(%dma_start3A_117 : memref<1024xf32, #tpu.memory_space<hbm>>) target_semaphore(%run_scoped3A : memref<!tpu.dma_semaphore, #tpu.memory_space<semaphore_mem>>)
      %dma_wait3A = arith.constant 0 : i32
      %dma_wait3A_120 = tpu.memref_slice %arg21[%dma_wait3A] : memref<1040xf32, #tpu.memory_space<vmem>> -> memref<1024xf32, #tpu.memory_space<vmem>>
      %dma_wait3A_121 = tpu.memref_slice %arg8[%add3A_114] : memref<131072xf32, #tpu.memory_space<hbm>> -> memref<1024xf32, #tpu.memory_space<hbm>>
      %dma_wait3A_122 = tpu.memref_slice %arg8[%add3A_114] : memref<131072xf32, #tpu.memory_space<hbm>> -> memref<1024xf32, #tpu.memory_space<hbm>>
      %dma_wait3A_123 = arith.constant 0 : i32
      %dma_wait3A_124 = tpu.memref_slice %arg21[%dma_wait3A_123] : memref<1040xf32, #tpu.memory_space<vmem>> -> memref<1024xf32, #tpu.memory_space<vmem>>
      tpu.wait_dma2 semaphore(%run_scoped3A : memref<!tpu.dma_semaphore, #tpu.memory_space<semaphore_mem>>) src(%dma_wait3A_124 : memref<1024xf32, #tpu.memory_space<vmem>>) dst(%dma_wait3A_122 : memref<1024xf32, #tpu.memory_space<hbm>>)
      tpu.yield
    }) : () -> ()
    return
  }
}

module attributes {stable_mosaic.version = 14 : i64} {
  func.func @_tc_finalize_body(%arg0: memref<4x1024xf32, #tpu.memory_space<vmem>>, %arg1: memref<1x1024xf32, #tpu.memory_space<vmem>>, %arg2: memref<32x4x1024xf32, #tpu.memory_space<vmem>>, %arg3: memref<1x1024xf32, #tpu.memory_space<vmem>>, %arg4: memref<1x1xf32, #tpu.memory_space<vmem>>, %arg5: memref<1x1xf32, #tpu.memory_space<vmem>>, %arg6: memref<1x1024xf32, #tpu.memory_space<vmem>>, %arg7: memref<1x1024xf32, #tpu.memory_space<vmem>>, %arg8: memref<1x1024xf32, #tpu.memory_space<vmem>>, %arg9: memref<1x1024xf32, #tpu.memory_space<vmem>>, %arg10: memref<1x1024xf32, #tpu.memory_space<vmem>>, %arg11: memref<1x1024xf32, #tpu.memory_space<vmem>>, %arg12: memref<1x1024xf32, #tpu.memory_space<vmem>>, %arg13: memref<1x1024xf32, #tpu.memory_space<vmem>>) attributes {dimension_semantics = [], scalar_prefetch = 0 : i64, scratch_operands = 0 : i64, tpu.core_type = #tpu.core_type<tc>} {
    %get3A = arith.constant 0 : index
    %get3A_0 = arith.constant 0 : index
    %get3A_1 = vector.load %arg0[%get3A, %get3A_0] : memref<4x1024xf32, #tpu.memory_space<vmem>>, vector<4x1024xf32>
    %get3A_2 = arith.constant 0 : index
    %get3A_3 = arith.constant 0 : index
    %get3A_4 = vector.load %arg1[%get3A_2, %get3A_3] : memref<1x1024xf32, #tpu.memory_space<vmem>>, vector<1x1024xf32>
    %get3A_5 = arith.constant 0 : index
    %get3A_6 = arith.constant 0 : index
    %get3A_7 = arith.constant 0 : index
    %get3A_8 = vector.load %arg2[%get3A_5, %get3A_6, %get3A_7] : memref<32x4x1024xf32, #tpu.memory_space<vmem>>, vector<32x4x1024xf32>
    %reduce_sum3A = arith.constant dense<0.000000e+00> : vector<4x1024xf32>
    %reduce_sum3A_9 = vector.multi_reduction <add>, %get3A_8, %reduce_sum3A [0] : vector<32x4x1024xf32> to vector<4x1024xf32>
    %slice3A = vector.extract_strided_slice %reduce_sum3A_9 {offsets = [3, 0], sizes = [1, 1024], strides = [1, 1]} : vector<4x1024xf32> to vector<1x1024xf32>
    %max3A = arith.constant 1.000000e+00 : f32
    %max3A_10 = vector.broadcast %max3A : f32 to vector<1x1024xf32>
    %max3A_11 = arith.maximumf %slice3A, %max3A_10 : vector<1x1024xf32>
    %slice3A_12 = vector.extract_strided_slice %reduce_sum3A_9 {offsets = [0, 0], sizes = [1, 1024], strides = [1, 1]} : vector<4x1024xf32> to vector<1x1024xf32>
    %mul3A = arith.constant 9.000000e+00 : f32
    %mul3A_13 = vector.broadcast %mul3A : f32 to vector<1x1024xf32>
    %mul3A_14 = arith.mulf %mul3A_13, %max3A_11 : vector<1x1024xf32>
    %div3A = arith.divf %slice3A_12, %mul3A_14 : vector<1x1024xf32>
    %swap3A = arith.constant 0 : index
    %swap3A_15 = arith.constant 0 : index
    %swap3A_16 = vector.load %arg8[%swap3A, %swap3A_15] : memref<1x1024xf32, #tpu.memory_space<vmem>>, vector<1x1024xf32>
    tpu.vector_store %arg8[%swap3A, %swap3A_15], %div3A {strides = array<i32>} : memref<1x1024xf32, #tpu.memory_space<vmem>>, vector<1x1024xf32>,
    %sqrt3A = math.sqrt %div3A : vector<1x1024xf32>
    %swap3A_17 = arith.constant 0 : index
    %swap3A_18 = arith.constant 0 : index
    %swap3A_19 = vector.load %arg9[%swap3A_17, %swap3A_18] : memref<1x1024xf32, #tpu.memory_space<vmem>>, vector<1x1024xf32>
    tpu.vector_store %arg9[%swap3A_17, %swap3A_18], %sqrt3A {strides = array<i32>} : memref<1x1024xf32, #tpu.memory_space<vmem>>, vector<1x1024xf32>,
    %slice3A_20 = vector.extract_strided_slice %reduce_sum3A_9 {offsets = [1, 0], sizes = [1, 1024], strides = [1, 1]} : vector<4x1024xf32> to vector<1x1024xf32>
    %mul3A_21 = arith.constant 3.000000e+00 : f32
    %mul3A_22 = vector.broadcast %mul3A_21 : f32 to vector<1x1024xf32>
    %mul3A_23 = arith.mulf %mul3A_22, %max3A_11 : vector<1x1024xf32>
    %div3A_24 = arith.divf %slice3A_20, %mul3A_23 : vector<1x1024xf32>
    %swap3A_25 = arith.constant 0 : index
    %swap3A_26 = arith.constant 0 : index
    %swap3A_27 = vector.load %arg12[%swap3A_25, %swap3A_26] : memref<1x1024xf32, #tpu.memory_space<vmem>>, vector<1x1024xf32>
    tpu.vector_store %arg12[%swap3A_25, %swap3A_26], %div3A_24 {strides = array<i32>} : memref<1x1024xf32, #tpu.memory_space<vmem>>, vector<1x1024xf32>,
    %slice3A_28 = vector.extract_strided_slice %reduce_sum3A_9 {offsets = [2, 0], sizes = [1, 1024], strides = [1, 1]} : vector<4x1024xf32> to vector<1x1024xf32>
    %mul3A_29 = arith.constant 3.000000e+00 : f32
    %mul3A_30 = vector.broadcast %mul3A_29 : f32 to vector<1x1024xf32>
    %mul3A_31 = arith.mulf %mul3A_30, %max3A_11 : vector<1x1024xf32>
    %div3A_32 = arith.divf %slice3A_28, %mul3A_31 : vector<1x1024xf32>
    %swap3A_33 = arith.constant 0 : index
    %swap3A_34 = arith.constant 0 : index
    %swap3A_35 = vector.load %arg13[%swap3A_33, %swap3A_34] : memref<1x1024xf32, #tpu.memory_space<vmem>>, vector<1x1024xf32>
    tpu.vector_store %arg13[%swap3A_33, %swap3A_34], %div3A_32 {strides = array<i32>} : memref<1x1024xf32, #tpu.memory_space<vmem>>, vector<1x1024xf32>,
    %reduce_sum3A_36 = arith.constant dense<0.000000e+00> : vector<1024xf32>
    %reduce_sum3A_37 = vector.multi_reduction <add>, %get3A_1, %reduce_sum3A_36 [0] : vector<4x1024xf32> to vector<1024xf32>
    %broadcast_in_dim3A = vector.shape_cast %reduce_sum3A_37 : vector<1024xf32> to vector<1x1024xf32>
    %div3A_38 = arith.constant 4.000000e+00 : f32
    %div3A_39 = vector.broadcast %div3A_38 : f32 to vector<1x1024xf32>
    %div3A_40 = arith.divf %broadcast_in_dim3A, %div3A_39 : vector<1x1024xf32>
    %swap3A_41 = arith.constant 0 : index
    %swap3A_42 = arith.constant 0 : index
    %swap3A_43 = vector.load %arg3[%swap3A_41, %swap3A_42] : memref<1x1024xf32, #tpu.memory_space<vmem>>, vector<1x1024xf32>
    tpu.vector_store %arg3[%swap3A_41, %swap3A_42], %div3A_40 {strides = array<i32>} : memref<1x1024xf32, #tpu.memory_space<vmem>>, vector<1x1024xf32>,
    %sub3A = vector.broadcast %div3A_40 : vector<1x1024xf32> to vector<4x1024xf32>
    %sub3A_44 = arith.subf %get3A_1, %sub3A : vector<4x1024xf32>
    %mul3A_45 = arith.mulf %sub3A_44, %sub3A_44 : vector<4x1024xf32>
    %reduce_sum3A_46 = arith.constant dense<0.000000e+00> : vector<1024xf32>
    %reduce_sum3A_47 = vector.multi_reduction <add>, %mul3A_45, %reduce_sum3A_46 [0] : vector<4x1024xf32> to vector<1024xf32>
    %broadcast_in_dim3A_48 = vector.shape_cast %reduce_sum3A_47 : vector<1024xf32> to vector<1x1024xf32>
    %mul3A_49 = arith.constant 0.333333343 : f32
    %mul3A_50 = vector.broadcast %mul3A_49 : f32 to vector<1x1024xf32>
    %mul3A_51 = arith.mulf %broadcast_in_dim3A_48, %mul3A_50 : vector<1x1024xf32>
    %swap3A_52 = arith.constant 0 : index
    %swap3A_53 = arith.constant 0 : index
    %swap3A_54 = vector.load %arg6[%swap3A_52, %swap3A_53] : memref<1x1024xf32, #tpu.memory_space<vmem>>, vector<1x1024xf32>
    tpu.vector_store %arg6[%swap3A_52, %swap3A_53], %mul3A_51 {strides = array<i32>} : memref<1x1024xf32, #tpu.memory_space<vmem>>, vector<1x1024xf32>,
    %sqrt3A_55 = math.sqrt %mul3A_51 : vector<1x1024xf32>
    %swap3A_56 = arith.constant 0 : index
    %swap3A_57 = arith.constant 0 : index
    %swap3A_58 = vector.load %arg7[%swap3A_56, %swap3A_57] : memref<1x1024xf32, #tpu.memory_space<vmem>>, vector<1x1024xf32>
    tpu.vector_store %arg7[%swap3A_56, %swap3A_57], %sqrt3A_55 {strides = array<i32>} : memref<1x1024xf32, #tpu.memory_space<vmem>>, vector<1x1024xf32>,
    %reduce_max3A = vector.shape_cast %get3A_1 : vector<4x1024xf32> to vector<1x4x1024xf32>
    %reduce_max3A_59 = arith.constant dense<0xFF800000> : vector<1xf32>
    %reduce_max3A_60 = vector.multi_reduction <maximumf>, %reduce_max3A, %reduce_max3A_59 [1, 2] : vector<1x4x1024xf32> to vector<1xf32>
    %reduce_max3A_61 = vector.shape_cast %reduce_max3A_60 : vector<1xf32> to vector<1x1x1xf32>
    %reduce_max3A_62 = vector.extract %reduce_max3A_61[0, 0, 0] : f32 from vector<1x1x1xf32>
    %broadcast_in_dim3A_63 = vector.broadcast %reduce_max3A_62 : f32 to vector<1x1xf32>
    %swap3A_64 = arith.constant 0 : index
    %swap3A_65 = arith.constant 0 : index
    %swap3A_66 = vector.load %arg4[%swap3A_64, %swap3A_65] : memref<1x1xf32, #tpu.memory_space<vmem>>, vector<1x1xf32>
    tpu.vector_store %arg4[%swap3A_64, %swap3A_65], %broadcast_in_dim3A_63 {strides = array<i32>} : memref<1x1xf32, #tpu.memory_space<vmem>>, vector<1x1xf32>,
    %reduce_min3A = vector.shape_cast %get3A_1 : vector<4x1024xf32> to vector<1x4x1024xf32>
    %reduce_min3A_67 = arith.constant dense<0x7F800000> : vector<1xf32>
    %reduce_min3A_68 = vector.multi_reduction <minimumf>, %reduce_min3A, %reduce_min3A_67 [1, 2] : vector<1x4x1024xf32> to vector<1xf32>
    %reduce_min3A_69 = vector.shape_cast %reduce_min3A_68 : vector<1xf32> to vector<1x1x1xf32>
    %reduce_min3A_70 = vector.extract %reduce_min3A_69[0, 0, 0] : f32 from vector<1x1x1xf32>
    %broadcast_in_dim3A_71 = vector.broadcast %reduce_min3A_70 : f32 to vector<1x1xf32>
    %swap3A_72 = arith.constant 0 : index
    %swap3A_73 = arith.constant 0 : index
    %swap3A_74 = vector.load %arg5[%swap3A_72, %swap3A_73] : memref<1x1xf32, #tpu.memory_space<vmem>>, vector<1x1xf32>
    tpu.vector_store %arg5[%swap3A_72, %swap3A_73], %broadcast_in_dim3A_71 {strides = array<i32>} : memref<1x1xf32, #tpu.memory_space<vmem>>, vector<1x1xf32>,
    %sub3A_75 = arith.subf %div3A_40, %get3A_4 : vector<1x1024xf32>
    %abs3A = math.absf %sub3A_75 : vector<1x1024xf32>
    %swap3A_76 = arith.constant 0 : index
    %swap3A_77 = arith.constant 0 : index
    %swap3A_78 = vector.load %arg10[%swap3A_76, %swap3A_77] : memref<1x1024xf32, #tpu.memory_space<vmem>>, vector<1x1024xf32>
    tpu.vector_store %arg10[%swap3A_76, %swap3A_77], %abs3A {strides = array<i32>} : memref<1x1024xf32, #tpu.memory_space<vmem>>, vector<1x1024xf32>,
    %mul3A_79 = arith.mulf %sub3A_75, %sub3A_75 : vector<1x1024xf32>
    %swap3A_80 = arith.constant 0 : index
    %swap3A_81 = arith.constant 0 : index
    %swap3A_82 = vector.load %arg11[%swap3A_80, %swap3A_81] : memref<1x1024xf32, #tpu.memory_space<vmem>>, vector<1x1024xf32>
    tpu.vector_store %arg11[%swap3A_80, %swap3A_81], %mul3A_79 {strides = array<i32>} : memref<1x1024xf32, #tpu.memory_space<vmem>>, vector<1x1024xf32>,
    return
  }
}

</mosaic_0001>

<sc_bundles>
// kernel: kernel.4.cloned.1.call-start
scs
__scs_entry_jumppad:
0x0: {  	(pc) =	sbr.rel $0x88, $3  }
0x1: {  	(tag) =	ssettag $0x0;
	lr =	simm.s32 $0x1  }
0x2: {  	[smem:$0x3F9C] =	sst lr;
	_ =	strace $0xD0000000  }
0x3: {  	_ = 	snop  }
0x4: {  	_ = 	snop  }
0x5: {  	_ = 	snop  }
0x6: {  	_ = 	snop  }
0x7: {  	_ = 	snop  }
__scs_overlays_trampoline_lowered:
0x8: {  	[smem:$0x3FAB] =	sst s0  }
0x9: {  	[smem:$0x3FAC] =	sst s1  }
0xa: {  	[smem:$0x3FAD] =	sst s2  }
0xb: {  	[smem:$0x3FAE] =	sst s3  }
0xc: {  	[smem:$0x3FAF] =	sst s4  }
0xd: {  	[smem:$0x3FB0] =	sst s5  }
0xe: {  	[smem:$0x3FB1] =	sst s6  }
0xf: {  	[smem:$0x3FB2] =	sst s7  }
0x10: {  	[smem:$0x3FB3] =	sst s8  }
0x11: {  	[smem:$0x3FB4] =	sst s9;
	s0 =	simm.s32 @!p0 $0x0  }
0x12: {  	s1 =	sld [smem:$0x3F9A];
	s0 =	simm.s32 @p0 $0x1  }
0x13: {  	[smem:$0x3FB5] =	sst s0;
	s0 =	simm.s32 @!p1 $0x0  }
0x14: {  	s2 =	sld [smem:$0x3F99];
	s0 =	simm.s32 @p1 $0x1  }
0x15: {  	[smem:$0x3FB6] =	sst s0;
	s0 =	simm.s32 @!p2 $0x0  }
0x16: {  	s3 =	sld [smem:$0x3FDB];
	s0 =	simm.s32 @p2 $0x1  }
0x17: {  	s4 =	simm.s32 $0x1BF5;
	[smem:$0x3FB8] =	sst s0  }
0x18: {  	s0 =	sld [smem:$0x3F9B];
	_ =	swait.ge [sflag:s4], $0x0  }
0x19: {  	s7 =	sld [smem:$0x3F9C]  }
0x1a: {  	s8 =	sadd.s32 $0xFFFFE003, lr  }
0x1b: {  	s9 =	sadd.s32 $0xFFFFFEF7, lr;
	s5 =	simm.s32 $0xFFFFFFFF;
	p2 =	slt.u32 s8, $0xFFFFF086  }
0x1c: {  	p1 =	slt.u32 s9, $0xF7A;
	s5 =	simm.s32 @!p2 $0x0  }
0x1d: {  	s5 =	simm.s32 @p1 $0x1;
	p0 =	seq.s32 s7, s2  }
0x1e: {  	s7 =	smul.u32 @!p0 $0xF7A, s2;
	p2 =	seq.s32 @!p0 s5, $0x0  }
0x1f: {  	s9 =	smul.u32 $0xF7A, s1;
	s8 =	simm.s32 @!p0 $0x1BF5;
	p2 =	por !p2, p0  }
0x20: {  	[sflag:s8] =	ssyncset.s32 @!p0 $0xFFFFF086;
	s6 =	sadd.s32 @!p0 s3, s7;
	s7 =	simm.s32 @!p0 $0x108  }
0x21: {  	s3 =	sadd.s32 s3, s9;
	s6 =	sadd.s32 @!p0 $0x88, s6;
	s7 =	simm.s32 @p2 $0x1082  }
0x22: {  	[simem:s7], [sflag:s8] =	dma.local @!p0 [hbm:s6], $0xF7A  }
0x23: {  	s9 =	sor.u32 $0xD0000000, s2;
	s6 =	simm.s32 $0x108;
	_ =	swait.ge @!p0 [sflag:s8], $0x0  }
0x24: {  	s3 =	sadd.s32 $0x88, s3;
	s6 =	simm.s32 @!p1 $0x1082;
	[sflag:s4] =	ssyncset.s32 $0xFFFFF086  }
0x25: {  	[simem:s6], [sflag:s4] =	dma.local [hbm:s3], $0xF7A  }
0x26: {  	[smem:$0x3F9C] =	sst s1;
	(tag) =	ssettag s2;
	_ =	strace s9  }
0x27: {  	s1 =	sld [smem:$0x3FAC]  }
0x28: {  	s2 =	sld [smem:$0x3FAD]  }
0x29: {  	s4 =	sld [smem:$0x3FAF]  }
0x2a: {  	p0 =	seq.s32 s5, $0x0;
	s5 =	sld [smem:$0x3FB0]  }
0x2b: {  	s6 =	sld [smem:$0x3FB1]  }
0x2c: {  	s7 =	sld [smem:$0x3FB2]  }
0x2d: {  	s3 =	simm.s32 $0x108;
	s8 =	sld [smem:$0x3FB3]  }
0x2e: {  	s3 =	simm.s32 @!p0 $0x1082;
	s9 =	sld [smem:$0x3FB4]  }
0x2f: {  	lr =	sadd.s32 s0, s3;
	s0 =	sld [smem:$0x3FAB]  }
0x30: {  	s3 =	sld [smem:$0x3FAE]  }
0x31: {  	[smem:$0x3FB7] =	sst s10  }
0x32: {  	s10 =	sld [smem:$0x3FB5];
	_ =	sdelay $0x3  }
0x33: {  	p0 =	seq.s32 s10, $0x1;
	s10 =	sld [smem:$0x3FB7];
	_ =	sdelay $0x3  }
0x34: {  	[smem:$0x3FB7] =	sst s10  }
0x35: {  	s10 =	sld [smem:$0x3FB6];
	_ =	sdelay $0x3  }
0x36: {  	p1 =	seq.s32 s10, $0x1;
	s10 =	sld [smem:$0x3FB7];
	_ =	sdelay $0x3  }
0x37: {  	[smem:$0x3FB7] =	sst s10  }
0x38: {  	s10 =	sld [smem:$0x3FB8]  }
0x39: {  	_ = 	snop;
	(pc) =	sbr.ind lr, $3  }
0x3a: {  	_ = 	snop  }
0x3b: {  	_ = 	snop  }
0x3c: {  	p2 =	seq.s32 s10, $0x1;
	s10 =	sld [smem:$0x3FB7]  }
0x3d: {  	_ =	shalt  }
0x3e: {  	_ =	shalt  }
0x3f: {  	_ =	shalt  }
0x40: {  	_ =	shalt  }
0x41: {  	_ =	shalt  }
0x42: {  	_ =	shalt  }
0x43: {  	_ =	shalt  }
0x44: {  	_ =	shalt  }
0x45: {  	_ =	shalt  }
0x46: {  	_ =	shalt  }
0x47: {  	_ =	shalt  }
0x48: {  	_ =	shalt  }
0x49: {  	_ =	shalt  }
0x4a: {  	_ =	shalt  }
0x4b: {  	_ =	shalt  }
0x4c: {  	_ =	shalt  }
0x4d: {  	_ =	shalt  }
0x4e: {  	_ =	shalt  }
0x4f: {  	_ =	shalt  }
0x50: {  	_ =	shalt  }
0x51: {  	_ =	shalt  }
0x52: {  	_ =	shalt  }
0x53: {  	_ =	shalt  }
0x54: {  	_ =	shalt  }
0x55: {  	_ =	shalt  }
0x56: {  	_ =	shalt  }
0x57: {  	_ =	shalt  }
0x58: {  	_ =	shalt  }
0x59: {  	_ =	shalt  }
0x5a: {  	_ =	shalt  }
0x5b: {  	_ =	shalt  }
0x5c: {  	_ =	shalt  }
0x5d: {  	_ =	shalt  }
0x5e: {  	_ =	shalt  }
0x5f: {  	_ =	shalt  }
0x60: {  	_ =	shalt  }
0x61: {  	_ =	shalt  }
0x62: {  	_ =	shalt  }
0x63: {  	_ =	shalt  }
0x64: {  	_ =	shalt  }
0x65: {  	_ =	shalt  }
0x66: {  	_ =	shalt  }
0x67: {  	_ =	shalt  }
0x68: {  	_ =	shalt  }
0x69: {  	_ =	shalt  }
0x6a: {  	_ =	shalt  }
0x6b: {  	_ =	shalt  }
0x6c: {  	_ =	shalt  }
0x6d: {  	_ =	shalt  }
0x6e: {  	_ =	shalt  }
0x6f: {  	_ =	shalt  }
0x70: {  	_ =	shalt  }
0x71: {  	_ =	shalt  }
0x72: {  	_ =	shalt  }
0x73: {  	_ =	shalt  }
0x74: {  	_ =	shalt  }
0x75: {  	_ =	shalt  }
0x76: {  	_ =	shalt  }
0x77: {  	_ =	shalt  }
0x78: {  	_ =	shalt  }
0x79: {  	_ =	shalt  }
0x7a: {  	_ =	shalt  }
0x7b: {  	_ =	shalt  }
0x7c: {  	_ =	shalt  }
0x7d: {  	_ =	shalt  }
0x7e: {  	_ =	shalt  }
0x7f: {  	_ =	shalt  }
0x80: {  	_ =	shalt  }
0x81: {  	_ =	shalt  }
0x82: {  	_ =	shalt  }
0x83: {  	_ =	shalt  }
0x84: {  	_ =	shalt  }
0x85: {  	_ =	shalt  }
0x86: {  	_ =	shalt  }
0x87: {  	_ =	shalt  }
.Lfunc_end0:
.L_simem_size_0:
called_computation_lowered:
.L_overlay_start_0:
0x88: {  	s2 =	sld [smem:$0x3FD9]  }
0x89: {  	s3 =	sld [smem:$0x3FFE];
	_ =	sdelay $0x1  }
0x8a: {  	s1 =	srdreg.scid  }
0x8b: {  	s0 =	sand.u32 $0x1, s1  }
0x8c: {  	s14 =	sshll.u32 s0, $0xA;
	s2 =	sadd.s32 s3, s2  }
0x8d: {  	s2 =	sadd.s32 s2, s14  }
0x8e: {  	[smem:$0x3FC3] =	sst s2  }
0x8f: {  	_ = 	snop  }
0x90: {  	s2 =	sld [smem:$0x3FD0]  }
0x91: {  	s15 =	sld [smem:$0x3FC8]  }
0x92: {  	s4 =	sld [smem:$0x3FC6]  }
0x93: {  	s6 =	simm.s32 $0xA;
	s7 =	simm.s32 $0x10;
	s5 =	sld [smem:$0x3FC5]  }
0x94: {  	[smem:s7], [sflag:s6] =	dma.local [hbm:s2], $0x1  }
0x95: {  	_ =	swait.eq [sflag:s6], $0x1  }
0x96: {  	[sflag:s6] =	ssyncset.done $0x0  }
0x97: {  	[sflag:s6] =	ssyncadd.s32 $0xFFFFFFFF  }
0x98: {  	s16 =	sld [smem:$0x11];
	(tm) =	ssettm $0x1  }
0x99: {  	s17 =	sld [smem:$0x3FFB];
	_ =	sdelay $0x3  }
0x9a: {  	_ =	strace s17  }
0x9b: {  	s6 =	sld [smem:$0x3FFC];
	_ =	sdelay $0x3  }
0x9c: {  	_ =	strace s6  }
0x9d: {  	s6 =	sld [smem:$0x3FFD];
	_ =	sdelay $0x3  }
0x9e: {  	_ =	strace s6  }
0x9f: {  	_ =	strace $0x8FFFFFFF  }
0xa0: {  	s18 =	sld [smem:$0x3FDB];
	_ =	sdelay $0x1  }
0xa1: {  	s19 =	simm.s32 $_scs_section_size  }
0xa2: {  	s8 =	simm.s32 $_size__tile_overlayer_lowered;
	s9 =	simm.s32 $_tile_overlayer_lowered  }
0xa3: {  	s22 =	simm.s32 $0x1BFF;
	s21 =	sshll.u32 s9, $0x1;
	s6 =	sadd.s32 s19, s18  }
0xa4: {  	s10 =	simm.s32 $0x0;
	s20 =	sshll.u32 s8, $0x1;
	s8 =	sadd.s32 s21, s6  }
0xa5: {  	[timem:s10], [sflag:s22] =	dma.local [hbm:s8], s20  }
0xa6: {  	_ =	swait.ge [sflag:s22], s20  }
0xa7: {  	s7 =	ssub.s32 $0x0, s20;
	[sflag:s22] =	ssyncset.done $0x0  }
0xa8: {  	[sflag:s22] =	ssyncadd.s32 s7;
	_ =	sdelay $0x1  }
0xa9: {  	s23 =	simm.s32 $0x1B8B  }
0xaa: {  	_ =	swait.ge [sflag:s23], $0x1  }
0xab: {  	[sflag:s23] =	ssyncset.done $0x0  }
0xac: {  	s25 =	simm.s32 $0x1B8E;
	s24 =	sld [smem:$0x3FFE];
	[sflag:s23] =	ssyncadd.s32 $0xFFFFFFFF  }
0xad: {  	s26 =	simm.s32 $execute0_lowered;
	[smem:$0x3FD2] =	sst s25  }
0xae: {  	s8 =	sshll.u32 s26, $0x1;
	_ =	strace $0x80000046;
	[dreg:$0x1] =	wrdreg $0xFFFFFFFF  }
0xaf: {  	s28 =	simm.s32 $_size_execute0_lowered;
	s6 =	sadd.s32 s6, s8;
	[dreg:$0x0] =	wrdreg $0x0  }
0xb0: {  	s8 =	sshll.u32 s28, $0x1;
	[dreg:$0x2] =	wrdreg s6  }
0xb1: {  	[dreg:$0x3] =	wrdreg s8  }
0xb2: {  	[dreg:$0x4] =	wrdreg $0xC0  }
0xb3: {  	_ =	task [dreg:s10], $0x5FFFF  }
0xb4: {  	[dreg:$0x1] =	wrdreg $0xFFFFFFFF  }
0xb5: {  	[dreg:$0x0] =	wrdreg $0x60  }
0xb6: {  	[dreg:$0x2] =	wrdreg s15  }
0xb7: {  	[dreg:$0x3] =	wrdreg s4  }
0xb8: {  	[dreg:$0x4] =	wrdreg s5  }
0xb9: {  	[dreg:$0x5] =	wrdreg s16  }
0xba: {  	[dreg:$0x6] =	wrdreg s24  }
0xbb: {  	[dreg:$0x7] =	wrdreg $0x9  }
0xbc: {  	_ =	task.clear_ibuf [dreg:s10], $0x8FFFF;
	_ =	strace $0x90000046  }
0xbd: {  	s29 =	simm.s32 $0x9;
	_ =	strace $0x80000048  }
0xbe: {  	_ =	swait.ge [sflag:s29], $0x1  }
0xbf: {  	[sflag:s29] =	ssyncadd.s32 $0xFFFFFFFF  }
0xc0: {  	_ =	strace $0x90000048  }
0xc1: {  	_ =	sfence  }
0xc2: {  	s30 =	sld [smem:$0x0];
	_ =	sdelay $0x2  }
0xc3: {  	s31 =	sshll.u32 s1, $0xD;
	s1 =	sshrl.u32 s1, $0x2  }
0xc4: {  	s3 =	sand.u32 $0x4000, s31;
	s1 =	sadd.s32 s1, s30  }
0xc5: {  	s0 =	sor.u32 s3, s0;
	s1 =	sshll.u32 s1, $0x11  }
0xc6: {  	s0 =	sor.u32 s1, s0  }
0xc7: {  	s0 =	sadd.s32 $0x8F2B, s0  }
0xc8: {  	[sflag:s0] =	ssyncadd.remote.s32 $0x1  }
0xc9: {  	_ =	sfence.sel $0xFFFF  }
0xca: {  	[dreg:$0x0] =	wrdreg $0xFFFFFFFF;
	(pc) =	sbr.abs _section_cstart, $3  }
0xcb: {  	[dreg:$0x1] =	wrdreg $0xFFFFFFFF  }
0xcc: {  	_ =	task.clear_ibuf [dreg:s10], $0x2FFFF;
	_ =	strace $0x9FFFFFFF  }
0xcd: {  	(tm) =	ssettm $0x7FFFFFFF  }
tec
execute0_lowered:
.L_overlay_start_1:
0x0: {  	(tag) =	ssettag $0x1  }
0x1: {  	s1 =	rddreg [dreg:$0x0]  }
0x2: {  	s2 =	rddreg [dreg:$0x1]  }
0x3: {  	s3 =	rddreg [dreg:$0x2]  }
0x4: {  	s5 =	rddreg [dreg:$0x3]  }
0x5: {  	s0 =	rddreg [dreg:$0x4];
	s4 =	srdreg.scid  }
0x6: {  	s7 =	stileid.u32;
	s6 =	simm.s32 $0x0;
	s31 =	simm.s32 $0x1  }
0x7: {  	s28 =	simm.s32 $0x11900;
	s30 =	simm.s32 $0x12100;
	s18 =	simm.s32 $0x0  }
0x8: {  	s4 =	sand.u32 $0x1, s4;
	s7 =	sshll.u32 s7, $0x1;
	[smem:$0x7FF] =	sst s6  }
0x9: {  	s8 =	sadd.s32 $0x36600, s0;
	s22 =	sadd.s32 $0xC3400, s2;
	s23 =	sadd.s32 $0x30D00, s3  }
0xa: {  	s24 =	sadd.s32 $0x30D00, s5;
	_ =	strace $0x80000047;
	[dreg:$0x8] =	wrdreg s22  }
0xb: {  	s25 =	sadd.s32 $0x36500, s0;
	s12 =	sor.u32 s4, s7;
	[dreg:$0x9] =	wrdreg s23  }
0xc: {  	v0 =	vimm.s32 $0x76543210;
	v1 =	vimm.s32 $0xFEDCBA98;
	s7 =	sadd.s32 $0x5800, s0;
	s4 =	ssub.s32 $0x2, s4;
	[dreg:$0xa] =	wrdreg s24  }
0xd: {  	v2 =	vimm.s32 $0xBA98FEDC;
	v3 =	vimm.s32 $0x32107654;
	[dreg:$0xb] =	wrdreg s25;
	s9 =	smul.u32 $0x30D, s12;
	s10 =	sshll.u32 s12, $0x9  }
0xe: {  	v4 =	vimm.s32 $0xDCFE98BA;
	v5 =	vimm.s32 $0x54761032;
	s11 =	sshrl.u32 s4, $0x1;
	p0 =	sne.s32 s12, $0x1F;
	s13 =	sadd.s32 s10, s0  }
0xf: {  	v6 =	vimm.s32 $0xEFCDAB89;
	v7 =	vimm.s32 $0x67452301;
	s4 =	ssub.s32 s4, s11;
	s0 =	sadd.s32 $0x67300, s0;
	s20 =	sshrl.u32 s9, $0x1  }
0x10: {  	v0 =	vunpack.c.l.s4.s8 v0;
	v1 =	vunpack.c.l.s4.s8 v1;
	v2 =	vunpack.c.l.s4.s8 v2;
	s14 =	sadd.s32 $0x30D, s9;
	s9 =	sshrl.u32 s9, $0x5;
	[dreg:$0xc] =	wrdreg s0  }
0x11: {  	v3 =	vunpack.c.l.s4.s8 v3;
	v4 =	vunpack.c.l.s4.s8 v4;
	v5 =	vunpack.c.l.s4.s8 v5;
	s26 =	sadd.s32 $0x1800, s13;
	s22 =	sadd.s32 $0x1880, s13;
	s23 =	sadd.s32 $0x1900, s13  }
0x12: {  	v6 =	vunpack.c.l.s4.s8 v6;
	v7 =	vunpack.c.l.s4.s8 v7;
	v2 =	vunpack.c.0.s8.s32 v2;
	s24 =	sadd.s32 $0x1980, s13;
	s25 =	smax.u32 s4, $0x1;
	s0 =	simm.s32 $0x11100  }
0x13: {  	v3 =	vunpack.c.0.s8.s32 v3;
	v4 =	vunpack.c.0.s8.s32 v4;
	v5 =	vunpack.c.0.s8.s32 v5;
	s4 =	simm.s32 $0x4;
	s15 =	sand.u32 $0x3FF0, s20;
	s10 =	sshrl.u32 s14, $0x5  }
.Ltmp0:
0x14: {  	v1 =	vunpack.c.0.s8.s32 v1;
	v6 =	vunpack.c.0.s8.s32 v6;
	v7 =	vunpack.c.0.s8.s32 v7;
	[dreg:$0xd] =	wrdreg s26;
	s21 =	sshll.u32 s15, $0x6;
	(pc) =	sbr.rel .LBB2_1-.Ltmp0, $4  }
0x15: {  	v2 =	vcombine.low v3, v2;
	v3 =	vcombine.low v5, v4;
	v4 =	vunpack.c.0.s8.s32 v0;
	s11 =	ssub.s32 s10, s9;
	s15 =	sshll.u32 s15, $0x4;
	s16 =	sadd.s32 s1, s21  }
0x16: {  	vm0 =	vcmask $0x300;
	v5 =	vcombine.low v7, v6;
	v1 =	vand.u32 $0xF, v1;
	s14 =	sadd.s32 s2, s21;
	s29 =	sadd.s32 s3, s15;
	[dreg:$0x6] =	wrdreg s16  }
0x17: {  	v0 =	vimm.f32 $0.0e+00;
	v1 =	vcombine.low v1, v4;
	v2 =	vand.u32 $0xF, v2;
	p1 =	slt.s32 s11, $0x1;
	s15 =	simm.s32 $0x2;
	[dreg:$0x7] =	wrdreg s14  }
0x18: {  	v3 =	vand.u32 $0xF, v3;
	v4 =	vand.u32 $0xF, v5;
	v5 =	vsel vm0, $0x3F800000, v0;
	s14 =	sadd.s32 $0xC3400, s1;
	[dreg:$0xe] =	wrdreg s29;
	s16 =	simm.s32 $0x3  }
.LBB2_28:
0x19: {  	v57 =	vperm.xlane v7, v1;
	_ =	sdelay $0x1  }
0x1a: {  	v7 =	vadd.f32 v57, v7;
	_ =	sdelay $0x1  }
0x1b: {  	v59 =	vperm.xlane v7, v2  }
0x1c: {  	v10 =	vperm.xlane v9, v1  }
0x1d: {  	v11 =	vperm.xlane v8, v1;
	v7 =	vadd.f32 v59, v7  }
0x1e: {  	v9 =	vadd.f32 v10, v9  }
0x1f: {  	v8 =	vadd.f32 v11, v8;
	v61 =	vperm.xlane v7, v3  }
0x20: {  	v10 =	vperm.xlane v9, v2  }
0x21: {  	v12 =	vperm.xlane v8, v2;
	v7 =	vadd.f32 v61, v7  }
0x22: {  	v9 =	vadd.f32 v10, v9  }
0x23: {  	v8 =	vadd.f32 v12, v8;
	v62 =	vperm.xlane v7, v4  }
0x24: {  	v63 =	vld [tilespmem:s12+$0x13200];
	v10 =	vperm.xlane v9, v3  }
0x25: {  	v56 =	vperm.xlane v8, v3;
	v7 =	vadd.f32 v62, v7  }
0x26: {  	v6 =	vadd.f32 v6, v6;
	v9 =	vadd.f32 v10, v9  }
0x27: {  	v8 =	vadd.f32 v56, v8;
	v7 =	vmul.f32 v5, v7  }
0x28: {  	v6 =	vadd.f32 v6, v6;
	v10 =	vperm.xlane v9, v4  }
0x29: {  	v55 =	vld [tilespmem:s12+$0x12900];
	v58 =	vperm.xlane v8, v4;
	v7 =	vadd.f32 v7, v63  }
0x2a: {  	v60 =	vld [tilespmem:s12+$0x12D80];
	v6 =	vadd.f32 v6, v6;
	v9 =	vadd.f32 v10, v9  }
0x2b: {  	v8 =	vadd.f32 v58, v8;
	[tilespmem:s12+$0x13200] =	vst v7;
	v7 =	vld [tilespmem:s12+$0x13680]  }
0x2c: {  	v6 =	vadd.f32 v6, v6;
	v9 =	vmul.f32 v5, v9  }
0x2d: {  	v8 =	vmul.f32 v5, v8  }
0x2e: {  	v6 =	vmul.f32 v5, v6;
	v9 =	vadd.f32 v9, v55  }
0x2f: {  	v8 =	vadd.f32 v8, v60  }
0x30: {  	[tilespmem:s12+$0x12900] =	vst v9;
	v6 =	vadd.f32 v7, v6  }
0x31: {  	[tilespmem:s12+$0x12D80] =	vst v8  }
0x32: {  	s21 =	rddreg [dreg:$0xa];
	[tilespmem:s12+$0x13680] =	vst v6  }
0x33: {  	[hbm4b:s21+s6] =	stream.linear.scatter [tilespmem:s0], [sflag:$0x3], $0x200, $0x38;
	[tilespmem:$0x13C80] =	vst v63  }
0x34: {  	_ =	swait.ge [sflag:s16], $0x200  }
0x35: {  	[sflag:s16] =	ssyncset.done $0x0  }
0x36: {  	s26 =	rddreg [dreg:$0xb];
	[sflag:s16] =	ssyncadd.s32 $0xFFFFFE00  }
0x37: {  	[hbm4b:s26+s6] =	stream.linear.scatter [tilespmem:s28], [sflag:$0x3], $0x200, $0x38;
	[tilespmem:$0x13C80] =	vst v63  }
0x38: {  	_ =	swait.ge [sflag:s16], $0x200  }
0x39: {  	[sflag:s16] =	ssyncset.done $0x0  }
0x3a: {  	s29 =	rddreg [dreg:$0xc];
	[sflag:s16] =	ssyncadd.s32 $0xFFFFFE00  }
0x3b: {  	[hbm4b:s29+s6] =	stream.linear.scatter [tilespmem:s30], [sflag:$0x3], $0x200, $0x38;
	[tilespmem:$0x13C80] =	vst v63  }
0x3c: {  	_ =	swait.ge [sflag:s16], $0x200  }
0x3d: {  	[sflag:s16] =	ssyncset.done $0x0  }
0x3e: {  	[sflag:s16] =	ssyncadd.s32 $0xFFFFFE00  }
.LBB2_29:
0x3f: {  	s12 =	rddreg [dreg:$0xd];
	s13 =	simm.s32 $0x12900  }
0x40: {  	[hbm4b:s12+s6] =	stream.linear.scatter [tilespmem:s13], [sflag:$0x3], $0x400, $0x38;
	[tilespmem:$0x13C80] =	vst v63  }
0x41: {  	_ =	swait.ge [sflag:s16], $0x400  }
0x42: {  	[sflag:s16] =	ssyncset.done $0x0  }
0x43: {  	s21 =	simm.s32 $0x12D80;
	[sflag:s16] =	ssyncadd.s32 $0xFFFFFC00  }
0x44: {  	[hbm4b:s22+s6] =	stream.linear.scatter [tilespmem:s21], [sflag:$0x3], $0x400, $0x38;
	[tilespmem:$0x13C80] =	vst v63  }
0x45: {  	_ =	swait.ge [sflag:s16], $0x400  }
0x46: {  	[sflag:s16] =	ssyncset.done $0x0  }
0x47: {  	s26 =	simm.s32 $0x13200;
	[sflag:s16] =	ssyncadd.s32 $0xFFFFFC00  }
0x48: {  	[hbm4b:s23+s6] =	stream.linear.scatter [tilespmem:s26], [sflag:$0x3], $0x400, $0x38;
	[tilespmem:$0x13C80] =	vst v63  }
0x49: {  	s18 =	sadd.s32 $0x1, s18;
	_ =	swait.ge [sflag:s16], $0x400  }
0x4a: {  	p2 =	sne.s32 s18, s25;
	[sflag:s16] =	ssyncset.done $0x0  }
.Ltmp1:
0x4b: {  	s29 =	simm.s32 $0x13680;
	[sflag:s16] =	ssyncadd.s32 $0xFFFFFC00;
	(pc) =	sbr.rel @!p2 .LBB2_30-.Ltmp1, $4  }
0x4c: {  	[hbm4b:s24+s6] =	stream.linear.scatter [tilespmem:s29], [sflag:$0x3], $0x400, $0x38;
	[tilespmem:$0x13C80] =	vst v63  }
0x4d: {  	_ =	swait.ge [sflag:s16], $0x400  }
0x4e: {  	[sflag:s16] =	ssyncset.done $0x0  }
0x4f: {  	[sflag:s16] =	ssyncadd.s32 $0xFFFFFC00  }
.LBB2_1:
0x50: {  	s13 =	simm.s32 $0x40;
	s12 =	simm.s32 $0x0  }
.LBB2_2:
0x51: {  	p2 =	sne.s32 s13, $0x1000;
	[tilespmem:s12+$0x13680] =	vst v0;
	s17 =	smov.u32 s13;
	s13 =	sadd.s32 $0x40, s13  }
.Ltmp2:
0x52: {  	[tilespmem:s12+$0x13200] =	vst v0;
	(pc) =	sbr.rel @p2 .LBB2_2-.Ltmp2, $3  }
0x53: {  	[tilespmem:s12+$0x12900] =	vst v0  }
0x54: {  	[tilespmem:s12+$0x12D80] =	vst v0;
	_ =	sdelay $0x1  }
0x55: {  	s12 =	sshra.s32 s17, $0x2  }
0x56: {  	[tilespmem:s12+$0x13680] =	vst v0  }
0x57: {  	[tilespmem:s12+$0x13200] =	vst v0  }
0x58: {  	[tilespmem:s12+$0x12900] =	vst v0  }
0x59: {  	[tilespmem:s12+$0x12D80] =	vst v0  }
0x5a: {  	[tilespmem:$0x13B00] =	vst v0  }
.Ltmp3:
0x5b: {  	[tilespmem:$0x13B10] =	vst v0;
	(pc) =	sbr.rel @p1 .LBB2_21-.Ltmp3, $4  }
0x5c: {  	[tilespmem:$0x13B80] =	vst v0  }
0x5d: {  	[tilespmem:$0x13B90] =	vst v0  }
0x5e: {  	[tilespmem:$0x13C00] =	vst v0  }
0x5f: {  	[tilespmem:$0x13C10] =	vst v0  }
0x60: {  	s19 =	simm.s32 $0x0  }
0x61: {  	s12 =	rddreg [dreg:$0x6];
	s13 =	simm.s32 $0x2000;
	s17 =	simm.s32 $0x61A800  }
0x62: {  	[tilespmem:s19], [sflag:$0x1] =	stream.strided.gather [hbm4b:s12+s13], $0x6000, s17, s13, $0x38;
	[tilespmem:$0x13C80] =	vst v63  }
.Ltmp4:
0x63: {  	_ = 	snop;
	(pc) =	sbr.rel .LBB2_5-.Ltmp4, $4  }
0x64: {  	s20 =	rddreg [dreg:$0x7];
	s21 =	simm.s32 $0x6000  }
0x65: {  	[tilespmem:s21], [sflag:$0x1] =	stream.linear.gather [hbm4b:s20+s19], $0x2000, $0x38;
	[tilespmem:$0x13C80] =	vst v63  }
0x66: {  	s26 =	rddreg [dreg:$0xe];
	s29 =	simm.s32 $0x8000  }
0x67: {  	[tilespmem:s29], [sflag:$0x1] =	stream.linear.gather [hbm4b:s26+s19], $0x800, $0x38;
	[tilespmem:$0x13C80] =	vst v63  }
.LBB2_19:
0x68: {  	v57 =	vperm.xlane v7, v1;
	_ =	sdelay $0x1  }
0x69: {  	v7 =	vadd.f32 v57, v7;
	_ =	sdelay $0x1  }
0x6a: {  	v59 =	vperm.xlane v7, v2  }
0x6b: {  	v10 =	vperm.xlane v9, v1  }
0x6c: {  	v11 =	vperm.xlane v8, v1;
	v7 =	vadd.f32 v59, v7  }
0x6d: {  	v9 =	vadd.f32 v10, v9  }
0x6e: {  	v8 =	vadd.f32 v11, v8;
	v61 =	vperm.xlane v7, v3  }
0x6f: {  	v10 =	vperm.xlane v9, v2  }
0x70: {  	v12 =	vperm.xlane v8, v2;
	v7 =	vadd.f32 v61, v7  }
0x71: {  	v9 =	vadd.f32 v10, v9  }
0x72: {  	v8 =	vadd.f32 v12, v8;
	v62 =	vperm.xlane v7, v4  }
0x73: {  	v63 =	vld [tilespmem:s12+$0x13200];
	v10 =	vperm.xlane v9, v3  }
0x74: {  	v56 =	vperm.xlane v8, v3;
	v7 =	vadd.f32 v62, v7  }
0x75: {  	v6 =	vadd.f32 v6, v6;
	v9 =	vadd.f32 v10, v9  }
0x76: {  	v8 =	vadd.f32 v56, v8;
	v7 =	vmul.f32 v5, v7  }
0x77: {  	v6 =	vadd.f32 v6, v6;
	v10 =	vperm.xlane v9, v4  }
0x78: {  	v55 =	vld [tilespmem:s12+$0x12900];
	v58 =	vperm.xlane v8, v4;
	v7 =	vadd.f32 v7, v63  }
0x79: {  	v60 =	vld [tilespmem:s12+$0x12D80];
	v6 =	vadd.f32 v6, v6;
	v9 =	vadd.f32 v10, v9  }
0x7a: {  	v8 =	vadd.f32 v58, v8;
	[tilespmem:s12+$0x13200] =	vst v7;
	v7 =	vld [tilespmem:s12+$0x13680]  }
0x7b: {  	v6 =	vadd.f32 v6, v6;
	v9 =	vmul.f32 v5, v9  }
0x7c: {  	v8 =	vmul.f32 v5, v8  }
0x7d: {  	v6 =	vmul.f32 v5, v6;
	v9 =	vadd.f32 v9, v55  }
0x7e: {  	v8 =	vadd.f32 v8, v60  }
0x7f: {  	[tilespmem:s12+$0x12900] =	vst v9;
	v6 =	vadd.f32 v7, v6  }
0x80: {  	s13 =	sshll.u32 s17, $0x8;
	[tilespmem:s12+$0x12D80] =	vst v8  }
0x81: {  	s21 =	sadd.s32 s5, s13;
	[tilespmem:s12+$0x13680] =	vst v6  }
0x82: {  	[hbm4b:s21+s6] =	stream.linear.scatter [tilespmem:s0], [sflag:$0x4], $0x800, $0x38;
	[tilespmem:$0x13C80] =	vst v63  }
0x83: {  	_ =	swait.ge [sflag:s4], $0x800  }
0x84: {  	[sflag:s4] =	ssyncset.done $0x0  }
0x85: {  	s26 =	sadd.s32 s7, s13;
	[sflag:s4] =	ssyncadd.s32 $0xFFFFF800  }
0x86: {  	[hbm4b:s26+s6] =	stream.linear.scatter [tilespmem:s28], [sflag:$0x4], $0x800, $0x38;
	[tilespmem:$0x13C80] =	vst v63  }
0x87: {  	_ =	swait.ge [sflag:s4], $0x800  }
0x88: {  	[sflag:s4] =	ssyncset.done $0x0  }
0x89: {  	s29 =	sadd.s32 s8, s13;
	[sflag:s4] =	ssyncadd.s32 $0xFFFFF800  }
0x8a: {  	[hbm4b:s29+s6] =	stream.linear.scatter [tilespmem:s30], [sflag:$0x4], $0x800, $0x38;
	[tilespmem:$0x13C80] =	vst v63  }
0x8b: {  	_ =	swait.ge [sflag:s4], $0x800  }
0x8c: {  	[sflag:s4] =	ssyncset.done $0x0  }
0x8d: {  	[sflag:s4] =	ssyncadd.s32 $0xFFFFF800  }
.LBB2_20:
0x8e: {  	s19 =	sadd.s32 $0x1, s19  }
0x8f: {  	p2 =	slt.s32 s19, s11  }
.Ltmp5:
0x90: {  	_ = 	snop;
	(pc) =	sbr.rel @!p2 .LBB2_21-.Ltmp5, $1  }
0x91: {  	_ =	sdelay $0x3  }
.LBB2_5:
0x92: {  	s12 =	sand.u32 $0x1, s19  }
0x93: {  	p2 =	seq.s32 s12, $0x0  }
.Ltmp6:
0x94: {  	_ = 	snop;
	(pc) =	sbr.rel @!p2 .LBB2_6-.Ltmp6, $2  }
0x95: {  	_ =	sdelay $0x2  }
0x96: {  	s17 =	sadd.s32 s9, s19  }
0x97: {  	_ =	swait.ge [sflag:s31], $0x6000  }
0x98: {  	[sflag:s31] =	ssyncset.done $0x0  }
0x99: {  	[sflag:s31] =	ssyncadd.s32 $0xFFFFA000  }
0x9a: {  	_ =	swait.ge [sflag:s31], $0x2000  }
0x9b: {  	s12 =	sadd.s32 $0x1, s17;
	[sflag:s31] =	ssyncset.done $0x0  }
0x9c: {  	p2 =	sge.u32 s12, s10;
	[sflag:s31] =	ssyncadd.s32 $0xFFFFE000  }
0x9d: {  	s13 =	sshll.u32 @!p2 s12, $0xA;
	s12 =	sshll.u32 @!p2 s12, $0x8;
	_ =	swait.ge [sflag:s31], $0x800  }
0x9e: {  	s21 =	simm.s32 @!p2 $0x2000;
	s26 =	simm.s32 @!p2 $0x61A800;
	[sflag:s31] =	ssyncset.done $0x0  }
0x9f: {  	s29 =	simm.s32 @!p2 $0x8880;
	s20 =	sadd.s32 @!p2 s1, s13;
	[sflag:s31] =	ssyncadd.s32 $0xFFFFF800  }
0xa0: {  	[tilespmem:s29], [sflag:$0x2] =	stream.strided.gather @!p2 [hbm4b:s20+s21], $0x6000, s26, s21, $0x38;
	[tilespmem:$0x13C80] =	vst v63  }
0xa1: {  	s13 =	sadd.s32 @!p2 s2, s13;
	s20 =	simm.s32 @!p2 $0x0;
	s21 =	simm.s32 @!p2 $0xE880  }
0xa2: {  	[tilespmem:s21], [sflag:$0x2] =	stream.linear.gather @!p2 [hbm4b:s13+s20], $0x2000, $0x38;
	[tilespmem:$0x13C80] =	vst v63  }
0xa3: {  	s12 =	sadd.s32 @!p2 s3, s12;
	s13 =	simm.s32 @!p2 $0x10880  }
0xa4: {  	[tilespmem:s13], [sflag:$0x2] =	stream.linear.gather @!p2 [hbm4b:s12+s20], $0x800, $0x38;
	[tilespmem:$0x13C80] =	vst v63  }
0xa5: {  	v6 =	vld [tilespmem:$0x8000];
	_ =	sdelay $0x4  }
0xa6: {  	(v2sf) =	vpush v6, $0x0;
	_ =	sdelay $0xa  }
.Ltmp7:
0xa7: {  	_ = 	snop;
	(pc) =	sbr.rel .LBB2_14-.Ltmp7, $3  }
0xa8: {  	_ =	sdelay $0x1  }
0xa9: {  	v7 =	vimm.f32 $0.0e+00  }
0xaa: {  	v8 =	vimm.f32 $0.0e+00;
	v9 =	vimm.f32 $0.0e+00;
	s26 =	simm.s32 $0x0;
	s29 =	simm.s32 $0x8000;
	v6 =	vimm.f32 $0.0e+00;
	s12 =	spop (v2sf)  }
.LBB2_18:
0xab: {  	s26 =	sadd.s32 $0x1, s26  }
0xac: {  	p3 =	sne.s32 s26, $0x80  }
.Ltmp8:
0xad: {  	_ = 	snop;
	(pc) =	sbr.rel @!p3 .LBB2_19-.Ltmp8, $4  }
0xae: {  	v6 =	vadd.f32 $1.000000000e+00, v6;
	v9 =	vadd.f32 v10, v9  }
0xaf: {  	v8 =	vadd.f32 v11, v8;
	v7 =	vadd.f32 v12, v7  }
0xb0: {  	v6 =	vpsel p2, $0x0, v6  }
0xb1: {  	s29 =	sadd.s32 $0x10, s29;
	v9 =	vpsel p2, $0x0, v9;
	v8 =	vpsel p2, $0x0, v8;
	v7 =	vpsel p2, $0x0, v7  }
.LBB2_14:
0xb2: {  	s13 =	sshll.u32 s26, $0x4;
	s20 =	sshll.u32 s26, $0x6  }
0xb3: {  	s21 =	sand.u32 $0x70, s13;
	s20 =	sand.u32 $0x1E00, s20  }
0xb4: {  	s20 =	sor.u32 s21, s20  }
0xb5: {  	v10 =	vld [tilespmem:s20+$0x0]  }
0xb6: {  	v11 =	vld [tilespmem:s20+$0x80];
	_ =	sdelay $0x1  }
0xb7: {  	v12 =	vld [tilespmem:s20+$0x100];
	_ =	sdelay $0x1  }
0xb8: {  	v13 =	vld [tilespmem:s20+$0x180]  }
0xb9: {  	v14 =	vadd.f32 v11, v10;
	_ =	sdelay $0x1  }
0xba: {  	v14 =	vadd.f32 v12, v14;
	_ =	sdelay $0x1  }
0xbb: {  	v14 =	vadd.f32 v13, v14;
	_ =	sdelay $0x1  }
0xbc: {  	v14 =	vmul.f32 $2.500000000e-01, v14;
	_ =	sdelay $0x1  }
0xbd: {  	[tilespmem:s13+$0x11100] =	vst v14  }
0xbe: {  	v15 =	vld [tilespmem:s20+$0x2000]  }
0xbf: {  	v16 =	vld [tilespmem:s20+$0x2080];
	_ =	sdelay $0x1  }
0xc0: {  	v17 =	vld [tilespmem:s20+$0x2100];
	_ =	sdelay $0x1  }
0xc1: {  	v18 =	vld [tilespmem:s20+$0x2180]  }
0xc2: {  	v19 =	vadd.f32 v16, v15;
	_ =	sdelay $0x1  }
0xc3: {  	v19 =	vadd.f32 v17, v19;
	_ =	sdelay $0x1  }
0xc4: {  	v19 =	vadd.f32 v18, v19;
	_ =	sdelay $0x1  }
0xc5: {  	v23 =	vld [tilespmem:s13+$0x8000];
	v19 =	vmul.f32 $2.500000000e-01, v19  }
0xc6: {  	v24 =	vld [tilespmem:s13+$0x800F]  }
0xc7: {  	v20 =	vld [tilespmem:s20+$0x6000];
	[tilespmem:s13+$0x11900] =	vst v19  }
0xc8: {  	v21 =	vld [tilespmem:s20+$0x4000]  }
0xc9: {  	v22 =	vld [tilespmem:s20+$0x4080]  }
0xca: {  	(v2sf) =	vpush v23, $0x0  }
0xcb: {  	(v2sf) =	vpush v24, $0x0;
	v25 =	vld [tilespmem:s20+$0x4100];
	_ =	sdelay $0x1  }
0xcc: {  	v10 =	vsub.f32 v10, v14;
	v26 =	vld [tilespmem:s20+$0x4180]  }
0xcd: {  	v11 =	vsub.f32 v11, v14;
	v56 =	vadd.f32 v22, v21  }
0xce: {  	v12 =	vsub.f32 v12, v14  }
0xcf: {  	v10 =	vmul.f32 v10, v10;
	v11 =	vmul.f32 v11, v11;
	v23 =	vadd.f32 v25, v56  }
0xd0: {  	v15 =	vsub.f32 v15, v19;
	v16 =	vsub.f32 v16, v19  }
0xd1: {  	v10 =	vadd.f32 v11, v10;
	v11 =	vmul.f32 v12, v12;
	v12 =	vadd.f32 v26, v23  }
0xd2: {  	v17 =	vsub.f32 v17, v19;
	v15 =	vmul.f32 v15, v15;
	v16 =	vmul.f32 v16, v16  }
0xd3: {  	v10 =	vadd.f32 v10, v11;
	v11 =	vsub.f32 v13, v14;
	v12 =	vmul.f32 $2.500000000e-01, v12  }
0xd4: {  	v13 =	vsub.f32 v18, v19;
	v57 =	vmul.f32 v17, v17;
	v15 =	vadd.f32 v16, v15  }
0xd5: {  	v58 =	vld [tilespmem:s20+$0x6080];
	v59 =	vsub.f32 v21, v12;
	v60 =	vsub.f32 v22, v12  }
0xd6: {  	v11 =	vmul.f32 v11, v11;
	v13 =	vmul.f32 v13, v13;
	v15 =	vadd.f32 v15, v57;
	[tilespmem:s13+$0x12100] =	vst v12  }
0xd7: {  	v61 =	vsub.f32 v25, v12;
	v62 =	vld [tilespmem:s20+$0x6100];
	v18 =	vmul.f32 v59, v59;
	v21 =	vmul.f32 v60, v60  }
0xd8: {  	s21 =	spop (v2sf);
	v10 =	vadd.f32 v10, v11;
	v11 =	vadd.f32 v15, v13  }
0xd9: {  	v15 =	vsub.f32 v26, v12;
	s13 =	spop (v2sf);
	v16 =	vmul.f32 v61, v61;
	v13 =	vadd.f32 v21, v18  }
0xda: {  	v14 =	vsub.f32 v14, v20;
	p2 =	sne.s32 s21, s12;
	v17 =	vsub.f32 v19, v58;
	p3 =	sne.s32 s13, s12  }
0xdb: {  	v10 =	vadd.f32 v11, v10;
	p2 =	por p2, p3;
	v11 =	vadd.f32 v13, v16;
	v13 =	vmul.f32 v15, v15  }
.Ltmp9:
0xdc: {  	v63 =	vmul.f32 v17, v17;
	v15 =	vmul.f32 v14, v14;
	v12 =	vsub.f32 v12, v62;
	(pc) =	sbr.rel @!p2 .LBB2_18-.Ltmp9, $4  }
0xdd: {  	v17 =	vand.u32 $0x7FFFFFFF, v17;
	v14 =	vand.u32 $0x7FFFFFFF, v14;
	v11 =	vadd.f32 v11, v13  }
0xde: {  	v13 =	vadd.f32 v17, v14;
	v14 =	vadd.f32 v63, v15;
	v15 =	vmul.f32 v12, v12  }
0xdf: {  	v10 =	vadd.f32 v11, v10;
	v11 =	vand.u32 $0x7FFFFFFF, v12  }
0xe0: {  	v12 =	vadd.f32 v15, v14;
	v11 =	vadd.f32 v11, v13  }
0xe1: {  	v13 =	vperm.xlane v9, v1;
	_ =	sdelay $0x1  }
0xe2: {  	v13 =	vadd.f32 v13, v9;
	_ =	sdelay $0x1  }
0xe3: {  	v14 =	vperm.xlane v13, v2;
	_ =	sdelay $0x1  }
0xe4: {  	v13 =	vadd.f32 v14, v13;
	_ =	sdelay $0x1  }
0xe5: {  	v14 =	vperm.xlane v13, v3  }
0xe6: {  	v15 =	vperm.xlane v8, v1  }
0xe7: {  	v13 =	vadd.f32 v14, v13  }
0xe8: {  	v14 =	vadd.f32 v15, v8  }
0xe9: {  	v15 =	vperm.xlane v13, v4  }
0xea: {  	v16 =	vld [tilespmem:s12+$0x12900];
	v17 =	vperm.xlane v14, v2  }
0xeb: {  	v13 =	vadd.f32 v15, v13  }
0xec: {  	v14 =	vadd.f32 v17, v14  }
0xed: {  	v13 =	vmul.f32 v5, v13  }
0xee: {  	v61 =	vperm.xlane v7, v1;
	v15 =	vperm.xlane v14, v3  }
0xef: {  	v13 =	vadd.f32 v13, v16  }
0xf0: {  	v14 =	vadd.f32 v15, v14;
	v15 =	vadd.f32 v61, v7;
	_ =	sdelay $0x1  }
0xf1: {  	[tilespmem:s12+$0x12900] =	vst v13;
	v13 =	vperm.xlane v14, v4;
	v62 =	vperm.xlane v15, v2  }
0xf2: {  	v63 =	vld [tilespmem:s12+$0x12D80]  }
0xf3: {  	v13 =	vadd.f32 v13, v14;
	v14 =	vadd.f32 v62, v15;
	_ =	sdelay $0x1  }
0xf4: {  	v13 =	vmul.f32 v5, v13;
	v15 =	vperm.xlane v14, v3;
	_ =	sdelay $0x1  }
0xf5: {  	v13 =	vadd.f32 v13, v63;
	v14 =	vadd.f32 v15, v14;
	_ =	sdelay $0x1  }
0xf6: {  	[tilespmem:s12+$0x12D80] =	vst v13;
	v13 =	vperm.xlane v14, v4  }
0xf7: {  	v15 =	vld [tilespmem:s12+$0x13200]  }
0xf8: {  	v13 =	vadd.f32 v13, v14;
	_ =	sdelay $0x1  }
0xf9: {  	v14 =	vadd.f32 v6, v6;
	v13 =	vmul.f32 v5, v13;
	_ =	sdelay $0x1  }
0xfa: {  	v14 =	vadd.f32 v14, v14;
	v13 =	vadd.f32 v13, v15;
	_ =	sdelay $0x1  }
0xfb: {  	[tilespmem:s12+$0x13200] =	vst v13;
	v13 =	vadd.f32 v14, v14  }
0xfc: {  	v14 =	vld [tilespmem:s12+$0x13680]  }
0xfd: {  	v13 =	vadd.f32 v13, v13;
	_ =	sdelay $0x1  }
0xfe: {  	v13 =	vmul.f32 v5, v13;
	_ =	sdelay $0x1  }
0xff: {  	v13 =	vadd.f32 v14, v13;
	_ =	sdelay $0x1  }
0x100: {  	[tilespmem:s12+$0x13680] =	vst v13;
	v13 =	vmov s29;
	_ =	sdelay $0x1  }
0x101: {  	[tilespmem:$0x13B00] =	vst v10  }
0x102: {  	[tilespmem:$0x13B80] =	vst v11  }
0x103: {  	s21 =	simm.s32 $0x4;
	s12 =	simm.s32 $0x0;
	[tilespmem:$0x13C00] =	vst v12  }
.LBB2_16:
0x104: {  	p3 =	sne.s32 s21, $0x3C;
	v14 =	vld.idx.msk [tilespmem:v13+s12+$0x0 ss:$0x1], $0xffff;
	_ =	sdelay $0x5  }
0x105: {  	(v2sf) =	vpush v14, $0x0;
	_ =	sdelay $0xd  }
0x106: {  	v14 =	vld [tilespmem:s12+$0x13B00]  }
0x107: {  	s20 =	spop (v2sf)  }
0x108: {  	v15 =	vld [tilespmem:s20+$0x12900]  }
0x109: {  	v16 =	vld [tilespmem:s20+$0x13680];
	_ =	sdelay $0x1  }
0x10a: {  	v14 =	vmul.f32 v5, v14;
	_ =	sdelay $0x1  }
0x10b: {  	v14 =	vadd.f32 v14, v15  }
0x10c: {  	v15 =	vadd.f32 v5, v16  }
0x10d: {  	[tilespmem:s20+$0x12900] =	vst v14  }
0x10e: {  	v14 =	vld [tilespmem:s12+$0x13B80];
	_ =	sdelay $0x1  }
0x10f: {  	v16 =	vld [tilespmem:s20+$0x12D80];
	_ =	sdelay $0x2  }
0x110: {  	v14 =	vmul.f32 v5, v14;
	_ =	sdelay $0x1  }
0x111: {  	v14 =	vadd.f32 v14, v16;
	_ =	sdelay $0x1  }
0x112: {  	[tilespmem:s20+$0x12D80] =	vst v14  }
0x113: {  	v14 =	vld [tilespmem:s12+$0x13C00];
	[tilespmem:s20+$0x13680] =	vst v15;
	_ =	sdelay $0x1  }
0x114: {  	v15 =	vld [tilespmem:s20+$0x13200];
	_ =	sdelay $0x2  }
.Ltmp10:
0x115: {  	v14 =	vmul.f32 v5, v14;
	(pc) =	sbr.rel @p3 .LBB2_16-.Ltmp10, $3  }
0x116: {  	_ = 	snop  }
0x117: {  	v14 =	vadd.f32 v14, v15;
	_ =	sdelay $0x1  }
0x118: {  	s12 =	sshra.s32 s21, $0x2;
	s21 =	sadd.s32 $0x4, s21;
	[tilespmem:s20+$0x13200] =	vst v14  }
0x119: {  	_ =	sdelay $0x3  }
0x11a: {  	v13 =	vld.idx.msk [tilespmem:v13+s12+$0x0 ss:$0x1], $0xffff;
	_ =	sdelay $0x4  }
0x11b: {  	(v2sf) =	vpush v13, $0x0;
	_ =	sdelay $0xd  }
0x11c: {  	v13 =	vld [tilespmem:s12+$0x13B00]  }
0x11d: {  	s20 =	spop (v2sf)  }
0x11e: {  	v14 =	vld [tilespmem:s20+$0x12900];
	_ =	sdelay $0x2  }
0x11f: {  	v13 =	vmul.f32 v5, v13;
	_ =	sdelay $0x1  }
0x120: {  	v13 =	vadd.f32 v13, v14;
	_ =	sdelay $0x1  }
0x121: {  	[tilespmem:s20+$0x12900] =	vst v13  }
0x122: {  	v13 =	vld [tilespmem:s12+$0x13B80];
	_ =	sdelay $0x1  }
0x123: {  	v14 =	vld [tilespmem:s20+$0x12D80];
	_ =	sdelay $0x2  }
0x124: {  	v13 =	vmul.f32 v5, v13;
	_ =	sdelay $0x1  }
0x125: {  	v13 =	vadd.f32 v13, v14;
	_ =	sdelay $0x1  }
0x126: {  	[tilespmem:s20+$0x12D80] =	vst v13  }
0x127: {  	v13 =	vld [tilespmem:s12+$0x13C00]  }
0x128: {  	v14 =	vld [tilespmem:s20+$0x13680]  }
0x129: {  	v15 =	vld [tilespmem:s20+$0x13200];
	_ =	sdelay $0x2  }
.Ltmp11:
0x12a: {  	v13 =	vmul.f32 v5, v13;
	(pc) =	sbr.rel .LBB2_18-.Ltmp11, $4  }
0x12b: {  	v14 =	vadd.f32 v5, v14  }
0x12c: {  	v13 =	vadd.f32 v13, v15  }
0x12d: {  	[tilespmem:s20+$0x13680] =	vst v14  }
0x12e: {  	s12 =	smov.u32 s13;
	[tilespmem:s20+$0x13200] =	vst v13  }
.LBB2_6:
0x12f: {  	_ =	swait.ge [sflag:s15], $0x6000  }
0x130: {  	[sflag:s15] =	ssyncset.done $0x0  }
0x131: {  	[sflag:s15] =	ssyncadd.s32 $0xFFFFA000  }
0x132: {  	_ =	swait.ge [sflag:s15], $0x2000  }
0x133: {  	s12 =	sadd.s32 $0x1, s17;
	[sflag:s15] =	ssyncset.done $0x0  }
0x134: {  	p2 =	slt.u32 s12, s10;
	[sflag:s15] =	ssyncadd.s32 $0xFFFFE000  }
0x135: {  	s13 =	sshll.u32 @p2 s12, $0xA;
	_ =	swait.ge [sflag:s15], $0x800  }
0x136: {  	s26 =	simm.s32 @p2 $0x2000;
	s29 =	simm.s32 @p2 $0x61A800;
	[sflag:s15] =	ssyncset.done $0x0  }
0x137: {  	s20 =	simm.s32 @p2 $0x0;
	s21 =	sadd.s32 @p2 s1, s13;
	[sflag:s15] =	ssyncadd.s32 $0xFFFFF800  }
0x138: {  	[tilespmem:s20], [sflag:$0x1] =	stream.strided.gather @p2 [hbm4b:s21+s26], $0x6000, s29, s26, $0x38;
	[tilespmem:$0x13C80] =	vst v63  }
0x139: {  	s12 =	sshll.u32 @p2 s12, $0x8;
	s13 =	sadd.s32 @p2 s2, s13;
	s21 =	simm.s32 @p2 $0x6000  }
0x13a: {  	[tilespmem:s21], [sflag:$0x1] =	stream.linear.gather @p2 [hbm4b:s13+s20], $0x2000, $0x38;
	[tilespmem:$0x13C80] =	vst v63  }
0x13b: {  	s12 =	sadd.s32 @p2 s3, s12;
	s13 =	simm.s32 @p2 $0x8000  }
0x13c: {  	[tilespmem:s13], [sflag:$0x1] =	stream.linear.gather @p2 [hbm4b:s12+s20], $0x800, $0x38;
	[tilespmem:$0x13C80] =	vst v63  }
0x13d: {  	v6 =	vld [tilespmem:$0x10880];
	_ =	sdelay $0x4  }
0x13e: {  	(v2sf) =	vpush v6, $0x0;
	_ =	sdelay $0xa  }
.Ltmp12:
0x13f: {  	_ = 	snop;
	(pc) =	sbr.rel .LBB2_7-.Ltmp12, $3  }
0x140: {  	_ =	sdelay $0x1  }
0x141: {  	v7 =	vimm.f32 $0.0e+00  }
0x142: {  	v8 =	vimm.f32 $0.0e+00;
	v9 =	vimm.f32 $0.0e+00;
	s26 =	simm.s32 $0x0;
	s29 =	simm.s32 $0x10880;
	v6 =	vimm.f32 $0.0e+00;
	s12 =	spop (v2sf)  }
.LBB2_10:
0x143: {  	_ =	sdelay $0x3  }
0x144: {  	v13 =	vld.idx.msk [tilespmem:v13+s12+$0x0 ss:$0x1], $0xffff;
	_ =	sdelay $0x4  }
0x145: {  	(v2sf) =	vpush v13, $0x0;
	_ =	sdelay $0xd  }
0x146: {  	v13 =	vld [tilespmem:s12+$0x13B00]  }
0x147: {  	s20 =	spop (v2sf)  }
0x148: {  	v14 =	vld [tilespmem:s20+$0x12900];
	_ =	sdelay $0x2  }
0x149: {  	v13 =	vmul.f32 v5, v13;
	_ =	sdelay $0x1  }
0x14a: {  	v13 =	vadd.f32 v13, v14;
	_ =	sdelay $0x1  }
0x14b: {  	[tilespmem:s20+$0x12900] =	vst v13  }
0x14c: {  	v13 =	vld [tilespmem:s12+$0x13B80];
	_ =	sdelay $0x1  }
0x14d: {  	v14 =	vld [tilespmem:s20+$0x12D80];
	_ =	sdelay $0x2  }
0x14e: {  	v13 =	vmul.f32 v5, v13;
	_ =	sdelay $0x1  }
0x14f: {  	v13 =	vadd.f32 v13, v14;
	_ =	sdelay $0x1  }
0x150: {  	[tilespmem:s20+$0x12D80] =	vst v13  }
0x151: {  	v13 =	vld [tilespmem:s12+$0x13C00]  }
0x152: {  	v14 =	vld [tilespmem:s20+$0x13680]  }
0x153: {  	v15 =	vld [tilespmem:s20+$0x13200];
	_ =	sdelay $0x2  }
0x154: {  	v13 =	vmul.f32 v5, v13  }
0x155: {  	v14 =	vadd.f32 v5, v14  }
0x156: {  	v13 =	vadd.f32 v13, v15  }
0x157: {  	[tilespmem:s20+$0x13680] =	vst v14  }
0x158: {  	s12 =	smov.u32 s13;
	[tilespmem:s20+$0x13200] =	vst v13  }
.LBB2_11:
0x159: {  	s26 =	sadd.s32 $0x1, s26  }
0x15a: {  	p3 =	sne.s32 s26, $0x80  }
.Ltmp13:
0x15b: {  	_ = 	snop;
	(pc) =	sbr.rel @!p3 .LBB2_12-.Ltmp13, $4  }
0x15c: {  	v6 =	vadd.f32 $1.000000000e+00, v6;
	v9 =	vadd.f32 v10, v9  }
0x15d: {  	v8 =	vadd.f32 v11, v8;
	v7 =	vadd.f32 v12, v7  }
0x15e: {  	v6 =	vpsel p2, $0x0, v6  }
0x15f: {  	s29 =	sadd.s32 $0x10, s29;
	v9 =	vpsel p2, $0x0, v9;
	v8 =	vpsel p2, $0x0, v8;
	v7 =	vpsel p2, $0x0, v7  }
.LBB2_7:
0x160: {  	s13 =	sshll.u32 s26, $0x4;
	s20 =	sshll.u32 s26, $0x6  }
0x161: {  	s21 =	sand.u32 $0x70, s13;
	s20 =	sand.u32 $0x1E00, s20  }
0x162: {  	s20 =	sor.u32 s21, s20  }
0x163: {  	v10 =	vld [tilespmem:s20+$0x8880]  }
0x164: {  	v11 =	vld [tilespmem:s20+$0x8900];
	_ =	sdelay $0x1  }
0x165: {  	v12 =	vld [tilespmem:s20+$0x8980];
	_ =	sdelay $0x1  }
0x166: {  	v13 =	vld [tilespmem:s20+$0x8A00]  }
0x167: {  	v14 =	vadd.f32 v11, v10;
	_ =	sdelay $0x1  }
0x168: {  	v14 =	vadd.f32 v12, v14;
	_ =	sdelay $0x1  }
0x169: {  	v14 =	vadd.f32 v13, v14;
	_ =	sdelay $0x1  }
0x16a: {  	v14 =	vmul.f32 $2.500000000e-01, v14;
	_ =	sdelay $0x1  }
0x16b: {  	[tilespmem:s13+$0x11100] =	vst v14  }
0x16c: {  	v15 =	vld [tilespmem:s20+$0xA880]  }
0x16d: {  	v16 =	vld [tilespmem:s20+$0xA900];
	_ =	sdelay $0x1  }
0x16e: {  	v17 =	vld [tilespmem:s20+$0xA980];
	_ =	sdelay $0x1  }
0x16f: {  	v18 =	vld [tilespmem:s20+$0xAA00]  }
0x170: {  	v19 =	vadd.f32 v16, v15;
	_ =	sdelay $0x1  }
0x171: {  	v19 =	vadd.f32 v17, v19;
	_ =	sdelay $0x1  }
0x172: {  	v19 =	vadd.f32 v18, v19;
	_ =	sdelay $0x1  }
0x173: {  	v23 =	vld [tilespmem:s13+$0x10880];
	v19 =	vmul.f32 $2.500000000e-01, v19  }
0x174: {  	v24 =	vld [tilespmem:s13+$0x1088F]  }
0x175: {  	v20 =	vld [tilespmem:s20+$0xE880];
	[tilespmem:s13+$0x11900] =	vst v19  }
0x176: {  	v21 =	vld [tilespmem:s20+$0xC880]  }
0x177: {  	v22 =	vld [tilespmem:s20+$0xC900]  }
0x178: {  	(v2sf) =	vpush v23, $0x0  }
0x179: {  	(v2sf) =	vpush v24, $0x0;
	v25 =	vld [tilespmem:s20+$0xC980];
	_ =	sdelay $0x1  }
0x17a: {  	v10 =	vsub.f32 v10, v14;
	v26 =	vld [tilespmem:s20+$0xCA00]  }
0x17b: {  	v11 =	vsub.f32 v11, v14;
	v56 =	vadd.f32 v22, v21  }
0x17c: {  	v12 =	vsub.f32 v12, v14  }
0x17d: {  	v10 =	vmul.f32 v10, v10;
	v11 =	vmul.f32 v11, v11;
	v23 =	vadd.f32 v25, v56  }
0x17e: {  	v15 =	vsub.f32 v15, v19;
	v16 =	vsub.f32 v16, v19  }
0x17f: {  	v10 =	vadd.f32 v11, v10;
	v11 =	vmul.f32 v12, v12;
	v12 =	vadd.f32 v26, v23  }
0x180: {  	v17 =	vsub.f32 v17, v19;
	v15 =	vmul.f32 v15, v15;
	v16 =	vmul.f32 v16, v16  }
0x181: {  	v10 =	vadd.f32 v10, v11;
	v11 =	vsub.f32 v13, v14;
	v12 =	vmul.f32 $2.500000000e-01, v12  }
0x182: {  	v13 =	vsub.f32 v18, v19;
	v57 =	vmul.f32 v17, v17;
	v15 =	vadd.f32 v16, v15  }
0x183: {  	v58 =	vld [tilespmem:s20+$0xE900];
	v59 =	vsub.f32 v21, v12;
	v60 =	vsub.f32 v22, v12  }
0x184: {  	v11 =	vmul.f32 v11, v11;
	v13 =	vmul.f32 v13, v13;
	v15 =	vadd.f32 v15, v57;
	[tilespmem:s13+$0x12100] =	vst v12  }
0x185: {  	v61 =	vsub.f32 v25, v12;
	v62 =	vld [tilespmem:s20+$0xE980];
	v18 =	vmul.f32 v59, v59;
	v21 =	vmul.f32 v60, v60  }
0x186: {  	s21 =	spop (v2sf);
	v10 =	vadd.f32 v10, v11;
	v11 =	vadd.f32 v15, v13  }
0x187: {  	v15 =	vsub.f32 v26, v12;
	s13 =	spop (v2sf);
	v16 =	vmul.f32 v61, v61;
	v13 =	vadd.f32 v21, v18  }
0x188: {  	v14 =	vsub.f32 v14, v20;
	p2 =	sne.s32 s21, s12;
	v17 =	vsub.f32 v19, v58;
	p3 =	sne.s32 s13, s12  }
0x189: {  	v10 =	vadd.f32 v11, v10;
	p2 =	por p2, p3;
	v11 =	vadd.f32 v13, v16;
	v13 =	vmul.f32 v15, v15  }
.Ltmp14:
0x18a: {  	v63 =	vmul.f32 v17, v17;
	v15 =	vmul.f32 v14, v14;
	v12 =	vsub.f32 v12, v62;
	(pc) =	sbr.rel @!p2 .LBB2_11-.Ltmp14, $4  }
0x18b: {  	v17 =	vand.u32 $0x7FFFFFFF, v17;
	v14 =	vand.u32 $0x7FFFFFFF, v14;
	v11 =	vadd.f32 v11, v13  }
0x18c: {  	v13 =	vadd.f32 v17, v14;
	v14 =	vadd.f32 v63, v15;
	v15 =	vmul.f32 v12, v12  }
0x18d: {  	v10 =	vadd.f32 v11, v10;
	v11 =	vand.u32 $0x7FFFFFFF, v12  }
0x18e: {  	v12 =	vadd.f32 v15, v14;
	v11 =	vadd.f32 v11, v13  }
0x18f: {  	v13 =	vperm.xlane v9, v1;
	_ =	sdelay $0x1  }
0x190: {  	v13 =	vadd.f32 v13, v9;
	_ =	sdelay $0x1  }
0x191: {  	v14 =	vperm.xlane v13, v2;
	_ =	sdelay $0x1  }
0x192: {  	v13 =	vadd.f32 v14, v13;
	_ =	sdelay $0x1  }
0x193: {  	v14 =	vperm.xlane v13, v3  }
0x194: {  	v15 =	vperm.xlane v8, v1  }
0x195: {  	v13 =	vadd.f32 v14, v13  }
0x196: {  	v14 =	vadd.f32 v15, v8  }
0x197: {  	v15 =	vperm.xlane v13, v4  }
0x198: {  	v16 =	vld [tilespmem:s12+$0x12900];
	v17 =	vperm.xlane v14, v2  }
0x199: {  	v13 =	vadd.f32 v15, v13  }
0x19a: {  	v14 =	vadd.f32 v17, v14  }
0x19b: {  	v13 =	vmul.f32 v5, v13  }
0x19c: {  	v61 =	vperm.xlane v7, v1;
	v15 =	vperm.xlane v14, v3  }
0x19d: {  	v13 =	vadd.f32 v13, v16  }
0x19e: {  	v14 =	vadd.f32 v15, v14;
	v15 =	vadd.f32 v61, v7;
	_ =	sdelay $0x1  }
0x19f: {  	[tilespmem:s12+$0x12900] =	vst v13;
	v13 =	vperm.xlane v14, v4;
	v62 =	vperm.xlane v15, v2  }
0x1a0: {  	v63 =	vld [tilespmem:s12+$0x12D80]  }
0x1a1: {  	v13 =	vadd.f32 v13, v14;
	v14 =	vadd.f32 v62, v15;
	_ =	sdelay $0x1  }
0x1a2: {  	v13 =	vmul.f32 v5, v13;
	v15 =	vperm.xlane v14, v3;
	_ =	sdelay $0x1  }
0x1a3: {  	v13 =	vadd.f32 v13, v63;
	v14 =	vadd.f32 v15, v14;
	_ =	sdelay $0x1  }
0x1a4: {  	[tilespmem:s12+$0x12D80] =	vst v13;
	v13 =	vperm.xlane v14, v4  }
0x1a5: {  	v15 =	vld [tilespmem:s12+$0x13200]  }
0x1a6: {  	v13 =	vadd.f32 v13, v14;
	_ =	sdelay $0x1  }
0x1a7: {  	v14 =	vadd.f32 v6, v6;
	v13 =	vmul.f32 v5, v13;
	_ =	sdelay $0x1  }
0x1a8: {  	v14 =	vadd.f32 v14, v14;
	v13 =	vadd.f32 v13, v15;
	_ =	sdelay $0x1  }
0x1a9: {  	[tilespmem:s12+$0x13200] =	vst v13;
	v13 =	vadd.f32 v14, v14  }
0x1aa: {  	v14 =	vld [tilespmem:s12+$0x13680]  }
0x1ab: {  	v13 =	vadd.f32 v13, v13;
	_ =	sdelay $0x1  }
0x1ac: {  	v13 =	vmul.f32 v5, v13;
	_ =	sdelay $0x1  }
0x1ad: {  	v13 =	vadd.f32 v14, v13;
	_ =	sdelay $0x1  }
0x1ae: {  	[tilespmem:s12+$0x13680] =	vst v13;
	v13 =	vmov s29;
	_ =	sdelay $0x1  }
0x1af: {  	[tilespmem:$0x13B00] =	vst v10  }
0x1b0: {  	[tilespmem:$0x13B80] =	vst v11  }
0x1b1: {  	s21 =	simm.s32 $0x4;
	s12 =	simm.s32 $0x0;
	[tilespmem:$0x13C00] =	vst v12  }
.LBB2_9:
0x1b2: {  	p3 =	sne.s32 s21, $0x3C;
	v14 =	vld.idx.msk [tilespmem:v13+s12+$0x0 ss:$0x1], $0xffff;
	_ =	sdelay $0x5  }
0x1b3: {  	(v2sf) =	vpush v14, $0x0;
	_ =	sdelay $0xd  }
0x1b4: {  	v14 =	vld [tilespmem:s12+$0x13B00]  }
0x1b5: {  	s20 =	spop (v2sf)  }
0x1b6: {  	v15 =	vld [tilespmem:s20+$0x12900]  }
0x1b7: {  	v16 =	vld [tilespmem:s20+$0x13680];
	_ =	sdelay $0x1  }
0x1b8: {  	v14 =	vmul.f32 v5, v14;
	_ =	sdelay $0x1  }
0x1b9: {  	v14 =	vadd.f32 v14, v15  }
0x1ba: {  	v15 =	vadd.f32 v5, v16  }
0x1bb: {  	[tilespmem:s20+$0x12900] =	vst v14  }
0x1bc: {  	v14 =	vld [tilespmem:s12+$0x13B80];
	_ =	sdelay $0x1  }
0x1bd: {  	v16 =	vld [tilespmem:s20+$0x12D80];
	_ =	sdelay $0x2  }
0x1be: {  	v14 =	vmul.f32 v5, v14;
	_ =	sdelay $0x1  }
0x1bf: {  	v14 =	vadd.f32 v14, v16;
	_ =	sdelay $0x1  }
0x1c0: {  	[tilespmem:s20+$0x12D80] =	vst v14  }
0x1c1: {  	v14 =	vld [tilespmem:s12+$0x13C00];
	[tilespmem:s20+$0x13680] =	vst v15;
	_ =	sdelay $0x1  }
0x1c2: {  	v15 =	vld [tilespmem:s20+$0x13200];
	_ =	sdelay $0x2  }
.Ltmp15:
0x1c3: {  	v14 =	vmul.f32 v5, v14;
	(pc) =	sbr.rel @p3 .LBB2_9-.Ltmp15, $3  }
0x1c4: {  	_ = 	snop  }
0x1c5: {  	v14 =	vadd.f32 v14, v15;
	_ =	sdelay $0x1  }
0x1c6: {  	s12 =	sshra.s32 s21, $0x2;
	s21 =	sadd.s32 $0x4, s21;
	[tilespmem:s20+$0x13200] =	vst v14  }
.Ltmp16:
0x1c7: {  	_ = 	snop;
	(pc) =	sbr.rel .LBB2_10-.Ltmp16, $1  }
0x1c8: {  	_ =	sdelay $0x3  }
.LBB2_12:
0x1c9: {  	v57 =	vperm.xlane v7, v1;
	_ =	sdelay $0x1  }
0x1ca: {  	v7 =	vadd.f32 v57, v7;
	_ =	sdelay $0x1  }
0x1cb: {  	v59 =	vperm.xlane v7, v2  }
0x1cc: {  	v10 =	vperm.xlane v9, v1  }
0x1cd: {  	v11 =	vperm.xlane v8, v1;
	v7 =	vadd.f32 v59, v7  }
0x1ce: {  	v9 =	vadd.f32 v10, v9  }
0x1cf: {  	v8 =	vadd.f32 v11, v8;
	v61 =	vperm.xlane v7, v3  }
0x1d0: {  	v10 =	vperm.xlane v9, v2  }
0x1d1: {  	v12 =	vperm.xlane v8, v2;
	v7 =	vadd.f32 v61, v7  }
0x1d2: {  	v9 =	vadd.f32 v10, v9  }
0x1d3: {  	v8 =	vadd.f32 v12, v8;
	v62 =	vperm.xlane v7, v4  }
0x1d4: {  	v63 =	vld [tilespmem:s12+$0x13200];
	v10 =	vperm.xlane v9, v3  }
0x1d5: {  	v56 =	vperm.xlane v8, v3;
	v7 =	vadd.f32 v62, v7  }
0x1d6: {  	v6 =	vadd.f32 v6, v6;
	v9 =	vadd.f32 v10, v9  }
0x1d7: {  	v8 =	vadd.f32 v56, v8;
	v7 =	vmul.f32 v5, v7  }
0x1d8: {  	v6 =	vadd.f32 v6, v6;
	v10 =	vperm.xlane v9, v4  }
0x1d9: {  	v55 =	vld [tilespmem:s12+$0x12900];
	v58 =	vperm.xlane v8, v4;
	v7 =	vadd.f32 v7, v63  }
0x1da: {  	v60 =	vld [tilespmem:s12+$0x12D80];
	v6 =	vadd.f32 v6, v6;
	v9 =	vadd.f32 v10, v9  }
0x1db: {  	v8 =	vadd.f32 v58, v8;
	[tilespmem:s12+$0x13200] =	vst v7;
	v7 =	vld [tilespmem:s12+$0x13680]  }
0x1dc: {  	v6 =	vadd.f32 v6, v6;
	v9 =	vmul.f32 v5, v9  }
0x1dd: {  	v8 =	vmul.f32 v5, v8  }
0x1de: {  	v6 =	vmul.f32 v5, v6;
	v9 =	vadd.f32 v9, v55  }
0x1df: {  	v8 =	vadd.f32 v8, v60  }
0x1e0: {  	[tilespmem:s12+$0x12900] =	vst v9;
	v6 =	vadd.f32 v7, v6  }
0x1e1: {  	s13 =	sshll.u32 s17, $0x8;
	[tilespmem:s12+$0x12D80] =	vst v8  }
0x1e2: {  	s21 =	sadd.s32 s5, s13;
	[tilespmem:s12+$0x13680] =	vst v6  }
0x1e3: {  	[hbm4b:s21+s6] =	stream.linear.scatter [tilespmem:s0], [sflag:$0x4], $0x800, $0x38;
	[tilespmem:$0x13C80] =	vst v63  }
0x1e4: {  	_ =	swait.ge [sflag:s4], $0x800  }
0x1e5: {  	[sflag:s4] =	ssyncset.done $0x0  }
0x1e6: {  	s26 =	sadd.s32 s7, s13;
	[sflag:s4] =	ssyncadd.s32 $0xFFFFF800  }
0x1e7: {  	[hbm4b:s26+s6] =	stream.linear.scatter [tilespmem:s28], [sflag:$0x4], $0x800, $0x38;
	[tilespmem:$0x13C80] =	vst v63  }
0x1e8: {  	_ =	swait.ge [sflag:s4], $0x800  }
0x1e9: {  	[sflag:s4] =	ssyncset.done $0x0  }
.Ltmp17:
0x1ea: {  	s29 =	sadd.s32 s8, s13;
	[sflag:s4] =	ssyncadd.s32 $0xFFFFF800;
	(pc) =	sbr.rel .LBB2_20-.Ltmp17, $4  }
0x1eb: {  	[hbm4b:s29+s6] =	stream.linear.scatter [tilespmem:s30], [sflag:$0x3], $0x800, $0x38;
	[tilespmem:$0x13C80] =	vst v63  }
0x1ec: {  	_ =	swait.ge [sflag:s16], $0x800  }
0x1ed: {  	[sflag:s16] =	ssyncset.done $0x0  }
0x1ee: {  	[sflag:s16] =	ssyncadd.s32 $0xFFFFF800  }
.LBB2_21:
.Ltmp18:
0x1ef: {  	(pc) =	sbr.rel @p0 .LBB2_29-.Ltmp18, $1  }
0x1f0: {  	_ =	sdelay $0x3  }
0x1f1: {  	s17 =	simm.s32 $0x0  }
0x1f2: {  	[tilespmem:s17], [sflag:$0x3] =	stream.linear.gather [hbm4b:s14+s17], $0x800, $0x38;
	[tilespmem:$0x13C80] =	vst v63  }
0x1f3: {  	s12 =	sadd.s32 $0xC3500, s14;
	s13 =	simm.s32 $0x2000  }
0x1f4: {  	[tilespmem:s13], [sflag:$0x3] =	stream.linear.gather [hbm4b:s12+s17], $0x800, $0x38;
	[tilespmem:$0x13C80] =	vst v63  }
0x1f5: {  	s19 =	sadd.s32 $0x186A00, s14;
	s20 =	simm.s32 $0x4000  }
0x1f6: {  	[tilespmem:s20], [sflag:$0x3] =	stream.linear.gather [hbm4b:s19+s17], $0x800, $0x38;
	[tilespmem:$0x13C80] =	vst v63  }
0x1f7: {  	_ =	swait.ge [sflag:s16], $0x1800  }
0x1f8: {  	[sflag:s16] =	ssyncset.done $0x0  }
0x1f9: {  	s26 =	simm.s32 $0x6000;
	s21 =	rddreg [dreg:$0x8];
	[sflag:s16] =	ssyncadd.s32 $0xFFFFE800  }
0x1fa: {  	[tilespmem:s26], [sflag:$0x3] =	stream.linear.gather [hbm4b:s21+s17], $0x800, $0x38;
	[tilespmem:$0x13C80] =	vst v63  }
0x1fb: {  	_ =	swait.ge [sflag:s16], $0x800  }
0x1fc: {  	[sflag:s16] =	ssyncset.done $0x0  }
0x1fd: {  	s19 =	simm.s32 $0x8000;
	s29 =	rddreg [dreg:$0x9];
	[sflag:s16] =	ssyncadd.s32 $0xFFFFF800  }
0x1fe: {  	[tilespmem:s19], [sflag:$0x3] =	stream.linear.gather [hbm4b:s29+s17], $0x200, $0x38;
	[tilespmem:$0x13C80] =	vst v63  }
0x1ff: {  	_ =	swait.ge [sflag:s16], $0x200  }
0x200: {  	[sflag:s16] =	ssyncset.done $0x0  }
0x201: {  	[sflag:s16] =	ssyncadd.s32 $0xFFFFFE00  }
0x202: {  	v6 =	vld [tilespmem:$0x8000];
	_ =	sdelay $0x4  }
0x203: {  	(v2sf) =	vpush v6, $0x0;
	_ =	sdelay $0xa  }
.Ltmp19:
0x204: {  	_ = 	snop;
	(pc) =	sbr.rel .LBB2_23-.Ltmp19, $3  }
0x205: {  	_ =	sdelay $0x1  }
0x206: {  	v7 =	vimm.f32 $0.0e+00  }
0x207: {  	v8 =	vimm.f32 $0.0e+00;
	v9 =	vimm.f32 $0.0e+00;
	v6 =	vimm.f32 $0.0e+00;
	s12 =	spop (v2sf)  }
.LBB2_27:
0x208: {  	s17 =	sadd.s32 $0x1, s17  }
0x209: {  	p3 =	sne.s32 s17, $0x20  }
.Ltmp20:
0x20a: {  	_ = 	snop;
	(pc) =	sbr.rel @!p3 .LBB2_28-.Ltmp20, $4  }
0x20b: {  	v6 =	vadd.f32 $1.000000000e+00, v6;
	v9 =	vadd.f32 v10, v9  }
0x20c: {  	v8 =	vadd.f32 v11, v8;
	v7 =	vadd.f32 v12, v7  }
0x20d: {  	v6 =	vpsel p2, $0x0, v6  }
0x20e: {  	s19 =	sadd.s32 $0x10, s19;
	v9 =	vpsel p2, $0x0, v9;
	v8 =	vpsel p2, $0x0, v8;
	v7 =	vpsel p2, $0x0, v7  }
.LBB2_23:
0x20f: {  	s13 =	sshll.u32 s17, $0x4;
	s20 =	sshll.u32 s17, $0x6  }
0x210: {  	s21 =	sand.u32 $0x70, s13;
	s20 =	sand.u32 $0x600, s20  }
0x211: {  	s20 =	sor.u32 s21, s20  }
0x212: {  	v10 =	vld [tilespmem:s20+$0x0]  }
0x213: {  	v11 =	vld [tilespmem:s20+$0x80];
	_ =	sdelay $0x1  }
0x214: {  	v12 =	vld [tilespmem:s20+$0x100];
	_ =	sdelay $0x1  }
0x215: {  	v13 =	vld [tilespmem:s20+$0x180]  }
0x216: {  	v14 =	vadd.f32 v11, v10;
	_ =	sdelay $0x1  }
0x217: {  	v14 =	vadd.f32 v12, v14;
	_ =	sdelay $0x1  }
0x218: {  	v14 =	vadd.f32 v13, v14;
	_ =	sdelay $0x1  }
0x219: {  	v14 =	vmul.f32 $2.500000000e-01, v14;
	_ =	sdelay $0x1  }
0x21a: {  	[tilespmem:s13+$0x11100] =	vst v14  }
0x21b: {  	v15 =	vld [tilespmem:s20+$0x2000]  }
0x21c: {  	v16 =	vld [tilespmem:s20+$0x2080];
	_ =	sdelay $0x1  }
0x21d: {  	v17 =	vld [tilespmem:s20+$0x2100];
	_ =	sdelay $0x1  }
0x21e: {  	v18 =	vld [tilespmem:s20+$0x2180]  }
0x21f: {  	v19 =	vadd.f32 v16, v15;
	_ =	sdelay $0x1  }
0x220: {  	v19 =	vadd.f32 v17, v19;
	_ =	sdelay $0x1  }
0x221: {  	v19 =	vadd.f32 v18, v19;
	_ =	sdelay $0x1  }
0x222: {  	v23 =	vld [tilespmem:s13+$0x8000];
	v19 =	vmul.f32 $2.500000000e-01, v19  }
0x223: {  	v24 =	vld [tilespmem:s13+$0x800F]  }
0x224: {  	v20 =	vld [tilespmem:s20+$0x6000];
	[tilespmem:s13+$0x11900] =	vst v19  }
0x225: {  	v21 =	vld [tilespmem:s20+$0x4000]  }
0x226: {  	v22 =	vld [tilespmem:s20+$0x4080]  }
0x227: {  	(v2sf) =	vpush v23, $0x0  }
0x228: {  	(v2sf) =	vpush v24, $0x0;
	v25 =	vld [tilespmem:s20+$0x4100];
	_ =	sdelay $0x1  }
0x229: {  	v10 =	vsub.f32 v10, v14;
	v26 =	vld [tilespmem:s20+$0x4180]  }
0x22a: {  	v11 =	vsub.f32 v11, v14;
	v56 =	vadd.f32 v22, v21  }
0x22b: {  	v12 =	vsub.f32 v12, v14  }
0x22c: {  	v10 =	vmul.f32 v10, v10;
	v11 =	vmul.f32 v11, v11;
	v23 =	vadd.f32 v25, v56  }
0x22d: {  	v15 =	vsub.f32 v15, v19;
	v16 =	vsub.f32 v16, v19  }
0x22e: {  	v10 =	vadd.f32 v11, v10;
	v11 =	vmul.f32 v12, v12;
	v12 =	vadd.f32 v26, v23  }
0x22f: {  	v17 =	vsub.f32 v17, v19;
	v15 =	vmul.f32 v15, v15;
	v16 =	vmul.f32 v16, v16  }
0x230: {  	v10 =	vadd.f32 v10, v11;
	v11 =	vsub.f32 v13, v14;
	v12 =	vmul.f32 $2.500000000e-01, v12  }
0x231: {  	v13 =	vsub.f32 v18, v19;
	v57 =	vmul.f32 v17, v17;
	v15 =	vadd.f32 v16, v15  }
0x232: {  	v58 =	vld [tilespmem:s20+$0x6080];
	v59 =	vsub.f32 v21, v12;
	v60 =	vsub.f32 v22, v12  }
0x233: {  	v11 =	vmul.f32 v11, v11;
	v13 =	vmul.f32 v13, v13;
	v15 =	vadd.f32 v15, v57;
	[tilespmem:s13+$0x12100] =	vst v12  }
0x234: {  	v61 =	vsub.f32 v25, v12;
	v62 =	vld [tilespmem:s20+$0x6100];
	v18 =	vmul.f32 v59, v59;
	v21 =	vmul.f32 v60, v60  }
0x235: {  	s29 =	spop (v2sf);
	v10 =	vadd.f32 v10, v11;
	v11 =	vadd.f32 v15, v13  }
0x236: {  	v15 =	vsub.f32 v26, v12;
	s13 =	spop (v2sf);
	v16 =	vmul.f32 v61, v61;
	v13 =	vadd.f32 v21, v18  }
0x237: {  	v14 =	vsub.f32 v14, v20;
	p2 =	sne.s32 s29, s12;
	v17 =	vsub.f32 v19, v58;
	p3 =	sne.s32 s13, s12  }
0x238: {  	v10 =	vadd.f32 v11, v10;
	p2 =	por p2, p3;
	v11 =	vadd.f32 v13, v16;
	v13 =	vmul.f32 v15, v15  }
.Ltmp21:
0x239: {  	v63 =	vmul.f32 v17, v17;
	v15 =	vmul.f32 v14, v14;
	v12 =	vsub.f32 v12, v62;
	(pc) =	sbr.rel @!p2 .LBB2_27-.Ltmp21, $4  }
0x23a: {  	v17 =	vand.u32 $0x7FFFFFFF, v17;
	v14 =	vand.u32 $0x7FFFFFFF, v14;
	v11 =	vadd.f32 v11, v13  }
0x23b: {  	v13 =	vadd.f32 v17, v14;
	v14 =	vadd.f32 v63, v15;
	v15 =	vmul.f32 v12, v12  }
0x23c: {  	v10 =	vadd.f32 v11, v10;
	v11 =	vand.u32 $0x7FFFFFFF, v12  }
0x23d: {  	v12 =	vadd.f32 v15, v14;
	v11 =	vadd.f32 v11, v13  }
0x23e: {  	v13 =	vperm.xlane v9, v1;
	_ =	sdelay $0x1  }
0x23f: {  	v13 =	vadd.f32 v13, v9;
	_ =	sdelay $0x1  }
0x240: {  	v14 =	vperm.xlane v13, v2;
	_ =	sdelay $0x1  }
0x241: {  	v13 =	vadd.f32 v14, v13;
	_ =	sdelay $0x1  }
0x242: {  	v14 =	vperm.xlane v13, v3  }
0x243: {  	v15 =	vperm.xlane v8, v1  }
0x244: {  	v13 =	vadd.f32 v14, v13  }
0x245: {  	v14 =	vadd.f32 v15, v8  }
0x246: {  	v15 =	vperm.xlane v13, v4  }
0x247: {  	v16 =	vld [tilespmem:s12+$0x12900];
	v17 =	vperm.xlane v14, v2  }
0x248: {  	v13 =	vadd.f32 v15, v13  }
0x249: {  	v14 =	vadd.f32 v17, v14  }
0x24a: {  	v13 =	vmul.f32 v5, v13  }
0x24b: {  	v61 =	vperm.xlane v7, v1;
	v15 =	vperm.xlane v14, v3  }
0x24c: {  	v13 =	vadd.f32 v13, v16  }
0x24d: {  	v14 =	vadd.f32 v15, v14;
	v15 =	vadd.f32 v61, v7;
	_ =	sdelay $0x1  }
0x24e: {  	[tilespmem:s12+$0x12900] =	vst v13;
	v13 =	vperm.xlane v14, v4;
	v62 =	vperm.xlane v15, v2  }
0x24f: {  	v63 =	vld [tilespmem:s12+$0x12D80]  }
0x250: {  	v13 =	vadd.f32 v13, v14;
	v14 =	vadd.f32 v62, v15;
	_ =	sdelay $0x1  }
0x251: {  	v13 =	vmul.f32 v5, v13;
	v15 =	vperm.xlane v14, v3;
	_ =	sdelay $0x1  }
0x252: {  	v13 =	vadd.f32 v13, v63;
	v14 =	vadd.f32 v15, v14;
	_ =	sdelay $0x1  }
0x253: {  	[tilespmem:s12+$0x12D80] =	vst v13;
	v13 =	vperm.xlane v14, v4  }
0x254: {  	v15 =	vld [tilespmem:s12+$0x13200]  }
0x255: {  	v13 =	vadd.f32 v13, v14;
	_ =	sdelay $0x1  }
0x256: {  	v14 =	vadd.f32 v6, v6;
	v13 =	vmul.f32 v5, v13;
	_ =	sdelay $0x1  }
0x257: {  	v14 =	vadd.f32 v14, v14;
	v13 =	vadd.f32 v13, v15;
	_ =	sdelay $0x1  }
0x258: {  	[tilespmem:s12+$0x13200] =	vst v13;
	v13 =	vadd.f32 v14, v14  }
0x259: {  	v14 =	vld [tilespmem:s12+$0x13680]  }
0x25a: {  	v13 =	vadd.f32 v13, v13;
	_ =	sdelay $0x1  }
0x25b: {  	v13 =	vmul.f32 v5, v13;
	_ =	sdelay $0x1  }
0x25c: {  	v13 =	vadd.f32 v14, v13;
	_ =	sdelay $0x1  }
0x25d: {  	[tilespmem:s12+$0x13680] =	vst v13;
	v13 =	vmov s19;
	_ =	sdelay $0x1  }
0x25e: {  	[tilespmem:$0x13B00] =	vst v10  }
0x25f: {  	[tilespmem:$0x13B80] =	vst v11  }
0x260: {  	s21 =	simm.s32 $0x4;
	s12 =	simm.s32 $0x0;
	[tilespmem:$0x13C00] =	vst v12  }
.LBB2_25:
0x261: {  	p3 =	sne.s32 s21, $0x3C;
	v14 =	vld.idx.msk [tilespmem:v13+s12+$0x0 ss:$0x1], $0xffff;
	_ =	sdelay $0x5  }
0x262: {  	(v2sf) =	vpush v14, $0x0;
	_ =	sdelay $0xd  }
0x263: {  	v14 =	vld [tilespmem:s12+$0x13B00]  }
0x264: {  	s20 =	spop (v2sf)  }
0x265: {  	v15 =	vld [tilespmem:s20+$0x12900]  }
0x266: {  	v16 =	vld [tilespmem:s20+$0x13680];
	_ =	sdelay $0x1  }
0x267: {  	v14 =	vmul.f32 v5, v14;
	_ =	sdelay $0x1  }
0x268: {  	v14 =	vadd.f32 v14, v15  }
0x269: {  	v15 =	vadd.f32 v5, v16  }
0x26a: {  	[tilespmem:s20+$0x12900] =	vst v14  }
0x26b: {  	v14 =	vld [tilespmem:s12+$0x13B80];
	_ =	sdelay $0x1  }
0x26c: {  	v16 =	vld [tilespmem:s20+$0x12D80];
	_ =	sdelay $0x2  }
0x26d: {  	v14 =	vmul.f32 v5, v14;
	_ =	sdelay $0x1  }
0x26e: {  	v14 =	vadd.f32 v14, v16;
	_ =	sdelay $0x1  }
0x26f: {  	[tilespmem:s20+$0x12D80] =	vst v14  }
0x270: {  	v14 =	vld [tilespmem:s12+$0x13C00];
	[tilespmem:s20+$0x13680] =	vst v15;
	_ =	sdelay $0x1  }
0x271: {  	v15 =	vld [tilespmem:s20+$0x13200];
	_ =	sdelay $0x2  }
.Ltmp22:
0x272: {  	v14 =	vmul.f32 v5, v14;
	(pc) =	sbr.rel @p3 .LBB2_25-.Ltmp22, $3  }
0x273: {  	_ = 	snop  }
0x274: {  	v14 =	vadd.f32 v14, v15;
	_ =	sdelay $0x1  }
0x275: {  	s12 =	sshra.s32 s21, $0x2;
	s21 =	sadd.s32 $0x4, s21;
	[tilespmem:s20+$0x13200] =	vst v14  }
0x276: {  	_ =	sdelay $0x3  }
0x277: {  	v13 =	vld.idx.msk [tilespmem:v13+s12+$0x0 ss:$0x1], $0xffff;
	_ =	sdelay $0x4  }
0x278: {  	(v2sf) =	vpush v13, $0x0;
	_ =	sdelay $0xd  }
0x279: {  	v13 =	vld [tilespmem:s12+$0x13B00]  }
0x27a: {  	s20 =	spop (v2sf)  }
0x27b: {  	v14 =	vld [tilespmem:s20+$0x12900];
	_ =	sdelay $0x2  }
0x27c: {  	v13 =	vmul.f32 v5, v13;
	_ =	sdelay $0x1  }
0x27d: {  	v13 =	vadd.f32 v13, v14;
	_ =	sdelay $0x1  }
0x27e: {  	[tilespmem:s20+$0x12900] =	vst v13  }
0x27f: {  	v13 =	vld [tilespmem:s12+$0x13B80];
	_ =	sdelay $0x1  }
0x280: {  	v14 =	vld [tilespmem:s20+$0x12D80];
	_ =	sdelay $0x2  }
0x281: {  	v13 =	vmul.f32 v5, v13;
	_ =	sdelay $0x1  }
0x282: {  	v13 =	vadd.f32 v13, v14;
	_ =	sdelay $0x1  }
0x283: {  	[tilespmem:s20+$0x12D80] =	vst v13  }
0x284: {  	v13 =	vld [tilespmem:s12+$0x13C00]  }
0x285: {  	v14 =	vld [tilespmem:s20+$0x13680]  }
0x286: {  	v15 =	vld [tilespmem:s20+$0x13200];
	_ =	sdelay $0x2  }
.Ltmp23:
0x287: {  	v13 =	vmul.f32 v5, v13;
	(pc) =	sbr.rel .LBB2_27-.Ltmp23, $4  }
0x288: {  	v14 =	vadd.f32 v5, v14  }
0x289: {  	v13 =	vadd.f32 v13, v15  }
0x28a: {  	[tilespmem:s20+$0x13680] =	vst v14  }
0x28b: {  	s12 =	smov.u32 s13;
	[tilespmem:s20+$0x13200] =	vst v13  }
.LBB2_30:
0x28c: {  	_ =	sfence.sel $0x180000  }
0x28d: {  	[bflag:$0x0] =	sbarrier.arrive $0xFFFF  }
0x28e: {  	_ =	strace $0x90000047  }
0x28f: {  	s0 =	stileid.u32;
	[bflag:$0x2] =	sbarrier.arrive $0xFFFF  }
0x290: {  	p0 =	sne.s32 s0, $0x0;
	s0 =	rddreg [dreg:$0x5]  }
0x291: {  	s0 =	sadd.s32 @!p0 $0x100000, s0  }
0x292: {  	[sflag:s0] =	ssyncadd.tile.s32 @!p0 $0x1;
	_ =	shalt  }
.Lfunc_end2:
_tile_overlayer_lowered:
.L_overlay_start_2:
0x293: {  	(tag) =	ssettag $0x2  }
0x294: {  	s0 =	rddreg [dreg:$0x0];
	s2 =	stileid.u32  }
0x295: {  	s1 =	rddreg [dreg:$0x1];
	p0 =	sne.s32 s2, $0x0  }
0x296: {  	s3 =	rddreg [dreg:$0x2];
	[bflag:$0x3] =	sbarrier.arrive $0xFFFF;
	s2 =	simm.s32 @!p0 $0x1C03  }
0x297: {  	[timem:s3], [sflag:s2] =	dma.local @!p0 [hbm:s0], s1  }
0x298: {  	s0 =	simm.s32 @!p0 $0x3  }
0x299: {  	_ =	swait.ge @!p0 [sflag:s0], s1  }
0x29a: {  	s1 =	ssub.s32 @!p0 $0x0, s1;
	[sflag:s0] =	ssyncset.done @!p0 $0x0  }
0x29b: {  	[sflag:s0] =	ssyncadd.s32 @!p0 s1  }
0x29c: {  	[bflag:$0x3] =	sbarrier.arrive $0xFFFF  }
0x29d: {  	_ =	shalt  }

</sc_bundles>
